<compile_context>
chip_gen: v7x
topology: tpu7x:2x2x1
jax: 0.10.2.dev20260603
libtpu: 0.0.44.dev20260713+nightly
codegen_flags: <defaults>
</compile_context>

<pallas_src>
import functools

import jax
import jax.numpy as jnp
from jax import lax
from jax.experimental import pallas as pl
from jax.experimental.pallas import tpu as pltpu
from jax.experimental.pallas import tpu_sc as plsc

NC = 2
NS = 16
NW = NC * NS
L = 16
D = 32
PACK = 4
CHUNK = 128


def _sc_kernel(b_per_w, n_chunks, uid_hbm, mid_hbm, uemb_hbm, memb_hbm,
               ubias_hbm, mbias_hbm, gbias_hbm, out_hbm,
               uid_v, mid_v, gu_v, gm_v, ubuf_v, mbuf_v, ub_v, mb_v, gb_v,
               out_v, sem, bsem):
    wid = lax.axis_index("s") * NC + lax.axis_index("c")
    base = wid * b_per_w

    pltpu.sync_copy(uid_hbm.at[pl.ds(base, b_per_w)], uid_v)
    pltpu.sync_copy(mid_hbm.at[pl.ds(base, b_per_w)], mid_v)
    pltpu.sync_copy(gbias_hbm, gb_v)

    bias_copies = []
    for j in range(n_chunks):
        rows = pl.ds(j * CHUNK, CHUNK)
        bias_copies.append(
            pltpu.async_copy(ubias_hbm.at[uid_v.at[rows]], ub_v.at[rows], bsem))
        bias_copies.append(
            pltpu.async_copy(mbias_hbm.at[mid_v.at[rows]], mb_v.at[rows], bsem))

    @pl.loop(0, b_per_w, step=L)
    def _(i):
        s = pl.ds(i, L)
        gu_v[s] = lax.shift_right_logical(uid_v[s], 2)
        gm_v[s] = lax.shift_right_logical(mid_v[s], 2)

    def fire(j, buf):
        rows = pl.ds(j * CHUNK, CHUNK)
        return (pltpu.async_copy(uemb_hbm.at[gu_v.at[rows]], ubuf_v.at[buf], sem),
                pltpu.async_copy(memb_hbm.at[gm_v.at[rows]], mbuf_v.at[buf], sem))

    gb = gb_v[pl.ds(0, L)]
    pending = fire(0, 0)
    for j in range(n_chunks):
        nxt = fire(j + 1, (j + 1) % 2) if j + 1 < n_chunks else None
        pending[0].wait()
        pending[1].wait()
        if j == 0:
            for c in bias_copies:
                c.wait()
        ubuf = ubuf_v.at[j % 2]
        mbuf = mbuf_v.at[j % 2]

        @pl.loop(0, CHUNK, step=L)
        def _(i, j=j, ubuf=ubuf, mbuf=mbuf):
            gi = j * CHUNK + i
            sg = pl.ds(gi, L)
            rows16 = i + lax.iota(jnp.int32, L)
            cu = (uid_v[sg] & 3) * D
            cm = (mid_v[sg] & 3) * D
            acc0 = ub_v[sg] + mb_v[sg] + gb
            acc1 = jnp.zeros((L,), jnp.float32)
            acc2 = jnp.zeros((L,), jnp.float32)
            acc3 = jnp.zeros((L,), jnp.float32)
            for d in range(0, D, 4):
                acc0 = acc0 + (plsc.load_gather(ubuf, [rows16, cu + d])
                               * plsc.load_gather(mbuf, [rows16, cm + d]))
                acc1 = acc1 + (plsc.load_gather(ubuf, [rows16, cu + (d + 1)])
                               * plsc.load_gather(mbuf, [rows16, cm + (d + 1)]))
                acc2 = acc2 + (plsc.load_gather(ubuf, [rows16, cu + (d + 2)])
                               * plsc.load_gather(mbuf, [rows16, cm + (d + 2)]))
                acc3 = acc3 + (plsc.load_gather(ubuf, [rows16, cu + (d + 3)])
                               * plsc.load_gather(mbuf, [rows16, cm + (d + 3)]))
            out_v[sg] = (acc0 + acc1) + (acc2 + acc3)

        pending = nxt

    pltpu.sync_copy(out_v, out_hbm.at[pl.ds(base, b_per_w)])


def _pack_rows(table):
    return table.reshape(table.shape[0] // PACK, PACK * table.shape[1])


def kernel(user_ids, movie_ids, user_emb_table, movie_emb_table,
           user_bias_table, movie_bias_table, global_bias):
    B = user_ids.shape[0]
    V, D_ = user_emb_table.shape
    assert D_ == D and V % PACK == 0 and B % (NW * CHUNK) == 0
    b_per_w = B // NW
    n_chunks = b_per_w // CHUNK

    uid = user_ids.astype(jnp.int32)
    mid = movie_ids.astype(jnp.int32)
    uemb = _pack_rows(user_emb_table)
    memb = _pack_rows(movie_emb_table)
    ubias = user_bias_table.reshape(-1)
    mbias = movie_bias_table.reshape(-1)
    gb128 = jnp.broadcast_to(global_bias.astype(jnp.float32), (128,))

    mesh = plsc.VectorSubcoreMesh(core_axis_name="c", subcore_axis_name="s")
    body = functools.partial(_sc_kernel, b_per_w, n_chunks)
    run = pl.kernel(
        body,
        out_type=jax.ShapeDtypeStruct((B,), jnp.float32),
        mesh=mesh,
        compiler_params=pltpu.CompilerParams(needs_layout_passes=False),
        scratch_types=[
            pltpu.VMEM((b_per_w,), jnp.int32),
            pltpu.VMEM((b_per_w,), jnp.int32),
            pltpu.VMEM((b_per_w,), jnp.int32),
            pltpu.VMEM((b_per_w,), jnp.int32),
            pltpu.VMEM((2, CHUNK, PACK * D), jnp.float32),
            pltpu.VMEM((2, CHUNK, PACK * D), jnp.float32),
            pltpu.VMEM((b_per_w,), jnp.float32),
            pltpu.VMEM((b_per_w,), jnp.float32),
            pltpu.VMEM((128,), jnp.float32),
            pltpu.VMEM((b_per_w,), jnp.float32),
            pltpu.SemaphoreType.DMA,
            pltpu.SemaphoreType.DMA,
        ],
    )
    return run(uid, mid, uemb, memb, ubias, mbias, gb128)

# --- scband reference (transcript-rebuilt; emitter-appended) ---
"""Pipeline reference for scband-matrix-factorization-23244363006412 (READ-ONLY COPY).

The authoritative reference and input builder live on the scoring server;
editing this copy changes nothing except your own understanding.
"""

import jax, jax.numpy as jnp
import numpy as np

NUM_USERS = 1000000
NUM_MOVIES = 1000000
EMBED_DIM = 32
BATCH = 16384


def setup_inputs(seed: int = 0) -> dict:
    key = jax.random.key(seed)
    k1, k2, k3, k4, k5, k6 = jax.random.split(key, 6)
    user_ids = jax.random.randint(k1, (BATCH,), 0, NUM_USERS, dtype=jnp.int64) if jax.config.jax_enable_x64 else jax.random.randint(k1, (BATCH,), 0, NUM_USERS, dtype=jnp.int32)
    movie_ids = jax.random.randint(k2, (BATCH,), 0, NUM_MOVIES, dtype=jnp.int32)
    user_emb_table = jax.random.normal(k3, (NUM_USERS, EMBED_DIM), dtype=jnp.float32)
    movie_emb_table = jax.random.normal(k4, (NUM_MOVIES, EMBED_DIM), dtype=jnp.float32)
    user_bias_table = jax.random.normal(k5, (NUM_USERS, 1), dtype=jnp.float32)
    movie_bias_table = jax.random.normal(k6, (NUM_MOVIES, 1), dtype=jnp.float32)
    global_bias = jnp.zeros((1,), dtype=jnp.float32)
    return {
        "user_ids": user_ids,
        "movie_ids": movie_ids,
        "user_emb_table": user_emb_table,
        "movie_emb_table": movie_emb_table,
        "user_bias_table": user_bias_table,
        "movie_bias_table": movie_bias_table,
        "global_bias": global_bias,
    }


def reference(user_ids, movie_ids, user_emb_table, movie_emb_table, user_bias_table, movie_bias_table, global_bias):
    user_emb = jnp.take(user_emb_table, user_ids, axis=0)
    movie_emb = jnp.take(movie_emb_table, movie_ids, axis=0)
    dot = jnp.sum(user_emb * movie_emb, axis=1)
    bias = (
        jnp.take(user_bias_table, user_ids, axis=0)[:, 0]
        + jnp.take(movie_bias_table, movie_ids, axis=0)[:, 0]
        + global_bias
    )
    return dot + bias

if __name__ == "__main__":
    import jax
    _d = setup_inputs()
    print(jax.jit(kernel)(*tuple(_d.values())))

</pallas_src>

<mosaic_0001>
#map = affine_map<(d0, d1) -> (0)>
#map1 = affine_map<(d0, d1) -> (0, 0)>
module attributes {stable_mosaic.version = 14 : i64} {
  func.func @_sc_kernel(%arg0: i32, %arg1: i32, %arg2: memref<16384xi32, #tpu.memory_space<hbm>>, %arg3: memref<16384xi32, #tpu.memory_space<hbm>>, %arg4: memref<250000x128xf32, #tpu.memory_space<hbm>>, %arg5: memref<250000x128xf32, #tpu.memory_space<hbm>>, %arg6: memref<1000000xf32, #tpu.memory_space<hbm>>, %arg7: memref<1000000xf32, #tpu.memory_space<hbm>>, %arg8: memref<128xf32, #tpu.memory_space<hbm>>, %arg9: memref<16384xf32, #tpu.memory_space<hbm>>, %arg10: memref<512xi32, #tpu.memory_space<vmem>>, %arg11: memref<512xi32, #tpu.memory_space<vmem>>, %arg12: memref<512xi32, #tpu.memory_space<vmem>>, %arg13: memref<512xi32, #tpu.memory_space<vmem>>, %arg14: memref<2x128x128xf32, #tpu.memory_space<vmem>>, %arg15: memref<2x128x128xf32, #tpu.memory_space<vmem>>, %arg16: memref<512xf32, #tpu.memory_space<vmem>>, %arg17: memref<512xf32, #tpu.memory_space<vmem>>, %arg18: memref<128xf32, #tpu.memory_space<vmem>>, %arg19: memref<512xf32, #tpu.memory_space<vmem>>, %arg20: memref<!tpu.dma_semaphore, #tpu.memory_space<semaphore_mem>>, %arg21: memref<!tpu.dma_semaphore, #tpu.memory_space<semaphore_mem>>) attributes {dimension_semantics = [#tpu.dimension_semantics<core_parallel>, #tpu.dimension_semantics<subcore_parallel>], iteration_bounds = array<i64: 2, 16>, scalar_prefetch = 0 : i64, scratch_operands = 12 : i64, tpu.core_type = #tpu.core_type<sc_vector_subcore>, window_params = [{transform_indices = #map}, {transform_indices = #map}, {transform_indices = #map1}, {transform_indices = #map1}, {transform_indices = #map}, {transform_indices = #map}, {transform_indices = #map}, {transform_indices = #map}]} {
    %mul3A = arith.constant 2 : i32
    %mul3A_0 = arith.muli %arg1, %mul3A : i32
    %add3A = arith.addi %mul3A_0, %arg0 : i32
    %mul3A_1 = arith.constant 512 : i32
    %mul3A_2 = arith.muli %add3A, %mul3A_1 : i32
    "tpu.region"() ({
      %run_scoped3A = tpu.sem_alloc : memref<!tpu.dma_semaphore, #tpu.memory_space<semaphore_mem>>
      %dma_start3A_290 = tpu.memref_slice %arg2[%mul3A_2] : memref<16384xi32, #tpu.memory_space<hbm>> -> memref<512xi32, #tpu.memory_space<hbm>>
      %dma_start3A_291 = tpu.memref_slice %arg2[%mul3A_2] : memref<16384xi32, #tpu.memory_space<hbm>> -> memref<512xi32, #tpu.memory_space<hbm>>
      tpu.enqueue_dma source(%dma_start3A_291 : memref<512xi32, #tpu.memory_space<hbm>>) target(%arg10 : memref<512xi32, #tpu.memory_space<vmem>>) target_semaphore(%run_scoped3A : memref<!tpu.dma_semaphore, #tpu.memory_space<semaphore_mem>>)
      %dma_wait3A_292 = tpu.memref_slice %arg2[%mul3A_2] : memref<16384xi32, #tpu.memory_space<hbm>> -> memref<512xi32, #tpu.memory_space<hbm>>
      %dma_wait3A_293 = tpu.memref_slice %arg2[%mul3A_2] : memref<16384xi32, #tpu.memory_space<hbm>> -> memref<512xi32, #tpu.memory_space<hbm>>
      tpu.wait_dma2 semaphore(%run_scoped3A : memref<!tpu.dma_semaphore, #tpu.memory_space<semaphore_mem>>) src(%dma_wait3A_293 : memref<512xi32, #tpu.memory_space<hbm>>) dst(%arg10 : memref<512xi32, #tpu.memory_space<vmem>>)
      tpu.yield
    }) : () -> ()
    "tpu.region"() ({
      %run_scoped3A = tpu.sem_alloc : memref<!tpu.dma_semaphore, #tpu.memory_space<semaphore_mem>>
      %dma_start3A_290 = tpu.memref_slice %arg3[%mul3A_2] : memref<16384xi32, #tpu.memory_space<hbm>> -> memref<512xi32, #tpu.memory_space<hbm>>
      %dma_start3A_291 = tpu.memref_slice %arg3[%mul3A_2] : memref<16384xi32, #tpu.memory_space<hbm>> -> memref<512xi32, #tpu.memory_space<hbm>>
      tpu.enqueue_dma source(%dma_start3A_291 : memref<512xi32, #tpu.memory_space<hbm>>) target(%arg11 : memref<512xi32, #tpu.memory_space<vmem>>) target_semaphore(%run_scoped3A : memref<!tpu.dma_semaphore, #tpu.memory_space<semaphore_mem>>)
      %dma_wait3A_292 = tpu.memref_slice %arg3[%mul3A_2] : memref<16384xi32, #tpu.memory_space<hbm>> -> memref<512xi32, #tpu.memory_space<hbm>>
      %dma_wait3A_293 = tpu.memref_slice %arg3[%mul3A_2] : memref<16384xi32, #tpu.memory_space<hbm>> -> memref<512xi32, #tpu.memory_space<hbm>>
      tpu.wait_dma2 semaphore(%run_scoped3A : memref<!tpu.dma_semaphore, #tpu.memory_space<semaphore_mem>>) src(%dma_wait3A_293 : memref<512xi32, #tpu.memory_space<hbm>>) dst(%arg11 : memref<512xi32, #tpu.memory_space<vmem>>)
      tpu.yield
    }) : () -> ()
    "tpu.region"() ({
      %run_scoped3A = tpu.sem_alloc : memref<!tpu.dma_semaphore, #tpu.memory_space<semaphore_mem>>
      tpu.enqueue_dma source(%arg8 : memref<128xf32, #tpu.memory_space<hbm>>) target(%arg18 : memref<128xf32, #tpu.memory_space<vmem>>) target_semaphore(%run_scoped3A : memref<!tpu.dma_semaphore, #tpu.memory_space<semaphore_mem>>)
      tpu.wait_dma2 semaphore(%run_scoped3A : memref<!tpu.dma_semaphore, #tpu.memory_space<semaphore_mem>>) src(%arg8 : memref<128xf32, #tpu.memory_space<hbm>>) dst(%arg18 : memref<128xf32, #tpu.memory_space<vmem>>)
      tpu.yield
    }) : () -> ()
    %dma_start3A = arith.constant 0 : i32
    %dma_start3A_3 = tpu.memref_slice %arg16[%dma_start3A] : memref<512xf32, #tpu.memory_space<vmem>> -> memref<128xf32, #tpu.memory_space<vmem>>
    %dma_start3A_4 = arith.constant 0 : i32
    %dma_start3A_5 = tpu.memref_slice %arg10[%dma_start3A_4] : memref<512xi32, #tpu.memory_space<vmem>> -> memref<128xi32, #tpu.memory_space<vmem>>
    %dma_start3A_6 = arith.constant 0 : i32
    %dma_start3A_7 = tpu.memref_slice %arg6[%dma_start3A_6] : memref<1000000xf32, #tpu.memory_space<hbm>> -> memref<1000000xf32, #tpu.memory_space<hbm>>
    tpu.enqueue_indirect_dma source(%dma_start3A_7 : memref<1000000xf32, #tpu.memory_space<hbm>>) target(%dma_start3A_3 : memref<128xf32, #tpu.memory_space<vmem>>) offsets(%dma_start3A_5 : memref<128xi32, #tpu.memory_space<vmem>>) semaphore(%arg21 : memref<!tpu.dma_semaphore, #tpu.memory_space<semaphore_mem>>)
    %dma_start3A_8 = arith.constant 0 : i32
    %dma_start3A_9 = tpu.memref_slice %arg17[%dma_start3A_8] : memref<512xf32, #tpu.memory_space<vmem>> -> memref<128xf32, #tpu.memory_space<vmem>>
    %dma_start3A_10 = arith.constant 0 : i32
    %dma_start3A_11 = tpu.memref_slice %arg11[%dma_start3A_10] : memref<512xi32, #tpu.memory_space<vmem>> -> memref<128xi32, #tpu.memory_space<vmem>>
    %dma_start3A_12 = arith.constant 0 : i32
    %dma_start3A_13 = tpu.memref_slice %arg7[%dma_start3A_12] : memref<1000000xf32, #tpu.memory_space<hbm>> -> memref<1000000xf32, #tpu.memory_space<hbm>>
    tpu.enqueue_indirect_dma source(%dma_start3A_13 : memref<1000000xf32, #tpu.memory_space<hbm>>) target(%dma_start3A_9 : memref<128xf32, #tpu.memory_space<vmem>>) offsets(%dma_start3A_11 : memref<128xi32, #tpu.memory_space<vmem>>) semaphore(%arg21 : memref<!tpu.dma_semaphore, #tpu.memory_space<semaphore_mem>>)
    %dma_start3A_14 = arith.constant 128 : i32
    %dma_start3A_15 = tpu.memref_slice %arg16[%dma_start3A_14] : memref<512xf32, #tpu.memory_space<vmem>> -> memref<128xf32, #tpu.memory_space<vmem>>
    %dma_start3A_16 = arith.constant 128 : i32
    %dma_start3A_17 = tpu.memref_slice %arg10[%dma_start3A_16] : memref<512xi32, #tpu.memory_space<vmem>> -> memref<128xi32, #tpu.memory_space<vmem>>
    %dma_start3A_18 = arith.constant 0 : i32
    %dma_start3A_19 = tpu.memref_slice %arg6[%dma_start3A_18] : memref<1000000xf32, #tpu.memory_space<hbm>> -> memref<1000000xf32, #tpu.memory_space<hbm>>
    tpu.enqueue_indirect_dma source(%dma_start3A_19 : memref<1000000xf32, #tpu.memory_space<hbm>>) target(%dma_start3A_15 : memref<128xf32, #tpu.memory_space<vmem>>) offsets(%dma_start3A_17 : memref<128xi32, #tpu.memory_space<vmem>>) semaphore(%arg21 : memref<!tpu.dma_semaphore, #tpu.memory_space<semaphore_mem>>)
    %dma_start3A_20 = arith.constant 128 : i32
    %dma_start3A_21 = tpu.memref_slice %arg17[%dma_start3A_20] : memref<512xf32, #tpu.memory_space<vmem>> -> memref<128xf32, #tpu.memory_space<vmem>>
    %dma_start3A_22 = arith.constant 128 : i32
    %dma_start3A_23 = tpu.memref_slice %arg11[%dma_start3A_22] : memref<512xi32, #tpu.memory_space<vmem>> -> memref<128xi32, #tpu.memory_space<vmem>>
    %dma_start3A_24 = arith.constant 0 : i32
    %dma_start3A_25 = tpu.memref_slice %arg7[%dma_start3A_24] : memref<1000000xf32, #tpu.memory_space<hbm>> -> memref<1000000xf32, #tpu.memory_space<hbm>>
    tpu.enqueue_indirect_dma source(%dma_start3A_25 : memref<1000000xf32, #tpu.memory_space<hbm>>) target(%dma_start3A_21 : memref<128xf32, #tpu.memory_space<vmem>>) offsets(%dma_start3A_23 : memref<128xi32, #tpu.memory_space<vmem>>) semaphore(%arg21 : memref<!tpu.dma_semaphore, #tpu.memory_space<semaphore_mem>>)
    %dma_start3A_26 = arith.constant 256 : i32
    %dma_start3A_27 = tpu.memref_slice %arg16[%dma_start3A_26] : memref<512xf32, #tpu.memory_space<vmem>> -> memref<128xf32, #tpu.memory_space<vmem>>
    %dma_start3A_28 = arith.constant 256 : i32
    %dma_start3A_29 = tpu.memref_slice %arg10[%dma_start3A_28] : memref<512xi32, #tpu.memory_space<vmem>> -> memref<128xi32, #tpu.memory_space<vmem>>
    %dma_start3A_30 = arith.constant 0 : i32
    %dma_start3A_31 = tpu.memref_slice %arg6[%dma_start3A_30] : memref<1000000xf32, #tpu.memory_space<hbm>> -> memref<1000000xf32, #tpu.memory_space<hbm>>
    tpu.enqueue_indirect_dma source(%dma_start3A_31 : memref<1000000xf32, #tpu.memory_space<hbm>>) target(%dma_start3A_27 : memref<128xf32, #tpu.memory_space<vmem>>) offsets(%dma_start3A_29 : memref<128xi32, #tpu.memory_space<vmem>>) semaphore(%arg21 : memref<!tpu.dma_semaphore, #tpu.memory_space<semaphore_mem>>)
    %dma_start3A_32 = arith.constant 256 : i32
    %dma_start3A_33 = tpu.memref_slice %arg17[%dma_start3A_32] : memref<512xf32, #tpu.memory_space<vmem>> -> memref<128xf32, #tpu.memory_space<vmem>>
    %dma_start3A_34 = arith.constant 256 : i32
    %dma_start3A_35 = tpu.memref_slice %arg11[%dma_start3A_34] : memref<512xi32, #tpu.memory_space<vmem>> -> memref<128xi32, #tpu.memory_space<vmem>>
    %dma_start3A_36 = arith.constant 0 : i32
    %dma_start3A_37 = tpu.memref_slice %arg7[%dma_start3A_36] : memref<1000000xf32, #tpu.memory_space<hbm>> -> memref<1000000xf32, #tpu.memory_space<hbm>>
    tpu.enqueue_indirect_dma source(%dma_start3A_37 : memref<1000000xf32, #tpu.memory_space<hbm>>) target(%dma_start3A_33 : memref<128xf32, #tpu.memory_space<vmem>>) offsets(%dma_start3A_35 : memref<128xi32, #tpu.memory_space<vmem>>) semaphore(%arg21 : memref<!tpu.dma_semaphore, #tpu.memory_space<semaphore_mem>>)
    %dma_start3A_38 = arith.constant 384 : i32
    %dma_start3A_39 = tpu.memref_slice %arg16[%dma_start3A_38] : memref<512xf32, #tpu.memory_space<vmem>> -> memref<128xf32, #tpu.memory_space<vmem>>
    %dma_start3A_40 = arith.constant 384 : i32
    %dma_start3A_41 = tpu.memref_slice %arg10[%dma_start3A_40] : memref<512xi32, #tpu.memory_space<vmem>> -> memref<128xi32, #tpu.memory_space<vmem>>
    %dma_start3A_42 = arith.constant 0 : i32
    %dma_start3A_43 = tpu.memref_slice %arg6[%dma_start3A_42] : memref<1000000xf32, #tpu.memory_space<hbm>> -> memref<1000000xf32, #tpu.memory_space<hbm>>
    tpu.enqueue_indirect_dma source(%dma_start3A_43 : memref<1000000xf32, #tpu.memory_space<hbm>>) target(%dma_start3A_39 : memref<128xf32, #tpu.memory_space<vmem>>) offsets(%dma_start3A_41 : memref<128xi32, #tpu.memory_space<vmem>>) semaphore(%arg21 : memref<!tpu.dma_semaphore, #tpu.memory_space<semaphore_mem>>)
    %dma_start3A_44 = arith.constant 384 : i32
    %dma_start3A_45 = tpu.memref_slice %arg17[%dma_start3A_44] : memref<512xf32, #tpu.memory_space<vmem>> -> memref<128xf32, #tpu.memory_space<vmem>>
    %dma_start3A_46 = arith.constant 384 : i32
    %dma_start3A_47 = tpu.memref_slice %arg11[%dma_start3A_46] : memref<512xi32, #tpu.memory_space<vmem>> -> memref<128xi32, #tpu.memory_space<vmem>>
    %dma_start3A_48 = arith.constant 0 : i32
    %dma_start3A_49 = tpu.memref_slice %arg7[%dma_start3A_48] : memref<1000000xf32, #tpu.memory_space<hbm>> -> memref<1000000xf32, #tpu.memory_space<hbm>>
    tpu.enqueue_indirect_dma source(%dma_start3A_49 : memref<1000000xf32, #tpu.memory_space<hbm>>) target(%dma_start3A_45 : memref<128xf32, #tpu.memory_space<vmem>>) offsets(%dma_start3A_47 : memref<128xi32, #tpu.memory_space<vmem>>) semaphore(%arg21 : memref<!tpu.dma_semaphore, #tpu.memory_space<semaphore_mem>>)
    %scan3A = arith.constant 0 : i32
    %scan3A_50 = arith.constant 32 : i32
    %scan3A_51 = arith.addi %scan3A, %scan3A_50 : i32
    %scan3A_52 = arith.constant 1 : i32
    scf.for %scan3A_290 = %scan3A to %scan3A_51 step %scan3A_52  : i32 {
      %mul3A_291 = arith.constant 16 : i32
      %mul3A_292 = arith.muli %scan3A_290, %mul3A_291 : i32
      %add3A_293 = arith.constant 0 : i32
      %add3A_294 = arith.addi %add3A_293, %mul3A_292 : i32
      %get3A_295 = arith.index_cast %add3A_294 : i32 to index
      %get3A_296 = tpu.vector_load %arg10[%get3A_295] {strides = array<i32>} : memref<512xi32, #tpu.memory_space<vmem>>, vector<16xi32>,
      %shift_right_logical3A = arith.constant 2 : i32
      %shift_right_logical3A_297 = vector.broadcast %shift_right_logical3A : i32 to vector<16xi32>
      %shift_right_logical3A_298 = arith.shrui %get3A_296, %shift_right_logical3A_297 : vector<16xi32>
      %swap3A = arith.index_cast %add3A_294 : i32 to index
      %swap3A_299 = tpu.vector_load %arg12[%swap3A] {strides = array<i32>} : memref<512xi32, #tpu.memory_space<vmem>>, vector<16xi32>,
      tpu.vector_store %arg12[%swap3A], %shift_right_logical3A_298 {strides = array<i32>} : memref<512xi32, #tpu.memory_space<vmem>>, vector<16xi32>,
      %get3A_300 = arith.index_cast %add3A_294 : i32 to index
      %get3A_301 = tpu.vector_load %arg11[%get3A_300] {strides = array<i32>} : memref<512xi32, #tpu.memory_space<vmem>>, vector<16xi32>,
      %shift_right_logical3A_302 = arith.constant 2 : i32
      %shift_right_logical3A_303 = vector.broadcast %shift_right_logical3A_302 : i32 to vector<16xi32>
      %shift_right_logical3A_304 = arith.shrui %get3A_301, %shift_right_logical3A_303 : vector<16xi32>
      %swap3A_305 = arith.index_cast %add3A_294 : i32 to index
      %swap3A_306 = tpu.vector_load %arg13[%swap3A_305] {strides = array<i32>} : memref<512xi32, #tpu.memory_space<vmem>>, vector<16xi32>,
      tpu.vector_store %arg13[%swap3A_305], %shift_right_logical3A_304 {strides = array<i32>} : memref<512xi32, #tpu.memory_space<vmem>>, vector<16xi32>,
    }
    %scan3A_53 = arith.constant 32 : i32
    %get3A = arith.constant 0 : index
    %get3A_54 = tpu.vector_load %arg18[%get3A] {strides = array<i32>} : memref<128xf32, #tpu.memory_space<vmem>>, vector<16xf32>,
    %dma_start3A_55 = arith.constant 0 : i32
    %dma_start3A_56 = arith.constant 0 : i32
    %dma_start3A_57 = arith.constant 0 : i32
    %dma_start3A_58 = tpu.memref_slice %arg14[%dma_start3A_55, %dma_start3A_56, %dma_start3A_57] : memref<2x128x128xf32, #tpu.memory_space<vmem>> -> memref<1x128x128xf32, #tpu.memory_space<vmem>>
    %dma_start3A_59 = tpu.memref_squeeze %dma_start3A_58 : memref<1x128x128xf32, #tpu.memory_space<vmem>> -> memref<128x128xf32, #tpu.memory_space<vmem>>
    %dma_start3A_60 = arith.constant 0 : i32
    %dma_start3A_61 = tpu.memref_slice %arg12[%dma_start3A_60] : memref<512xi32, #tpu.memory_space<vmem>> -> memref<128xi32, #tpu.memory_space<vmem>>
    %dma_start3A_62 = arith.constant 0 : i32
    %dma_start3A_63 = arith.constant 0 : i32
    %dma_start3A_64 = tpu.memref_slice %arg4[%dma_start3A_62, %dma_start3A_63] : memref<250000x128xf32, #tpu.memory_space<hbm>> -> memref<250000x128xf32, #tpu.memory_space<hbm>>
    tpu.enqueue_indirect_dma source(%dma_start3A_64 : memref<250000x128xf32, #tpu.memory_space<hbm>>) target(%dma_start3A_59 : memref<128x128xf32, #tpu.memory_space<vmem>>) offsets(%dma_start3A_61 : memref<128xi32, #tpu.memory_space<vmem>>) semaphore(%arg20 : memref<!tpu.dma_semaphore, #tpu.memory_space<semaphore_mem>>)
    %dma_start3A_65 = arith.constant 0 : i32
    %dma_start3A_66 = arith.constant 0 : i32
    %dma_start3A_67 = arith.constant 0 : i32
    %dma_start3A_68 = tpu.memref_slice %arg15[%dma_start3A_65, %dma_start3A_66, %dma_start3A_67] : memref<2x128x128xf32, #tpu.memory_space<vmem>> -> memref<1x128x128xf32, #tpu.memory_space<vmem>>
    %dma_start3A_69 = tpu.memref_squeeze %dma_start3A_68 : memref<1x128x128xf32, #tpu.memory_space<vmem>> -> memref<128x128xf32, #tpu.memory_space<vmem>>
    %dma_start3A_70 = arith.constant 0 : i32
    %dma_start3A_71 = tpu.memref_slice %arg13[%dma_start3A_70] : memref<512xi32, #tpu.memory_space<vmem>> -> memref<128xi32, #tpu.memory_space<vmem>>
    %dma_start3A_72 = arith.constant 0 : i32
    %dma_start3A_73 = arith.constant 0 : i32
    %dma_start3A_74 = tpu.memref_slice %arg5[%dma_start3A_72, %dma_start3A_73] : memref<250000x128xf32, #tpu.memory_space<hbm>> -> memref<250000x128xf32, #tpu.memory_space<hbm>>
    tpu.enqueue_indirect_dma source(%dma_start3A_74 : memref<250000x128xf32, #tpu.memory_space<hbm>>) target(%dma_start3A_69 : memref<128x128xf32, #tpu.memory_space<vmem>>) offsets(%dma_start3A_71 : memref<128xi32, #tpu.memory_space<vmem>>) semaphore(%arg20 : memref<!tpu.dma_semaphore, #tpu.memory_space<semaphore_mem>>)
    %dma_start3A_75 = arith.constant 1 : i32
    %dma_start3A_76 = arith.constant 0 : i32
    %dma_start3A_77 = arith.constant 0 : i32
    %dma_start3A_78 = tpu.memref_slice %arg14[%dma_start3A_75, %dma_start3A_76, %dma_start3A_77] : memref<2x128x128xf32, #tpu.memory_space<vmem>> -> memref<1x128x128xf32, #tpu.memory_space<vmem>>
    %dma_start3A_79 = tpu.memref_squeeze %dma_start3A_78 : memref<1x128x128xf32, #tpu.memory_space<vmem>> -> memref<128x128xf32, #tpu.memory_space<vmem>>
    %dma_start3A_80 = arith.constant 128 : i32
    %dma_start3A_81 = tpu.memref_slice %arg12[%dma_start3A_80] : memref<512xi32, #tpu.memory_space<vmem>> -> memref<128xi32, #tpu.memory_space<vmem>>
    %dma_start3A_82 = arith.constant 0 : i32
    %dma_start3A_83 = arith.constant 0 : i32
    %dma_start3A_84 = tpu.memref_slice %arg4[%dma_start3A_82, %dma_start3A_83] : memref<250000x128xf32, #tpu.memory_space<hbm>> -> memref<250000x128xf32, #tpu.memory_space<hbm>>
    tpu.enqueue_indirect_dma source(%dma_start3A_84 : memref<250000x128xf32, #tpu.memory_space<hbm>>) target(%dma_start3A_79 : memref<128x128xf32, #tpu.memory_space<vmem>>) offsets(%dma_start3A_81 : memref<128xi32, #tpu.memory_space<vmem>>) semaphore(%arg20 : memref<!tpu.dma_semaphore, #tpu.memory_space<semaphore_mem>>)
    %dma_start3A_85 = arith.constant 1 : i32
    %dma_start3A_86 = arith.constant 0 : i32
    %dma_start3A_87 = arith.constant 0 : i32
    %dma_start3A_88 = tpu.memref_slice %arg15[%dma_start3A_85, %dma_start3A_86, %dma_start3A_87] : memref<2x128x128xf32, #tpu.memory_space<vmem>> -> memref<1x128x128xf32, #tpu.memory_space<vmem>>
    %dma_start3A_89 = tpu.memref_squeeze %dma_start3A_88 : memref<1x128x128xf32, #tpu.memory_space<vmem>> -> memref<128x128xf32, #tpu.memory_space<vmem>>
    %dma_start3A_90 = arith.constant 128 : i32
    %dma_start3A_91 = tpu.memref_slice %arg13[%dma_start3A_90] : memref<512xi32, #tpu.memory_space<vmem>> -> memref<128xi32, #tpu.memory_space<vmem>>
    %dma_start3A_92 = arith.constant 0 : i32
    %dma_start3A_93 = arith.constant 0 : i32
    %dma_start3A_94 = tpu.memref_slice %arg5[%dma_start3A_92, %dma_start3A_93] : memref<250000x128xf32, #tpu.memory_space<hbm>> -> memref<250000x128xf32, #tpu.memory_space<hbm>>
    tpu.enqueue_indirect_dma source(%dma_start3A_94 : memref<250000x128xf32, #tpu.memory_space<hbm>>) target(%dma_start3A_89 : memref<128x128xf32, #tpu.memory_space<vmem>>) offsets(%dma_start3A_91 : memref<128xi32, #tpu.memory_space<vmem>>) semaphore(%arg20 : memref<!tpu.dma_semaphore, #tpu.memory_space<semaphore_mem>>)
    %dma_wait3A = arith.constant 0 : i32
    %dma_wait3A_95 = arith.constant 0 : i32
    %dma_wait3A_96 = arith.constant 0 : i32
    %dma_wait3A_97 = tpu.memref_slice %arg14[%dma_wait3A, %dma_wait3A_95, %dma_wait3A_96] : memref<2x128x128xf32, #tpu.memory_space<vmem>> -> memref<1x128x128xf32, #tpu.memory_space<vmem>>
    %dma_wait3A_98 = tpu.memref_squeeze %dma_wait3A_97 : memref<1x128x128xf32, #tpu.memory_space<vmem>> -> memref<128x128xf32, #tpu.memory_space<vmem>>
    %dma_wait3A_99 = arith.constant 0 : i32
    %dma_wait3A_100 = tpu.memref_slice %arg12[%dma_wait3A_99] : memref<512xi32, #tpu.memory_space<vmem>> -> memref<128xi32, #tpu.memory_space<vmem>>
    %dma_wait3A_101 = arith.constant 0 : i32
    %dma_wait3A_102 = arith.constant 0 : i32
    %dma_wait3A_103 = tpu.memref_slice %arg4[%dma_wait3A_101, %dma_wait3A_102] : memref<250000x128xf32, #tpu.memory_space<hbm>> -> memref<250000x128xf32, #tpu.memory_space<hbm>>
    tpu.wait_indirect_dma semaphore(%arg20 : memref<!tpu.dma_semaphore, #tpu.memory_space<semaphore_mem>>) src(%dma_wait3A_103 : memref<250000x128xf32, #tpu.memory_space<hbm>>) dst(%dma_wait3A_98 : memref<128x128xf32, #tpu.memory_space<vmem>>)
    %dma_wait3A_104 = arith.constant 0 : i32
    %dma_wait3A_105 = arith.constant 0 : i32
    %dma_wait3A_106 = arith.constant 0 : i32
    %dma_wait3A_107 = tpu.memref_slice %arg15[%dma_wait3A_104, %dma_wait3A_105, %dma_wait3A_106] : memref<2x128x128xf32, #tpu.memory_space<vmem>> -> memref<1x128x128xf32, #tpu.memory_space<vmem>>
    %dma_wait3A_108 = tpu.memref_squeeze %dma_wait3A_107 : memref<1x128x128xf32, #tpu.memory_space<vmem>> -> memref<128x128xf32, #tpu.memory_space<vmem>>
    %dma_wait3A_109 = arith.constant 0 : i32
    %dma_wait3A_110 = tpu.memref_slice %arg13[%dma_wait3A_109] : memref<512xi32, #tpu.memory_space<vmem>> -> memref<128xi32, #tpu.memory_space<vmem>>
    %dma_wait3A_111 = arith.constant 0 : i32
    %dma_wait3A_112 = arith.constant 0 : i32
    %dma_wait3A_113 = tpu.memref_slice %arg5[%dma_wait3A_111, %dma_wait3A_112] : memref<250000x128xf32, #tpu.memory_space<hbm>> -> memref<250000x128xf32, #tpu.memory_space<hbm>>
    tpu.wait_indirect_dma semaphore(%arg20 : memref<!tpu.dma_semaphore, #tpu.memory_space<semaphore_mem>>) src(%dma_wait3A_113 : memref<250000x128xf32, #tpu.memory_space<hbm>>) dst(%dma_wait3A_108 : memref<128x128xf32, #tpu.memory_space<vmem>>)
    %dma_wait3A_114 = arith.constant 0 : i32
    %dma_wait3A_115 = tpu.memref_slice %arg16[%dma_wait3A_114] : memref<512xf32, #tpu.memory_space<vmem>> -> memref<128xf32, #tpu.memory_space<vmem>>
    %dma_wait3A_116 = arith.constant 0 : i32
    %dma_wait3A_117 = tpu.memref_slice %arg10[%dma_wait3A_116] : memref<512xi32, #tpu.memory_space<vmem>> -> memref<128xi32, #tpu.memory_space<vmem>>
    %dma_wait3A_118 = arith.constant 0 : i32
    %dma_wait3A_119 = tpu.memref_slice %arg6[%dma_wait3A_118] : memref<1000000xf32, #tpu.memory_space<hbm>> -> memref<1000000xf32, #tpu.memory_space<hbm>>
    tpu.wait_indirect_dma semaphore(%arg21 : memref<!tpu.dma_semaphore, #tpu.memory_space<semaphore_mem>>) src(%dma_wait3A_119 : memref<1000000xf32, #tpu.memory_space<hbm>>) dst(%dma_wait3A_115 : memref<128xf32, #tpu.memory_space<vmem>>)
    %dma_wait3A_120 = arith.constant 0 : i32
    %dma_wait3A_121 = tpu.memref_slice %arg17[%dma_wait3A_120] : memref<512xf32, #tpu.memory_space<vmem>> -> memref<128xf32, #tpu.memory_space<vmem>>
    %dma_wait3A_122 = arith.constant 0 : i32
    %dma_wait3A_123 = tpu.memref_slice %arg11[%dma_wait3A_122] : memref<512xi32, #tpu.memory_space<vmem>> -> memref<128xi32, #tpu.memory_space<vmem>>
    %dma_wait3A_124 = arith.constant 0 : i32
    %dma_wait3A_125 = tpu.memref_slice %arg7[%dma_wait3A_124] : memref<1000000xf32, #tpu.memory_space<hbm>> -> memref<1000000xf32, #tpu.memory_space<hbm>>
    tpu.wait_indirect_dma semaphore(%arg21 : memref<!tpu.dma_semaphore, #tpu.memory_space<semaphore_mem>>) src(%dma_wait3A_125 : memref<1000000xf32, #tpu.memory_space<hbm>>) dst(%dma_wait3A_121 : memref<128xf32, #tpu.memory_space<vmem>>)
    %dma_wait3A_126 = arith.constant 128 : i32
    %dma_wait3A_127 = tpu.memref_slice %arg16[%dma_wait3A_126] : memref<512xf32, #tpu.memory_space<vmem>> -> memref<128xf32, #tpu.memory_space<vmem>>
    %dma_wait3A_128 = arith.constant 128 : i32
    %dma_wait3A_129 = tpu.memref_slice %arg10[%dma_wait3A_128] : memref<512xi32, #tpu.memory_space<vmem>> -> memref<128xi32, #tpu.memory_space<vmem>>
    %dma_wait3A_130 = arith.constant 0 : i32
    %dma_wait3A_131 = tpu.memref_slice %arg6[%dma_wait3A_130] : memref<1000000xf32, #tpu.memory_space<hbm>> -> memref<1000000xf32, #tpu.memory_space<hbm>>
    tpu.wait_indirect_dma semaphore(%arg21 : memref<!tpu.dma_semaphore, #tpu.memory_space<semaphore_mem>>) src(%dma_wait3A_131 : memref<1000000xf32, #tpu.memory_space<hbm>>) dst(%dma_wait3A_127 : memref<128xf32, #tpu.memory_space<vmem>>)
    %dma_wait3A_132 = arith.constant 128 : i32
    %dma_wait3A_133 = tpu.memref_slice %arg17[%dma_wait3A_132] : memref<512xf32, #tpu.memory_space<vmem>> -> memref<128xf32, #tpu.memory_space<vmem>>
    %dma_wait3A_134 = arith.constant 128 : i32
    %dma_wait3A_135 = tpu.memref_slice %arg11[%dma_wait3A_134] : memref<512xi32, #tpu.memory_space<vmem>> -> memref<128xi32, #tpu.memory_space<vmem>>
    %dma_wait3A_136 = arith.constant 0 : i32
    %dma_wait3A_137 = tpu.memref_slice %arg7[%dma_wait3A_136] : memref<1000000xf32, #tpu.memory_space<hbm>> -> memref<1000000xf32, #tpu.memory_space<hbm>>
    tpu.wait_indirect_dma semaphore(%arg21 : memref<!tpu.dma_semaphore, #tpu.memory_space<semaphore_mem>>) src(%dma_wait3A_137 : memref<1000000xf32, #tpu.memory_space<hbm>>) dst(%dma_wait3A_133 : memref<128xf32, #tpu.memory_space<vmem>>)
    %dma_wait3A_138 = arith.constant 256 : i32
    %dma_wait3A_139 = tpu.memref_slice %arg16[%dma_wait3A_138] : memref<512xf32, #tpu.memory_space<vmem>> -> memref<128xf32, #tpu.memory_space<vmem>>
    %dma_wait3A_140 = arith.constant 256 : i32
    %dma_wait3A_141 = tpu.memref_slice %arg10[%dma_wait3A_140] : memref<512xi32, #tpu.memory_space<vmem>> -> memref<128xi32, #tpu.memory_space<vmem>>
    %dma_wait3A_142 = arith.constant 0 : i32
    %dma_wait3A_143 = tpu.memref_slice %arg6[%dma_wait3A_142] : memref<1000000xf32, #tpu.memory_space<hbm>> -> memref<1000000xf32, #tpu.memory_space<hbm>>
    tpu.wait_indirect_dma semaphore(%arg21 : memref<!tpu.dma_semaphore, #tpu.memory_space<semaphore_mem>>) src(%dma_wait3A_143 : memref<1000000xf32, #tpu.memory_space<hbm>>) dst(%dma_wait3A_139 : memref<128xf32, #tpu.memory_space<vmem>>)
    %dma_wait3A_144 = arith.constant 256 : i32
    %dma_wait3A_145 = tpu.memref_slice %arg17[%dma_wait3A_144] : memref<512xf32, #tpu.memory_space<vmem>> -> memref<128xf32, #tpu.memory_space<vmem>>
    %dma_wait3A_146 = arith.constant 256 : i32
    %dma_wait3A_147 = tpu.memref_slice %arg11[%dma_wait3A_146] : memref<512xi32, #tpu.memory_space<vmem>> -> memref<128xi32, #tpu.memory_space<vmem>>
    %dma_wait3A_148 = arith.constant 0 : i32
    %dma_wait3A_149 = tpu.memref_slice %arg7[%dma_wait3A_148] : memref<1000000xf32, #tpu.memory_space<hbm>> -> memref<1000000xf32, #tpu.memory_space<hbm>>
    tpu.wait_indirect_dma semaphore(%arg21 : memref<!tpu.dma_semaphore, #tpu.memory_space<semaphore_mem>>) src(%dma_wait3A_149 : memref<1000000xf32, #tpu.memory_space<hbm>>) dst(%dma_wait3A_145 : memref<128xf32, #tpu.memory_space<vmem>>)
    %dma_wait3A_150 = arith.constant 384 : i32
    %dma_wait3A_151 = tpu.memref_slice %arg16[%dma_wait3A_150] : memref<512xf32, #tpu.memory_space<vmem>> -> memref<128xf32, #tpu.memory_space<vmem>>
    %dma_wait3A_152 = arith.constant 384 : i32
    %dma_wait3A_153 = tpu.memref_slice %arg10[%dma_wait3A_152] : memref<512xi32, #tpu.memory_space<vmem>> -> memref<128xi32, #tpu.memory_space<vmem>>
    %dma_wait3A_154 = arith.constant 0 : i32
    %dma_wait3A_155 = tpu.memref_slice %arg6[%dma_wait3A_154] : memref<1000000xf32, #tpu.memory_space<hbm>> -> memref<1000000xf32, #tpu.memory_space<hbm>>
    tpu.wait_indirect_dma semaphore(%arg21 : memref<!tpu.dma_semaphore, #tpu.memory_space<semaphore_mem>>) src(%dma_wait3A_155 : memref<1000000xf32, #tpu.memory_space<hbm>>) dst(%dma_wait3A_151 : memref<128xf32, #tpu.memory_space<vmem>>)
    %dma_wait3A_156 = arith.constant 384 : i32
    %dma_wait3A_157 = tpu.memref_slice %arg17[%dma_wait3A_156] : memref<512xf32, #tpu.memory_space<vmem>> -> memref<128xf32, #tpu.memory_space<vmem>>
    %dma_wait3A_158 = arith.constant 384 : i32
    %dma_wait3A_159 = tpu.memref_slice %arg11[%dma_wait3A_158] : memref<512xi32, #tpu.memory_space<vmem>> -> memref<128xi32, #tpu.memory_space<vmem>>
    %dma_wait3A_160 = arith.constant 0 : i32
    %dma_wait3A_161 = tpu.memref_slice %arg7[%dma_wait3A_160] : memref<1000000xf32, #tpu.memory_space<hbm>> -> memref<1000000xf32, #tpu.memory_space<hbm>>
    tpu.wait_indirect_dma semaphore(%arg21 : memref<!tpu.dma_semaphore, #tpu.memory_space<semaphore_mem>>) src(%dma_wait3A_161 : memref<1000000xf32, #tpu.memory_space<hbm>>) dst(%dma_wait3A_157 : memref<128xf32, #tpu.memory_space<vmem>>)
    %scan3A_162 = arith.constant 0 : i32
    %scan3A_163 = arith.constant 0 : i32
    %scan3A_164 = arith.constant 0 : i32
    %scan3A_165 = arith.constant 8 : i32
    %scan3A_166 = arith.addi %scan3A_164, %scan3A_165 : i32
    %scan3A_167 = arith.constant 1 : i32
    scf.for %scan3A_290 = %scan3A_164 to %scan3A_166 step %scan3A_167  : i32 {
      %mul3A_291 = arith.constant 16 : i32
      %mul3A_292 = arith.muli %scan3A_290, %mul3A_291 : i32
      %add3A_293 = arith.constant 0 : i32
      %add3A_294 = arith.addi %add3A_293, %mul3A_292 : i32
      %add3A_295 = arith.constant 0 : i32
      %add3A_296 = arith.addi %add3A_295, %add3A_294 : i32
      %iota3A = tpu.iota {dimensions = array<i32: 0>} : vector<16xi32>
      %add3A_297 = vector.broadcast %add3A_294 : i32 to vector<16xi32>
      %add3A_298 = arith.addi %add3A_297, %iota3A : vector<16xi32>
      %get3A_299 = arith.index_cast %add3A_296 : i32 to index
      %get3A_300 = tpu.vector_load %arg10[%get3A_299] {strides = array<i32>} : memref<512xi32, #tpu.memory_space<vmem>>, vector<16xi32>,
      %and3A = arith.constant 3 : i32
      %and3A_301 = vector.broadcast %and3A : i32 to vector<16xi32>
      %and3A_302 = arith.andi %get3A_300, %and3A_301 : vector<16xi32>
      %mul3A_303 = arith.constant 32 : i32
      %mul3A_304 = vector.broadcast %mul3A_303 : i32 to vector<16xi32>
      %mul3A_305 = arith.muli %and3A_302, %mul3A_304 : vector<16xi32>
      %get3A_306 = arith.index_cast %add3A_296 : i32 to index
      %get3A_307 = tpu.vector_load %arg11[%get3A_306] {strides = array<i32>} : memref<512xi32, #tpu.memory_space<vmem>>, vector<16xi32>,
      %and3A_308 = arith.constant 3 : i32
      %and3A_309 = vector.broadcast %and3A_308 : i32 to vector<16xi32>
      %and3A_310 = arith.andi %get3A_307, %and3A_309 : vector<16xi32>
      %mul3A_311 = arith.constant 32 : i32
      %mul3A_312 = vector.broadcast %mul3A_311 : i32 to vector<16xi32>
      %mul3A_313 = arith.muli %and3A_310, %mul3A_312 : vector<16xi32>
      %get3A_314 = arith.index_cast %add3A_296 : i32 to index
      %get3A_315 = tpu.vector_load %arg16[%get3A_314] {strides = array<i32>} : memref<512xf32, #tpu.memory_space<vmem>>, vector<16xf32>,
      %get3A_316 = arith.index_cast %add3A_296 : i32 to index
      %get3A_317 = tpu.vector_load %arg17[%get3A_316] {strides = array<i32>} : memref<512xf32, #tpu.memory_space<vmem>>, vector<16xf32>,
      %add3A_318 = arith.addf %get3A_315, %get3A_317 : vector<16xf32>
      %add3A_319 = arith.addf %add3A_318, %get3A_54 : vector<16xf32>
      %broadcast_in_dim3A = arith.constant 0.000000e+00 : f32
      %broadcast_in_dim3A_320 = vector.broadcast %broadcast_in_dim3A : f32 to vector<16xf32>
      %broadcast_in_dim3A_321 = arith.constant 0.000000e+00 : f32
      %broadcast_in_dim3A_322 = vector.broadcast %broadcast_in_dim3A_321 : f32 to vector<16xf32>
      %broadcast_in_dim3A_323 = arith.constant 0.000000e+00 : f32
      %broadcast_in_dim3A_324 = vector.broadcast %broadcast_in_dim3A_323 : f32 to vector<16xf32>
      %add3A_325 = arith.constant 0 : i32
      %add3A_326 = vector.broadcast %add3A_325 : i32 to vector<16xi32>
      %add3A_327 = arith.addi %mul3A_305, %add3A_326 : vector<16xi32>
      %gather3A = arith.constant 0 : i32
      %gather3A_328 = arith.constant 0 : i32
      %gather3A_329 = tpu.memref_slice %arg14[%scan3A_162, %gather3A, %gather3A_328] : memref<2x128x128xf32, #tpu.memory_space<vmem>> -> memref<1x128x128xf32, #tpu.memory_space<vmem>>
      %gather3A_330 = tpu.memref_squeeze %gather3A_329 : memref<1x128x128xf32, #tpu.memory_space<vmem>> -> memref<128x128xf32, #tpu.memory_space<vmem>>
      %gather3A_331 = tpu.vector_load_idx %gather3A_330[%add3A_298, %add3A_327] : memref<128x128xf32, #tpu.memory_space<vmem>>[vector<16xi32>, vector<16xi32>], vector<16xf32>,
      %add3A_332 = arith.constant 0 : i32
      %add3A_333 = vector.broadcast %add3A_332 : i32 to vector<16xi32>
      %add3A_334 = arith.addi %mul3A_313, %add3A_333 : vector<16xi32>
      %gather3A_335 = arith.constant 0 : i32
      %gather3A_336 = arith.constant 0 : i32
      %gather3A_337 = tpu.memref_slice %arg15[%scan3A_163, %gather3A_335, %gather3A_336] : memref<2x128x128xf32, #tpu.memory_space<vmem>> -> memref<1x128x128xf32, #tpu.memory_space<vmem>>
      %gather3A_338 = tpu.memref_squeeze %gather3A_337 : memref<1x128x128xf32, #tpu.memory_space<vmem>> -> memref<128x128xf32, #tpu.memory_space<vmem>>
      %gather3A_339 = tpu.vector_load_idx %gather3A_338[%add3A_298, %add3A_334] : memref<128x128xf32, #tpu.memory_space<vmem>>[vector<16xi32>, vector<16xi32>], vector<16xf32>,
      %mul3A_340 = arith.mulf %gather3A_331, %gather3A_339 : vector<16xf32>
      %add3A_341 = arith.addf %add3A_319, %mul3A_340 : vector<16xf32>
      %add3A_342 = arith.constant 1 : i32
      %add3A_343 = vector.broadcast %add3A_342 : i32 to vector<16xi32>
      %add3A_344 = arith.addi %mul3A_305, %add3A_343 : vector<16xi32>
      %gather3A_345 = arith.constant 0 : i32
      %gather3A_346 = arith.constant 0 : i32
      %gather3A_347 = tpu.memref_slice %arg14[%scan3A_162, %gather3A_345, %gather3A_346] : memref<2x128x128xf32, #tpu.memory_space<vmem>> -> memref<1x128x128xf32, #tpu.memory_space<vmem>>
      %gather3A_348 = tpu.memref_squeeze %gather3A_347 : memref<1x128x128xf32, #tpu.memory_space<vmem>> -> memref<128x128xf32, #tpu.memory_space<vmem>>
      %gather3A_349 = tpu.vector_load_idx %gather3A_348[%add3A_298, %add3A_344] : memref<128x128xf32, #tpu.memory_space<vmem>>[vector<16xi32>, vector<16xi32>], vector<16xf32>,
      %add3A_350 = arith.constant 1 : i32
      %add3A_351 = vector.broadcast %add3A_350 : i32 to vector<16xi32>
      %add3A_352 = arith.addi %mul3A_313, %add3A_351 : vector<16xi32>
      %gather3A_353 = arith.constant 0 : i32
      %gather3A_354 = arith.constant 0 : i32
      %gather3A_355 = tpu.memref_slice %arg15[%scan3A_163, %gather3A_353, %gather3A_354] : memref<2x128x128xf32, #tpu.memory_space<vmem>> -> memref<1x128x128xf32, #tpu.memory_space<vmem>>
      %gather3A_356 = tpu.memref_squeeze %gather3A_355 : memref<1x128x128xf32, #tpu.memory_space<vmem>> -> memref<128x128xf32, #tpu.memory_space<vmem>>
      %gather3A_357 = tpu.vector_load_idx %gather3A_356[%add3A_298, %add3A_352] : memref<128x128xf32, #tpu.memory_space<vmem>>[vector<16xi32>, vector<16xi32>], vector<16xf32>,
      %mul3A_358 = arith.mulf %gather3A_349, %gather3A_357 : vector<16xf32>
      %add3A_359 = arith.addf %broadcast_in_dim3A_320, %mul3A_358 : vector<16xf32>
      %add3A_360 = arith.constant 2 : i32
      %add3A_361 = vector.broadcast %add3A_360 : i32 to vector<16xi32>
      %add3A_362 = arith.addi %mul3A_305, %add3A_361 : vector<16xi32>
      %gather3A_363 = arith.constant 0 : i32
      %gather3A_364 = arith.constant 0 : i32
      %gather3A_365 = tpu.memref_slice %arg14[%scan3A_162, %gather3A_363, %gather3A_364] : memref<2x128x128xf32, #tpu.memory_space<vmem>> -> memref<1x128x128xf32, #tpu.memory_space<vmem>>
      %gather3A_366 = tpu.memref_squeeze %gather3A_365 : memref<1x128x128xf32, #tpu.memory_space<vmem>> -> memref<128x128xf32, #tpu.memory_space<vmem>>
      %gather3A_367 = tpu.vector_load_idx %gather3A_366[%add3A_298, %add3A_362] : memref<128x128xf32, #tpu.memory_space<vmem>>[vector<16xi32>, vector<16xi32>], vector<16xf32>,
      %add3A_368 = arith.constant 2 : i32
      %add3A_369 = vector.broadcast %add3A_368 : i32 to vector<16xi32>
      %add3A_370 = arith.addi %mul3A_313, %add3A_369 : vector<16xi32>
      %gather3A_371 = arith.constant 0 : i32
      %gather3A_372 = arith.constant 0 : i32
      %gather3A_373 = tpu.memref_slice %arg15[%scan3A_163, %gather3A_371, %gather3A_372] : memref<2x128x128xf32, #tpu.memory_space<vmem>> -> memref<1x128x128xf32, #tpu.memory_space<vmem>>
      %gather3A_374 = tpu.memref_squeeze %gather3A_373 : memref<1x128x128xf32, #tpu.memory_space<vmem>> -> memref<128x128xf32, #tpu.memory_space<vmem>>
      %gather3A_375 = tpu.vector_load_idx %gather3A_374[%add3A_298, %add3A_370] : memref<128x128xf32, #tpu.memory_space<vmem>>[vector<16xi32>, vector<16xi32>], vector<16xf32>,
      %mul3A_376 = arith.mulf %gather3A_367, %gather3A_375 : vector<16xf32>
      %add3A_377 = arith.addf %broadcast_in_dim3A_322, %mul3A_376 : vector<16xf32>
      %add3A_378 = arith.constant 3 : i32
      %add3A_379 = vector.broadcast %add3A_378 : i32 to vector<16xi32>
      %add3A_380 = arith.addi %mul3A_305, %add3A_379 : vector<16xi32>
      %gather3A_381 = arith.constant 0 : i32
      %gather3A_382 = arith.constant 0 : i32
      %gather3A_383 = tpu.memref_slice %arg14[%scan3A_162, %gather3A_381, %gather3A_382] : memref<2x128x128xf32, #tpu.memory_space<vmem>> -> memref<1x128x128xf32, #tpu.memory_space<vmem>>
      %gather3A_384 = tpu.memref_squeeze %gather3A_383 : memref<1x128x128xf32, #tpu.memory_space<vmem>> -> memref<128x128xf32, #tpu.memory_space<vmem>>
      %gather3A_385 = tpu.vector_load_idx %gather3A_384[%add3A_298, %add3A_380] : memref<128x128xf32, #tpu.memory_space<vmem>>[vector<16xi32>, vector<16xi32>], vector<16xf32>,
      %add3A_386 = arith.constant 3 : i32
      %add3A_387 = vector.broadcast %add3A_386 : i32 to vector<16xi32>
      %add3A_388 = arith.addi %mul3A_313, %add3A_387 : vector<16xi32>
      %gather3A_389 = arith.constant 0 : i32
      %gather3A_390 = arith.constant 0 : i32
      %gather3A_391 = tpu.memref_slice %arg15[%scan3A_163, %gather3A_389, %gather3A_390] : memref<2x128x128xf32, #tpu.memory_space<vmem>> -> memref<1x128x128xf32, #tpu.memory_space<vmem>>
      %gather3A_392 = tpu.memref_squeeze %gather3A_391 : memref<1x128x128xf32, #tpu.memory_space<vmem>> -> memref<128x128xf32, #tpu.memory_space<vmem>>
      %gather3A_393 = tpu.vector_load_idx %gather3A_392[%add3A_298, %add3A_388] : memref<128x128xf32, #tpu.memory_space<vmem>>[vector<16xi32>, vector<16xi32>], vector<16xf32>,
      %mul3A_394 = arith.mulf %gather3A_385, %gather3A_393 : vector<16xf32>
      %add3A_395 = arith.addf %broadcast_in_dim3A_324, %mul3A_394 : vector<16xf32>
      %add3A_396 = arith.constant 4 : i32
      %add3A_397 = vector.broadcast %add3A_396 : i32 to vector<16xi32>
      %add3A_398 = arith.addi %mul3A_305, %add3A_397 : vector<16xi32>
      %gather3A_399 = arith.constant 0 : i32
      %gather3A_400 = arith.constant 0 : i32
      %gather3A_401 = tpu.memref_slice %arg14[%scan3A_162, %gather3A_399, %gather3A_400] : memref<2x128x128xf32, #tpu.memory_space<vmem>> -> memref<1x128x128xf32, #tpu.memory_space<vmem>>
      %gather3A_402 = tpu.memref_squeeze %gather3A_401 : memref<1x128x128xf32, #tpu.memory_space<vmem>> -> memref<128x128xf32, #tpu.memory_space<vmem>>
      %gather3A_403 = tpu.vector_load_idx %gather3A_402[%add3A_298, %add3A_398] : memref<128x128xf32, #tpu.memory_space<vmem>>[vector<16xi32>, vector<16xi32>], vector<16xf32>,
      %add3A_404 = arith.constant 4 : i32
      %add3A_405 = vector.broadcast %add3A_404 : i32 to vector<16xi32>
      %add3A_406 = arith.addi %mul3A_313, %add3A_405 : vector<16xi32>
      %gather3A_407 = arith.constant 0 : i32
      %gather3A_408 = arith.constant 0 : i32
      %gather3A_409 = tpu.memref_slice %arg15[%scan3A_163, %gather3A_407, %gather3A_408] : memref<2x128x128xf32, #tpu.memory_space<vmem>> -> memref<1x128x128xf32, #tpu.memory_space<vmem>>
      %gather3A_410 = tpu.memref_squeeze %gather3A_409 : memref<1x128x128xf32, #tpu.memory_space<vmem>> -> memref<128x128xf32, #tpu.memory_space<vmem>>
      %gather3A_411 = tpu.vector_load_idx %gather3A_410[%add3A_298, %add3A_406] : memref<128x128xf32, #tpu.memory_space<vmem>>[vector<16xi32>, vector<16xi32>], vector<16xf32>,
      %mul3A_412 = arith.mulf %gather3A_403, %gather3A_411 : vector<16xf32>
      %add3A_413 = arith.addf %add3A_341, %mul3A_412 : vector<16xf32>
      %add3A_414 = arith.constant 5 : i32
      %add3A_415 = vector.broadcast %add3A_414 : i32 to vector<16xi32>
      %add3A_416 = arith.addi %mul3A_305, %add3A_415 : vector<16xi32>
      %gather3A_417 = arith.constant 0 : i32
      %gather3A_418 = arith.constant 0 : i32
      %gather3A_419 = tpu.memref_slice %arg14[%scan3A_162, %gather3A_417, %gather3A_418] : memref<2x128x128xf32, #tpu.memory_space<vmem>> -> memref<1x128x128xf32, #tpu.memory_space<vmem>>
      %gather3A_420 = tpu.memref_squeeze %gather3A_419 : memref<1x128x128xf32, #tpu.memory_space<vmem>> -> memref<128x128xf32, #tpu.memory_space<vmem>>
      %gather3A_421 = tpu.vector_load_idx %gather3A_420[%add3A_298, %add3A_416] : memref<128x128xf32, #tpu.memory_space<vmem>>[vector<16xi32>, vector<16xi32>], vector<16xf32>,
      %add3A_422 = arith.constant 5 : i32
      %add3A_423 = vector.broadcast %add3A_422 : i32 to vector<16xi32>
      %add3A_424 = arith.addi %mul3A_313, %add3A_423 : vector<16xi32>
      %gather3A_425 = arith.constant 0 : i32
      %gather3A_426 = arith.constant 0 : i32
      %gather3A_427 = tpu.memref_slice %arg15[%scan3A_163, %gather3A_425, %gather3A_426] : memref<2x128x128xf32, #tpu.memory_space<vmem>> -> memref<1x128x128xf32, #tpu.memory_space<vmem>>
      %gather3A_428 = tpu.memref_squeeze %gather3A_427 : memref<1x128x128xf32, #tpu.memory_space<vmem>> -> memref<128x128xf32, #tpu.memory_space<vmem>>
      %gather3A_429 = tpu.vector_load_idx %gather3A_428[%add3A_298, %add3A_424] : memref<128x128xf32, #tpu.memory_space<vmem>>[vector<16xi32>, vector<16xi32>], vector<16xf32>,
      %mul3A_430 = arith.mulf %gather3A_421, %gather3A_429 : vector<16xf32>
      %add3A_431 = arith.addf %add3A_359, %mul3A_430 : vector<16xf32>
      %add3A_432 = arith.constant 6 : i32
      %add3A_433 = vector.broadcast %add3A_432 : i32 to vector<16xi32>
      %add3A_434 = arith.addi %mul3A_305, %add3A_433 : vector<16xi32>
      %gather3A_435 = arith.constant 0 : i32
      %gather3A_436 = arith.constant 0 : i32
      %gather3A_437 = tpu.memref_slice %arg14[%scan3A_162, %gather3A_435, %gather3A_436] : memref<2x128x128xf32, #tpu.memory_space<vmem>> -> memref<1x128x128xf32, #tpu.memory_space<vmem>>
      %gather3A_438 = tpu.memref_squeeze %gather3A_437 : memref<1x128x128xf32, #tpu.memory_space<vmem>> -> memref<128x128xf32, #tpu.memory_space<vmem>>
      %gather3A_439 = tpu.vector_load_idx %gather3A_438[%add3A_298, %add3A_434] : memref<128x128xf32, #tpu.memory_space<vmem>>[vector<16xi32>, vector<16xi32>], vector<16xf32>,
      %add3A_440 = arith.constant 6 : i32
      %add3A_441 = vector.broadcast %add3A_440 : i32 to vector<16xi32>
      %add3A_442 = arith.addi %mul3A_313, %add3A_441 : vector<16xi32>
      %gather3A_443 = arith.constant 0 : i32
      %gather3A_444 = arith.constant 0 : i32
      %gather3A_445 = tpu.memref_slice %arg15[%scan3A_163, %gather3A_443, %gather3A_444] : memref<2x128x128xf32, #tpu.memory_space<vmem>> -> memref<1x128x128xf32, #tpu.memory_space<vmem>>
      %gather3A_446 = tpu.memref_squeeze %gather3A_445 : memref<1x128x128xf32, #tpu.memory_space<vmem>> -> memref<128x128xf32, #tpu.memory_space<vmem>>
      %gather3A_447 = tpu.vector_load_idx %gather3A_446[%add3A_298, %add3A_442] : memref<128x128xf32, #tpu.memory_space<vmem>>[vector<16xi32>, vector<16xi32>], vector<16xf32>,
      %mul3A_448 = arith.mulf %gather3A_439, %gather3A_447 : vector<16xf32>
      %add3A_449 = arith.addf %add3A_377, %mul3A_448 : vector<16xf32>
      %add3A_450 = arith.constant 7 : i32
      %add3A_451 = vector.broadcast %add3A_450 : i32 to vector<16xi32>
      %add3A_452 = arith.addi %mul3A_305, %add3A_451 : vector<16xi32>
      %gather3A_453 = arith.constant 0 : i32
      %gather3A_454 = arith.constant 0 : i32
      %gather3A_455 = tpu.memref_slice %arg14[%scan3A_162, %gather3A_453, %gather3A_454] : memref<2x128x128xf32, #tpu.memory_space<vmem>> -> memref<1x128x128xf32, #tpu.memory_space<vmem>>
      %gather3A_456 = tpu.memref_squeeze %gather3A_455 : memref<1x128x128xf32, #tpu.memory_space<vmem>> -> memref<128x128xf32, #tpu.memory_space<vmem>>
      %gather3A_457 = tpu.vector_load_idx %gather3A_456[%add3A_298, %add3A_452] : memref<128x128xf32, #tpu.memory_space<vmem>>[vector<16xi32>, vector<16xi32>], vector<16xf32>,
      %add3A_458 = arith.constant 7 : i32
      %add3A_459 = vector.broadcast %add3A_458 : i32 to vector<16xi32>
      %add3A_460 = arith.addi %mul3A_313, %add3A_459 : vector<16xi32>
      %gather3A_461 = arith.constant 0 : i32
      %gather3A_462 = arith.constant 0 : i32
      %gather3A_463 = tpu.memref_slice %arg15[%scan3A_163, %gather3A_461, %gather3A_462] : memref<2x128x128xf32, #tpu.memory_space<vmem>> -> memref<1x128x128xf32, #tpu.memory_space<vmem>>
      %gather3A_464 = tpu.memref_squeeze %gather3A_463 : memref<1x128x128xf32, #tpu.memory_space<vmem>> -> memref<128x128xf32, #tpu.memory_space<vmem>>
      %gather3A_465 = tpu.vector_load_idx %gather3A_464[%add3A_298, %add3A_460] : memref<128x128xf32, #tpu.memory_space<vmem>>[vector<16xi32>, vector<16xi32>], vector<16xf32>,
      %mul3A_466 = arith.mulf %gather3A_457, %gather3A_465 : vector<16xf32>
      %add3A_467 = arith.addf %add3A_395, %mul3A_466 : vector<16xf32>
      %add3A_468 = arith.constant 8 : i32
      %add3A_469 = vector.broadcast %add3A_468 : i32 to vector<16xi32>
      %add3A_470 = arith.addi %mul3A_305, %add3A_469 : vector<16xi32>
      %gather3A_471 = arith.constant 0 : i32
      %gather3A_472 = arith.constant 0 : i32
      %gather3A_473 = tpu.memref_slice %arg14[%scan3A_162, %gather3A_471, %gather3A_472] : memref<2x128x128xf32, #tpu.memory_space<vmem>> -> memref<1x128x128xf32, #tpu.memory_space<vmem>>
      %gather3A_474 = tpu.memref_squeeze %gather3A_473 : memref<1x128x128xf32, #tpu.memory_space<vmem>> -> memref<128x128xf32, #tpu.memory_space<vmem>>
      %gather3A_475 = tpu.vector_load_idx %gather3A_474[%add3A_298, %add3A_470] : memref<128x128xf32, #tpu.memory_space<vmem>>[vector<16xi32>, vector<16xi32>], vector<16xf32>,
      %add3A_476 = arith.constant 8 : i32
      %add3A_477 = vector.broadcast %add3A_476 : i32 to vector<16xi32>
      %add3A_478 = arith.addi %mul3A_313, %add3A_477 : vector<16xi32>
      %gather3A_479 = arith.constant 0 : i32
      %gather3A_480 = arith.constant 0 : i32
      %gather3A_481 = tpu.memref_slice %arg15[%scan3A_163, %gather3A_479, %gather3A_480] : memref<2x128x128xf32, #tpu.memory_space<vmem>> -> memref<1x128x128xf32, #tpu.memory_space<vmem>>
      %gather3A_482 = tpu.memref_squeeze %gather3A_481 : memref<1x128x128xf32, #tpu.memory_space<vmem>> -> memref<128x128xf32, #tpu.memory_space<vmem>>
      %gather3A_483 = tpu.vector_load_idx %gather3A_482[%add3A_298, %add3A_478] : memref<128x128xf32, #tpu.memory_space<vmem>>[vector<16xi32>, vector<16xi32>], vector<16xf32>,
      %mul3A_484 = arith.mulf %gather3A_475, %gather3A_483 : vector<16xf32>
      %add3A_485 = arith.addf %add3A_413, %mul3A_484 : vector<16xf32>
      %add3A_486 = arith.constant 9 : i32
      %add3A_487 = vector.broadcast %add3A_486 : i32 to vector<16xi32>
      %add3A_488 = arith.addi %mul3A_305, %add3A_487 : vector<16xi32>
      %gather3A_489 = arith.constant 0 : i32
      %gather3A_490 = arith.constant 0 : i32
      %gather3A_491 = tpu.memref_slice %arg14[%scan3A_162, %gather3A_489, %gather3A_490] : memref<2x128x128xf32, #tpu.memory_space<vmem>> -> memref<1x128x128xf32, #tpu.memory_space<vmem>>
      %gather3A_492 = tpu.memref_squeeze %gather3A_491 : memref<1x128x128xf32, #tpu.memory_space<vmem>> -> memref<128x128xf32, #tpu.memory_space<vmem>>
      %gather3A_493 = tpu.vector_load_idx %gather3A_492[%add3A_298, %add3A_488] : memref<128x128xf32, #tpu.memory_space<vmem>>[vector<16xi32>, vector<16xi32>], vector<16xf32>,
      %add3A_494 = arith.constant 9 : i32
      %add3A_495 = vector.broadcast %add3A_494 : i32 to vector<16xi32>
      %add3A_496 = arith.addi %mul3A_313, %add3A_495 : vector<16xi32>
      %gather3A_497 = arith.constant 0 : i32
      %gather3A_498 = arith.constant 0 : i32
      %gather3A_499 = tpu.memref_slice %arg15[%scan3A_163, %gather3A_497, %gather3A_498] : memref<2x128x128xf32, #tpu.memory_space<vmem>> -> memref<1x128x128xf32, #tpu.memory_space<vmem>>
      %gather3A_500 = tpu.memref_squeeze %gather3A_499 : memref<1x128x128xf32, #tpu.memory_space<vmem>> -> memref<128x128xf32, #tpu.memory_space<vmem>>
      %gather3A_501 = tpu.vector_load_idx %gather3A_500[%add3A_298, %add3A_496] : memref<128x128xf32, #tpu.memory_space<vmem>>[vector<16xi32>, vector<16xi32>], vector<16xf32>,
      %mul3A_502 = arith.mulf %gather3A_493, %gather3A_501 : vector<16xf32>
      %add3A_503 = arith.addf %add3A_431, %mul3A_502 : vector<16xf32>
      %add3A_504 = arith.constant 10 : i32
      %add3A_505 = vector.broadcast %add3A_504 : i32 to vector<16xi32>
      %add3A_506 = arith.addi %mul3A_305, %add3A_505 : vector<16xi32>
      %gather3A_507 = arith.constant 0 : i32
      %gather3A_508 = arith.constant 0 : i32
      %gather3A_509 = tpu.memref_slice %arg14[%scan3A_162, %gather3A_507, %gather3A_508] : memref<2x128x128xf32, #tpu.memory_space<vmem>> -> memref<1x128x128xf32, #tpu.memory_space<vmem>>
      %gather3A_510 = tpu.memref_squeeze %gather3A_509 : memref<1x128x128xf32, #tpu.memory_space<vmem>> -> memref<128x128xf32, #tpu.memory_space<vmem>>
      %gather3A_511 = tpu.vector_load_idx %gather3A_510[%add3A_298, %add3A_506] : memref<128x128xf32, #tpu.memory_space<vmem>>[vector<16xi32>, vector<16xi32>], vector<16xf32>,
      %add3A_512 = arith.constant 10 : i32
      %add3A_513 = vector.broadcast %add3A_512 : i32 to vector<16xi32>
      %add3A_514 = arith.addi %mul3A_313, %add3A_513 : vector<16xi32>
      %gather3A_515 = arith.constant 0 : i32
      %gather3A_516 = arith.constant 0 : i32
      %gather3A_517 = tpu.memref_slice %arg15[%scan3A_163, %gather3A_515, %gather3A_516] : memref<2x128x128xf32, #tpu.memory_space<vmem>> -> memref<1x128x128xf32, #tpu.memory_space<vmem>>
      %gather3A_518 = tpu.memref_squeeze %gather3A_517 : memref<1x128x128xf32, #tpu.memory_space<vmem>> -> memref<128x128xf32, #tpu.memory_space<vmem>>
      %gather3A_519 = tpu.vector_load_idx %gather3A_518[%add3A_298, %add3A_514] : memref<128x128xf32, #tpu.memory_space<vmem>>[vector<16xi32>, vector<16xi32>], vector<16xf32>,
      %mul3A_520 = arith.mulf %gather3A_511, %gather3A_519 : vector<16xf32>
      %add3A_521 = arith.addf %add3A_449, %mul3A_520 : vector<16xf32>
      %add3A_522 = arith.constant 11 : i32
      %add3A_523 = vector.broadcast %add3A_522 : i32 to vector<16xi32>
      %add3A_524 = arith.addi %mul3A_305, %add3A_523 : vector<16xi32>
      %gather3A_525 = arith.constant 0 : i32
      %gather3A_526 = arith.constant 0 : i32
      %gather3A_527 = tpu.memref_slice %arg14[%scan3A_162, %gather3A_525, %gather3A_526] : memref<2x128x128xf32, #tpu.memory_space<vmem>> -> memref<1x128x128xf32, #tpu.memory_space<vmem>>
      %gather3A_528 = tpu.memref_squeeze %gather3A_527 : memref<1x128x128xf32, #tpu.memory_space<vmem>> -> memref<128x128xf32, #tpu.memory_space<vmem>>
      %gather3A_529 = tpu.vector_load_idx %gather3A_528[%add3A_298, %add3A_524] : memref<128x128xf32, #tpu.memory_space<vmem>>[vector<16xi32>, vector<16xi32>], vector<16xf32>,
      %add3A_530 = arith.constant 11 : i32
      %add3A_531 = vector.broadcast %add3A_530 : i32 to vector<16xi32>
      %add3A_532 = arith.addi %mul3A_313, %add3A_531 : vector<16xi32>
      %gather3A_533 = arith.constant 0 : i32
      %gather3A_534 = arith.constant 0 : i32
      %gather3A_535 = tpu.memref_slice %arg15[%scan3A_163, %gather3A_533, %gather3A_534] : memref<2x128x128xf32, #tpu.memory_space<vmem>> -> memref<1x128x128xf32, #tpu.memory_space<vmem>>
      %gather3A_536 = tpu.memref_squeeze %gather3A_535 : memref<1x128x128xf32, #tpu.memory_space<vmem>> -> memref<128x128xf32, #tpu.memory_space<vmem>>
      %gather3A_537 = tpu.vector_load_idx %gather3A_536[%add3A_298, %add3A_532] : memref<128x128xf32, #tpu.memory_space<vmem>>[vector<16xi32>, vector<16xi32>], vector<16xf32>,
      %mul3A_538 = arith.mulf %gather3A_529, %gather3A_537 : vector<16xf32>
      %add3A_539 = arith.addf %add3A_467, %mul3A_538 : vector<16xf32>
      %add3A_540 = arith.constant 12 : i32
      %add3A_541 = vector.broadcast %add3A_540 : i32 to vector<16xi32>
      %add3A_542 = arith.addi %mul3A_305, %add3A_541 : vector<16xi32>
      %gather3A_543 = arith.constant 0 : i32
      %gather3A_544 = arith.constant 0 : i32
      %gather3A_545 = tpu.memref_slice %arg14[%scan3A_162, %gather3A_543, %gather3A_544] : memref<2x128x128xf32, #tpu.memory_space<vmem>> -> memref<1x128x128xf32, #tpu.memory_space<vmem>>
      %gather3A_546 = tpu.memref_squeeze %gather3A_545 : memref<1x128x128xf32, #tpu.memory_space<vmem>> -> memref<128x128xf32, #tpu.memory_space<vmem>>
      %gather3A_547 = tpu.vector_load_idx %gather3A_546[%add3A_298, %add3A_542] : memref<128x128xf32, #tpu.memory_space<vmem>>[vector<16xi32>, vector<16xi32>], vector<16xf32>,
      %add3A_548 = arith.constant 12 : i32
      %add3A_549 = vector.broadcast %add3A_548 : i32 to vector<16xi32>
      %add3A_550 = arith.addi %mul3A_313, %add3A_549 : vector<16xi32>
      %gather3A_551 = arith.constant 0 : i32
      %gather3A_552 = arith.constant 0 : i32
      %gather3A_553 = tpu.memref_slice %arg15[%scan3A_163, %gather3A_551, %gather3A_552] : memref<2x128x128xf32, #tpu.memory_space<vmem>> -> memref<1x128x128xf32, #tpu.memory_space<vmem>>
      %gather3A_554 = tpu.memref_squeeze %gather3A_553 : memref<1x128x128xf32, #tpu.memory_space<vmem>> -> memref<128x128xf32, #tpu.memory_space<vmem>>
      %gather3A_555 = tpu.vector_load_idx %gather3A_554[%add3A_298, %add3A_550] : memref<128x128xf32, #tpu.memory_space<vmem>>[vector<16xi32>, vector<16xi32>], vector<16xf32>,
      %mul3A_556 = arith.mulf %gather3A_547, %gather3A_555 : vector<16xf32>
      %add3A_557 = arith.addf %add3A_485, %mul3A_556 : vector<16xf32>
      %add3A_558 = arith.constant 13 : i32
      %add3A_559 = vector.broadcast %add3A_558 : i32 to vector<16xi32>
      %add3A_560 = arith.addi %mul3A_305, %add3A_559 : vector<16xi32>
      %gather3A_561 = arith.constant 0 : i32
      %gather3A_562 = arith.constant 0 : i32
      %gather3A_563 = tpu.memref_slice %arg14[%scan3A_162, %gather3A_561, %gather3A_562] : memref<2x128x128xf32, #tpu.memory_space<vmem>> -> memref<1x128x128xf32, #tpu.memory_space<vmem>>
      %gather3A_564 = tpu.memref_squeeze %gather3A_563 : memref<1x128x128xf32, #tpu.memory_space<vmem>> -> memref<128x128xf32, #tpu.memory_space<vmem>>
      %gather3A_565 = tpu.vector_load_idx %gather3A_564[%add3A_298, %add3A_560] : memref<128x128xf32, #tpu.memory_space<vmem>>[vector<16xi32>, vector<16xi32>], vector<16xf32>,
      %add3A_566 = arith.constant 13 : i32
      %add3A_567 = vector.broadcast %add3A_566 : i32 to vector<16xi32>
      %add3A_568 = arith.addi %mul3A_313, %add3A_567 : vector<16xi32>
      %gather3A_569 = arith.constant 0 : i32
      %gather3A_570 = arith.constant 0 : i32
      %gather3A_571 = tpu.memref_slice %arg15[%scan3A_163, %gather3A_569, %gather3A_570] : memref<2x128x128xf32, #tpu.memory_space<vmem>> -> memref<1x128x128xf32, #tpu.memory_space<vmem>>
      %gather3A_572 = tpu.memref_squeeze %gather3A_571 : memref<1x128x128xf32, #tpu.memory_space<vmem>> -> memref<128x128xf32, #tpu.memory_space<vmem>>
      %gather3A_573 = tpu.vector_load_idx %gather3A_572[%add3A_298, %add3A_568] : memref<128x128xf32, #tpu.memory_space<vmem>>[vector<16xi32>, vector<16xi32>], vector<16xf32>,
      %mul3A_574 = arith.mulf %gather3A_565, %gather3A_573 : vector<16xf32>
      %add3A_575 = arith.addf %add3A_503, %mul3A_574 : vector<16xf32>
      %add3A_576 = arith.constant 14 : i32
      %add3A_577 = vector.broadcast %add3A_576 : i32 to vector<16xi32>
      %add3A_578 = arith.addi %mul3A_305, %add3A_577 : vector<16xi32>
      %gather3A_579 = arith.constant 0 : i32
      %gather3A_580 = arith.constant 0 : i32
      %gather3A_581 = tpu.memref_slice %arg14[%scan3A_162, %gather3A_579, %gather3A_580] : memref<2x128x128xf32, #tpu.memory_space<vmem>> -> memref<1x128x128xf32, #tpu.memory_space<vmem>>
      %gather3A_582 = tpu.memref_squeeze %gather3A_581 : memref<1x128x128xf32, #tpu.memory_space<vmem>> -> memref<128x128xf32, #tpu.memory_space<vmem>>
      %gather3A_583 = tpu.vector_load_idx %gather3A_582[%add3A_298, %add3A_578] : memref<128x128xf32, #tpu.memory_space<vmem>>[vector<16xi32>, vector<16xi32>], vector<16xf32>,
      %add3A_584 = arith.constant 14 : i32
      %add3A_585 = vector.broadcast %add3A_584 : i32 to vector<16xi32>
      %add3A_586 = arith.addi %mul3A_313, %add3A_585 : vector<16xi32>
      %gather3A_587 = arith.constant 0 : i32
      %gather3A_588 = arith.constant 0 : i32
      %gather3A_589 = tpu.memref_slice %arg15[%scan3A_163, %gather3A_587, %gather3A_588] : memref<2x128x128xf32, #tpu.memory_space<vmem>> -> memref<1x128x128xf32, #tpu.memory_space<vmem>>
      %gather3A_590 = tpu.memref_squeeze %gather3A_589 : memref<1x128x128xf32, #tpu.memory_space<vmem>> -> memref<128x128xf32, #tpu.memory_space<vmem>>
      %gather3A_591 = tpu.vector_load_idx %gather3A_590[%add3A_298, %add3A_586] : memref<128x128xf32, #tpu.memory_space<vmem>>[vector<16xi32>, vector<16xi32>], vector<16xf32>,
      %mul3A_592 = arith.mulf %gather3A_583, %gather3A_591 : vector<16xf32>
      %add3A_593 = arith.addf %add3A_521, %mul3A_592 : vector<16xf32>
      %add3A_594 = arith.constant 15 : i32
      %add3A_595 = vector.broadcast %add3A_594 : i32 to vector<16xi32>
      %add3A_596 = arith.addi %mul3A_305, %add3A_595 : vector<16xi32>
      %gather3A_597 = arith.constant 0 : i32
      %gather3A_598 = arith.constant 0 : i32
      %gather3A_599 = tpu.memref_slice %arg14[%scan3A_162, %gather3A_597, %gather3A_598] : memref<2x128x128xf32, #tpu.memory_space<vmem>> -> memref<1x128x128xf32, #tpu.memory_space<vmem>>
      %gather3A_600 = tpu.memref_squeeze %gather3A_599 : memref<1x128x128xf32, #tpu.memory_space<vmem>> -> memref<128x128xf32, #tpu.memory_space<vmem>>
      %gather3A_601 = tpu.vector_load_idx %gather3A_600[%add3A_298, %add3A_596] : memref<128x128xf32, #tpu.memory_space<vmem>>[vector<16xi32>, vector<16xi32>], vector<16xf32>,
      %add3A_602 = arith.constant 15 : i32
      %add3A_603 = vector.broadcast %add3A_602 : i32 to vector<16xi32>
      %add3A_604 = arith.addi %mul3A_313, %add3A_603 : vector<16xi32>
      %gather3A_605 = arith.constant 0 : i32
      %gather3A_606 = arith.constant 0 : i32
      %gather3A_607 = tpu.memref_slice %arg15[%scan3A_163, %gather3A_605, %gather3A_606] : memref<2x128x128xf32, #tpu.memory_space<vmem>> -> memref<1x128x128xf32, #tpu.memory_space<vmem>>
      %gather3A_608 = tpu.memref_squeeze %gather3A_607 : memref<1x128x128xf32, #tpu.memory_space<vmem>> -> memref<128x128xf32, #tpu.memory_space<vmem>>
      %gather3A_609 = tpu.vector_load_idx %gather3A_608[%add3A_298, %add3A_604] : memref<128x128xf32, #tpu.memory_space<vmem>>[vector<16xi32>, vector<16xi32>], vector<16xf32>,
      %mul3A_610 = arith.mulf %gather3A_601, %gather3A_609 : vector<16xf32>
      %add3A_611 = arith.addf %add3A_539, %mul3A_610 : vector<16xf32>
      %add3A_612 = arith.constant 16 : i32
      %add3A_613 = vector.broadcast %add3A_612 : i32 to vector<16xi32>
      %add3A_614 = arith.addi %mul3A_305, %add3A_613 : vector<16xi32>
      %gather3A_615 = arith.constant 0 : i32
      %gather3A_616 = arith.constant 0 : i32
      %gather3A_617 = tpu.memref_slice %arg14[%scan3A_162, %gather3A_615, %gather3A_616] : memref<2x128x128xf32, #tpu.memory_space<vmem>> -> memref<1x128x128xf32, #tpu.memory_space<vmem>>
      %gather3A_618 = tpu.memref_squeeze %gather3A_617 : memref<1x128x128xf32, #tpu.memory_space<vmem>> -> memref<128x128xf32, #tpu.memory_space<vmem>>
      %gather3A_619 = tpu.vector_load_idx %gather3A_618[%add3A_298, %add3A_614] : memref<128x128xf32, #tpu.memory_space<vmem>>[vector<16xi32>, vector<16xi32>], vector<16xf32>,
      %add3A_620 = arith.constant 16 : i32
      %add3A_621 = vector.broadcast %add3A_620 : i32 to vector<16xi32>
      %add3A_622 = arith.addi %mul3A_313, %add3A_621 : vector<16xi32>
      %gather3A_623 = arith.constant 0 : i32
      %gather3A_624 = arith.constant 0 : i32
      %gather3A_625 = tpu.memref_slice %arg15[%scan3A_163, %gather3A_623, %gather3A_624] : memref<2x128x128xf32, #tpu.memory_space<vmem>> -> memref<1x128x128xf32, #tpu.memory_space<vmem>>
      %gather3A_626 = tpu.memref_squeeze %gather3A_625 : memref<1x128x128xf32, #tpu.memory_space<vmem>> -> memref<128x128xf32, #tpu.memory_space<vmem>>
      %gather3A_627 = tpu.vector_load_idx %gather3A_626[%add3A_298, %add3A_622] : memref<128x128xf32, #tpu.memory_space<vmem>>[vector<16xi32>, vector<16xi32>], vector<16xf32>,
      %mul3A_628 = arith.mulf %gather3A_619, %gather3A_627 : vector<16xf32>
      %add3A_629 = arith.addf %add3A_557, %mul3A_628 : vector<16xf32>
      %add3A_630 = arith.constant 17 : i32
      %add3A_631 = vector.broadcast %add3A_630 : i32 to vector<16xi32>
      %add3A_632 = arith.addi %mul3A_305, %add3A_631 : vector<16xi32>
      %gather3A_633 = arith.constant 0 : i32
      %gather3A_634 = arith.constant 0 : i32
      %gather3A_635 = tpu.memref_slice %arg14[%scan3A_162, %gather3A_633, %gather3A_634] : memref<2x128x128xf32, #tpu.memory_space<vmem>> -> memref<1x128x128xf32, #tpu.memory_space<vmem>>
      %gather3A_636 = tpu.memref_squeeze %gather3A_635 : memref<1x128x128xf32, #tpu.memory_space<vmem>> -> memref<128x128xf32, #tpu.memory_space<vmem>>
      %gather3A_637 = tpu.vector_load_idx %gather3A_636[%add3A_298, %add3A_632] : memref<128x128xf32, #tpu.memory_space<vmem>>[vector<16xi32>, vector<16xi32>], vector<16xf32>,
      %add3A_638 = arith.constant 17 : i32
      %add3A_639 = vector.broadcast %add3A_638 : i32 to vector<16xi32>
      %add3A_640 = arith.addi %mul3A_313, %add3A_639 : vector<16xi32>
      %gather3A_641 = arith.constant 0 : i32
      %gather3A_642 = arith.constant 0 : i32
      %gather3A_643 = tpu.memref_slice %arg15[%scan3A_163, %gather3A_641, %gather3A_642] : memref<2x128x128xf32, #tpu.memory_space<vmem>> -> memref<1x128x128xf32, #tpu.memory_space<vmem>>
      %gather3A_644 = tpu.memref_squeeze %gather3A_643 : memref<1x128x128xf32, #tpu.memory_space<vmem>> -> memref<128x128xf32, #tpu.memory_space<vmem>>
      %gather3A_645 = tpu.vector_load_idx %gather3A_644[%add3A_298, %add3A_640] : memref<128x128xf32, #tpu.memory_space<vmem>>[vector<16xi32>, vector<16xi32>], vector<16xf32>,
      %mul3A_646 = arith.mulf %gather3A_637, %gather3A_645 : vector<16xf32>
      %add3A_647 = arith.addf %add3A_575, %mul3A_646 : vector<16xf32>
      %add3A_648 = arith.constant 18 : i32
      %add3A_649 = vector.broadcast %add3A_648 : i32 to vector<16xi32>
      %add3A_650 = arith.addi %mul3A_305, %add3A_649 : vector<16xi32>
      %gather3A_651 = arith.constant 0 : i32
      %gather3A_652 = arith.constant 0 : i32
      %gather3A_653 = tpu.memref_slice %arg14[%scan3A_162, %gather3A_651, %gather3A_652] : memref<2x128x128xf32, #tpu.memory_space<vmem>> -> memref<1x128x128xf32, #tpu.memory_space<vmem>>
      %gather3A_654 = tpu.memref_squeeze %gather3A_653 : memref<1x128x128xf32, #tpu.memory_space<vmem>> -> memref<128x128xf32, #tpu.memory_space<vmem>>
      %gather3A_655 = tpu.vector_load_idx %gather3A_654[%add3A_298, %add3A_650] : memref<128x128xf32, #tpu.memory_space<vmem>>[vector<16xi32>, vector<16xi32>], vector<16xf32>,
      %add3A_656 = arith.constant 18 : i32
      %add3A_657 = vector.broadcast %add3A_656 : i32 to vector<16xi32>
      %add3A_658 = arith.addi %mul3A_313, %add3A_657 : vector<16xi32>
      %gather3A_659 = arith.constant 0 : i32
      %gather3A_660 = arith.constant 0 : i32
      %gather3A_661 = tpu.memref_slice %arg15[%scan3A_163, %gather3A_659, %gather3A_660] : memref<2x128x128xf32, #tpu.memory_space<vmem>> -> memref<1x128x128xf32, #tpu.memory_space<vmem>>
      %gather3A_662 = tpu.memref_squeeze %gather3A_661 : memref<1x128x128xf32, #tpu.memory_space<vmem>> -> memref<128x128xf32, #tpu.memory_space<vmem>>
      %gather3A_663 = tpu.vector_load_idx %gather3A_662[%add3A_298, %add3A_658] : memref<128x128xf32, #tpu.memory_space<vmem>>[vector<16xi32>, vector<16xi32>], vector<16xf32>,
      %mul3A_664 = arith.mulf %gather3A_655, %gather3A_663 : vector<16xf32>
      %add3A_665 = arith.addf %add3A_593, %mul3A_664 : vector<16xf32>
      %add3A_666 = arith.constant 19 : i32
      %add3A_667 = vector.broadcast %add3A_666 : i32 to vector<16xi32>
      %add3A_668 = arith.addi %mul3A_305, %add3A_667 : vector<16xi32>
      %gather3A_669 = arith.constant 0 : i32
      %gather3A_670 = arith.constant 0 : i32
      %gather3A_671 = tpu.memref_slice %arg14[%scan3A_162, %gather3A_669, %gather3A_670] : memref<2x128x128xf32, #tpu.memory_space<vmem>> -> memref<1x128x128xf32, #tpu.memory_space<vmem>>
      %gather3A_672 = tpu.memref_squeeze %gather3A_671 : memref<1x128x128xf32, #tpu.memory_space<vmem>> -> memref<128x128xf32, #tpu.memory_space<vmem>>
      %gather3A_673 = tpu.vector_load_idx %gather3A_672[%add3A_298, %add3A_668] : memref<128x128xf32, #tpu.memory_space<vmem>>[vector<16xi32>, vector<16xi32>], vector<16xf32>,
      %add3A_674 = arith.constant 19 : i32
      %add3A_675 = vector.broadcast %add3A_674 : i32 to vector<16xi32>
      %add3A_676 = arith.addi %mul3A_313, %add3A_675 : vector<16xi32>
      %gather3A_677 = arith.constant 0 : i32
      %gather3A_678 = arith.constant 0 : i32
      %gather3A_679 = tpu.memref_slice %arg15[%scan3A_163, %gather3A_677, %gather3A_678] : memref<2x128x128xf32, #tpu.memory_space<vmem>> -> memref<1x128x128xf32, #tpu.memory_space<vmem>>
      %gather3A_680 = tpu.memref_squeeze %gather3A_679 : memref<1x128x128xf32, #tpu.memory_space<vmem>> -> memref<128x128xf32, #tpu.memory_space<vmem>>
      %gather3A_681 = tpu.vector_load_idx %gather3A_680[%add3A_298, %add3A_676] : memref<128x128xf32, #tpu.memory_space<vmem>>[vector<16xi32>, vector<16xi32>], vector<16xf32>,
      %mul3A_682 = arith.mulf %gather3A_673, %gather3A_681 : vector<16xf32>
      %add3A_683 = arith.addf %add3A_611, %mul3A_682 : vector<16xf32>
      %add3A_684 = arith.constant 20 : i32
      %add3A_685 = vector.broadcast %add3A_684 : i32 to vector<16xi32>
      %add3A_686 = arith.addi %mul3A_305, %add3A_685 : vector<16xi32>
      %gather3A_687 = arith.constant 0 : i32
      %gather3A_688 = arith.constant 0 : i32
      %gather3A_689 = tpu.memref_slice %arg14[%scan3A_162, %gather3A_687, %gather3A_688] : memref<2x128x128xf32, #tpu.memory_space<vmem>> -> memref<1x128x128xf32, #tpu.memory_space<vmem>>
      %gather3A_690 = tpu.memref_squeeze %gather3A_689 : memref<1x128x128xf32, #tpu.memory_space<vmem>> -> memref<128x128xf32, #tpu.memory_space<vmem>>
      %gather3A_691 = tpu.vector_load_idx %gather3A_690[%add3A_298, %add3A_686] : memref<128x128xf32, #tpu.memory_space<vmem>>[vector<16xi32>, vector<16xi32>], vector<16xf32>,
      %add3A_692 = arith.constant 20 : i32
      %add3A_693 = vector.broadcast %add3A_692 : i32 to vector<16xi32>
      %add3A_694 = arith.addi %mul3A_313, %add3A_693 : vector<16xi32>
      %gather3A_695 = arith.constant 0 : i32
      %gather3A_696 = arith.constant 0 : i32
      %gather3A_697 = tpu.memref_slice %arg15[%scan3A_163, %gather3A_695, %gather3A_696] : memref<2x128x128xf32, #tpu.memory_space<vmem>> -> memref<1x128x128xf32, #tpu.memory_space<vmem>>
      %gather3A_698 = tpu.memref_squeeze %gather3A_697 : memref<1x128x128xf32, #tpu.memory_space<vmem>> -> memref<128x128xf32, #tpu.memory_space<vmem>>
      %gather3A_699 = tpu.vector_load_idx %gather3A_698[%add3A_298, %add3A_694] : memref<128x128xf32, #tpu.memory_space<vmem>>[vector<16xi32>, vector<16xi32>], vector<16xf32>,
      %mul3A_700 = arith.mulf %gather3A_691, %gather3A_699 : vector<16xf32>
      %add3A_701 = arith.addf %add3A_629, %mul3A_700 : vector<16xf32>
      %add3A_702 = arith.constant 21 : i32
      %add3A_703 = vector.broadcast %add3A_702 : i32 to vector<16xi32>
      %add3A_704 = arith.addi %mul3A_305, %add3A_703 : vector<16xi32>
      %gather3A_705 = arith.constant 0 : i32
      %gather3A_706 = arith.constant 0 : i32
      %gather3A_707 = tpu.memref_slice %arg14[%scan3A_162, %gather3A_705, %gather3A_706] : memref<2x128x128xf32, #tpu.memory_space<vmem>> -> memref<1x128x128xf32, #tpu.memory_space<vmem>>
      %gather3A_708 = tpu.memref_squeeze %gather3A_707 : memref<1x128x128xf32, #tpu.memory_space<vmem>> -> memref<128x128xf32, #tpu.memory_space<vmem>>
      %gather3A_709 = tpu.vector_load_idx %gather3A_708[%add3A_298, %add3A_704] : memref<128x128xf32, #tpu.memory_space<vmem>>[vector<16xi32>, vector<16xi32>], vector<16xf32>,
      %add3A_710 = arith.constant 21 : i32
      %add3A_711 = vector.broadcast %add3A_710 : i32 to vector<16xi32>
      %add3A_712 = arith.addi %mul3A_313, %add3A_711 : vector<16xi32>
      %gather3A_713 = arith.constant 0 : i32
      %gather3A_714 = arith.constant 0 : i32
      %gather3A_715 = tpu.memref_slice %arg15[%scan3A_163, %gather3A_713, %gather3A_714] : memref<2x128x128xf32, #tpu.memory_space<vmem>> -> memref<1x128x128xf32, #tpu.memory_space<vmem>>
      %gather3A_716 = tpu.memref_squeeze %gather3A_715 : memref<1x128x128xf32, #tpu.memory_space<vmem>> -> memref<128x128xf32, #tpu.memory_space<vmem>>
      %gather3A_717 = tpu.vector_load_idx %gather3A_716[%add3A_298, %add3A_712] : memref<128x128xf32, #tpu.memory_space<vmem>>[vector<16xi32>, vector<16xi32>], vector<16xf32>,
      %mul3A_718 = arith.mulf %gather3A_709, %gather3A_717 : vector<16xf32>
      %add3A_719 = arith.addf %add3A_647, %mul3A_718 : vector<16xf32>
      %add3A_720 = arith.constant 22 : i32
      %add3A_721 = vector.broadcast %add3A_720 : i32 to vector<16xi32>
      %add3A_722 = arith.addi %mul3A_305, %add3A_721 : vector<16xi32>
      %gather3A_723 = arith.constant 0 : i32
      %gather3A_724 = arith.constant 0 : i32
      %gather3A_725 = tpu.memref_slice %arg14[%scan3A_162, %gather3A_723, %gather3A_724] : memref<2x128x128xf32, #tpu.memory_space<vmem>> -> memref<1x128x128xf32, #tpu.memory_space<vmem>>
      %gather3A_726 = tpu.memref_squeeze %gather3A_725 : memref<1x128x128xf32, #tpu.memory_space<vmem>> -> memref<128x128xf32, #tpu.memory_space<vmem>>
      %gather3A_727 = tpu.vector_load_idx %gather3A_726[%add3A_298, %add3A_722] : memref<128x128xf32, #tpu.memory_space<vmem>>[vector<16xi32>, vector<16xi32>], vector<16xf32>,
      %add3A_728 = arith.constant 22 : i32
      %add3A_729 = vector.broadcast %add3A_728 : i32 to vector<16xi32>
      %add3A_730 = arith.addi %mul3A_313, %add3A_729 : vector<16xi32>
      %gather3A_731 = arith.constant 0 : i32
      %gather3A_732 = arith.constant 0 : i32
      %gather3A_733 = tpu.memref_slice %arg15[%scan3A_163, %gather3A_731, %gather3A_732] : memref<2x128x128xf32, #tpu.memory_space<vmem>> -> memref<1x128x128xf32, #tpu.memory_space<vmem>>
      %gather3A_734 = tpu.memref_squeeze %gather3A_733 : memref<1x128x128xf32, #tpu.memory_space<vmem>> -> memref<128x128xf32, #tpu.memory_space<vmem>>
      %gather3A_735 = tpu.vector_load_idx %gather3A_734[%add3A_298, %add3A_730] : memref<128x128xf32, #tpu.memory_space<vmem>>[vector<16xi32>, vector<16xi32>], vector<16xf32>,
      %mul3A_736 = arith.mulf %gather3A_727, %gather3A_735 : vector<16xf32>
      %add3A_737 = arith.addf %add3A_665, %mul3A_736 : vector<16xf32>
      %add3A_738 = arith.constant 23 : i32
      %add3A_739 = vector.broadcast %add3A_738 : i32 to vector<16xi32>
      %add3A_740 = arith.addi %mul3A_305, %add3A_739 : vector<16xi32>
      %gather3A_741 = arith.constant 0 : i32
      %gather3A_742 = arith.constant 0 : i32
      %gather3A_743 = tpu.memref_slice %arg14[%scan3A_162, %gather3A_741, %gather3A_742] : memref<2x128x128xf32, #tpu.memory_space<vmem>> -> memref<1x128x128xf32, #tpu.memory_space<vmem>>
      %gather3A_744 = tpu.memref_squeeze %gather3A_743 : memref<1x128x128xf32, #tpu.memory_space<vmem>> -> memref<128x128xf32, #tpu.memory_space<vmem>>
      %gather3A_745 = tpu.vector_load_idx %gather3A_744[%add3A_298, %add3A_740] : memref<128x128xf32, #tpu.memory_space<vmem>>[vector<16xi32>, vector<16xi32>], vector<16xf32>,
      %add3A_746 = arith.constant 23 : i32
      %add3A_747 = vector.broadcast %add3A_746 : i32 to vector<16xi32>
      %add3A_748 = arith.addi %mul3A_313, %add3A_747 : vector<16xi32>
      %gather3A_749 = arith.constant 0 : i32
      %gather3A_750 = arith.constant 0 : i32
      %gather3A_751 = tpu.memref_slice %arg15[%scan3A_163, %gather3A_749, %gather3A_750] : memref<2x128x128xf32, #tpu.memory_space<vmem>> -> memref<1x128x128xf32, #tpu.memory_space<vmem>>
      %gather3A_752 = tpu.memref_squeeze %gather3A_751 : memref<1x128x128xf32, #tpu.memory_space<vmem>> -> memref<128x128xf32, #tpu.memory_space<vmem>>
      %gather3A_753 = tpu.vector_load_idx %gather3A_752[%add3A_298, %add3A_748] : memref<128x128xf32, #tpu.memory_space<vmem>>[vector<16xi32>, vector<16xi32>], vector<16xf32>,
      %mul3A_754 = arith.mulf %gather3A_745, %gather3A_753 : vector<16xf32>
      %add3A_755 = arith.addf %add3A_683, %mul3A_754 : vector<16xf32>
      %add3A_756 = arith.constant 24 : i32
      %add3A_757 = vector.broadcast %add3A_756 : i32 to vector<16xi32>
      %add3A_758 = arith.addi %mul3A_305, %add3A_757 : vector<16xi32>
      %gather3A_759 = arith.constant 0 : i32
      %gather3A_760 = arith.constant 0 : i32
      %gather3A_761 = tpu.memref_slice %arg14[%scan3A_162, %gather3A_759, %gather3A_760] : memref<2x128x128xf32, #tpu.memory_space<vmem>> -> memref<1x128x128xf32, #tpu.memory_space<vmem>>
      %gather3A_762 = tpu.memref_squeeze %gather3A_761 : memref<1x128x128xf32, #tpu.memory_space<vmem>> -> memref<128x128xf32, #tpu.memory_space<vmem>>
      %gather3A_763 = tpu.vector_load_idx %gather3A_762[%add3A_298, %add3A_758] : memref<128x128xf32, #tpu.memory_space<vmem>>[vector<16xi32>, vector<16xi32>], vector<16xf32>,
      %add3A_764 = arith.constant 24 : i32
      %add3A_765 = vector.broadcast %add3A_764 : i32 to vector<16xi32>
      %add3A_766 = arith.addi %mul3A_313, %add3A_765 : vector<16xi32>
      %gather3A_767 = arith.constant 0 : i32
      %gather3A_768 = arith.constant 0 : i32
      %gather3A_769 = tpu.memref_slice %arg15[%scan3A_163, %gather3A_767, %gather3A_768] : memref<2x128x128xf32, #tpu.memory_space<vmem>> -> memref<1x128x128xf32, #tpu.memory_space<vmem>>
      %gather3A_770 = tpu.memref_squeeze %gather3A_769 : memref<1x128x128xf32, #tpu.memory_space<vmem>> -> memref<128x128xf32, #tpu.memory_space<vmem>>
      %gather3A_771 = tpu.vector_load_idx %gather3A_770[%add3A_298, %add3A_766] : memref<128x128xf32, #tpu.memory_space<vmem>>[vector<16xi32>, vector<16xi32>], vector<16xf32>,
      %mul3A_772 = arith.mulf %gather3A_763, %gather3A_771 : vector<16xf32>
      %add3A_773 = arith.addf %add3A_701, %mul3A_772 : vector<16xf32>
      %add3A_774 = arith.constant 25 : i32
      %add3A_775 = vector.broadcast %add3A_774 : i32 to vector<16xi32>
      %add3A_776 = arith.addi %mul3A_305, %add3A_775 : vector<16xi32>
      %gather3A_777 = arith.constant 0 : i32
      %gather3A_778 = arith.constant 0 : i32
      %gather3A_779 = tpu.memref_slice %arg14[%scan3A_162, %gather3A_777, %gather3A_778] : memref<2x128x128xf32, #tpu.memory_space<vmem>> -> memref<1x128x128xf32, #tpu.memory_space<vmem>>
      %gather3A_780 = tpu.memref_squeeze %gather3A_779 : memref<1x128x128xf32, #tpu.memory_space<vmem>> -> memref<128x128xf32, #tpu.memory_space<vmem>>
      %gather3A_781 = tpu.vector_load_idx %gather3A_780[%add3A_298, %add3A_776] : memref<128x128xf32, #tpu.memory_space<vmem>>[vector<16xi32>, vector<16xi32>], vector<16xf32>,
      %add3A_782 = arith.constant 25 : i32
      %add3A_783 = vector.broadcast %add3A_782 : i32 to vector<16xi32>
      %add3A_784 = arith.addi %mul3A_313, %add3A_783 : vector<16xi32>
      %gather3A_785 = arith.constant 0 : i32
      %gather3A_786 = arith.constant 0 : i32
      %gather3A_787 = tpu.memref_slice %arg15[%scan3A_163, %gather3A_785, %gather3A_786] : memref<2x128x128xf32, #tpu.memory_space<vmem>> -> memref<1x128x128xf32, #tpu.memory_space<vmem>>
      %gather3A_788 = tpu.memref_squeeze %gather3A_787 : memref<1x128x128xf32, #tpu.memory_space<vmem>> -> memref<128x128xf32, #tpu.memory_space<vmem>>
      %gather3A_789 = tpu.vector_load_idx %gather3A_788[%add3A_298, %add3A_784] : memref<128x128xf32, #tpu.memory_space<vmem>>[vector<16xi32>, vector<16xi32>], vector<16xf32>,
      %mul3A_790 = arith.mulf %gather3A_781, %gather3A_789 : vector<16xf32>
      %add3A_791 = arith.addf %add3A_719, %mul3A_790 : vector<16xf32>
      %add3A_792 = arith.constant 26 : i32
      %add3A_793 = vector.broadcast %add3A_792 : i32 to vector<16xi32>
      %add3A_794 = arith.addi %mul3A_305, %add3A_793 : vector<16xi32>
      %gather3A_795 = arith.constant 0 : i32
      %gather3A_796 = arith.constant 0 : i32
      %gather3A_797 = tpu.memref_slice %arg14[%scan3A_162, %gather3A_795, %gather3A_796] : memref<2x128x128xf32, #tpu.memory_space<vmem>> -> memref<1x128x128xf32, #tpu.memory_space<vmem>>
      %gather3A_798 = tpu.memref_squeeze %gather3A_797 : memref<1x128x128xf32, #tpu.memory_space<vmem>> -> memref<128x128xf32, #tpu.memory_space<vmem>>
      %gather3A_799 = tpu.vector_load_idx %gather3A_798[%add3A_298, %add3A_794] : memref<128x128xf32, #tpu.memory_space<vmem>>[vector<16xi32>, vector<16xi32>], vector<16xf32>,
      %add3A_800 = arith.constant 26 : i32
      %add3A_801 = vector.broadcast %add3A_800 : i32 to vector<16xi32>
      %add3A_802 = arith.addi %mul3A_313, %add3A_801 : vector<16xi32>
      %gather3A_803 = arith.constant 0 : i32
      %gather3A_804 = arith.constant 0 : i32
      %gather3A_805 = tpu.memref_slice %arg15[%scan3A_163, %gather3A_803, %gather3A_804] : memref<2x128x128xf32, #tpu.memory_space<vmem>> -> memref<1x128x128xf32, #tpu.memory_space<vmem>>
      %gather3A_806 = tpu.memref_squeeze %gather3A_805 : memref<1x128x128xf32, #tpu.memory_space<vmem>> -> memref<128x128xf32, #tpu.memory_space<vmem>>
      %gather3A_807 = tpu.vector_load_idx %gather3A_806[%add3A_298, %add3A_802] : memref<128x128xf32, #tpu.memory_space<vmem>>[vector<16xi32>, vector<16xi32>], vector<16xf32>,
      %mul3A_808 = arith.mulf %gather3A_799, %gather3A_807 : vector<16xf32>
      %add3A_809 = arith.addf %add3A_737, %mul3A_808 : vector<16xf32>
      %add3A_810 = arith.constant 27 : i32
      %add3A_811 = vector.broadcast %add3A_810 : i32 to vector<16xi32>
      %add3A_812 = arith.addi %mul3A_305, %add3A_811 : vector<16xi32>
      %gather3A_813 = arith.constant 0 : i32
      %gather3A_814 = arith.constant 0 : i32
      %gather3A_815 = tpu.memref_slice %arg14[%scan3A_162, %gather3A_813, %gather3A_814] : memref<2x128x128xf32, #tpu.memory_space<vmem>> -> memref<1x128x128xf32, #tpu.memory_space<vmem>>
      %gather3A_816 = tpu.memref_squeeze %gather3A_815 : memref<1x128x128xf32, #tpu.memory_space<vmem>> -> memref<128x128xf32, #tpu.memory_space<vmem>>
      %gather3A_817 = tpu.vector_load_idx %gather3A_816[%add3A_298, %add3A_812] : memref<128x128xf32, #tpu.memory_space<vmem>>[vector<16xi32>, vector<16xi32>], vector<16xf32>,
      %add3A_818 = arith.constant 27 : i32
      %add3A_819 = vector.broadcast %add3A_818 : i32 to vector<16xi32>
      %add3A_820 = arith.addi %mul3A_313, %add3A_819 : vector<16xi32>
      %gather3A_821 = arith.constant 0 : i32
      %gather3A_822 = arith.constant 0 : i32
      %gather3A_823 = tpu.memref_slice %arg15[%scan3A_163, %gather3A_821, %gather3A_822] : memref<2x128x128xf32, #tpu.memory_space<vmem>> -> memref<1x128x128xf32, #tpu.memory_space<vmem>>
      %gather3A_824 = tpu.memref_squeeze %gather3A_823 : memref<1x128x128xf32, #tpu.memory_space<vmem>> -> memref<128x128xf32, #tpu.memory_space<vmem>>
      %gather3A_825 = tpu.vector_load_idx %gather3A_824[%add3A_298, %add3A_820] : memref<128x128xf32, #tpu.memory_space<vmem>>[vector<16xi32>, vector<16xi32>], vector<16xf32>,
      %mul3A_826 = arith.mulf %gather3A_817, %gather3A_825 : vector<16xf32>
      %add3A_827 = arith.addf %add3A_755, %mul3A_826 : vector<16xf32>
      %add3A_828 = arith.constant 28 : i32
      %add3A_829 = vector.broadcast %add3A_828 : i32 to vector<16xi32>
      %add3A_830 = arith.addi %mul3A_305, %add3A_829 : vector<16xi32>
      %gather3A_831 = arith.constant 0 : i32
      %gather3A_832 = arith.constant 0 : i32
      %gather3A_833 = tpu.memref_slice %arg14[%scan3A_162, %gather3A_831, %gather3A_832] : memref<2x128x128xf32, #tpu.memory_space<vmem>> -> memref<1x128x128xf32, #tpu.memory_space<vmem>>
      %gather3A_834 = tpu.memref_squeeze %gather3A_833 : memref<1x128x128xf32, #tpu.memory_space<vmem>> -> memref<128x128xf32, #tpu.memory_space<vmem>>
      %gather3A_835 = tpu.vector_load_idx %gather3A_834[%add3A_298, %add3A_830] : memref<128x128xf32, #tpu.memory_space<vmem>>[vector<16xi32>, vector<16xi32>], vector<16xf32>,
      %add3A_836 = arith.constant 28 : i32
      %add3A_837 = vector.broadcast %add3A_836 : i32 to vector<16xi32>
      %add3A_838 = arith.addi %mul3A_313, %add3A_837 : vector<16xi32>
      %gather3A_839 = arith.constant 0 : i32
      %gather3A_840 = arith.constant 0 : i32
      %gather3A_841 = tpu.memref_slice %arg15[%scan3A_163, %gather3A_839, %gather3A_840] : memref<2x128x128xf32, #tpu.memory_space<vmem>> -> memref<1x128x128xf32, #tpu.memory_space<vmem>>
      %gather3A_842 = tpu.memref_squeeze %gather3A_841 : memref<1x128x128xf32, #tpu.memory_space<vmem>> -> memref<128x128xf32, #tpu.memory_space<vmem>>
      %gather3A_843 = tpu.vector_load_idx %gather3A_842[%add3A_298, %add3A_838] : memref<128x128xf32, #tpu.memory_space<vmem>>[vector<16xi32>, vector<16xi32>], vector<16xf32>,
      %mul3A_844 = arith.mulf %gather3A_835, %gather3A_843 : vector<16xf32>
      %add3A_845 = arith.addf %add3A_773, %mul3A_844 : vector<16xf32>
      %add3A_846 = arith.constant 29 : i32
      %add3A_847 = vector.broadcast %add3A_846 : i32 to vector<16xi32>
      %add3A_848 = arith.addi %mul3A_305, %add3A_847 : vector<16xi32>
      %gather3A_849 = arith.constant 0 : i32
      %gather3A_850 = arith.constant 0 : i32
      %gather3A_851 = tpu.memref_slice %arg14[%scan3A_162, %gather3A_849, %gather3A_850] : memref<2x128x128xf32, #tpu.memory_space<vmem>> -> memref<1x128x128xf32, #tpu.memory_space<vmem>>
      %gather3A_852 = tpu.memref_squeeze %gather3A_851 : memref<1x128x128xf32, #tpu.memory_space<vmem>> -> memref<128x128xf32, #tpu.memory_space<vmem>>
      %gather3A_853 = tpu.vector_load_idx %gather3A_852[%add3A_298, %add3A_848] : memref<128x128xf32, #tpu.memory_space<vmem>>[vector<16xi32>, vector<16xi32>], vector<16xf32>,
      %add3A_854 = arith.constant 29 : i32
      %add3A_855 = vector.broadcast %add3A_854 : i32 to vector<16xi32>
      %add3A_856 = arith.addi %mul3A_313, %add3A_855 : vector<16xi32>
      %gather3A_857 = arith.constant 0 : i32
      %gather3A_858 = arith.constant 0 : i32
      %gather3A_859 = tpu.memref_slice %arg15[%scan3A_163, %gather3A_857, %gather3A_858] : memref<2x128x128xf32, #tpu.memory_space<vmem>> -> memref<1x128x128xf32, #tpu.memory_space<vmem>>
      %gather3A_860 = tpu.memref_squeeze %gather3A_859 : memref<1x128x128xf32, #tpu.memory_space<vmem>> -> memref<128x128xf32, #tpu.memory_space<vmem>>
      %gather3A_861 = tpu.vector_load_idx %gather3A_860[%add3A_298, %add3A_856] : memref<128x128xf32, #tpu.memory_space<vmem>>[vector<16xi32>, vector<16xi32>], vector<16xf32>,
      %mul3A_862 = arith.mulf %gather3A_853, %gather3A_861 : vector<16xf32>
      %add3A_863 = arith.addf %add3A_791, %mul3A_862 : vector<16xf32>
      %add3A_864 = arith.constant 30 : i32
      %add3A_865 = vector.broadcast %add3A_864 : i32 to vector<16xi32>
      %add3A_866 = arith.addi %mul3A_305, %add3A_865 : vector<16xi32>
      %gather3A_867 = arith.constant 0 : i32
      %gather3A_868 = arith.constant 0 : i32
      %gather3A_869 = tpu.memref_slice %arg14[%scan3A_162, %gather3A_867, %gather3A_868] : memref<2x128x128xf32, #tpu.memory_space<vmem>> -> memref<1x128x128xf32, #tpu.memory_space<vmem>>
      %gather3A_870 = tpu.memref_squeeze %gather3A_869 : memref<1x128x128xf32, #tpu.memory_space<vmem>> -> memref<128x128xf32, #tpu.memory_space<vmem>>
      %gather3A_871 = tpu.vector_load_idx %gather3A_870[%add3A_298, %add3A_866] : memref<128x128xf32, #tpu.memory_space<vmem>>[vector<16xi32>, vector<16xi32>], vector<16xf32>,
      %add3A_872 = arith.constant 30 : i32
      %add3A_873 = vector.broadcast %add3A_872 : i32 to vector<16xi32>
      %add3A_874 = arith.addi %mul3A_313, %add3A_873 : vector<16xi32>
      %gather3A_875 = arith.constant 0 : i32
      %gather3A_876 = arith.constant 0 : i32
      %gather3A_877 = tpu.memref_slice %arg15[%scan3A_163, %gather3A_875, %gather3A_876] : memref<2x128x128xf32, #tpu.memory_space<vmem>> -> memref<1x128x128xf32, #tpu.memory_space<vmem>>
      %gather3A_878 = tpu.memref_squeeze %gather3A_877 : memref<1x128x128xf32, #tpu.memory_space<vmem>> -> memref<128x128xf32, #tpu.memory_space<vmem>>
      %gather3A_879 = tpu.vector_load_idx %gather3A_878[%add3A_298, %add3A_874] : memref<128x128xf32, #tpu.memory_space<vmem>>[vector<16xi32>, vector<16xi32>], vector<16xf32>,
      %mul3A_880 = arith.mulf %gather3A_871, %gather3A_879 : vector<16xf32>
      %add3A_881 = arith.addf %add3A_809, %mul3A_880 : vector<16xf32>
      %add3A_882 = arith.constant 31 : i32
      %add3A_883 = vector.broadcast %add3A_882 : i32 to vector<16xi32>
      %add3A_884 = arith.addi %mul3A_305, %add3A_883 : vector<16xi32>
      %gather3A_885 = arith.constant 0 : i32
      %gather3A_886 = arith.constant 0 : i32
      %gather3A_887 = tpu.memref_slice %arg14[%scan3A_162, %gather3A_885, %gather3A_886] : memref<2x128x128xf32, #tpu.memory_space<vmem>> -> memref<1x128x128xf32, #tpu.memory_space<vmem>>
      %gather3A_888 = tpu.memref_squeeze %gather3A_887 : memref<1x128x128xf32, #tpu.memory_space<vmem>> -> memref<128x128xf32, #tpu.memory_space<vmem>>
      %gather3A_889 = tpu.vector_load_idx %gather3A_888[%add3A_298, %add3A_884] : memref<128x128xf32, #tpu.memory_space<vmem>>[vector<16xi32>, vector<16xi32>], vector<16xf32>,
      %add3A_890 = arith.constant 31 : i32
      %add3A_891 = vector.broadcast %add3A_890 : i32 to vector<16xi32>
      %add3A_892 = arith.addi %mul3A_313, %add3A_891 : vector<16xi32>
      %gather3A_893 = arith.constant 0 : i32
      %gather3A_894 = arith.constant 0 : i32
      %gather3A_895 = tpu.memref_slice %arg15[%scan3A_163, %gather3A_893, %gather3A_894] : memref<2x128x128xf32, #tpu.memory_space<vmem>> -> memref<1x128x128xf32, #tpu.memory_space<vmem>>
      %gather3A_896 = tpu.memref_squeeze %gather3A_895 : memref<1x128x128xf32, #tpu.memory_space<vmem>> -> memref<128x128xf32, #tpu.memory_space<vmem>>
      %gather3A_897 = tpu.vector_load_idx %gather3A_896[%add3A_298, %add3A_892] : memref<128x128xf32, #tpu.memory_space<vmem>>[vector<16xi32>, vector<16xi32>], vector<16xf32>,
      %mul3A_898 = arith.mulf %gather3A_889, %gather3A_897 : vector<16xf32>
      %add3A_899 = arith.addf %add3A_827, %mul3A_898 : vector<16xf32>
      %add3A_900 = arith.addf %add3A_845, %add3A_863 : vector<16xf32>
      %add3A_901 = arith.addf %add3A_881, %add3A_899 : vector<16xf32>
      %add3A_902 = arith.addf %add3A_900, %add3A_901 : vector<16xf32>
      %swap3A = arith.index_cast %add3A_296 : i32 to index
      %swap3A_903 = tpu.vector_load %arg19[%swap3A] {strides = array<i32>} : memref<512xf32, #tpu.memory_space<vmem>>, vector<16xf32>,
      tpu.vector_store %arg19[%swap3A], %add3A_902 {strides = array<i32>} : memref<512xf32, #tpu.memory_space<vmem>>, vector<16xf32>,
    }
    %scan3A_168 = arith.constant 8 : i32
    %dma_start3A_169 = arith.constant 0 : i32
    %dma_start3A_170 = arith.constant 0 : i32
    %dma_start3A_171 = arith.constant 0 : i32
    %dma_start3A_172 = tpu.memref_slice %arg14[%dma_start3A_169, %dma_start3A_170, %dma_start3A_171] : memref<2x128x128xf32, #tpu.memory_space<vmem>> -> memref<1x128x128xf32, #tpu.memory_space<vmem>>
    %dma_start3A_173 = tpu.memref_squeeze %dma_start3A_172 : memref<1x128x128xf32, #tpu.memory_space<vmem>> -> memref<128x128xf32, #tpu.memory_space<vmem>>
    %dma_start3A_174 = arith.constant 256 : i32
    %dma_start3A_175 = tpu.memref_slice %arg12[%dma_start3A_174] : memref<512xi32, #tpu.memory_space<vmem>> -> memref<128xi32, #tpu.memory_space<vmem>>
    %dma_start3A_176 = arith.constant 0 : i32
    %dma_start3A_177 = arith.constant 0 : i32
    %dma_start3A_178 = tpu.memref_slice %arg4[%dma_start3A_176, %dma_start3A_177] : memref<250000x128xf32, #tpu.memory_space<hbm>> -> memref<250000x128xf32, #tpu.memory_space<hbm>>
    tpu.enqueue_indirect_dma source(%dma_start3A_178 : memref<250000x128xf32, #tpu.memory_space<hbm>>) target(%dma_start3A_173 : memref<128x128xf32, #tpu.memory_space<vmem>>) offsets(%dma_start3A_175 : memref<128xi32, #tpu.memory_space<vmem>>) semaphore(%arg20 : memref<!tpu.dma_semaphore, #tpu.memory_space<semaphore_mem>>)
    %dma_start3A_179 = arith.constant 0 : i32
    %dma_start3A_180 = arith.constant 0 : i32
    %dma_start3A_181 = arith.constant 0 : i32
    %dma_start3A_182 = tpu.memref_slice %arg15[%dma_start3A_179, %dma_start3A_180, %dma_start3A_181] : memref<2x128x128xf32, #tpu.memory_space<vmem>> -> memref<1x128x128xf32, #tpu.memory_space<vmem>>
    %dma_start3A_183 = tpu.memref_squeeze %dma_start3A_182 : memref<1x128x128xf32, #tpu.memory_space<vmem>> -> memref<128x128xf32, #tpu.memory_space<vmem>>
    %dma_start3A_184 = arith.constant 256 : i32
    %dma_start3A_185 = tpu.memref_slice %arg13[%dma_start3A_184] : memref<512xi32, #tpu.memory_space<vmem>> -> memref<128xi32, #tpu.memory_space<vmem>>
    %dma_start3A_186 = arith.constant 0 : i32
    %dma_start3A_187 = arith.constant 0 : i32
    %dma_start3A_188 = tpu.memref_slice %arg5[%dma_start3A_186, %dma_start3A_187] : memref<250000x128xf32, #tpu.memory_space<hbm>> -> memref<250000x128xf32, #tpu.memory_space<hbm>>
    tpu.enqueue_indirect_dma source(%dma_start3A_188 : memref<250000x128xf32, #tpu.memory_space<hbm>>) target(%dma_start3A_183 : memref<128x128xf32, #tpu.memory_space<vmem>>) offsets(%dma_start3A_185 : memref<128xi32, #tpu.memory_space<vmem>>) semaphore(%arg20 : memref<!tpu.dma_semaphore, #tpu.memory_space<semaphore_mem>>)
    %dma_wait3A_189 = arith.constant 1 : i32
    %dma_wait3A_190 = arith.constant 0 : i32
    %dma_wait3A_191 = arith.constant 0 : i32
    %dma_wait3A_192 = tpu.memref_slice %arg14[%dma_wait3A_189, %dma_wait3A_190, %dma_wait3A_191] : memref<2x128x128xf32, #tpu.memory_space<vmem>> -> memref<1x128x128xf32, #tpu.memory_space<vmem>>
    %dma_wait3A_193 = tpu.memref_squeeze %dma_wait3A_192 : memref<1x128x128xf32, #tpu.memory_space<vmem>> -> memref<128x128xf32, #tpu.memory_space<vmem>>
    %dma_wait3A_194 = arith.constant 128 : i32
    %dma_wait3A_195 = tpu.memref_slice %arg12[%dma_wait3A_194] : memref<512xi32, #tpu.memory_space<vmem>> -> memref<128xi32, #tpu.memory_space<vmem>>
    %dma_wait3A_196 = arith.constant 0 : i32
    %dma_wait3A_197 = arith.constant 0 : i32
    %dma_wait3A_198 = tpu.memref_slice %arg4[%dma_wait3A_196, %dma_wait3A_197] : memref<250000x128xf32, #tpu.memory_space<hbm>> -> memref<250000x128xf32, #tpu.memory_space<hbm>>
    tpu.wait_indirect_dma semaphore(%arg20 : memref<!tpu.dma_semaphore, #tpu.memory_space<semaphore_mem>>) src(%dma_wait3A_198 : memref<250000x128xf32, #tpu.memory_space<hbm>>) dst(%dma_wait3A_193 : memref<128x128xf32, #tpu.memory_space<vmem>>)
    %dma_wait3A_199 = arith.constant 1 : i32
    %dma_wait3A_200 = arith.constant 0 : i32
    %dma_wait3A_201 = arith.constant 0 : i32
    %dma_wait3A_202 = tpu.memref_slice %arg15[%dma_wait3A_199, %dma_wait3A_200, %dma_wait3A_201] : memref<2x128x128xf32, #tpu.memory_space<vmem>> -> memref<1x128x128xf32, #tpu.memory_space<vmem>>
    %dma_wait3A_203 = tpu.memref_squeeze %dma_wait3A_202 : memref<1x128x128xf32, #tpu.memory_space<vmem>> -> memref<128x128xf32, #tpu.memory_space<vmem>>
    %dma_wait3A_204 = arith.constant 128 : i32
    %dma_wait3A_205 = tpu.memref_slice %arg13[%dma_wait3A_204] : memref<512xi32, #tpu.memory_space<vmem>> -> memref<128xi32, #tpu.memory_space<vmem>>
    %dma_wait3A_206 = arith.constant 0 : i32
    %dma_wait3A_207 = arith.constant 0 : i32
    %dma_wait3A_208 = tpu.memref_slice %arg5[%dma_wait3A_206, %dma_wait3A_207] : memref<250000x128xf32, #tpu.memory_space<hbm>> -> memref<250000x128xf32, #tpu.memory_space<hbm>>
    tpu.wait_indirect_dma semaphore(%arg20 : memref<!tpu.dma_semaphore, #tpu.memory_space<semaphore_mem>>) src(%dma_wait3A_208 : memref<250000x128xf32, #tpu.memory_space<hbm>>) dst(%dma_wait3A_203 : memref<128x128xf32, #tpu.memory_space<vmem>>)
    %scan3A_209 = arith.constant 1 : i32
    %scan3A_210 = arith.constant 1 : i32
    %scan3A_211 = arith.constant 0 : i32
    %scan3A_212 = arith.constant 8 : i32
    %scan3A_213 = arith.addi %scan3A_211, %scan3A_212 : i32
    %scan3A_214 = arith.constant 1 : i32
    scf.for %scan3A_290 = %scan3A_211 to %scan3A_213 step %scan3A_214  : i32 {
      %mul3A_291 = arith.constant 16 : i32
      %mul3A_292 = arith.muli %scan3A_290, %mul3A_291 : i32
      %add3A_293 = arith.constant 0 : i32
      %add3A_294 = arith.addi %add3A_293, %mul3A_292 : i32
      %add3A_295 = arith.constant 128 : i32
      %add3A_296 = arith.addi %add3A_295, %add3A_294 : i32
      %iota3A = tpu.iota {dimensions = array<i32: 0>} : vector<16xi32>
      %add3A_297 = vector.broadcast %add3A_294 : i32 to vector<16xi32>
      %add3A_298 = arith.addi %add3A_297, %iota3A : vector<16xi32>
      %get3A_299 = arith.index_cast %add3A_296 : i32 to index
      %get3A_300 = tpu.vector_load %arg10[%get3A_299] {strides = array<i32>} : memref<512xi32, #tpu.memory_space<vmem>>, vector<16xi32>,
      %and3A = arith.constant 3 : i32
      %and3A_301 = vector.broadcast %and3A : i32 to vector<16xi32>
      %and3A_302 = arith.andi %get3A_300, %and3A_301 : vector<16xi32>
      %mul3A_303 = arith.constant 32 : i32
      %mul3A_304 = vector.broadcast %mul3A_303 : i32 to vector<16xi32>
      %mul3A_305 = arith.muli %and3A_302, %mul3A_304 : vector<16xi32>
      %get3A_306 = arith.index_cast %add3A_296 : i32 to index
      %get3A_307 = tpu.vector_load %arg11[%get3A_306] {strides = array<i32>} : memref<512xi32, #tpu.memory_space<vmem>>, vector<16xi32>,
      %and3A_308 = arith.constant 3 : i32
      %and3A_309 = vector.broadcast %and3A_308 : i32 to vector<16xi32>
      %and3A_310 = arith.andi %get3A_307, %and3A_309 : vector<16xi32>
      %mul3A_311 = arith.constant 32 : i32
      %mul3A_312 = vector.broadcast %mul3A_311 : i32 to vector<16xi32>
      %mul3A_313 = arith.muli %and3A_310, %mul3A_312 : vector<16xi32>
      %get3A_314 = arith.index_cast %add3A_296 : i32 to index
      %get3A_315 = tpu.vector_load %arg16[%get3A_314] {strides = array<i32>} : memref<512xf32, #tpu.memory_space<vmem>>, vector<16xf32>,
      %get3A_316 = arith.index_cast %add3A_296 : i32 to index
      %get3A_317 = tpu.vector_load %arg17[%get3A_316] {strides = array<i32>} : memref<512xf32, #tpu.memory_space<vmem>>, vector<16xf32>,
      %add3A_318 = arith.addf %get3A_315, %get3A_317 : vector<16xf32>
      %add3A_319 = arith.addf %add3A_318, %get3A_54 : vector<16xf32>
      %broadcast_in_dim3A = arith.constant 0.000000e+00 : f32
      %broadcast_in_dim3A_320 = vector.broadcast %broadcast_in_dim3A : f32 to vector<16xf32>
      %broadcast_in_dim3A_321 = arith.constant 0.000000e+00 : f32
      %broadcast_in_dim3A_322 = vector.broadcast %broadcast_in_dim3A_321 : f32 to vector<16xf32>
      %broadcast_in_dim3A_323 = arith.constant 0.000000e+00 : f32
      %broadcast_in_dim3A_324 = vector.broadcast %broadcast_in_dim3A_323 : f32 to vector<16xf32>
      %add3A_325 = arith.constant 0 : i32
      %add3A_326 = vector.broadcast %add3A_325 : i32 to vector<16xi32>
      %add3A_327 = arith.addi %mul3A_305, %add3A_326 : vector<16xi32>
      %gather3A = arith.constant 0 : i32
      %gather3A_328 = arith.constant 0 : i32
      %gather3A_329 = tpu.memref_slice %arg14[%scan3A_209, %gather3A, %gather3A_328] : memref<2x128x128xf32, #tpu.memory_space<vmem>> -> memref<1x128x128xf32, #tpu.memory_space<vmem>>
      %gather3A_330 = tpu.memref_squeeze %gather3A_329 : memref<1x128x128xf32, #tpu.memory_space<vmem>> -> memref<128x128xf32, #tpu.memory_space<vmem>>
      %gather3A_331 = tpu.vector_load_idx %gather3A_330[%add3A_298, %add3A_327] : memref<128x128xf32, #tpu.memory_space<vmem>>[vector<16xi32>, vector<16xi32>], vector<16xf32>,
      %add3A_332 = arith.constant 0 : i32
      %add3A_333 = vector.broadcast %add3A_332 : i32 to vector<16xi32>
      %add3A_334 = arith.addi %mul3A_313, %add3A_333 : vector<16xi32>
      %gather3A_335 = arith.constant 0 : i32
      %gather3A_336 = arith.constant 0 : i32
      %gather3A_337 = tpu.memref_slice %arg15[%scan3A_210, %gather3A_335, %gather3A_336] : memref<2x128x128xf32, #tpu.memory_space<vmem>> -> memref<1x128x128xf32, #tpu.memory_space<vmem>>
      %gather3A_338 = tpu.memref_squeeze %gather3A_337 : memref<1x128x128xf32, #tpu.memory_space<vmem>> -> memref<128x128xf32, #tpu.memory_space<vmem>>
      %gather3A_339 = tpu.vector_load_idx %gather3A_338[%add3A_298, %add3A_334] : memref<128x128xf32, #tpu.memory_space<vmem>>[vector<16xi32>, vector<16xi32>], vector<16xf32>,
      %mul3A_340 = arith.mulf %gather3A_331, %gather3A_339 : vector<16xf32>
      %add3A_341 = arith.addf %add3A_319, %mul3A_340 : vector<16xf32>
      %add3A_342 = arith.constant 1 : i32
      %add3A_343 = vector.broadcast %add3A_342 : i32 to vector<16xi32>
      %add3A_344 = arith.addi %mul3A_305, %add3A_343 : vector<16xi32>
      %gather3A_345 = arith.constant 0 : i32
      %gather3A_346 = arith.constant 0 : i32
      %gather3A_347 = tpu.memref_slice %arg14[%scan3A_209, %gather3A_345, %gather3A_346] : memref<2x128x128xf32, #tpu.memory_space<vmem>> -> memref<1x128x128xf32, #tpu.memory_space<vmem>>
      %gather3A_348 = tpu.memref_squeeze %gather3A_347 : memref<1x128x128xf32, #tpu.memory_space<vmem>> -> memref<128x128xf32, #tpu.memory_space<vmem>>
      %gather3A_349 = tpu.vector_load_idx %gather3A_348[%add3A_298, %add3A_344] : memref<128x128xf32, #tpu.memory_space<vmem>>[vector<16xi32>, vector<16xi32>], vector<16xf32>,
      %add3A_350 = arith.constant 1 : i32
      %add3A_351 = vector.broadcast %add3A_350 : i32 to vector<16xi32>
      %add3A_352 = arith.addi %mul3A_313, %add3A_351 : vector<16xi32>
      %gather3A_353 = arith.constant 0 : i32
      %gather3A_354 = arith.constant 0 : i32
      %gather3A_355 = tpu.memref_slice %arg15[%scan3A_210, %gather3A_353, %gather3A_354] : memref<2x128x128xf32, #tpu.memory_space<vmem>> -> memref<1x128x128xf32, #tpu.memory_space<vmem>>
      %gather3A_356 = tpu.memref_squeeze %gather3A_355 : memref<1x128x128xf32, #tpu.memory_space<vmem>> -> memref<128x128xf32, #tpu.memory_space<vmem>>
      %gather3A_357 = tpu.vector_load_idx %gather3A_356[%add3A_298, %add3A_352] : memref<128x128xf32, #tpu.memory_space<vmem>>[vector<16xi32>, vector<16xi32>], vector<16xf32>,
      %mul3A_358 = arith.mulf %gather3A_349, %gather3A_357 : vector<16xf32>
      %add3A_359 = arith.addf %broadcast_in_dim3A_320, %mul3A_358 : vector<16xf32>
      %add3A_360 = arith.constant 2 : i32
      %add3A_361 = vector.broadcast %add3A_360 : i32 to vector<16xi32>
      %add3A_362 = arith.addi %mul3A_305, %add3A_361 : vector<16xi32>
      %gather3A_363 = arith.constant 0 : i32
      %gather3A_364 = arith.constant 0 : i32
      %gather3A_365 = tpu.memref_slice %arg14[%scan3A_209, %gather3A_363, %gather3A_364] : memref<2x128x128xf32, #tpu.memory_space<vmem>> -> memref<1x128x128xf32, #tpu.memory_space<vmem>>
      %gather3A_366 = tpu.memref_squeeze %gather3A_365 : memref<1x128x128xf32, #tpu.memory_space<vmem>> -> memref<128x128xf32, #tpu.memory_space<vmem>>
      %gather3A_367 = tpu.vector_load_idx %gather3A_366[%add3A_298, %add3A_362] : memref<128x128xf32, #tpu.memory_space<vmem>>[vector<16xi32>, vector<16xi32>], vector<16xf32>,
      %add3A_368 = arith.constant 2 : i32
      %add3A_369 = vector.broadcast %add3A_368 : i32 to vector<16xi32>
      %add3A_370 = arith.addi %mul3A_313, %add3A_369 : vector<16xi32>
      %gather3A_371 = arith.constant 0 : i32
      %gather3A_372 = arith.constant 0 : i32
      %gather3A_373 = tpu.memref_slice %arg15[%scan3A_210, %gather3A_371, %gather3A_372] : memref<2x128x128xf32, #tpu.memory_space<vmem>> -> memref<1x128x128xf32, #tpu.memory_space<vmem>>
      %gather3A_374 = tpu.memref_squeeze %gather3A_373 : memref<1x128x128xf32, #tpu.memory_space<vmem>> -> memref<128x128xf32, #tpu.memory_space<vmem>>
      %gather3A_375 = tpu.vector_load_idx %gather3A_374[%add3A_298, %add3A_370] : memref<128x128xf32, #tpu.memory_space<vmem>>[vector<16xi32>, vector<16xi32>], vector<16xf32>,
      %mul3A_376 = arith.mulf %gather3A_367, %gather3A_375 : vector<16xf32>
      %add3A_377 = arith.addf %broadcast_in_dim3A_322, %mul3A_376 : vector<16xf32>
      %add3A_378 = arith.constant 3 : i32
      %add3A_379 = vector.broadcast %add3A_378 : i32 to vector<16xi32>
      %add3A_380 = arith.addi %mul3A_305, %add3A_379 : vector<16xi32>
      %gather3A_381 = arith.constant 0 : i32
      %gather3A_382 = arith.constant 0 : i32
      %gather3A_383 = tpu.memref_slice %arg14[%scan3A_209, %gather3A_381, %gather3A_382] : memref<2x128x128xf32, #tpu.memory_space<vmem>> -> memref<1x128x128xf32, #tpu.memory_space<vmem>>
      %gather3A_384 = tpu.memref_squeeze %gather3A_383 : memref<1x128x128xf32, #tpu.memory_space<vmem>> -> memref<128x128xf32, #tpu.memory_space<vmem>>
      %gather3A_385 = tpu.vector_load_idx %gather3A_384[%add3A_298, %add3A_380] : memref<128x128xf32, #tpu.memory_space<vmem>>[vector<16xi32>, vector<16xi32>], vector<16xf32>,
      %add3A_386 = arith.constant 3 : i32
      %add3A_387 = vector.broadcast %add3A_386 : i32 to vector<16xi32>
      %add3A_388 = arith.addi %mul3A_313, %add3A_387 : vector<16xi32>
      %gather3A_389 = arith.constant 0 : i32
      %gather3A_390 = arith.constant 0 : i32
      %gather3A_391 = tpu.memref_slice %arg15[%scan3A_210, %gather3A_389, %gather3A_390] : memref<2x128x128xf32, #tpu.memory_space<vmem>> -> memref<1x128x128xf32, #tpu.memory_space<vmem>>
      %gather3A_392 = tpu.memref_squeeze %gather3A_391 : memref<1x128x128xf32, #tpu.memory_space<vmem>> -> memref<128x128xf32, #tpu.memory_space<vmem>>
      %gather3A_393 = tpu.vector_load_idx %gather3A_392[%add3A_298, %add3A_388] : memref<128x128xf32, #tpu.memory_space<vmem>>[vector<16xi32>, vector<16xi32>], vector<16xf32>,
      %mul3A_394 = arith.mulf %gather3A_385, %gather3A_393 : vector<16xf32>
      %add3A_395 = arith.addf %broadcast_in_dim3A_324, %mul3A_394 : vector<16xf32>
      %add3A_396 = arith.constant 4 : i32
      %add3A_397 = vector.broadcast %add3A_396 : i32 to vector<16xi32>
      %add3A_398 = arith.addi %mul3A_305, %add3A_397 : vector<16xi32>
      %gather3A_399 = arith.constant 0 : i32
      %gather3A_400 = arith.constant 0 : i32
      %gather3A_401 = tpu.memref_slice %arg14[%scan3A_209, %gather3A_399, %gather3A_400] : memref<2x128x128xf32, #tpu.memory_space<vmem>> -> memref<1x128x128xf32, #tpu.memory_space<vmem>>
      %gather3A_402 = tpu.memref_squeeze %gather3A_401 : memref<1x128x128xf32, #tpu.memory_space<vmem>> -> memref<128x128xf32, #tpu.memory_space<vmem>>
      %gather3A_403 = tpu.vector_load_idx %gather3A_402[%add3A_298, %add3A_398] : memref<128x128xf32, #tpu.memory_space<vmem>>[vector<16xi32>, vector<16xi32>], vector<16xf32>,
      %add3A_404 = arith.constant 4 : i32
      %add3A_405 = vector.broadcast %add3A_404 : i32 to vector<16xi32>
      %add3A_406 = arith.addi %mul3A_313, %add3A_405 : vector<16xi32>
      %gather3A_407 = arith.constant 0 : i32
      %gather3A_408 = arith.constant 0 : i32
      %gather3A_409 = tpu.memref_slice %arg15[%scan3A_210, %gather3A_407, %gather3A_408] : memref<2x128x128xf32, #tpu.memory_space<vmem>> -> memref<1x128x128xf32, #tpu.memory_space<vmem>>
      %gather3A_410 = tpu.memref_squeeze %gather3A_409 : memref<1x128x128xf32, #tpu.memory_space<vmem>> -> memref<128x128xf32, #tpu.memory_space<vmem>>
      %gather3A_411 = tpu.vector_load_idx %gather3A_410[%add3A_298, %add3A_406] : memref<128x128xf32, #tpu.memory_space<vmem>>[vector<16xi32>, vector<16xi32>], vector<16xf32>,
      %mul3A_412 = arith.mulf %gather3A_403, %gather3A_411 : vector<16xf32>
      %add3A_413 = arith.addf %add3A_341, %mul3A_412 : vector<16xf32>
      %add3A_414 = arith.constant 5 : i32
      %add3A_415 = vector.broadcast %add3A_414 : i32 to vector<16xi32>
      %add3A_416 = arith.addi %mul3A_305, %add3A_415 : vector<16xi32>
      %gather3A_417 = arith.constant 0 : i32
      %gather3A_418 = arith.constant 0 : i32
      %gather3A_419 = tpu.memref_slice %arg14[%scan3A_209, %gather3A_417, %gather3A_418] : memref<2x128x128xf32, #tpu.memory_space<vmem>> -> memref<1x128x128xf32, #tpu.memory_space<vmem>>
      %gather3A_420 = tpu.memref_squeeze %gather3A_419 : memref<1x128x128xf32, #tpu.memory_space<vmem>> -> memref<128x128xf32, #tpu.memory_space<vmem>>
      %gather3A_421 = tpu.vector_load_idx %gather3A_420[%add3A_298, %add3A_416] : memref<128x128xf32, #tpu.memory_space<vmem>>[vector<16xi32>, vector<16xi32>], vector<16xf32>,
      %add3A_422 = arith.constant 5 : i32
      %add3A_423 = vector.broadcast %add3A_422 : i32 to vector<16xi32>
      %add3A_424 = arith.addi %mul3A_313, %add3A_423 : vector<16xi32>
      %gather3A_425 = arith.constant 0 : i32
      %gather3A_426 = arith.constant 0 : i32
      %gather3A_427 = tpu.memref_slice %arg15[%scan3A_210, %gather3A_425, %gather3A_426] : memref<2x128x128xf32, #tpu.memory_space<vmem>> -> memref<1x128x128xf32, #tpu.memory_space<vmem>>
      %gather3A_428 = tpu.memref_squeeze %gather3A_427 : memref<1x128x128xf32, #tpu.memory_space<vmem>> -> memref<128x128xf32, #tpu.memory_space<vmem>>
      %gather3A_429 = tpu.vector_load_idx %gather3A_428[%add3A_298, %add3A_424] : memref<128x128xf32, #tpu.memory_space<vmem>>[vector<16xi32>, vector<16xi32>], vector<16xf32>,
      %mul3A_430 = arith.mulf %gather3A_421, %gather3A_429 : vector<16xf32>
      %add3A_431 = arith.addf %add3A_359, %mul3A_430 : vector<16xf32>
      %add3A_432 = arith.constant 6 : i32
      %add3A_433 = vector.broadcast %add3A_432 : i32 to vector<16xi32>
      %add3A_434 = arith.addi %mul3A_305, %add3A_433 : vector<16xi32>
      %gather3A_435 = arith.constant 0 : i32
      %gather3A_436 = arith.constant 0 : i32
      %gather3A_437 = tpu.memref_slice %arg14[%scan3A_209, %gather3A_435, %gather3A_436] : memref<2x128x128xf32, #tpu.memory_space<vmem>> -> memref<1x128x128xf32, #tpu.memory_space<vmem>>
      %gather3A_438 = tpu.memref_squeeze %gather3A_437 : memref<1x128x128xf32, #tpu.memory_space<vmem>> -> memref<128x128xf32, #tpu.memory_space<vmem>>
      %gather3A_439 = tpu.vector_load_idx %gather3A_438[%add3A_298, %add3A_434] : memref<128x128xf32, #tpu.memory_space<vmem>>[vector<16xi32>, vector<16xi32>], vector<16xf32>,
      %add3A_440 = arith.constant 6 : i32
      %add3A_441 = vector.broadcast %add3A_440 : i32 to vector<16xi32>
      %add3A_442 = arith.addi %mul3A_313, %add3A_441 : vector<16xi32>
      %gather3A_443 = arith.constant 0 : i32
      %gather3A_444 = arith.constant 0 : i32
      %gather3A_445 = tpu.memref_slice %arg15[%scan3A_210, %gather3A_443, %gather3A_444] : memref<2x128x128xf32, #tpu.memory_space<vmem>> -> memref<1x128x128xf32, #tpu.memory_space<vmem>>
      %gather3A_446 = tpu.memref_squeeze %gather3A_445 : memref<1x128x128xf32, #tpu.memory_space<vmem>> -> memref<128x128xf32, #tpu.memory_space<vmem>>
      %gather3A_447 = tpu.vector_load_idx %gather3A_446[%add3A_298, %add3A_442] : memref<128x128xf32, #tpu.memory_space<vmem>>[vector<16xi32>, vector<16xi32>], vector<16xf32>,
      %mul3A_448 = arith.mulf %gather3A_439, %gather3A_447 : vector<16xf32>
      %add3A_449 = arith.addf %add3A_377, %mul3A_448 : vector<16xf32>
      %add3A_450 = arith.constant 7 : i32
      %add3A_451 = vector.broadcast %add3A_450 : i32 to vector<16xi32>
      %add3A_452 = arith.addi %mul3A_305, %add3A_451 : vector<16xi32>
      %gather3A_453 = arith.constant 0 : i32
      %gather3A_454 = arith.constant 0 : i32
      %gather3A_455 = tpu.memref_slice %arg14[%scan3A_209, %gather3A_453, %gather3A_454] : memref<2x128x128xf32, #tpu.memory_space<vmem>> -> memref<1x128x128xf32, #tpu.memory_space<vmem>>
      %gather3A_456 = tpu.memref_squeeze %gather3A_455 : memref<1x128x128xf32, #tpu.memory_space<vmem>> -> memref<128x128xf32, #tpu.memory_space<vmem>>
      %gather3A_457 = tpu.vector_load_idx %gather3A_456[%add3A_298, %add3A_452] : memref<128x128xf32, #tpu.memory_space<vmem>>[vector<16xi32>, vector<16xi32>], vector<16xf32>,
      %add3A_458 = arith.constant 7 : i32
      %add3A_459 = vector.broadcast %add3A_458 : i32 to vector<16xi32>
      %add3A_460 = arith.addi %mul3A_313, %add3A_459 : vector<16xi32>
      %gather3A_461 = arith.constant 0 : i32
      %gather3A_462 = arith.constant 0 : i32
      %gather3A_463 = tpu.memref_slice %arg15[%scan3A_210, %gather3A_461, %gather3A_462] : memref<2x128x128xf32, #tpu.memory_space<vmem>> -> memref<1x128x128xf32, #tpu.memory_space<vmem>>
      %gather3A_464 = tpu.memref_squeeze %gather3A_463 : memref<1x128x128xf32, #tpu.memory_space<vmem>> -> memref<128x128xf32, #tpu.memory_space<vmem>>
      %gather3A_465 = tpu.vector_load_idx %gather3A_464[%add3A_298, %add3A_460] : memref<128x128xf32, #tpu.memory_space<vmem>>[vector<16xi32>, vector<16xi32>], vector<16xf32>,
      %mul3A_466 = arith.mulf %gather3A_457, %gather3A_465 : vector<16xf32>
      %add3A_467 = arith.addf %add3A_395, %mul3A_466 : vector<16xf32>
      %add3A_468 = arith.constant 8 : i32
      %add3A_469 = vector.broadcast %add3A_468 : i32 to vector<16xi32>
      %add3A_470 = arith.addi %mul3A_305, %add3A_469 : vector<16xi32>
      %gather3A_471 = arith.constant 0 : i32
      %gather3A_472 = arith.constant 0 : i32
      %gather3A_473 = tpu.memref_slice %arg14[%scan3A_209, %gather3A_471, %gather3A_472] : memref<2x128x128xf32, #tpu.memory_space<vmem>> -> memref<1x128x128xf32, #tpu.memory_space<vmem>>
      %gather3A_474 = tpu.memref_squeeze %gather3A_473 : memref<1x128x128xf32, #tpu.memory_space<vmem>> -> memref<128x128xf32, #tpu.memory_space<vmem>>
      %gather3A_475 = tpu.vector_load_idx %gather3A_474[%add3A_298, %add3A_470] : memref<128x128xf32, #tpu.memory_space<vmem>>[vector<16xi32>, vector<16xi32>], vector<16xf32>,
      %add3A_476 = arith.constant 8 : i32
      %add3A_477 = vector.broadcast %add3A_476 : i32 to vector<16xi32>
      %add3A_478 = arith.addi %mul3A_313, %add3A_477 : vector<16xi32>
      %gather3A_479 = arith.constant 0 : i32
      %gather3A_480 = arith.constant 0 : i32
      %gather3A_481 = tpu.memref_slice %arg15[%scan3A_210, %gather3A_479, %gather3A_480] : memref<2x128x128xf32, #tpu.memory_space<vmem>> -> memref<1x128x128xf32, #tpu.memory_space<vmem>>
      %gather3A_482 = tpu.memref_squeeze %gather3A_481 : memref<1x128x128xf32, #tpu.memory_space<vmem>> -> memref<128x128xf32, #tpu.memory_space<vmem>>
      %gather3A_483 = tpu.vector_load_idx %gather3A_482[%add3A_298, %add3A_478] : memref<128x128xf32, #tpu.memory_space<vmem>>[vector<16xi32>, vector<16xi32>], vector<16xf32>,
      %mul3A_484 = arith.mulf %gather3A_475, %gather3A_483 : vector<16xf32>
      %add3A_485 = arith.addf %add3A_413, %mul3A_484 : vector<16xf32>
      %add3A_486 = arith.constant 9 : i32
      %add3A_487 = vector.broadcast %add3A_486 : i32 to vector<16xi32>
      %add3A_488 = arith.addi %mul3A_305, %add3A_487 : vector<16xi32>
      %gather3A_489 = arith.constant 0 : i32
      %gather3A_490 = arith.constant 0 : i32
      %gather3A_491 = tpu.memref_slice %arg14[%scan3A_209, %gather3A_489, %gather3A_490] : memref<2x128x128xf32, #tpu.memory_space<vmem>> -> memref<1x128x128xf32, #tpu.memory_space<vmem>>
      %gather3A_492 = tpu.memref_squeeze %gather3A_491 : memref<1x128x128xf32, #tpu.memory_space<vmem>> -> memref<128x128xf32, #tpu.memory_space<vmem>>
      %gather3A_493 = tpu.vector_load_idx %gather3A_492[%add3A_298, %add3A_488] : memref<128x128xf32, #tpu.memory_space<vmem>>[vector<16xi32>, vector<16xi32>], vector<16xf32>,
      %add3A_494 = arith.constant 9 : i32
      %add3A_495 = vector.broadcast %add3A_494 : i32 to vector<16xi32>
      %add3A_496 = arith.addi %mul3A_313, %add3A_495 : vector<16xi32>
      %gather3A_497 = arith.constant 0 : i32
      %gather3A_498 = arith.constant 0 : i32
      %gather3A_499 = tpu.memref_slice %arg15[%scan3A_210, %gather3A_497, %gather3A_498] : memref<2x128x128xf32, #tpu.memory_space<vmem>> -> memref<1x128x128xf32, #tpu.memory_space<vmem>>
      %gather3A_500 = tpu.memref_squeeze %gather3A_499 : memref<1x128x128xf32, #tpu.memory_space<vmem>> -> memref<128x128xf32, #tpu.memory_space<vmem>>
      %gather3A_501 = tpu.vector_load_idx %gather3A_500[%add3A_298, %add3A_496] : memref<128x128xf32, #tpu.memory_space<vmem>>[vector<16xi32>, vector<16xi32>], vector<16xf32>,
      %mul3A_502 = arith.mulf %gather3A_493, %gather3A_501 : vector<16xf32>
      %add3A_503 = arith.addf %add3A_431, %mul3A_502 : vector<16xf32>
      %add3A_504 = arith.constant 10 : i32
      %add3A_505 = vector.broadcast %add3A_504 : i32 to vector<16xi32>
      %add3A_506 = arith.addi %mul3A_305, %add3A_505 : vector<16xi32>
      %gather3A_507 = arith.constant 0 : i32
      %gather3A_508 = arith.constant 0 : i32
      %gather3A_509 = tpu.memref_slice %arg14[%scan3A_209, %gather3A_507, %gather3A_508] : memref<2x128x128xf32, #tpu.memory_space<vmem>> -> memref<1x128x128xf32, #tpu.memory_space<vmem>>
      %gather3A_510 = tpu.memref_squeeze %gather3A_509 : memref<1x128x128xf32, #tpu.memory_space<vmem>> -> memref<128x128xf32, #tpu.memory_space<vmem>>
      %gather3A_511 = tpu.vector_load_idx %gather3A_510[%add3A_298, %add3A_506] : memref<128x128xf32, #tpu.memory_space<vmem>>[vector<16xi32>, vector<16xi32>], vector<16xf32>,
      %add3A_512 = arith.constant 10 : i32
      %add3A_513 = vector.broadcast %add3A_512 : i32 to vector<16xi32>
      %add3A_514 = arith.addi %mul3A_313, %add3A_513 : vector<16xi32>
      %gather3A_515 = arith.constant 0 : i32
      %gather3A_516 = arith.constant 0 : i32
      %gather3A_517 = tpu.memref_slice %arg15[%scan3A_210, %gather3A_515, %gather3A_516] : memref<2x128x128xf32, #tpu.memory_space<vmem>> -> memref<1x128x128xf32, #tpu.memory_space<vmem>>
      %gather3A_518 = tpu.memref_squeeze %gather3A_517 : memref<1x128x128xf32, #tpu.memory_space<vmem>> -> memref<128x128xf32, #tpu.memory_space<vmem>>
      %gather3A_519 = tpu.vector_load_idx %gather3A_518[%add3A_298, %add3A_514] : memref<128x128xf32, #tpu.memory_space<vmem>>[vector<16xi32>, vector<16xi32>], vector<16xf32>,
      %mul3A_520 = arith.mulf %gather3A_511, %gather3A_519 : vector<16xf32>
      %add3A_521 = arith.addf %add3A_449, %mul3A_520 : vector<16xf32>
      %add3A_522 = arith.constant 11 : i32
      %add3A_523 = vector.broadcast %add3A_522 : i32 to vector<16xi32>
      %add3A_524 = arith.addi %mul3A_305, %add3A_523 : vector<16xi32>
      %gather3A_525 = arith.constant 0 : i32
      %gather3A_526 = arith.constant 0 : i32
      %gather3A_527 = tpu.memref_slice %arg14[%scan3A_209, %gather3A_525, %gather3A_526] : memref<2x128x128xf32, #tpu.memory_space<vmem>> -> memref<1x128x128xf32, #tpu.memory_space<vmem>>
      %gather3A_528 = tpu.memref_squeeze %gather3A_527 : memref<1x128x128xf32, #tpu.memory_space<vmem>> -> memref<128x128xf32, #tpu.memory_space<vmem>>
      %gather3A_529 = tpu.vector_load_idx %gather3A_528[%add3A_298, %add3A_524] : memref<128x128xf32, #tpu.memory_space<vmem>>[vector<16xi32>, vector<16xi32>], vector<16xf32>,
      %add3A_530 = arith.constant 11 : i32
      %add3A_531 = vector.broadcast %add3A_530 : i32 to vector<16xi32>
      %add3A_532 = arith.addi %mul3A_313, %add3A_531 : vector<16xi32>
      %gather3A_533 = arith.constant 0 : i32
      %gather3A_534 = arith.constant 0 : i32
      %gather3A_535 = tpu.memref_slice %arg15[%scan3A_210, %gather3A_533, %gather3A_534] : memref<2x128x128xf32, #tpu.memory_space<vmem>> -> memref<1x128x128xf32, #tpu.memory_space<vmem>>
      %gather3A_536 = tpu.memref_squeeze %gather3A_535 : memref<1x128x128xf32, #tpu.memory_space<vmem>> -> memref<128x128xf32, #tpu.memory_space<vmem>>
      %gather3A_537 = tpu.vector_load_idx %gather3A_536[%add3A_298, %add3A_532] : memref<128x128xf32, #tpu.memory_space<vmem>>[vector<16xi32>, vector<16xi32>], vector<16xf32>,
      %mul3A_538 = arith.mulf %gather3A_529, %gather3A_537 : vector<16xf32>
      %add3A_539 = arith.addf %add3A_467, %mul3A_538 : vector<16xf32>
      %add3A_540 = arith.constant 12 : i32
      %add3A_541 = vector.broadcast %add3A_540 : i32 to vector<16xi32>
      %add3A_542 = arith.addi %mul3A_305, %add3A_541 : vector<16xi32>
      %gather3A_543 = arith.constant 0 : i32
      %gather3A_544 = arith.constant 0 : i32
      %gather3A_545 = tpu.memref_slice %arg14[%scan3A_209, %gather3A_543, %gather3A_544] : memref<2x128x128xf32, #tpu.memory_space<vmem>> -> memref<1x128x128xf32, #tpu.memory_space<vmem>>
      %gather3A_546 = tpu.memref_squeeze %gather3A_545 : memref<1x128x128xf32, #tpu.memory_space<vmem>> -> memref<128x128xf32, #tpu.memory_space<vmem>>
      %gather3A_547 = tpu.vector_load_idx %gather3A_546[%add3A_298, %add3A_542] : memref<128x128xf32, #tpu.memory_space<vmem>>[vector<16xi32>, vector<16xi32>], vector<16xf32>,
      %add3A_548 = arith.constant 12 : i32
      %add3A_549 = vector.broadcast %add3A_548 : i32 to vector<16xi32>
      %add3A_550 = arith.addi %mul3A_313, %add3A_549 : vector<16xi32>
      %gather3A_551 = arith.constant 0 : i32
      %gather3A_552 = arith.constant 0 : i32
      %gather3A_553 = tpu.memref_slice %arg15[%scan3A_210, %gather3A_551, %gather3A_552] : memref<2x128x128xf32, #tpu.memory_space<vmem>> -> memref<1x128x128xf32, #tpu.memory_space<vmem>>
      %gather3A_554 = tpu.memref_squeeze %gather3A_553 : memref<1x128x128xf32, #tpu.memory_space<vmem>> -> memref<128x128xf32, #tpu.memory_space<vmem>>
      %gather3A_555 = tpu.vector_load_idx %gather3A_554[%add3A_298, %add3A_550] : memref<128x128xf32, #tpu.memory_space<vmem>>[vector<16xi32>, vector<16xi32>], vector<16xf32>,
      %mul3A_556 = arith.mulf %gather3A_547, %gather3A_555 : vector<16xf32>
      %add3A_557 = arith.addf %add3A_485, %mul3A_556 : vector<16xf32>
      %add3A_558 = arith.constant 13 : i32
      %add3A_559 = vector.broadcast %add3A_558 : i32 to vector<16xi32>
      %add3A_560 = arith.addi %mul3A_305, %add3A_559 : vector<16xi32>
      %gather3A_561 = arith.constant 0 : i32
      %gather3A_562 = arith.constant 0 : i32
      %gather3A_563 = tpu.memref_slice %arg14[%scan3A_209, %gather3A_561, %gather3A_562] : memref<2x128x128xf32, #tpu.memory_space<vmem>> -> memref<1x128x128xf32, #tpu.memory_space<vmem>>
      %gather3A_564 = tpu.memref_squeeze %gather3A_563 : memref<1x128x128xf32, #tpu.memory_space<vmem>> -> memref<128x128xf32, #tpu.memory_space<vmem>>
      %gather3A_565 = tpu.vector_load_idx %gather3A_564[%add3A_298, %add3A_560] : memref<128x128xf32, #tpu.memory_space<vmem>>[vector<16xi32>, vector<16xi32>], vector<16xf32>,
      %add3A_566 = arith.constant 13 : i32
      %add3A_567 = vector.broadcast %add3A_566 : i32 to vector<16xi32>
      %add3A_568 = arith.addi %mul3A_313, %add3A_567 : vector<16xi32>
      %gather3A_569 = arith.constant 0 : i32
      %gather3A_570 = arith.constant 0 : i32
      %gather3A_571 = tpu.memref_slice %arg15[%scan3A_210, %gather3A_569, %gather3A_570] : memref<2x128x128xf32, #tpu.memory_space<vmem>> -> memref<1x128x128xf32, #tpu.memory_space<vmem>>
      %gather3A_572 = tpu.memref_squeeze %gather3A_571 : memref<1x128x128xf32, #tpu.memory_space<vmem>> -> memref<128x128xf32, #tpu.memory_space<vmem>>
      %gather3A_573 = tpu.vector_load_idx %gather3A_572[%add3A_298, %add3A_568] : memref<128x128xf32, #tpu.memory_space<vmem>>[vector<16xi32>, vector<16xi32>], vector<16xf32>,
      %mul3A_574 = arith.mulf %gather3A_565, %gather3A_573 : vector<16xf32>
      %add3A_575 = arith.addf %add3A_503, %mul3A_574 : vector<16xf32>
      %add3A_576 = arith.constant 14 : i32
      %add3A_577 = vector.broadcast %add3A_576 : i32 to vector<16xi32>
      %add3A_578 = arith.addi %mul3A_305, %add3A_577 : vector<16xi32>
      %gather3A_579 = arith.constant 0 : i32
      %gather3A_580 = arith.constant 0 : i32
      %gather3A_581 = tpu.memref_slice %arg14[%scan3A_209, %gather3A_579, %gather3A_580] : memref<2x128x128xf32, #tpu.memory_space<vmem>> -> memref<1x128x128xf32, #tpu.memory_space<vmem>>
      %gather3A_582 = tpu.memref_squeeze %gather3A_581 : memref<1x128x128xf32, #tpu.memory_space<vmem>> -> memref<128x128xf32, #tpu.memory_space<vmem>>
      %gather3A_583 = tpu.vector_load_idx %gather3A_582[%add3A_298, %add3A_578] : memref<128x128xf32, #tpu.memory_space<vmem>>[vector<16xi32>, vector<16xi32>], vector<16xf32>,
      %add3A_584 = arith.constant 14 : i32
      %add3A_585 = vector.broadcast %add3A_584 : i32 to vector<16xi32>
      %add3A_586 = arith.addi %mul3A_313, %add3A_585 : vector<16xi32>
      %gather3A_587 = arith.constant 0 : i32
      %gather3A_588 = arith.constant 0 : i32
      %gather3A_589 = tpu.memref_slice %arg15[%scan3A_210, %gather3A_587, %gather3A_588] : memref<2x128x128xf32, #tpu.memory_space<vmem>> -> memref<1x128x128xf32, #tpu.memory_space<vmem>>
      %gather3A_590 = tpu.memref_squeeze %gather3A_589 : memref<1x128x128xf32, #tpu.memory_space<vmem>> -> memref<128x128xf32, #tpu.memory_space<vmem>>
      %gather3A_591 = tpu.vector_load_idx %gather3A_590[%add3A_298, %add3A_586] : memref<128x128xf32, #tpu.memory_space<vmem>>[vector<16xi32>, vector<16xi32>], vector<16xf32>,
      %mul3A_592 = arith.mulf %gather3A_583, %gather3A_591 : vector<16xf32>
      %add3A_593 = arith.addf %add3A_521, %mul3A_592 : vector<16xf32>
      %add3A_594 = arith.constant 15 : i32
      %add3A_595 = vector.broadcast %add3A_594 : i32 to vector<16xi32>
      %add3A_596 = arith.addi %mul3A_305, %add3A_595 : vector<16xi32>
      %gather3A_597 = arith.constant 0 : i32
      %gather3A_598 = arith.constant 0 : i32
      %gather3A_599 = tpu.memref_slice %arg14[%scan3A_209, %gather3A_597, %gather3A_598] : memref<2x128x128xf32, #tpu.memory_space<vmem>> -> memref<1x128x128xf32, #tpu.memory_space<vmem>>
      %gather3A_600 = tpu.memref_squeeze %gather3A_599 : memref<1x128x128xf32, #tpu.memory_space<vmem>> -> memref<128x128xf32, #tpu.memory_space<vmem>>
      %gather3A_601 = tpu.vector_load_idx %gather3A_600[%add3A_298, %add3A_596] : memref<128x128xf32, #tpu.memory_space<vmem>>[vector<16xi32>, vector<16xi32>], vector<16xf32>,
      %add3A_602 = arith.constant 15 : i32
      %add3A_603 = vector.broadcast %add3A_602 : i32 to vector<16xi32>
      %add3A_604 = arith.addi %mul3A_313, %add3A_603 : vector<16xi32>
      %gather3A_605 = arith.constant 0 : i32
      %gather3A_606 = arith.constant 0 : i32
      %gather3A_607 = tpu.memref_slice %arg15[%scan3A_210, %gather3A_605, %gather3A_606] : memref<2x128x128xf32, #tpu.memory_space<vmem>> -> memref<1x128x128xf32, #tpu.memory_space<vmem>>
      %gather3A_608 = tpu.memref_squeeze %gather3A_607 : memref<1x128x128xf32, #tpu.memory_space<vmem>> -> memref<128x128xf32, #tpu.memory_space<vmem>>
      %gather3A_609 = tpu.vector_load_idx %gather3A_608[%add3A_298, %add3A_604] : memref<128x128xf32, #tpu.memory_space<vmem>>[vector<16xi32>, vector<16xi32>], vector<16xf32>,
      %mul3A_610 = arith.mulf %gather3A_601, %gather3A_609 : vector<16xf32>
      %add3A_611 = arith.addf %add3A_539, %mul3A_610 : vector<16xf32>
      %add3A_612 = arith.constant 16 : i32
      %add3A_613 = vector.broadcast %add3A_612 : i32 to vector<16xi32>
      %add3A_614 = arith.addi %mul3A_305, %add3A_613 : vector<16xi32>
      %gather3A_615 = arith.constant 0 : i32
      %gather3A_616 = arith.constant 0 : i32
      %gather3A_617 = tpu.memref_slice %arg14[%scan3A_209, %gather3A_615, %gather3A_616] : memref<2x128x128xf32, #tpu.memory_space<vmem>> -> memref<1x128x128xf32, #tpu.memory_space<vmem>>
      %gather3A_618 = tpu.memref_squeeze %gather3A_617 : memref<1x128x128xf32, #tpu.memory_space<vmem>> -> memref<128x128xf32, #tpu.memory_space<vmem>>
      %gather3A_619 = tpu.vector_load_idx %gather3A_618[%add3A_298, %add3A_614] : memref<128x128xf32, #tpu.memory_space<vmem>>[vector<16xi32>, vector<16xi32>], vector<16xf32>,
      %add3A_620 = arith.constant 16 : i32
      %add3A_621 = vector.broadcast %add3A_620 : i32 to vector<16xi32>
      %add3A_622 = arith.addi %mul3A_313, %add3A_621 : vector<16xi32>
      %gather3A_623 = arith.constant 0 : i32
      %gather3A_624 = arith.constant 0 : i32
      %gather3A_625 = tpu.memref_slice %arg15[%scan3A_210, %gather3A_623, %gather3A_624] : memref<2x128x128xf32, #tpu.memory_space<vmem>> -> memref<1x128x128xf32, #tpu.memory_space<vmem>>
      %gather3A_626 = tpu.memref_squeeze %gather3A_625 : memref<1x128x128xf32, #tpu.memory_space<vmem>> -> memref<128x128xf32, #tpu.memory_space<vmem>>
      %gather3A_627 = tpu.vector_load_idx %gather3A_626[%add3A_298, %add3A_622] : memref<128x128xf32, #tpu.memory_space<vmem>>[vector<16xi32>, vector<16xi32>], vector<16xf32>,
      %mul3A_628 = arith.mulf %gather3A_619, %gather3A_627 : vector<16xf32>
      %add3A_629 = arith.addf %add3A_557, %mul3A_628 : vector<16xf32>
      %add3A_630 = arith.constant 17 : i32
      %add3A_631 = vector.broadcast %add3A_630 : i32 to vector<16xi32>
      %add3A_632 = arith.addi %mul3A_305, %add3A_631 : vector<16xi32>
      %gather3A_633 = arith.constant 0 : i32
      %gather3A_634 = arith.constant 0 : i32
      %gather3A_635 = tpu.memref_slice %arg14[%scan3A_209, %gather3A_633, %gather3A_634] : memref<2x128x128xf32, #tpu.memory_space<vmem>> -> memref<1x128x128xf32, #tpu.memory_space<vmem>>
      %gather3A_636 = tpu.memref_squeeze %gather3A_635 : memref<1x128x128xf32, #tpu.memory_space<vmem>> -> memref<128x128xf32, #tpu.memory_space<vmem>>
      %gather3A_637 = tpu.vector_load_idx %gather3A_636[%add3A_298, %add3A_632] : memref<128x128xf32, #tpu.memory_space<vmem>>[vector<16xi32>, vector<16xi32>], vector<16xf32>,
      %add3A_638 = arith.constant 17 : i32
      %add3A_639 = vector.broadcast %add3A_638 : i32 to vector<16xi32>
      %add3A_640 = arith.addi %mul3A_313, %add3A_639 : vector<16xi32>
      %gather3A_641 = arith.constant 0 : i32
      %gather3A_642 = arith.constant 0 : i32
      %gather3A_643 = tpu.memref_slice %arg15[%scan3A_210, %gather3A_641, %gather3A_642] : memref<2x128x128xf32, #tpu.memory_space<vmem>> -> memref<1x128x128xf32, #tpu.memory_space<vmem>>
      %gather3A_644 = tpu.memref_squeeze %gather3A_643 : memref<1x128x128xf32, #tpu.memory_space<vmem>> -> memref<128x128xf32, #tpu.memory_space<vmem>>
      %gather3A_645 = tpu.vector_load_idx %gather3A_644[%add3A_298, %add3A_640] : memref<128x128xf32, #tpu.memory_space<vmem>>[vector<16xi32>, vector<16xi32>], vector<16xf32>,
      %mul3A_646 = arith.mulf %gather3A_637, %gather3A_645 : vector<16xf32>
      %add3A_647 = arith.addf %add3A_575, %mul3A_646 : vector<16xf32>
      %add3A_648 = arith.constant 18 : i32
      %add3A_649 = vector.broadcast %add3A_648 : i32 to vector<16xi32>
      %add3A_650 = arith.addi %mul3A_305, %add3A_649 : vector<16xi32>
      %gather3A_651 = arith.constant 0 : i32
      %gather3A_652 = arith.constant 0 : i32
      %gather3A_653 = tpu.memref_slice %arg14[%scan3A_209, %gather3A_651, %gather3A_652] : memref<2x128x128xf32, #tpu.memory_space<vmem>> -> memref<1x128x128xf32, #tpu.memory_space<vmem>>
      %gather3A_654 = tpu.memref_squeeze %gather3A_653 : memref<1x128x128xf32, #tpu.memory_space<vmem>> -> memref<128x128xf32, #tpu.memory_space<vmem>>
      %gather3A_655 = tpu.vector_load_idx %gather3A_654[%add3A_298, %add3A_650] : memref<128x128xf32, #tpu.memory_space<vmem>>[vector<16xi32>, vector<16xi32>], vector<16xf32>,
      %add3A_656 = arith.constant 18 : i32
      %add3A_657 = vector.broadcast %add3A_656 : i32 to vector<16xi32>
      %add3A_658 = arith.addi %mul3A_313, %add3A_657 : vector<16xi32>
      %gather3A_659 = arith.constant 0 : i32
      %gather3A_660 = arith.constant 0 : i32
      %gather3A_661 = tpu.memref_slice %arg15[%scan3A_210, %gather3A_659, %gather3A_660] : memref<2x128x128xf32, #tpu.memory_space<vmem>> -> memref<1x128x128xf32, #tpu.memory_space<vmem>>
      %gather3A_662 = tpu.memref_squeeze %gather3A_661 : memref<1x128x128xf32, #tpu.memory_space<vmem>> -> memref<128x128xf32, #tpu.memory_space<vmem>>
      %gather3A_663 = tpu.vector_load_idx %gather3A_662[%add3A_298, %add3A_658] : memref<128x128xf32, #tpu.memory_space<vmem>>[vector<16xi32>, vector<16xi32>], vector<16xf32>,
      %mul3A_664 = arith.mulf %gather3A_655, %gather3A_663 : vector<16xf32>
      %add3A_665 = arith.addf %add3A_593, %mul3A_664 : vector<16xf32>
      %add3A_666 = arith.constant 19 : i32
      %add3A_667 = vector.broadcast %add3A_666 : i32 to vector<16xi32>
      %add3A_668 = arith.addi %mul3A_305, %add3A_667 : vector<16xi32>
      %gather3A_669 = arith.constant 0 : i32
      %gather3A_670 = arith.constant 0 : i32
      %gather3A_671 = tpu.memref_slice %arg14[%scan3A_209, %gather3A_669, %gather3A_670] : memref<2x128x128xf32, #tpu.memory_space<vmem>> -> memref<1x128x128xf32, #tpu.memory_space<vmem>>
      %gather3A_672 = tpu.memref_squeeze %gather3A_671 : memref<1x128x128xf32, #tpu.memory_space<vmem>> -> memref<128x128xf32, #tpu.memory_space<vmem>>
      %gather3A_673 = tpu.vector_load_idx %gather3A_672[%add3A_298, %add3A_668] : memref<128x128xf32, #tpu.memory_space<vmem>>[vector<16xi32>, vector<16xi32>], vector<16xf32>,
      %add3A_674 = arith.constant 19 : i32
      %add3A_675 = vector.broadcast %add3A_674 : i32 to vector<16xi32>
      %add3A_676 = arith.addi %mul3A_313, %add3A_675 : vector<16xi32>
      %gather3A_677 = arith.constant 0 : i32
      %gather3A_678 = arith.constant 0 : i32
      %gather3A_679 = tpu.memref_slice %arg15[%scan3A_210, %gather3A_677, %gather3A_678] : memref<2x128x128xf32, #tpu.memory_space<vmem>> -> memref<1x128x128xf32, #tpu.memory_space<vmem>>
      %gather3A_680 = tpu.memref_squeeze %gather3A_679 : memref<1x128x128xf32, #tpu.memory_space<vmem>> -> memref<128x128xf32, #tpu.memory_space<vmem>>
      %gather3A_681 = tpu.vector_load_idx %gather3A_680[%add3A_298, %add3A_676] : memref<128x128xf32, #tpu.memory_space<vmem>>[vector<16xi32>, vector<16xi32>], vector<16xf32>,
      %mul3A_682 = arith.mulf %gather3A_673, %gather3A_681 : vector<16xf32>
      %add3A_683 = arith.addf %add3A_611, %mul3A_682 : vector<16xf32>
      %add3A_684 = arith.constant 20 : i32
      %add3A_685 = vector.broadcast %add3A_684 : i32 to vector<16xi32>
      %add3A_686 = arith.addi %mul3A_305, %add3A_685 : vector<16xi32>
      %gather3A_687 = arith.constant 0 : i32
      %gather3A_688 = arith.constant 0 : i32
      %gather3A_689 = tpu.memref_slice %arg14[%scan3A_209, %gather3A_687, %gather3A_688] : memref<2x128x128xf32, #tpu.memory_space<vmem>> -> memref<1x128x128xf32, #tpu.memory_space<vmem>>
      %gather3A_690 = tpu.memref_squeeze %gather3A_689 : memref<1x128x128xf32, #tpu.memory_space<vmem>> -> memref<128x128xf32, #tpu.memory_space<vmem>>
      %gather3A_691 = tpu.vector_load_idx %gather3A_690[%add3A_298, %add3A_686] : memref<128x128xf32, #tpu.memory_space<vmem>>[vector<16xi32>, vector<16xi32>], vector<16xf32>,
      %add3A_692 = arith.constant 20 : i32
      %add3A_693 = vector.broadcast %add3A_692 : i32 to vector<16xi32>
      %add3A_694 = arith.addi %mul3A_313, %add3A_693 : vector<16xi32>
      %gather3A_695 = arith.constant 0 : i32
      %gather3A_696 = arith.constant 0 : i32
      %gather3A_697 = tpu.memref_slice %arg15[%scan3A_210, %gather3A_695, %gather3A_696] : memref<2x128x128xf32, #tpu.memory_space<vmem>> -> memref<1x128x128xf32, #tpu.memory_space<vmem>>
      %gather3A_698 = tpu.memref_squeeze %gather3A_697 : memref<1x128x128xf32, #tpu.memory_space<vmem>> -> memref<128x128xf32, #tpu.memory_space<vmem>>
      %gather3A_699 = tpu.vector_load_idx %gather3A_698[%add3A_298, %add3A_694] : memref<128x128xf32, #tpu.memory_space<vmem>>[vector<16xi32>, vector<16xi32>], vector<16xf32>,
      %mul3A_700 = arith.mulf %gather3A_691, %gather3A_699 : vector<16xf32>
      %add3A_701 = arith.addf %add3A_629, %mul3A_700 : vector<16xf32>
      %add3A_702 = arith.constant 21 : i32
      %add3A_703 = vector.broadcast %add3A_702 : i32 to vector<16xi32>
      %add3A_704 = arith.addi %mul3A_305, %add3A_703 : vector<16xi32>
      %gather3A_705 = arith.constant 0 : i32
      %gather3A_706 = arith.constant 0 : i32
      %gather3A_707 = tpu.memref_slice %arg14[%scan3A_209, %gather3A_705, %gather3A_706] : memref<2x128x128xf32, #tpu.memory_space<vmem>> -> memref<1x128x128xf32, #tpu.memory_space<vmem>>
      %gather3A_708 = tpu.memref_squeeze %gather3A_707 : memref<1x128x128xf32, #tpu.memory_space<vmem>> -> memref<128x128xf32, #tpu.memory_space<vmem>>
      %gather3A_709 = tpu.vector_load_idx %gather3A_708[%add3A_298, %add3A_704] : memref<128x128xf32, #tpu.memory_space<vmem>>[vector<16xi32>, vector<16xi32>], vector<16xf32>,
      %add3A_710 = arith.constant 21 : i32
      %add3A_711 = vector.broadcast %add3A_710 : i32 to vector<16xi32>
      %add3A_712 = arith.addi %mul3A_313, %add3A_711 : vector<16xi32>
      %gather3A_713 = arith.constant 0 : i32
      %gather3A_714 = arith.constant 0 : i32
      %gather3A_715 = tpu.memref_slice %arg15[%scan3A_210, %gather3A_713, %gather3A_714] : memref<2x128x128xf32, #tpu.memory_space<vmem>> -> memref<1x128x128xf32, #tpu.memory_space<vmem>>
      %gather3A_716 = tpu.memref_squeeze %gather3A_715 : memref<1x128x128xf32, #tpu.memory_space<vmem>> -> memref<128x128xf32, #tpu.memory_space<vmem>>
      %gather3A_717 = tpu.vector_load_idx %gather3A_716[%add3A_298, %add3A_712] : memref<128x128xf32, #tpu.memory_space<vmem>>[vector<16xi32>, vector<16xi32>], vector<16xf32>,
      %mul3A_718 = arith.mulf %gather3A_709, %gather3A_717 : vector<16xf32>
      %add3A_719 = arith.addf %add3A_647, %mul3A_718 : vector<16xf32>
      %add3A_720 = arith.constant 22 : i32
      %add3A_721 = vector.broadcast %add3A_720 : i32 to vector<16xi32>
      %add3A_722 = arith.addi %mul3A_305, %add3A_721 : vector<16xi32>
      %gather3A_723 = arith.constant 0 : i32
      %gather3A_724 = arith.constant 0 : i32
      %gather3A_725 = tpu.memref_slice %arg14[%scan3A_209, %gather3A_723, %gather3A_724] : memref<2x128x128xf32, #tpu.memory_space<vmem>> -> memref<1x128x128xf32, #tpu.memory_space<vmem>>
      %gather3A_726 = tpu.memref_squeeze %gather3A_725 : memref<1x128x128xf32, #tpu.memory_space<vmem>> -> memref<128x128xf32, #tpu.memory_space<vmem>>
      %gather3A_727 = tpu.vector_load_idx %gather3A_726[%add3A_298, %add3A_722] : memref<128x128xf32, #tpu.memory_space<vmem>>[vector<16xi32>, vector<16xi32>], vector<16xf32>,
      %add3A_728 = arith.constant 22 : i32
      %add3A_729 = vector.broadcast %add3A_728 : i32 to vector<16xi32>
      %add3A_730 = arith.addi %mul3A_313, %add3A_729 : vector<16xi32>
      %gather3A_731 = arith.constant 0 : i32
      %gather3A_732 = arith.constant 0 : i32
      %gather3A_733 = tpu.memref_slice %arg15[%scan3A_210, %gather3A_731, %gather3A_732] : memref<2x128x128xf32, #tpu.memory_space<vmem>> -> memref<1x128x128xf32, #tpu.memory_space<vmem>>
      %gather3A_734 = tpu.memref_squeeze %gather3A_733 : memref<1x128x128xf32, #tpu.memory_space<vmem>> -> memref<128x128xf32, #tpu.memory_space<vmem>>
      %gather3A_735 = tpu.vector_load_idx %gather3A_734[%add3A_298, %add3A_730] : memref<128x128xf32, #tpu.memory_space<vmem>>[vector<16xi32>, vector<16xi32>], vector<16xf32>,
      %mul3A_736 = arith.mulf %gather3A_727, %gather3A_735 : vector<16xf32>
      %add3A_737 = arith.addf %add3A_665, %mul3A_736 : vector<16xf32>
      %add3A_738 = arith.constant 23 : i32
      %add3A_739 = vector.broadcast %add3A_738 : i32 to vector<16xi32>
      %add3A_740 = arith.addi %mul3A_305, %add3A_739 : vector<16xi32>
      %gather3A_741 = arith.constant 0 : i32
      %gather3A_742 = arith.constant 0 : i32
      %gather3A_743 = tpu.memref_slice %arg14[%scan3A_209, %gather3A_741, %gather3A_742] : memref<2x128x128xf32, #tpu.memory_space<vmem>> -> memref<1x128x128xf32, #tpu.memory_space<vmem>>
      %gather3A_744 = tpu.memref_squeeze %gather3A_743 : memref<1x128x128xf32, #tpu.memory_space<vmem>> -> memref<128x128xf32, #tpu.memory_space<vmem>>
      %gather3A_745 = tpu.vector_load_idx %gather3A_744[%add3A_298, %add3A_740] : memref<128x128xf32, #tpu.memory_space<vmem>>[vector<16xi32>, vector<16xi32>], vector<16xf32>,
      %add3A_746 = arith.constant 23 : i32
      %add3A_747 = vector.broadcast %add3A_746 : i32 to vector<16xi32>
      %add3A_748 = arith.addi %mul3A_313, %add3A_747 : vector<16xi32>
      %gather3A_749 = arith.constant 0 : i32
      %gather3A_750 = arith.constant 0 : i32
      %gather3A_751 = tpu.memref_slice %arg15[%scan3A_210, %gather3A_749, %gather3A_750] : memref<2x128x128xf32, #tpu.memory_space<vmem>> -> memref<1x128x128xf32, #tpu.memory_space<vmem>>
      %gather3A_752 = tpu.memref_squeeze %gather3A_751 : memref<1x128x128xf32, #tpu.memory_space<vmem>> -> memref<128x128xf32, #tpu.memory_space<vmem>>
      %gather3A_753 = tpu.vector_load_idx %gather3A_752[%add3A_298, %add3A_748] : memref<128x128xf32, #tpu.memory_space<vmem>>[vector<16xi32>, vector<16xi32>], vector<16xf32>,
      %mul3A_754 = arith.mulf %gather3A_745, %gather3A_753 : vector<16xf32>
      %add3A_755 = arith.addf %add3A_683, %mul3A_754 : vector<16xf32>
      %add3A_756 = arith.constant 24 : i32
      %add3A_757 = vector.broadcast %add3A_756 : i32 to vector<16xi32>
      %add3A_758 = arith.addi %mul3A_305, %add3A_757 : vector<16xi32>
      %gather3A_759 = arith.constant 0 : i32
      %gather3A_760 = arith.constant 0 : i32
      %gather3A_761 = tpu.memref_slice %arg14[%scan3A_209, %gather3A_759, %gather3A_760] : memref<2x128x128xf32, #tpu.memory_space<vmem>> -> memref<1x128x128xf32, #tpu.memory_space<vmem>>
      %gather3A_762 = tpu.memref_squeeze %gather3A_761 : memref<1x128x128xf32, #tpu.memory_space<vmem>> -> memref<128x128xf32, #tpu.memory_space<vmem>>
      %gather3A_763 = tpu.vector_load_idx %gather3A_762[%add3A_298, %add3A_758] : memref<128x128xf32, #tpu.memory_space<vmem>>[vector<16xi32>, vector<16xi32>], vector<16xf32>,
      %add3A_764 = arith.constant 24 : i32
      %add3A_765 = vector.broadcast %add3A_764 : i32 to vector<16xi32>
      %add3A_766 = arith.addi %mul3A_313, %add3A_765 : vector<16xi32>
      %gather3A_767 = arith.constant 0 : i32
      %gather3A_768 = arith.constant 0 : i32
      %gather3A_769 = tpu.memref_slice %arg15[%scan3A_210, %gather3A_767, %gather3A_768] : memref<2x128x128xf32, #tpu.memory_space<vmem>> -> memref<1x128x128xf32, #tpu.memory_space<vmem>>
      %gather3A_770 = tpu.memref_squeeze %gather3A_769 : memref<1x128x128xf32, #tpu.memory_space<vmem>> -> memref<128x128xf32, #tpu.memory_space<vmem>>
      %gather3A_771 = tpu.vector_load_idx %gather3A_770[%add3A_298, %add3A_766] : memref<128x128xf32, #tpu.memory_space<vmem>>[vector<16xi32>, vector<16xi32>], vector<16xf32>,
      %mul3A_772 = arith.mulf %gather3A_763, %gather3A_771 : vector<16xf32>
      %add3A_773 = arith.addf %add3A_701, %mul3A_772 : vector<16xf32>
      %add3A_774 = arith.constant 25 : i32
      %add3A_775 = vector.broadcast %add3A_774 : i32 to vector<16xi32>
      %add3A_776 = arith.addi %mul3A_305, %add3A_775 : vector<16xi32>
      %gather3A_777 = arith.constant 0 : i32
      %gather3A_778 = arith.constant 0 : i32
      %gather3A_779 = tpu.memref_slice %arg14[%scan3A_209, %gather3A_777, %gather3A_778] : memref<2x128x128xf32, #tpu.memory_space<vmem>> -> memref<1x128x128xf32, #tpu.memory_space<vmem>>
      %gather3A_780 = tpu.memref_squeeze %gather3A_779 : memref<1x128x128xf32, #tpu.memory_space<vmem>> -> memref<128x128xf32, #tpu.memory_space<vmem>>
      %gather3A_781 = tpu.vector_load_idx %gather3A_780[%add3A_298, %add3A_776] : memref<128x128xf32, #tpu.memory_space<vmem>>[vector<16xi32>, vector<16xi32>], vector<16xf32>,
      %add3A_782 = arith.constant 25 : i32
      %add3A_783 = vector.broadcast %add3A_782 : i32 to vector<16xi32>
      %add3A_784 = arith.addi %mul3A_313, %add3A_783 : vector<16xi32>
      %gather3A_785 = arith.constant 0 : i32
      %gather3A_786 = arith.constant 0 : i32
      %gather3A_787 = tpu.memref_slice %arg15[%scan3A_210, %gather3A_785, %gather3A_786] : memref<2x128x128xf32, #tpu.memory_space<vmem>> -> memref<1x128x128xf32, #tpu.memory_space<vmem>>
      %gather3A_788 = tpu.memref_squeeze %gather3A_787 : memref<1x128x128xf32, #tpu.memory_space<vmem>> -> memref<128x128xf32, #tpu.memory_space<vmem>>
      %gather3A_789 = tpu.vector_load_idx %gather3A_788[%add3A_298, %add3A_784] : memref<128x128xf32, #tpu.memory_space<vmem>>[vector<16xi32>, vector<16xi32>], vector<16xf32>,
      %mul3A_790 = arith.mulf %gather3A_781, %gather3A_789 : vector<16xf32>
      %add3A_791 = arith.addf %add3A_719, %mul3A_790 : vector<16xf32>
      %add3A_792 = arith.constant 26 : i32
      %add3A_793 = vector.broadcast %add3A_792 : i32 to vector<16xi32>
      %add3A_794 = arith.addi %mul3A_305, %add3A_793 : vector<16xi32>
      %gather3A_795 = arith.constant 0 : i32
      %gather3A_796 = arith.constant 0 : i32
      %gather3A_797 = tpu.memref_slice %arg14[%scan3A_209, %gather3A_795, %gather3A_796] : memref<2x128x128xf32, #tpu.memory_space<vmem>> -> memref<1x128x128xf32, #tpu.memory_space<vmem>>
      %gather3A_798 = tpu.memref_squeeze %gather3A_797 : memref<1x128x128xf32, #tpu.memory_space<vmem>> -> memref<128x128xf32, #tpu.memory_space<vmem>>
      %gather3A_799 = tpu.vector_load_idx %gather3A_798[%add3A_298, %add3A_794] : memref<128x128xf32, #tpu.memory_space<vmem>>[vector<16xi32>, vector<16xi32>], vector<16xf32>,
      %add3A_800 = arith.constant 26 : i32
      %add3A_801 = vector.broadcast %add3A_800 : i32 to vector<16xi32>
      %add3A_802 = arith.addi %mul3A_313, %add3A_801 : vector<16xi32>
      %gather3A_803 = arith.constant 0 : i32
      %gather3A_804 = arith.constant 0 : i32
      %gather3A_805 = tpu.memref_slice %arg15[%scan3A_210, %gather3A_803, %gather3A_804] : memref<2x128x128xf32, #tpu.memory_space<vmem>> -> memref<1x128x128xf32, #tpu.memory_space<vmem>>
      %gather3A_806 = tpu.memref_squeeze %gather3A_805 : memref<1x128x128xf32, #tpu.memory_space<vmem>> -> memref<128x128xf32, #tpu.memory_space<vmem>>
      %gather3A_807 = tpu.vector_load_idx %gather3A_806[%add3A_298, %add3A_802] : memref<128x128xf32, #tpu.memory_space<vmem>>[vector<16xi32>, vector<16xi32>], vector<16xf32>,
      %mul3A_808 = arith.mulf %gather3A_799, %gather3A_807 : vector<16xf32>
      %add3A_809 = arith.addf %add3A_737, %mul3A_808 : vector<16xf32>
      %add3A_810 = arith.constant 27 : i32
      %add3A_811 = vector.broadcast %add3A_810 : i32 to vector<16xi32>
      %add3A_812 = arith.addi %mul3A_305, %add3A_811 : vector<16xi32>
      %gather3A_813 = arith.constant 0 : i32
      %gather3A_814 = arith.constant 0 : i32
      %gather3A_815 = tpu.memref_slice %arg14[%scan3A_209, %gather3A_813, %gather3A_814] : memref<2x128x128xf32, #tpu.memory_space<vmem>> -> memref<1x128x128xf32, #tpu.memory_space<vmem>>
      %gather3A_816 = tpu.memref_squeeze %gather3A_815 : memref<1x128x128xf32, #tpu.memory_space<vmem>> -> memref<128x128xf32, #tpu.memory_space<vmem>>
      %gather3A_817 = tpu.vector_load_idx %gather3A_816[%add3A_298, %add3A_812] : memref<128x128xf32, #tpu.memory_space<vmem>>[vector<16xi32>, vector<16xi32>], vector<16xf32>,
      %add3A_818 = arith.constant 27 : i32
      %add3A_819 = vector.broadcast %add3A_818 : i32 to vector<16xi32>
      %add3A_820 = arith.addi %mul3A_313, %add3A_819 : vector<16xi32>
      %gather3A_821 = arith.constant 0 : i32
      %gather3A_822 = arith.constant 0 : i32
      %gather3A_823 = tpu.memref_slice %arg15[%scan3A_210, %gather3A_821, %gather3A_822] : memref<2x128x128xf32, #tpu.memory_space<vmem>> -> memref<1x128x128xf32, #tpu.memory_space<vmem>>
      %gather3A_824 = tpu.memref_squeeze %gather3A_823 : memref<1x128x128xf32, #tpu.memory_space<vmem>> -> memref<128x128xf32, #tpu.memory_space<vmem>>
      %gather3A_825 = tpu.vector_load_idx %gather3A_824[%add3A_298, %add3A_820] : memref<128x128xf32, #tpu.memory_space<vmem>>[vector<16xi32>, vector<16xi32>], vector<16xf32>,
      %mul3A_826 = arith.mulf %gather3A_817, %gather3A_825 : vector<16xf32>
      %add3A_827 = arith.addf %add3A_755, %mul3A_826 : vector<16xf32>
      %add3A_828 = arith.constant 28 : i32
      %add3A_829 = vector.broadcast %add3A_828 : i32 to vector<16xi32>
      %add3A_830 = arith.addi %mul3A_305, %add3A_829 : vector<16xi32>
      %gather3A_831 = arith.constant 0 : i32
      %gather3A_832 = arith.constant 0 : i32
      %gather3A_833 = tpu.memref_slice %arg14[%scan3A_209, %gather3A_831, %gather3A_832] : memref<2x128x128xf32, #tpu.memory_space<vmem>> -> memref<1x128x128xf32, #tpu.memory_space<vmem>>
      %gather3A_834 = tpu.memref_squeeze %gather3A_833 : memref<1x128x128xf32, #tpu.memory_space<vmem>> -> memref<128x128xf32, #tpu.memory_space<vmem>>
      %gather3A_835 = tpu.vector_load_idx %gather3A_834[%add3A_298, %add3A_830] : memref<128x128xf32, #tpu.memory_space<vmem>>[vector<16xi32>, vector<16xi32>], vector<16xf32>,
      %add3A_836 = arith.constant 28 : i32
      %add3A_837 = vector.broadcast %add3A_836 : i32 to vector<16xi32>
      %add3A_838 = arith.addi %mul3A_313, %add3A_837 : vector<16xi32>
      %gather3A_839 = arith.constant 0 : i32
      %gather3A_840 = arith.constant 0 : i32
      %gather3A_841 = tpu.memref_slice %arg15[%scan3A_210, %gather3A_839, %gather3A_840] : memref<2x128x128xf32, #tpu.memory_space<vmem>> -> memref<1x128x128xf32, #tpu.memory_space<vmem>>
      %gather3A_842 = tpu.memref_squeeze %gather3A_841 : memref<1x128x128xf32, #tpu.memory_space<vmem>> -> memref<128x128xf32, #tpu.memory_space<vmem>>
      %gather3A_843 = tpu.vector_load_idx %gather3A_842[%add3A_298, %add3A_838] : memref<128x128xf32, #tpu.memory_space<vmem>>[vector<16xi32>, vector<16xi32>], vector<16xf32>,
      %mul3A_844 = arith.mulf %gather3A_835, %gather3A_843 : vector<16xf32>
      %add3A_845 = arith.addf %add3A_773, %mul3A_844 : vector<16xf32>
      %add3A_846 = arith.constant 29 : i32
      %add3A_847 = vector.broadcast %add3A_846 : i32 to vector<16xi32>
      %add3A_848 = arith.addi %mul3A_305, %add3A_847 : vector<16xi32>
      %gather3A_849 = arith.constant 0 : i32
      %gather3A_850 = arith.constant 0 : i32
      %gather3A_851 = tpu.memref_slice %arg14[%scan3A_209, %gather3A_849, %gather3A_850] : memref<2x128x128xf32, #tpu.memory_space<vmem>> -> memref<1x128x128xf32, #tpu.memory_space<vmem>>
      %gather3A_852 = tpu.memref_squeeze %gather3A_851 : memref<1x128x128xf32, #tpu.memory_space<vmem>> -> memref<128x128xf32, #tpu.memory_space<vmem>>
      %gather3A_853 = tpu.vector_load_idx %gather3A_852[%add3A_298, %add3A_848] : memref<128x128xf32, #tpu.memory_space<vmem>>[vector<16xi32>, vector<16xi32>], vector<16xf32>,
      %add3A_854 = arith.constant 29 : i32
      %add3A_855 = vector.broadcast %add3A_854 : i32 to vector<16xi32>
      %add3A_856 = arith.addi %mul3A_313, %add3A_855 : vector<16xi32>
      %gather3A_857 = arith.constant 0 : i32
      %gather3A_858 = arith.constant 0 : i32
      %gather3A_859 = tpu.memref_slice %arg15[%scan3A_210, %gather3A_857, %gather3A_858] : memref<2x128x128xf32, #tpu.memory_space<vmem>> -> memref<1x128x128xf32, #tpu.memory_space<vmem>>
      %gather3A_860 = tpu.memref_squeeze %gather3A_859 : memref<1x128x128xf32, #tpu.memory_space<vmem>> -> memref<128x128xf32, #tpu.memory_space<vmem>>
      %gather3A_861 = tpu.vector_load_idx %gather3A_860[%add3A_298, %add3A_856] : memref<128x128xf32, #tpu.memory_space<vmem>>[vector<16xi32>, vector<16xi32>], vector<16xf32>,
      %mul3A_862 = arith.mulf %gather3A_853, %gather3A_861 : vector<16xf32>
      %add3A_863 = arith.addf %add3A_791, %mul3A_862 : vector<16xf32>
      %add3A_864 = arith.constant 30 : i32
      %add3A_865 = vector.broadcast %add3A_864 : i32 to vector<16xi32>
      %add3A_866 = arith.addi %mul3A_305, %add3A_865 : vector<16xi32>
      %gather3A_867 = arith.constant 0 : i32
      %gather3A_868 = arith.constant 0 : i32
      %gather3A_869 = tpu.memref_slice %arg14[%scan3A_209, %gather3A_867, %gather3A_868] : memref<2x128x128xf32, #tpu.memory_space<vmem>> -> memref<1x128x128xf32, #tpu.memory_space<vmem>>
      %gather3A_870 = tpu.memref_squeeze %gather3A_869 : memref<1x128x128xf32, #tpu.memory_space<vmem>> -> memref<128x128xf32, #tpu.memory_space<vmem>>
      %gather3A_871 = tpu.vector_load_idx %gather3A_870[%add3A_298, %add3A_866] : memref<128x128xf32, #tpu.memory_space<vmem>>[vector<16xi32>, vector<16xi32>], vector<16xf32>,
      %add3A_872 = arith.constant 30 : i32
      %add3A_873 = vector.broadcast %add3A_872 : i32 to vector<16xi32>
      %add3A_874 = arith.addi %mul3A_313, %add3A_873 : vector<16xi32>
      %gather3A_875 = arith.constant 0 : i32
      %gather3A_876 = arith.constant 0 : i32
      %gather3A_877 = tpu.memref_slice %arg15[%scan3A_210, %gather3A_875, %gather3A_876] : memref<2x128x128xf32, #tpu.memory_space<vmem>> -> memref<1x128x128xf32, #tpu.memory_space<vmem>>
      %gather3A_878 = tpu.memref_squeeze %gather3A_877 : memref<1x128x128xf32, #tpu.memory_space<vmem>> -> memref<128x128xf32, #tpu.memory_space<vmem>>
      %gather3A_879 = tpu.vector_load_idx %gather3A_878[%add3A_298, %add3A_874] : memref<128x128xf32, #tpu.memory_space<vmem>>[vector<16xi32>, vector<16xi32>], vector<16xf32>,
      %mul3A_880 = arith.mulf %gather3A_871, %gather3A_879 : vector<16xf32>
      %add3A_881 = arith.addf %add3A_809, %mul3A_880 : vector<16xf32>
      %add3A_882 = arith.constant 31 : i32
      %add3A_883 = vector.broadcast %add3A_882 : i32 to vector<16xi32>
      %add3A_884 = arith.addi %mul3A_305, %add3A_883 : vector<16xi32>
      %gather3A_885 = arith.constant 0 : i32
      %gather3A_886 = arith.constant 0 : i32
      %gather3A_887 = tpu.memref_slice %arg14[%scan3A_209, %gather3A_885, %gather3A_886] : memref<2x128x128xf32, #tpu.memory_space<vmem>> -> memref<1x128x128xf32, #tpu.memory_space<vmem>>
      %gather3A_888 = tpu.memref_squeeze %gather3A_887 : memref<1x128x128xf32, #tpu.memory_space<vmem>> -> memref<128x128xf32, #tpu.memory_space<vmem>>
      %gather3A_889 = tpu.vector_load_idx %gather3A_888[%add3A_298, %add3A_884] : memref<128x128xf32, #tpu.memory_space<vmem>>[vector<16xi32>, vector<16xi32>], vector<16xf32>,
      %add3A_890 = arith.constant 31 : i32
      %add3A_891 = vector.broadcast %add3A_890 : i32 to vector<16xi32>
      %add3A_892 = arith.addi %mul3A_313, %add3A_891 : vector<16xi32>
      %gather3A_893 = arith.constant 0 : i32
      %gather3A_894 = arith.constant 0 : i32
      %gather3A_895 = tpu.memref_slice %arg15[%scan3A_210, %gather3A_893, %gather3A_894] : memref<2x128x128xf32, #tpu.memory_space<vmem>> -> memref<1x128x128xf32, #tpu.memory_space<vmem>>
      %gather3A_896 = tpu.memref_squeeze %gather3A_895 : memref<1x128x128xf32, #tpu.memory_space<vmem>> -> memref<128x128xf32, #tpu.memory_space<vmem>>
      %gather3A_897 = tpu.vector_load_idx %gather3A_896[%add3A_298, %add3A_892] : memref<128x128xf32, #tpu.memory_space<vmem>>[vector<16xi32>, vector<16xi32>], vector<16xf32>,
      %mul3A_898 = arith.mulf %gather3A_889, %gather3A_897 : vector<16xf32>
      %add3A_899 = arith.addf %add3A_827, %mul3A_898 : vector<16xf32>
      %add3A_900 = arith.addf %add3A_845, %add3A_863 : vector<16xf32>
      %add3A_901 = arith.addf %add3A_881, %add3A_899 : vector<16xf32>
      %add3A_902 = arith.addf %add3A_900, %add3A_901 : vector<16xf32>
      %swap3A = arith.index_cast %add3A_296 : i32 to index
      %swap3A_903 = tpu.vector_load %arg19[%swap3A] {strides = array<i32>} : memref<512xf32, #tpu.memory_space<vmem>>, vector<16xf32>,
      tpu.vector_store %arg19[%swap3A], %add3A_902 {strides = array<i32>} : memref<512xf32, #tpu.memory_space<vmem>>, vector<16xf32>,
    }
    %scan3A_215 = arith.constant 8 : i32
    %dma_start3A_216 = arith.constant 1 : i32
    %dma_start3A_217 = arith.constant 0 : i32
    %dma_start3A_218 = arith.constant 0 : i32
    %dma_start3A_219 = tpu.memref_slice %arg14[%dma_start3A_216, %dma_start3A_217, %dma_start3A_218] : memref<2x128x128xf32, #tpu.memory_space<vmem>> -> memref<1x128x128xf32, #tpu.memory_space<vmem>>
    %dma_start3A_220 = tpu.memref_squeeze %dma_start3A_219 : memref<1x128x128xf32, #tpu.memory_space<vmem>> -> memref<128x128xf32, #tpu.memory_space<vmem>>
    %dma_start3A_221 = arith.constant 384 : i32
    %dma_start3A_222 = tpu.memref_slice %arg12[%dma_start3A_221] : memref<512xi32, #tpu.memory_space<vmem>> -> memref<128xi32, #tpu.memory_space<vmem>>
    %dma_start3A_223 = arith.constant 0 : i32
    %dma_start3A_224 = arith.constant 0 : i32
    %dma_start3A_225 = tpu.memref_slice %arg4[%dma_start3A_223, %dma_start3A_224] : memref<250000x128xf32, #tpu.memory_space<hbm>> -> memref<250000x128xf32, #tpu.memory_space<hbm>>
    tpu.enqueue_indirect_dma source(%dma_start3A_225 : memref<250000x128xf32, #tpu.memory_space<hbm>>) target(%dma_start3A_220 : memref<128x128xf32, #tpu.memory_space<vmem>>) offsets(%dma_start3A_222 : memref<128xi32, #tpu.memory_space<vmem>>) semaphore(%arg20 : memref<!tpu.dma_semaphore, #tpu.memory_space<semaphore_mem>>)
    %dma_start3A_226 = arith.constant 1 : i32
    %dma_start3A_227 = arith.constant 0 : i32
    %dma_start3A_228 = arith.constant 0 : i32
    %dma_start3A_229 = tpu.memref_slice %arg15[%dma_start3A_226, %dma_start3A_227, %dma_start3A_228] : memref<2x128x128xf32, #tpu.memory_space<vmem>> -> memref<1x128x128xf32, #tpu.memory_space<vmem>>
    %dma_start3A_230 = tpu.memref_squeeze %dma_start3A_229 : memref<1x128x128xf32, #tpu.memory_space<vmem>> -> memref<128x128xf32, #tpu.memory_space<vmem>>
    %dma_start3A_231 = arith.constant 384 : i32
    %dma_start3A_232 = tpu.memref_slice %arg13[%dma_start3A_231] : memref<512xi32, #tpu.memory_space<vmem>> -> memref<128xi32, #tpu.memory_space<vmem>>
    %dma_start3A_233 = arith.constant 0 : i32
    %dma_start3A_234 = arith.constant 0 : i32
    %dma_start3A_235 = tpu.memref_slice %arg5[%dma_start3A_233, %dma_start3A_234] : memref<250000x128xf32, #tpu.memory_space<hbm>> -> memref<250000x128xf32, #tpu.memory_space<hbm>>
    tpu.enqueue_indirect_dma source(%dma_start3A_235 : memref<250000x128xf32, #tpu.memory_space<hbm>>) target(%dma_start3A_230 : memref<128x128xf32, #tpu.memory_space<vmem>>) offsets(%dma_start3A_232 : memref<128xi32, #tpu.memory_space<vmem>>) semaphore(%arg20 : memref<!tpu.dma_semaphore, #tpu.memory_space<semaphore_mem>>)
    %dma_wait3A_236 = arith.constant 0 : i32
    %dma_wait3A_237 = arith.constant 0 : i32
    %dma_wait3A_238 = arith.constant 0 : i32
    %dma_wait3A_239 = tpu.memref_slice %arg14[%dma_wait3A_236, %dma_wait3A_237, %dma_wait3A_238] : memref<2x128x128xf32, #tpu.memory_space<vmem>> -> memref<1x128x128xf32, #tpu.memory_space<vmem>>
    %dma_wait3A_240 = tpu.memref_squeeze %dma_wait3A_239 : memref<1x128x128xf32, #tpu.memory_space<vmem>> -> memref<128x128xf32, #tpu.memory_space<vmem>>
    %dma_wait3A_241 = arith.constant 256 : i32
    %dma_wait3A_242 = tpu.memref_slice %arg12[%dma_wait3A_241] : memref<512xi32, #tpu.memory_space<vmem>> -> memref<128xi32, #tpu.memory_space<vmem>>
    %dma_wait3A_243 = arith.constant 0 : i32
    %dma_wait3A_244 = arith.constant 0 : i32
    %dma_wait3A_245 = tpu.memref_slice %arg4[%dma_wait3A_243, %dma_wait3A_244] : memref<250000x128xf32, #tpu.memory_space<hbm>> -> memref<250000x128xf32, #tpu.memory_space<hbm>>
    tpu.wait_indirect_dma semaphore(%arg20 : memref<!tpu.dma_semaphore, #tpu.memory_space<semaphore_mem>>) src(%dma_wait3A_245 : memref<250000x128xf32, #tpu.memory_space<hbm>>) dst(%dma_wait3A_240 : memref<128x128xf32, #tpu.memory_space<vmem>>)
    %dma_wait3A_246 = arith.constant 0 : i32
    %dma_wait3A_247 = arith.constant 0 : i32
    %dma_wait3A_248 = arith.constant 0 : i32
    %dma_wait3A_249 = tpu.memref_slice %arg15[%dma_wait3A_246, %dma_wait3A_247, %dma_wait3A_248] : memref<2x128x128xf32, #tpu.memory_space<vmem>> -> memref<1x128x128xf32, #tpu.memory_space<vmem>>
    %dma_wait3A_250 = tpu.memref_squeeze %dma_wait3A_249 : memref<1x128x128xf32, #tpu.memory_space<vmem>> -> memref<128x128xf32, #tpu.memory_space<vmem>>
    %dma_wait3A_251 = arith.constant 256 : i32
    %dma_wait3A_252 = tpu.memref_slice %arg13[%dma_wait3A_251] : memref<512xi32, #tpu.memory_space<vmem>> -> memref<128xi32, #tpu.memory_space<vmem>>
    %dma_wait3A_253 = arith.constant 0 : i32
    %dma_wait3A_254 = arith.constant 0 : i32
    %dma_wait3A_255 = tpu.memref_slice %arg5[%dma_wait3A_253, %dma_wait3A_254] : memref<250000x128xf32, #tpu.memory_space<hbm>> -> memref<250000x128xf32, #tpu.memory_space<hbm>>
    tpu.wait_indirect_dma semaphore(%arg20 : memref<!tpu.dma_semaphore, #tpu.memory_space<semaphore_mem>>) src(%dma_wait3A_255 : memref<250000x128xf32, #tpu.memory_space<hbm>>) dst(%dma_wait3A_250 : memref<128x128xf32, #tpu.memory_space<vmem>>)
    %scan3A_256 = arith.constant 0 : i32
    %scan3A_257 = arith.constant 0 : i32
    %scan3A_258 = arith.constant 0 : i32
    %scan3A_259 = arith.constant 8 : i32
    %scan3A_260 = arith.addi %scan3A_258, %scan3A_259 : i32
    %scan3A_261 = arith.constant 1 : i32
    scf.for %scan3A_290 = %scan3A_258 to %scan3A_260 step %scan3A_261  : i32 {
      %mul3A_291 = arith.constant 16 : i32
      %mul3A_292 = arith.muli %scan3A_290, %mul3A_291 : i32
      %add3A_293 = arith.constant 0 : i32
      %add3A_294 = arith.addi %add3A_293, %mul3A_292 : i32
      %add3A_295 = arith.constant 256 : i32
      %add3A_296 = arith.addi %add3A_295, %add3A_294 : i32
      %iota3A = tpu.iota {dimensions = array<i32: 0>} : vector<16xi32>
      %add3A_297 = vector.broadcast %add3A_294 : i32 to vector<16xi32>
      %add3A_298 = arith.addi %add3A_297, %iota3A : vector<16xi32>
      %get3A_299 = arith.index_cast %add3A_296 : i32 to index
      %get3A_300 = tpu.vector_load %arg10[%get3A_299] {strides = array<i32>} : memref<512xi32, #tpu.memory_space<vmem>>, vector<16xi32>,
      %and3A = arith.constant 3 : i32
      %and3A_301 = vector.broadcast %and3A : i32 to vector<16xi32>
      %and3A_302 = arith.andi %get3A_300, %and3A_301 : vector<16xi32>
      %mul3A_303 = arith.constant 32 : i32
      %mul3A_304 = vector.broadcast %mul3A_303 : i32 to vector<16xi32>
      %mul3A_305 = arith.muli %and3A_302, %mul3A_304 : vector<16xi32>
      %get3A_306 = arith.index_cast %add3A_296 : i32 to index
      %get3A_307 = tpu.vector_load %arg11[%get3A_306] {strides = array<i32>} : memref<512xi32, #tpu.memory_space<vmem>>, vector<16xi32>,
      %and3A_308 = arith.constant 3 : i32
      %and3A_309 = vector.broadcast %and3A_308 : i32 to vector<16xi32>
      %and3A_310 = arith.andi %get3A_307, %and3A_309 : vector<16xi32>
      %mul3A_311 = arith.constant 32 : i32
      %mul3A_312 = vector.broadcast %mul3A_311 : i32 to vector<16xi32>
      %mul3A_313 = arith.muli %and3A_310, %mul3A_312 : vector<16xi32>
      %get3A_314 = arith.index_cast %add3A_296 : i32 to index
      %get3A_315 = tpu.vector_load %arg16[%get3A_314] {strides = array<i32>} : memref<512xf32, #tpu.memory_space<vmem>>, vector<16xf32>,
      %get3A_316 = arith.index_cast %add3A_296 : i32 to index
      %get3A_317 = tpu.vector_load %arg17[%get3A_316] {strides = array<i32>} : memref<512xf32, #tpu.memory_space<vmem>>, vector<16xf32>,
      %add3A_318 = arith.addf %get3A_315, %get3A_317 : vector<16xf32>
      %add3A_319 = arith.addf %add3A_318, %get3A_54 : vector<16xf32>
      %broadcast_in_dim3A = arith.constant 0.000000e+00 : f32
      %broadcast_in_dim3A_320 = vector.broadcast %broadcast_in_dim3A : f32 to vector<16xf32>
      %broadcast_in_dim3A_321 = arith.constant 0.000000e+00 : f32
      %broadcast_in_dim3A_322 = vector.broadcast %broadcast_in_dim3A_321 : f32 to vector<16xf32>
      %broadcast_in_dim3A_323 = arith.constant 0.000000e+00 : f32
      %broadcast_in_dim3A_324 = vector.broadcast %broadcast_in_dim3A_323 : f32 to vector<16xf32>
      %add3A_325 = arith.constant 0 : i32
      %add3A_326 = vector.broadcast %add3A_325 : i32 to vector<16xi32>
      %add3A_327 = arith.addi %mul3A_305, %add3A_326 : vector<16xi32>
      %gather3A = arith.constant 0 : i32
      %gather3A_328 = arith.constant 0 : i32
      %gather3A_329 = tpu.memref_slice %arg14[%scan3A_256, %gather3A, %gather3A_328] : memref<2x128x128xf32, #tpu.memory_space<vmem>> -> memref<1x128x128xf32, #tpu.memory_space<vmem>>
      %gather3A_330 = tpu.memref_squeeze %gather3A_329 : memref<1x128x128xf32, #tpu.memory_space<vmem>> -> memref<128x128xf32, #tpu.memory_space<vmem>>
      %gather3A_331 = tpu.vector_load_idx %gather3A_330[%add3A_298, %add3A_327] : memref<128x128xf32, #tpu.memory_space<vmem>>[vector<16xi32>, vector<16xi32>], vector<16xf32>,
      %add3A_332 = arith.constant 0 : i32
      %add3A_333 = vector.broadcast %add3A_332 : i32 to vector<16xi32>
      %add3A_334 = arith.addi %mul3A_313, %add3A_333 : vector<16xi32>
      %gather3A_335 = arith.constant 0 : i32
      %gather3A_336 = arith.constant 0 : i32
      %gather3A_337 = tpu.memref_slice %arg15[%scan3A_257, %gather3A_335, %gather3A_336] : memref<2x128x128xf32, #tpu.memory_space<vmem>> -> memref<1x128x128xf32, #tpu.memory_space<vmem>>
      %gather3A_338 = tpu.memref_squeeze %gather3A_337 : memref<1x128x128xf32, #tpu.memory_space<vmem>> -> memref<128x128xf32, #tpu.memory_space<vmem>>
      %gather3A_339 = tpu.vector_load_idx %gather3A_338[%add3A_298, %add3A_334] : memref<128x128xf32, #tpu.memory_space<vmem>>[vector<16xi32>, vector<16xi32>], vector<16xf32>,
      %mul3A_340 = arith.mulf %gather3A_331, %gather3A_339 : vector<16xf32>
      %add3A_341 = arith.addf %add3A_319, %mul3A_340 : vector<16xf32>
      %add3A_342 = arith.constant 1 : i32
      %add3A_343 = vector.broadcast %add3A_342 : i32 to vector<16xi32>
      %add3A_344 = arith.addi %mul3A_305, %add3A_343 : vector<16xi32>
      %gather3A_345 = arith.constant 0 : i32
      %gather3A_346 = arith.constant 0 : i32
      %gather3A_347 = tpu.memref_slice %arg14[%scan3A_256, %gather3A_345, %gather3A_346] : memref<2x128x128xf32, #tpu.memory_space<vmem>> -> memref<1x128x128xf32, #tpu.memory_space<vmem>>
      %gather3A_348 = tpu.memref_squeeze %gather3A_347 : memref<1x128x128xf32, #tpu.memory_space<vmem>> -> memref<128x128xf32, #tpu.memory_space<vmem>>
      %gather3A_349 = tpu.vector_load_idx %gather3A_348[%add3A_298, %add3A_344] : memref<128x128xf32, #tpu.memory_space<vmem>>[vector<16xi32>, vector<16xi32>], vector<16xf32>,
      %add3A_350 = arith.constant 1 : i32
      %add3A_351 = vector.broadcast %add3A_350 : i32 to vector<16xi32>
      %add3A_352 = arith.addi %mul3A_313, %add3A_351 : vector<16xi32>
      %gather3A_353 = arith.constant 0 : i32
      %gather3A_354 = arith.constant 0 : i32
      %gather3A_355 = tpu.memref_slice %arg15[%scan3A_257, %gather3A_353, %gather3A_354] : memref<2x128x128xf32, #tpu.memory_space<vmem>> -> memref<1x128x128xf32, #tpu.memory_space<vmem>>
      %gather3A_356 = tpu.memref_squeeze %gather3A_355 : memref<1x128x128xf32, #tpu.memory_space<vmem>> -> memref<128x128xf32, #tpu.memory_space<vmem>>
      %gather3A_357 = tpu.vector_load_idx %gather3A_356[%add3A_298, %add3A_352] : memref<128x128xf32, #tpu.memory_space<vmem>>[vector<16xi32>, vector<16xi32>], vector<16xf32>,
      %mul3A_358 = arith.mulf %gather3A_349, %gather3A_357 : vector<16xf32>
      %add3A_359 = arith.addf %broadcast_in_dim3A_320, %mul3A_358 : vector<16xf32>
      %add3A_360 = arith.constant 2 : i32
      %add3A_361 = vector.broadcast %add3A_360 : i32 to vector<16xi32>
      %add3A_362 = arith.addi %mul3A_305, %add3A_361 : vector<16xi32>
      %gather3A_363 = arith.constant 0 : i32
      %gather3A_364 = arith.constant 0 : i32
      %gather3A_365 = tpu.memref_slice %arg14[%scan3A_256, %gather3A_363, %gather3A_364] : memref<2x128x128xf32, #tpu.memory_space<vmem>> -> memref<1x128x128xf32, #tpu.memory_space<vmem>>
      %gather3A_366 = tpu.memref_squeeze %gather3A_365 : memref<1x128x128xf32, #tpu.memory_space<vmem>> -> memref<128x128xf32, #tpu.memory_space<vmem>>
      %gather3A_367 = tpu.vector_load_idx %gather3A_366[%add3A_298, %add3A_362] : memref<128x128xf32, #tpu.memory_space<vmem>>[vector<16xi32>, vector<16xi32>], vector<16xf32>,
      %add3A_368 = arith.constant 2 : i32
      %add3A_369 = vector.broadcast %add3A_368 : i32 to vector<16xi32>
      %add3A_370 = arith.addi %mul3A_313, %add3A_369 : vector<16xi32>
      %gather3A_371 = arith.constant 0 : i32
      %gather3A_372 = arith.constant 0 : i32
      %gather3A_373 = tpu.memref_slice %arg15[%scan3A_257, %gather3A_371, %gather3A_372] : memref<2x128x128xf32, #tpu.memory_space<vmem>> -> memref<1x128x128xf32, #tpu.memory_space<vmem>>
      %gather3A_374 = tpu.memref_squeeze %gather3A_373 : memref<1x128x128xf32, #tpu.memory_space<vmem>> -> memref<128x128xf32, #tpu.memory_space<vmem>>
      %gather3A_375 = tpu.vector_load_idx %gather3A_374[%add3A_298, %add3A_370] : memref<128x128xf32, #tpu.memory_space<vmem>>[vector<16xi32>, vector<16xi32>], vector<16xf32>,
      %mul3A_376 = arith.mulf %gather3A_367, %gather3A_375 : vector<16xf32>
      %add3A_377 = arith.addf %broadcast_in_dim3A_322, %mul3A_376 : vector<16xf32>
      %add3A_378 = arith.constant 3 : i32
      %add3A_379 = vector.broadcast %add3A_378 : i32 to vector<16xi32>
      %add3A_380 = arith.addi %mul3A_305, %add3A_379 : vector<16xi32>
      %gather3A_381 = arith.constant 0 : i32
      %gather3A_382 = arith.constant 0 : i32
      %gather3A_383 = tpu.memref_slice %arg14[%scan3A_256, %gather3A_381, %gather3A_382] : memref<2x128x128xf32, #tpu.memory_space<vmem>> -> memref<1x128x128xf32, #tpu.memory_space<vmem>>
      %gather3A_384 = tpu.memref_squeeze %gather3A_383 : memref<1x128x128xf32, #tpu.memory_space<vmem>> -> memref<128x128xf32, #tpu.memory_space<vmem>>
      %gather3A_385 = tpu.vector_load_idx %gather3A_384[%add3A_298, %add3A_380] : memref<128x128xf32, #tpu.memory_space<vmem>>[vector<16xi32>, vector<16xi32>], vector<16xf32>,
      %add3A_386 = arith.constant 3 : i32
      %add3A_387 = vector.broadcast %add3A_386 : i32 to vector<16xi32>
      %add3A_388 = arith.addi %mul3A_313, %add3A_387 : vector<16xi32>
      %gather3A_389 = arith.constant 0 : i32
      %gather3A_390 = arith.constant 0 : i32
      %gather3A_391 = tpu.memref_slice %arg15[%scan3A_257, %gather3A_389, %gather3A_390] : memref<2x128x128xf32, #tpu.memory_space<vmem>> -> memref<1x128x128xf32, #tpu.memory_space<vmem>>
      %gather3A_392 = tpu.memref_squeeze %gather3A_391 : memref<1x128x128xf32, #tpu.memory_space<vmem>> -> memref<128x128xf32, #tpu.memory_space<vmem>>
      %gather3A_393 = tpu.vector_load_idx %gather3A_392[%add3A_298, %add3A_388] : memref<128x128xf32, #tpu.memory_space<vmem>>[vector<16xi32>, vector<16xi32>], vector<16xf32>,
      %mul3A_394 = arith.mulf %gather3A_385, %gather3A_393 : vector<16xf32>
      %add3A_395 = arith.addf %broadcast_in_dim3A_324, %mul3A_394 : vector<16xf32>
      %add3A_396 = arith.constant 4 : i32
      %add3A_397 = vector.broadcast %add3A_396 : i32 to vector<16xi32>
      %add3A_398 = arith.addi %mul3A_305, %add3A_397 : vector<16xi32>
      %gather3A_399 = arith.constant 0 : i32
      %gather3A_400 = arith.constant 0 : i32
      %gather3A_401 = tpu.memref_slice %arg14[%scan3A_256, %gather3A_399, %gather3A_400] : memref<2x128x128xf32, #tpu.memory_space<vmem>> -> memref<1x128x128xf32, #tpu.memory_space<vmem>>
      %gather3A_402 = tpu.memref_squeeze %gather3A_401 : memref<1x128x128xf32, #tpu.memory_space<vmem>> -> memref<128x128xf32, #tpu.memory_space<vmem>>
      %gather3A_403 = tpu.vector_load_idx %gather3A_402[%add3A_298, %add3A_398] : memref<128x128xf32, #tpu.memory_space<vmem>>[vector<16xi32>, vector<16xi32>], vector<16xf32>,
      %add3A_404 = arith.constant 4 : i32
      %add3A_405 = vector.broadcast %add3A_404 : i32 to vector<16xi32>
      %add3A_406 = arith.addi %mul3A_313, %add3A_405 : vector<16xi32>
      %gather3A_407 = arith.constant 0 : i32
      %gather3A_408 = arith.constant 0 : i32
      %gather3A_409 = tpu.memref_slice %arg15[%scan3A_257, %gather3A_407, %gather3A_408] : memref<2x128x128xf32, #tpu.memory_space<vmem>> -> memref<1x128x128xf32, #tpu.memory_space<vmem>>
      %gather3A_410 = tpu.memref_squeeze %gather3A_409 : memref<1x128x128xf32, #tpu.memory_space<vmem>> -> memref<128x128xf32, #tpu.memory_space<vmem>>
      %gather3A_411 = tpu.vector_load_idx %gather3A_410[%add3A_298, %add3A_406] : memref<128x128xf32, #tpu.memory_space<vmem>>[vector<16xi32>, vector<16xi32>], vector<16xf32>,
      %mul3A_412 = arith.mulf %gather3A_403, %gather3A_411 : vector<16xf32>
      %add3A_413 = arith.addf %add3A_341, %mul3A_412 : vector<16xf32>
      %add3A_414 = arith.constant 5 : i32
      %add3A_415 = vector.broadcast %add3A_414 : i32 to vector<16xi32>
      %add3A_416 = arith.addi %mul3A_305, %add3A_415 : vector<16xi32>
      %gather3A_417 = arith.constant 0 : i32
      %gather3A_418 = arith.constant 0 : i32
      %gather3A_419 = tpu.memref_slice %arg14[%scan3A_256, %gather3A_417, %gather3A_418] : memref<2x128x128xf32, #tpu.memory_space<vmem>> -> memref<1x128x128xf32, #tpu.memory_space<vmem>>
      %gather3A_420 = tpu.memref_squeeze %gather3A_419 : memref<1x128x128xf32, #tpu.memory_space<vmem>> -> memref<128x128xf32, #tpu.memory_space<vmem>>
      %gather3A_421 = tpu.vector_load_idx %gather3A_420[%add3A_298, %add3A_416] : memref<128x128xf32, #tpu.memory_space<vmem>>[vector<16xi32>, vector<16xi32>], vector<16xf32>,
      %add3A_422 = arith.constant 5 : i32
      %add3A_423 = vector.broadcast %add3A_422 : i32 to vector<16xi32>
      %add3A_424 = arith.addi %mul3A_313, %add3A_423 : vector<16xi32>
      %gather3A_425 = arith.constant 0 : i32
      %gather3A_426 = arith.constant 0 : i32
      %gather3A_427 = tpu.memref_slice %arg15[%scan3A_257, %gather3A_425, %gather3A_426] : memref<2x128x128xf32, #tpu.memory_space<vmem>> -> memref<1x128x128xf32, #tpu.memory_space<vmem>>
      %gather3A_428 = tpu.memref_squeeze %gather3A_427 : memref<1x128x128xf32, #tpu.memory_space<vmem>> -> memref<128x128xf32, #tpu.memory_space<vmem>>
      %gather3A_429 = tpu.vector_load_idx %gather3A_428[%add3A_298, %add3A_424] : memref<128x128xf32, #tpu.memory_space<vmem>>[vector<16xi32>, vector<16xi32>], vector<16xf32>,
      %mul3A_430 = arith.mulf %gather3A_421, %gather3A_429 : vector<16xf32>
      %add3A_431 = arith.addf %add3A_359, %mul3A_430 : vector<16xf32>
      %add3A_432 = arith.constant 6 : i32
      %add3A_433 = vector.broadcast %add3A_432 : i32 to vector<16xi32>
      %add3A_434 = arith.addi %mul3A_305, %add3A_433 : vector<16xi32>
      %gather3A_435 = arith.constant 0 : i32
      %gather3A_436 = arith.constant 0 : i32
      %gather3A_437 = tpu.memref_slice %arg14[%scan3A_256, %gather3A_435, %gather3A_436] : memref<2x128x128xf32, #tpu.memory_space<vmem>> -> memref<1x128x128xf32, #tpu.memory_space<vmem>>
      %gather3A_438 = tpu.memref_squeeze %gather3A_437 : memref<1x128x128xf32, #tpu.memory_space<vmem>> -> memref<128x128xf32, #tpu.memory_space<vmem>>
      %gather3A_439 = tpu.vector_load_idx %gather3A_438[%add3A_298, %add3A_434] : memref<128x128xf32, #tpu.memory_space<vmem>>[vector<16xi32>, vector<16xi32>], vector<16xf32>,
      %add3A_440 = arith.constant 6 : i32
      %add3A_441 = vector.broadcast %add3A_440 : i32 to vector<16xi32>
      %add3A_442 = arith.addi %mul3A_313, %add3A_441 : vector<16xi32>
      %gather3A_443 = arith.constant 0 : i32
      %gather3A_444 = arith.constant 0 : i32
      %gather3A_445 = tpu.memref_slice %arg15[%scan3A_257, %gather3A_443, %gather3A_444] : memref<2x128x128xf32, #tpu.memory_space<vmem>> -> memref<1x128x128xf32, #tpu.memory_space<vmem>>
      %gather3A_446 = tpu.memref_squeeze %gather3A_445 : memref<1x128x128xf32, #tpu.memory_space<vmem>> -> memref<128x128xf32, #tpu.memory_space<vmem>>
      %gather3A_447 = tpu.vector_load_idx %gather3A_446[%add3A_298, %add3A_442] : memref<128x128xf32, #tpu.memory_space<vmem>>[vector<16xi32>, vector<16xi32>], vector<16xf32>,
      %mul3A_448 = arith.mulf %gather3A_439, %gather3A_447 : vector<16xf32>
      %add3A_449 = arith.addf %add3A_377, %mul3A_448 : vector<16xf32>
      %add3A_450 = arith.constant 7 : i32
      %add3A_451 = vector.broadcast %add3A_450 : i32 to vector<16xi32>
      %add3A_452 = arith.addi %mul3A_305, %add3A_451 : vector<16xi32>
      %gather3A_453 = arith.constant 0 : i32
      %gather3A_454 = arith.constant 0 : i32
      %gather3A_455 = tpu.memref_slice %arg14[%scan3A_256, %gather3A_453, %gather3A_454] : memref<2x128x128xf32, #tpu.memory_space<vmem>> -> memref<1x128x128xf32, #tpu.memory_space<vmem>>
      %gather3A_456 = tpu.memref_squeeze %gather3A_455 : memref<1x128x128xf32, #tpu.memory_space<vmem>> -> memref<128x128xf32, #tpu.memory_space<vmem>>
      %gather3A_457 = tpu.vector_load_idx %gather3A_456[%add3A_298, %add3A_452] : memref<128x128xf32, #tpu.memory_space<vmem>>[vector<16xi32>, vector<16xi32>], vector<16xf32>,
      %add3A_458 = arith.constant 7 : i32
      %add3A_459 = vector.broadcast %add3A_458 : i32 to vector<16xi32>
      %add3A_460 = arith.addi %mul3A_313, %add3A_459 : vector<16xi32>
      %gather3A_461 = arith.constant 0 : i32
      %gather3A_462 = arith.constant 0 : i32
      %gather3A_463 = tpu.memref_slice %arg15[%scan3A_257, %gather3A_461, %gather3A_462] : memref<2x128x128xf32, #tpu.memory_space<vmem>> -> memref<1x128x128xf32, #tpu.memory_space<vmem>>
      %gather3A_464 = tpu.memref_squeeze %gather3A_463 : memref<1x128x128xf32, #tpu.memory_space<vmem>> -> memref<128x128xf32, #tpu.memory_space<vmem>>
      %gather3A_465 = tpu.vector_load_idx %gather3A_464[%add3A_298, %add3A_460] : memref<128x128xf32, #tpu.memory_space<vmem>>[vector<16xi32>, vector<16xi32>], vector<16xf32>,
      %mul3A_466 = arith.mulf %gather3A_457, %gather3A_465 : vector<16xf32>
      %add3A_467 = arith.addf %add3A_395, %mul3A_466 : vector<16xf32>
      %add3A_468 = arith.constant 8 : i32
      %add3A_469 = vector.broadcast %add3A_468 : i32 to vector<16xi32>
      %add3A_470 = arith.addi %mul3A_305, %add3A_469 : vector<16xi32>
      %gather3A_471 = arith.constant 0 : i32
      %gather3A_472 = arith.constant 0 : i32
      %gather3A_473 = tpu.memref_slice %arg14[%scan3A_256, %gather3A_471, %gather3A_472] : memref<2x128x128xf32, #tpu.memory_space<vmem>> -> memref<1x128x128xf32, #tpu.memory_space<vmem>>
      %gather3A_474 = tpu.memref_squeeze %gather3A_473 : memref<1x128x128xf32, #tpu.memory_space<vmem>> -> memref<128x128xf32, #tpu.memory_space<vmem>>
      %gather3A_475 = tpu.vector_load_idx %gather3A_474[%add3A_298, %add3A_470] : memref<128x128xf32, #tpu.memory_space<vmem>>[vector<16xi32>, vector<16xi32>], vector<16xf32>,
      %add3A_476 = arith.constant 8 : i32
      %add3A_477 = vector.broadcast %add3A_476 : i32 to vector<16xi32>
      %add3A_478 = arith.addi %mul3A_313, %add3A_477 : vector<16xi32>
      %gather3A_479 = arith.constant 0 : i32
      %gather3A_480 = arith.constant 0 : i32
      %gather3A_481 = tpu.memref_slice %arg15[%scan3A_257, %gather3A_479, %gather3A_480] : memref<2x128x128xf32, #tpu.memory_space<vmem>> -> memref<1x128x128xf32, #tpu.memory_space<vmem>>
      %gather3A_482 = tpu.memref_squeeze %gather3A_481 : memref<1x128x128xf32, #tpu.memory_space<vmem>> -> memref<128x128xf32, #tpu.memory_space<vmem>>
      %gather3A_483 = tpu.vector_load_idx %gather3A_482[%add3A_298, %add3A_478] : memref<128x128xf32, #tpu.memory_space<vmem>>[vector<16xi32>, vector<16xi32>], vector<16xf32>,
      %mul3A_484 = arith.mulf %gather3A_475, %gather3A_483 : vector<16xf32>
      %add3A_485 = arith.addf %add3A_413, %mul3A_484 : vector<16xf32>
      %add3A_486 = arith.constant 9 : i32
      %add3A_487 = vector.broadcast %add3A_486 : i32 to vector<16xi32>
      %add3A_488 = arith.addi %mul3A_305, %add3A_487 : vector<16xi32>
      %gather3A_489 = arith.constant 0 : i32
      %gather3A_490 = arith.constant 0 : i32
      %gather3A_491 = tpu.memref_slice %arg14[%scan3A_256, %gather3A_489, %gather3A_490] : memref<2x128x128xf32, #tpu.memory_space<vmem>> -> memref<1x128x128xf32, #tpu.memory_space<vmem>>
      %gather3A_492 = tpu.memref_squeeze %gather3A_491 : memref<1x128x128xf32, #tpu.memory_space<vmem>> -> memref<128x128xf32, #tpu.memory_space<vmem>>
      %gather3A_493 = tpu.vector_load_idx %gather3A_492[%add3A_298, %add3A_488] : memref<128x128xf32, #tpu.memory_space<vmem>>[vector<16xi32>, vector<16xi32>], vector<16xf32>,
      %add3A_494 = arith.constant 9 : i32
      %add3A_495 = vector.broadcast %add3A_494 : i32 to vector<16xi32>
      %add3A_496 = arith.addi %mul3A_313, %add3A_495 : vector<16xi32>
      %gather3A_497 = arith.constant 0 : i32
      %gather3A_498 = arith.constant 0 : i32
      %gather3A_499 = tpu.memref_slice %arg15[%scan3A_257, %gather3A_497, %gather3A_498] : memref<2x128x128xf32, #tpu.memory_space<vmem>> -> memref<1x128x128xf32, #tpu.memory_space<vmem>>
      %gather3A_500 = tpu.memref_squeeze %gather3A_499 : memref<1x128x128xf32, #tpu.memory_space<vmem>> -> memref<128x128xf32, #tpu.memory_space<vmem>>
      %gather3A_501 = tpu.vector_load_idx %gather3A_500[%add3A_298, %add3A_496] : memref<128x128xf32, #tpu.memory_space<vmem>>[vector<16xi32>, vector<16xi32>], vector<16xf32>,
      %mul3A_502 = arith.mulf %gather3A_493, %gather3A_501 : vector<16xf32>
      %add3A_503 = arith.addf %add3A_431, %mul3A_502 : vector<16xf32>
      %add3A_504 = arith.constant 10 : i32
      %add3A_505 = vector.broadcast %add3A_504 : i32 to vector<16xi32>
      %add3A_506 = arith.addi %mul3A_305, %add3A_505 : vector<16xi32>
      %gather3A_507 = arith.constant 0 : i32
      %gather3A_508 = arith.constant 0 : i32
      %gather3A_509 = tpu.memref_slice %arg14[%scan3A_256, %gather3A_507, %gather3A_508] : memref<2x128x128xf32, #tpu.memory_space<vmem>> -> memref<1x128x128xf32, #tpu.memory_space<vmem>>
      %gather3A_510 = tpu.memref_squeeze %gather3A_509 : memref<1x128x128xf32, #tpu.memory_space<vmem>> -> memref<128x128xf32, #tpu.memory_space<vmem>>
      %gather3A_511 = tpu.vector_load_idx %gather3A_510[%add3A_298, %add3A_506] : memref<128x128xf32, #tpu.memory_space<vmem>>[vector<16xi32>, vector<16xi32>], vector<16xf32>,
      %add3A_512 = arith.constant 10 : i32
      %add3A_513 = vector.broadcast %add3A_512 : i32 to vector<16xi32>
      %add3A_514 = arith.addi %mul3A_313, %add3A_513 : vector<16xi32>
      %gather3A_515 = arith.constant 0 : i32
      %gather3A_516 = arith.constant 0 : i32
      %gather3A_517 = tpu.memref_slice %arg15[%scan3A_257, %gather3A_515, %gather3A_516] : memref<2x128x128xf32, #tpu.memory_space<vmem>> -> memref<1x128x128xf32, #tpu.memory_space<vmem>>
      %gather3A_518 = tpu.memref_squeeze %gather3A_517 : memref<1x128x128xf32, #tpu.memory_space<vmem>> -> memref<128x128xf32, #tpu.memory_space<vmem>>
      %gather3A_519 = tpu.vector_load_idx %gather3A_518[%add3A_298, %add3A_514] : memref<128x128xf32, #tpu.memory_space<vmem>>[vector<16xi32>, vector<16xi32>], vector<16xf32>,
      %mul3A_520 = arith.mulf %gather3A_511, %gather3A_519 : vector<16xf32>
      %add3A_521 = arith.addf %add3A_449, %mul3A_520 : vector<16xf32>
      %add3A_522 = arith.constant 11 : i32
      %add3A_523 = vector.broadcast %add3A_522 : i32 to vector<16xi32>
      %add3A_524 = arith.addi %mul3A_305, %add3A_523 : vector<16xi32>
      %gather3A_525 = arith.constant 0 : i32
      %gather3A_526 = arith.constant 0 : i32
      %gather3A_527 = tpu.memref_slice %arg14[%scan3A_256, %gather3A_525, %gather3A_526] : memref<2x128x128xf32, #tpu.memory_space<vmem>> -> memref<1x128x128xf32, #tpu.memory_space<vmem>>
      %gather3A_528 = tpu.memref_squeeze %gather3A_527 : memref<1x128x128xf32, #tpu.memory_space<vmem>> -> memref<128x128xf32, #tpu.memory_space<vmem>>
      %gather3A_529 = tpu.vector_load_idx %gather3A_528[%add3A_298, %add3A_524] : memref<128x128xf32, #tpu.memory_space<vmem>>[vector<16xi32>, vector<16xi32>], vector<16xf32>,
      %add3A_530 = arith.constant 11 : i32
      %add3A_531 = vector.broadcast %add3A_530 : i32 to vector<16xi32>
      %add3A_532 = arith.addi %mul3A_313, %add3A_531 : vector<16xi32>
      %gather3A_533 = arith.constant 0 : i32
      %gather3A_534 = arith.constant 0 : i32
      %gather3A_535 = tpu.memref_slice %arg15[%scan3A_257, %gather3A_533, %gather3A_534] : memref<2x128x128xf32, #tpu.memory_space<vmem>> -> memref<1x128x128xf32, #tpu.memory_space<vmem>>
      %gather3A_536 = tpu.memref_squeeze %gather3A_535 : memref<1x128x128xf32, #tpu.memory_space<vmem>> -> memref<128x128xf32, #tpu.memory_space<vmem>>
      %gather3A_537 = tpu.vector_load_idx %gather3A_536[%add3A_298, %add3A_532] : memref<128x128xf32, #tpu.memory_space<vmem>>[vector<16xi32>, vector<16xi32>], vector<16xf32>,
      %mul3A_538 = arith.mulf %gather3A_529, %gather3A_537 : vector<16xf32>
      %add3A_539 = arith.addf %add3A_467, %mul3A_538 : vector<16xf32>
      %add3A_540 = arith.constant 12 : i32
      %add3A_541 = vector.broadcast %add3A_540 : i32 to vector<16xi32>
      %add3A_542 = arith.addi %mul3A_305, %add3A_541 : vector<16xi32>
      %gather3A_543 = arith.constant 0 : i32
      %gather3A_544 = arith.constant 0 : i32
      %gather3A_545 = tpu.memref_slice %arg14[%scan3A_256, %gather3A_543, %gather3A_544] : memref<2x128x128xf32, #tpu.memory_space<vmem>> -> memref<1x128x128xf32, #tpu.memory_space<vmem>>
      %gather3A_546 = tpu.memref_squeeze %gather3A_545 : memref<1x128x128xf32, #tpu.memory_space<vmem>> -> memref<128x128xf32, #tpu.memory_space<vmem>>
      %gather3A_547 = tpu.vector_load_idx %gather3A_546[%add3A_298, %add3A_542] : memref<128x128xf32, #tpu.memory_space<vmem>>[vector<16xi32>, vector<16xi32>], vector<16xf32>,
      %add3A_548 = arith.constant 12 : i32
      %add3A_549 = vector.broadcast %add3A_548 : i32 to vector<16xi32>
      %add3A_550 = arith.addi %mul3A_313, %add3A_549 : vector<16xi32>
      %gather3A_551 = arith.constant 0 : i32
      %gather3A_552 = arith.constant 0 : i32
      %gather3A_553 = tpu.memref_slice %arg15[%scan3A_257, %gather3A_551, %gather3A_552] : memref<2x128x128xf32, #tpu.memory_space<vmem>> -> memref<1x128x128xf32, #tpu.memory_space<vmem>>
      %gather3A_554 = tpu.memref_squeeze %gather3A_553 : memref<1x128x128xf32, #tpu.memory_space<vmem>> -> memref<128x128xf32, #tpu.memory_space<vmem>>
      %gather3A_555 = tpu.vector_load_idx %gather3A_554[%add3A_298, %add3A_550] : memref<128x128xf32, #tpu.memory_space<vmem>>[vector<16xi32>, vector<16xi32>], vector<16xf32>,
      %mul3A_556 = arith.mulf %gather3A_547, %gather3A_555 : vector<16xf32>
      %add3A_557 = arith.addf %add3A_485, %mul3A_556 : vector<16xf32>
      %add3A_558 = arith.constant 13 : i32
      %add3A_559 = vector.broadcast %add3A_558 : i32 to vector<16xi32>
      %add3A_560 = arith.addi %mul3A_305, %add3A_559 : vector<16xi32>
      %gather3A_561 = arith.constant 0 : i32
      %gather3A_562 = arith.constant 0 : i32
      %gather3A_563 = tpu.memref_slice %arg14[%scan3A_256, %gather3A_561, %gather3A_562] : memref<2x128x128xf32, #tpu.memory_space<vmem>> -> memref<1x128x128xf32, #tpu.memory_space<vmem>>
      %gather3A_564 = tpu.memref_squeeze %gather3A_563 : memref<1x128x128xf32, #tpu.memory_space<vmem>> -> memref<128x128xf32, #tpu.memory_space<vmem>>
      %gather3A_565 = tpu.vector_load_idx %gather3A_564[%add3A_298, %add3A_560] : memref<128x128xf32, #tpu.memory_space<vmem>>[vector<16xi32>, vector<16xi32>], vector<16xf32>,
      %add3A_566 = arith.constant 13 : i32
      %add3A_567 = vector.broadcast %add3A_566 : i32 to vector<16xi32>
      %add3A_568 = arith.addi %mul3A_313, %add3A_567 : vector<16xi32>
      %gather3A_569 = arith.constant 0 : i32
      %gather3A_570 = arith.constant 0 : i32
      %gather3A_571 = tpu.memref_slice %arg15[%scan3A_257, %gather3A_569, %gather3A_570] : memref<2x128x128xf32, #tpu.memory_space<vmem>> -> memref<1x128x128xf32, #tpu.memory_space<vmem>>
      %gather3A_572 = tpu.memref_squeeze %gather3A_571 : memref<1x128x128xf32, #tpu.memory_space<vmem>> -> memref<128x128xf32, #tpu.memory_space<vmem>>
      %gather3A_573 = tpu.vector_load_idx %gather3A_572[%add3A_298, %add3A_568] : memref<128x128xf32, #tpu.memory_space<vmem>>[vector<16xi32>, vector<16xi32>], vector<16xf32>,
      %mul3A_574 = arith.mulf %gather3A_565, %gather3A_573 : vector<16xf32>
      %add3A_575 = arith.addf %add3A_503, %mul3A_574 : vector<16xf32>
      %add3A_576 = arith.constant 14 : i32
      %add3A_577 = vector.broadcast %add3A_576 : i32 to vector<16xi32>
      %add3A_578 = arith.addi %mul3A_305, %add3A_577 : vector<16xi32>
      %gather3A_579 = arith.constant 0 : i32
      %gather3A_580 = arith.constant 0 : i32
      %gather3A_581 = tpu.memref_slice %arg14[%scan3A_256, %gather3A_579, %gather3A_580] : memref<2x128x128xf32, #tpu.memory_space<vmem>> -> memref<1x128x128xf32, #tpu.memory_space<vmem>>
      %gather3A_582 = tpu.memref_squeeze %gather3A_581 : memref<1x128x128xf32, #tpu.memory_space<vmem>> -> memref<128x128xf32, #tpu.memory_space<vmem>>
      %gather3A_583 = tpu.vector_load_idx %gather3A_582[%add3A_298, %add3A_578] : memref<128x128xf32, #tpu.memory_space<vmem>>[vector<16xi32>, vector<16xi32>], vector<16xf32>,
      %add3A_584 = arith.constant 14 : i32
      %add3A_585 = vector.broadcast %add3A_584 : i32 to vector<16xi32>
      %add3A_586 = arith.addi %mul3A_313, %add3A_585 : vector<16xi32>
      %gather3A_587 = arith.constant 0 : i32
      %gather3A_588 = arith.constant 0 : i32
      %gather3A_589 = tpu.memref_slice %arg15[%scan3A_257, %gather3A_587, %gather3A_588] : memref<2x128x128xf32, #tpu.memory_space<vmem>> -> memref<1x128x128xf32, #tpu.memory_space<vmem>>
      %gather3A_590 = tpu.memref_squeeze %gather3A_589 : memref<1x128x128xf32, #tpu.memory_space<vmem>> -> memref<128x128xf32, #tpu.memory_space<vmem>>
      %gather3A_591 = tpu.vector_load_idx %gather3A_590[%add3A_298, %add3A_586] : memref<128x128xf32, #tpu.memory_space<vmem>>[vector<16xi32>, vector<16xi32>], vector<16xf32>,
      %mul3A_592 = arith.mulf %gather3A_583, %gather3A_591 : vector<16xf32>
      %add3A_593 = arith.addf %add3A_521, %mul3A_592 : vector<16xf32>
      %add3A_594 = arith.constant 15 : i32
      %add3A_595 = vector.broadcast %add3A_594 : i32 to vector<16xi32>
      %add3A_596 = arith.addi %mul3A_305, %add3A_595 : vector<16xi32>
      %gather3A_597 = arith.constant 0 : i32
      %gather3A_598 = arith.constant 0 : i32
      %gather3A_599 = tpu.memref_slice %arg14[%scan3A_256, %gather3A_597, %gather3A_598] : memref<2x128x128xf32, #tpu.memory_space<vmem>> -> memref<1x128x128xf32, #tpu.memory_space<vmem>>
      %gather3A_600 = tpu.memref_squeeze %gather3A_599 : memref<1x128x128xf32, #tpu.memory_space<vmem>> -> memref<128x128xf32, #tpu.memory_space<vmem>>
      %gather3A_601 = tpu.vector_load_idx %gather3A_600[%add3A_298, %add3A_596] : memref<128x128xf32, #tpu.memory_space<vmem>>[vector<16xi32>, vector<16xi32>], vector<16xf32>,
      %add3A_602 = arith.constant 15 : i32
      %add3A_603 = vector.broadcast %add3A_602 : i32 to vector<16xi32>
      %add3A_604 = arith.addi %mul3A_313, %add3A_603 : vector<16xi32>
      %gather3A_605 = arith.constant 0 : i32
      %gather3A_606 = arith.constant 0 : i32
      %gather3A_607 = tpu.memref_slice %arg15[%scan3A_257, %gather3A_605, %gather3A_606] : memref<2x128x128xf32, #tpu.memory_space<vmem>> -> memref<1x128x128xf32, #tpu.memory_space<vmem>>
      %gather3A_608 = tpu.memref_squeeze %gather3A_607 : memref<1x128x128xf32, #tpu.memory_space<vmem>> -> memref<128x128xf32, #tpu.memory_space<vmem>>
      %gather3A_609 = tpu.vector_load_idx %gather3A_608[%add3A_298, %add3A_604] : memref<128x128xf32, #tpu.memory_space<vmem>>[vector<16xi32>, vector<16xi32>], vector<16xf32>,
      %mul3A_610 = arith.mulf %gather3A_601, %gather3A_609 : vector<16xf32>
      %add3A_611 = arith.addf %add3A_539, %mul3A_610 : vector<16xf32>
      %add3A_612 = arith.constant 16 : i32
      %add3A_613 = vector.broadcast %add3A_612 : i32 to vector<16xi32>
      %add3A_614 = arith.addi %mul3A_305, %add3A_613 : vector<16xi32>
      %gather3A_615 = arith.constant 0 : i32
      %gather3A_616 = arith.constant 0 : i32
      %gather3A_617 = tpu.memref_slice %arg14[%scan3A_256, %gather3A_615, %gather3A_616] : memref<2x128x128xf32, #tpu.memory_space<vmem>> -> memref<1x128x128xf32, #tpu.memory_space<vmem>>
      %gather3A_618 = tpu.memref_squeeze %gather3A_617 : memref<1x128x128xf32, #tpu.memory_space<vmem>> -> memref<128x128xf32, #tpu.memory_space<vmem>>
      %gather3A_619 = tpu.vector_load_idx %gather3A_618[%add3A_298, %add3A_614] : memref<128x128xf32, #tpu.memory_space<vmem>>[vector<16xi32>, vector<16xi32>], vector<16xf32>,
      %add3A_620 = arith.constant 16 : i32
      %add3A_621 = vector.broadcast %add3A_620 : i32 to vector<16xi32>
      %add3A_622 = arith.addi %mul3A_313, %add3A_621 : vector<16xi32>
      %gather3A_623 = arith.constant 0 : i32
      %gather3A_624 = arith.constant 0 : i32
      %gather3A_625 = tpu.memref_slice %arg15[%scan3A_257, %gather3A_623, %gather3A_624] : memref<2x128x128xf32, #tpu.memory_space<vmem>> -> memref<1x128x128xf32, #tpu.memory_space<vmem>>
      %gather3A_626 = tpu.memref_squeeze %gather3A_625 : memref<1x128x128xf32, #tpu.memory_space<vmem>> -> memref<128x128xf32, #tpu.memory_space<vmem>>
      %gather3A_627 = tpu.vector_load_idx %gather3A_626[%add3A_298, %add3A_622] : memref<128x128xf32, #tpu.memory_space<vmem>>[vector<16xi32>, vector<16xi32>], vector<16xf32>,
      %mul3A_628 = arith.mulf %gather3A_619, %gather3A_627 : vector<16xf32>
      %add3A_629 = arith.addf %add3A_557, %mul3A_628 : vector<16xf32>
      %add3A_630 = arith.constant 17 : i32
      %add3A_631 = vector.broadcast %add3A_630 : i32 to vector<16xi32>
      %add3A_632 = arith.addi %mul3A_305, %add3A_631 : vector<16xi32>
      %gather3A_633 = arith.constant 0 : i32
      %gather3A_634 = arith.constant 0 : i32
      %gather3A_635 = tpu.memref_slice %arg14[%scan3A_256, %gather3A_633, %gather3A_634] : memref<2x128x128xf32, #tpu.memory_space<vmem>> -> memref<1x128x128xf32, #tpu.memory_space<vmem>>
      %gather3A_636 = tpu.memref_squeeze %gather3A_635 : memref<1x128x128xf32, #tpu.memory_space<vmem>> -> memref<128x128xf32, #tpu.memory_space<vmem>>
      %gather3A_637 = tpu.vector_load_idx %gather3A_636[%add3A_298, %add3A_632] : memref<128x128xf32, #tpu.memory_space<vmem>>[vector<16xi32>, vector<16xi32>], vector<16xf32>,
      %add3A_638 = arith.constant 17 : i32
      %add3A_639 = vector.broadcast %add3A_638 : i32 to vector<16xi32>
      %add3A_640 = arith.addi %mul3A_313, %add3A_639 : vector<16xi32>
      %gather3A_641 = arith.constant 0 : i32
      %gather3A_642 = arith.constant 0 : i32
      %gather3A_643 = tpu.memref_slice %arg15[%scan3A_257, %gather3A_641, %gather3A_642] : memref<2x128x128xf32, #tpu.memory_space<vmem>> -> memref<1x128x128xf32, #tpu.memory_space<vmem>>
      %gather3A_644 = tpu.memref_squeeze %gather3A_643 : memref<1x128x128xf32, #tpu.memory_space<vmem>> -> memref<128x128xf32, #tpu.memory_space<vmem>>
      %gather3A_645 = tpu.vector_load_idx %gather3A_644[%add3A_298, %add3A_640] : memref<128x128xf32, #tpu.memory_space<vmem>>[vector<16xi32>, vector<16xi32>], vector<16xf32>,
      %mul3A_646 = arith.mulf %gather3A_637, %gather3A_645 : vector<16xf32>
      %add3A_647 = arith.addf %add3A_575, %mul3A_646 : vector<16xf32>
      %add3A_648 = arith.constant 18 : i32
      %add3A_649 = vector.broadcast %add3A_648 : i32 to vector<16xi32>
      %add3A_650 = arith.addi %mul3A_305, %add3A_649 : vector<16xi32>
      %gather3A_651 = arith.constant 0 : i32
      %gather3A_652 = arith.constant 0 : i32
      %gather3A_653 = tpu.memref_slice %arg14[%scan3A_256, %gather3A_651, %gather3A_652] : memref<2x128x128xf32, #tpu.memory_space<vmem>> -> memref<1x128x128xf32, #tpu.memory_space<vmem>>
      %gather3A_654 = tpu.memref_squeeze %gather3A_653 : memref<1x128x128xf32, #tpu.memory_space<vmem>> -> memref<128x128xf32, #tpu.memory_space<vmem>>
      %gather3A_655 = tpu.vector_load_idx %gather3A_654[%add3A_298, %add3A_650] : memref<128x128xf32, #tpu.memory_space<vmem>>[vector<16xi32>, vector<16xi32>], vector<16xf32>,
      %add3A_656 = arith.constant 18 : i32
      %add3A_657 = vector.broadcast %add3A_656 : i32 to vector<16xi32>
      %add3A_658 = arith.addi %mul3A_313, %add3A_657 : vector<16xi32>
      %gather3A_659 = arith.constant 0 : i32
      %gather3A_660 = arith.constant 0 : i32
      %gather3A_661 = tpu.memref_slice %arg15[%scan3A_257, %gather3A_659, %gather3A_660] : memref<2x128x128xf32, #tpu.memory_space<vmem>> -> memref<1x128x128xf32, #tpu.memory_space<vmem>>
      %gather3A_662 = tpu.memref_squeeze %gather3A_661 : memref<1x128x128xf32, #tpu.memory_space<vmem>> -> memref<128x128xf32, #tpu.memory_space<vmem>>
      %gather3A_663 = tpu.vector_load_idx %gather3A_662[%add3A_298, %add3A_658] : memref<128x128xf32, #tpu.memory_space<vmem>>[vector<16xi32>, vector<16xi32>], vector<16xf32>,
      %mul3A_664 = arith.mulf %gather3A_655, %gather3A_663 : vector<16xf32>
      %add3A_665 = arith.addf %add3A_593, %mul3A_664 : vector<16xf32>
      %add3A_666 = arith.constant 19 : i32
      %add3A_667 = vector.broadcast %add3A_666 : i32 to vector<16xi32>
      %add3A_668 = arith.addi %mul3A_305, %add3A_667 : vector<16xi32>
      %gather3A_669 = arith.constant 0 : i32
      %gather3A_670 = arith.constant 0 : i32
      %gather3A_671 = tpu.memref_slice %arg14[%scan3A_256, %gather3A_669, %gather3A_670] : memref<2x128x128xf32, #tpu.memory_space<vmem>> -> memref<1x128x128xf32, #tpu.memory_space<vmem>>
      %gather3A_672 = tpu.memref_squeeze %gather3A_671 : memref<1x128x128xf32, #tpu.memory_space<vmem>> -> memref<128x128xf32, #tpu.memory_space<vmem>>
      %gather3A_673 = tpu.vector_load_idx %gather3A_672[%add3A_298, %add3A_668] : memref<128x128xf32, #tpu.memory_space<vmem>>[vector<16xi32>, vector<16xi32>], vector<16xf32>,
      %add3A_674 = arith.constant 19 : i32
      %add3A_675 = vector.broadcast %add3A_674 : i32 to vector<16xi32>
      %add3A_676 = arith.addi %mul3A_313, %add3A_675 : vector<16xi32>
      %gather3A_677 = arith.constant 0 : i32
      %gather3A_678 = arith.constant 0 : i32
      %gather3A_679 = tpu.memref_slice %arg15[%scan3A_257, %gather3A_677, %gather3A_678] : memref<2x128x128xf32, #tpu.memory_space<vmem>> -> memref<1x128x128xf32, #tpu.memory_space<vmem>>
      %gather3A_680 = tpu.memref_squeeze %gather3A_679 : memref<1x128x128xf32, #tpu.memory_space<vmem>> -> memref<128x128xf32, #tpu.memory_space<vmem>>
      %gather3A_681 = tpu.vector_load_idx %gather3A_680[%add3A_298, %add3A_676] : memref<128x128xf32, #tpu.memory_space<vmem>>[vector<16xi32>, vector<16xi32>], vector<16xf32>,
      %mul3A_682 = arith.mulf %gather3A_673, %gather3A_681 : vector<16xf32>
      %add3A_683 = arith.addf %add3A_611, %mul3A_682 : vector<16xf32>
      %add3A_684 = arith.constant 20 : i32
      %add3A_685 = vector.broadcast %add3A_684 : i32 to vector<16xi32>
      %add3A_686 = arith.addi %mul3A_305, %add3A_685 : vector<16xi32>
      %gather3A_687 = arith.constant 0 : i32
      %gather3A_688 = arith.constant 0 : i32
      %gather3A_689 = tpu.memref_slice %arg14[%scan3A_256, %gather3A_687, %gather3A_688] : memref<2x128x128xf32, #tpu.memory_space<vmem>> -> memref<1x128x128xf32, #tpu.memory_space<vmem>>
      %gather3A_690 = tpu.memref_squeeze %gather3A_689 : memref<1x128x128xf32, #tpu.memory_space<vmem>> -> memref<128x128xf32, #tpu.memory_space<vmem>>
      %gather3A_691 = tpu.vector_load_idx %gather3A_690[%add3A_298, %add3A_686] : memref<128x128xf32, #tpu.memory_space<vmem>>[vector<16xi32>, vector<16xi32>], vector<16xf32>,
      %add3A_692 = arith.constant 20 : i32
      %add3A_693 = vector.broadcast %add3A_692 : i32 to vector<16xi32>
      %add3A_694 = arith.addi %mul3A_313, %add3A_693 : vector<16xi32>
      %gather3A_695 = arith.constant 0 : i32
      %gather3A_696 = arith.constant 0 : i32
      %gather3A_697 = tpu.memref_slice %arg15[%scan3A_257, %gather3A_695, %gather3A_696] : memref<2x128x128xf32, #tpu.memory_space<vmem>> -> memref<1x128x128xf32, #tpu.memory_space<vmem>>
      %gather3A_698 = tpu.memref_squeeze %gather3A_697 : memref<1x128x128xf32, #tpu.memory_space<vmem>> -> memref<128x128xf32, #tpu.memory_space<vmem>>
      %gather3A_699 = tpu.vector_load_idx %gather3A_698[%add3A_298, %add3A_694] : memref<128x128xf32, #tpu.memory_space<vmem>>[vector<16xi32>, vector<16xi32>], vector<16xf32>,
      %mul3A_700 = arith.mulf %gather3A_691, %gather3A_699 : vector<16xf32>
      %add3A_701 = arith.addf %add3A_629, %mul3A_700 : vector<16xf32>
      %add3A_702 = arith.constant 21 : i32
      %add3A_703 = vector.broadcast %add3A_702 : i32 to vector<16xi32>
      %add3A_704 = arith.addi %mul3A_305, %add3A_703 : vector<16xi32>
      %gather3A_705 = arith.constant 0 : i32
      %gather3A_706 = arith.constant 0 : i32
      %gather3A_707 = tpu.memref_slice %arg14[%scan3A_256, %gather3A_705, %gather3A_706] : memref<2x128x128xf32, #tpu.memory_space<vmem>> -> memref<1x128x128xf32, #tpu.memory_space<vmem>>
      %gather3A_708 = tpu.memref_squeeze %gather3A_707 : memref<1x128x128xf32, #tpu.memory_space<vmem>> -> memref<128x128xf32, #tpu.memory_space<vmem>>
      %gather3A_709 = tpu.vector_load_idx %gather3A_708[%add3A_298, %add3A_704] : memref<128x128xf32, #tpu.memory_space<vmem>>[vector<16xi32>, vector<16xi32>], vector<16xf32>,
      %add3A_710 = arith.constant 21 : i32
      %add3A_711 = vector.broadcast %add3A_710 : i32 to vector<16xi32>
      %add3A_712 = arith.addi %mul3A_313, %add3A_711 : vector<16xi32>
      %gather3A_713 = arith.constant 0 : i32
      %gather3A_714 = arith.constant 0 : i32
      %gather3A_715 = tpu.memref_slice %arg15[%scan3A_257, %gather3A_713, %gather3A_714] : memref<2x128x128xf32, #tpu.memory_space<vmem>> -> memref<1x128x128xf32, #tpu.memory_space<vmem>>
      %gather3A_716 = tpu.memref_squeeze %gather3A_715 : memref<1x128x128xf32, #tpu.memory_space<vmem>> -> memref<128x128xf32, #tpu.memory_space<vmem>>
      %gather3A_717 = tpu.vector_load_idx %gather3A_716[%add3A_298, %add3A_712] : memref<128x128xf32, #tpu.memory_space<vmem>>[vector<16xi32>, vector<16xi32>], vector<16xf32>,
      %mul3A_718 = arith.mulf %gather3A_709, %gather3A_717 : vector<16xf32>
      %add3A_719 = arith.addf %add3A_647, %mul3A_718 : vector<16xf32>
      %add3A_720 = arith.constant 22 : i32
      %add3A_721 = vector.broadcast %add3A_720 : i32 to vector<16xi32>
      %add3A_722 = arith.addi %mul3A_305, %add3A_721 : vector<16xi32>
      %gather3A_723 = arith.constant 0 : i32
      %gather3A_724 = arith.constant 0 : i32
      %gather3A_725 = tpu.memref_slice %arg14[%scan3A_256, %gather3A_723, %gather3A_724] : memref<2x128x128xf32, #tpu.memory_space<vmem>> -> memref<1x128x128xf32, #tpu.memory_space<vmem>>
      %gather3A_726 = tpu.memref_squeeze %gather3A_725 : memref<1x128x128xf32, #tpu.memory_space<vmem>> -> memref<128x128xf32, #tpu.memory_space<vmem>>
      %gather3A_727 = tpu.vector_load_idx %gather3A_726[%add3A_298, %add3A_722] : memref<128x128xf32, #tpu.memory_space<vmem>>[vector<16xi32>, vector<16xi32>], vector<16xf32>,
      %add3A_728 = arith.constant 22 : i32
      %add3A_729 = vector.broadcast %add3A_728 : i32 to vector<16xi32>
      %add3A_730 = arith.addi %mul3A_313, %add3A_729 : vector<16xi32>
      %gather3A_731 = arith.constant 0 : i32
      %gather3A_732 = arith.constant 0 : i32
      %gather3A_733 = tpu.memref_slice %arg15[%scan3A_257, %gather3A_731, %gather3A_732] : memref<2x128x128xf32, #tpu.memory_space<vmem>> -> memref<1x128x128xf32, #tpu.memory_space<vmem>>
      %gather3A_734 = tpu.memref_squeeze %gather3A_733 : memref<1x128x128xf32, #tpu.memory_space<vmem>> -> memref<128x128xf32, #tpu.memory_space<vmem>>
      %gather3A_735 = tpu.vector_load_idx %gather3A_734[%add3A_298, %add3A_730] : memref<128x128xf32, #tpu.memory_space<vmem>>[vector<16xi32>, vector<16xi32>], vector<16xf32>,
      %mul3A_736 = arith.mulf %gather3A_727, %gather3A_735 : vector<16xf32>
      %add3A_737 = arith.addf %add3A_665, %mul3A_736 : vector<16xf32>
      %add3A_738 = arith.constant 23 : i32
      %add3A_739 = vector.broadcast %add3A_738 : i32 to vector<16xi32>
      %add3A_740 = arith.addi %mul3A_305, %add3A_739 : vector<16xi32>
      %gather3A_741 = arith.constant 0 : i32
      %gather3A_742 = arith.constant 0 : i32
      %gather3A_743 = tpu.memref_slice %arg14[%scan3A_256, %gather3A_741, %gather3A_742] : memref<2x128x128xf32, #tpu.memory_space<vmem>> -> memref<1x128x128xf32, #tpu.memory_space<vmem>>
      %gather3A_744 = tpu.memref_squeeze %gather3A_743 : memref<1x128x128xf32, #tpu.memory_space<vmem>> -> memref<128x128xf32, #tpu.memory_space<vmem>>
      %gather3A_745 = tpu.vector_load_idx %gather3A_744[%add3A_298, %add3A_740] : memref<128x128xf32, #tpu.memory_space<vmem>>[vector<16xi32>, vector<16xi32>], vector<16xf32>,
      %add3A_746 = arith.constant 23 : i32
      %add3A_747 = vector.broadcast %add3A_746 : i32 to vector<16xi32>
      %add3A_748 = arith.addi %mul3A_313, %add3A_747 : vector<16xi32>
      %gather3A_749 = arith.constant 0 : i32
      %gather3A_750 = arith.constant 0 : i32
      %gather3A_751 = tpu.memref_slice %arg15[%scan3A_257, %gather3A_749, %gather3A_750] : memref<2x128x128xf32, #tpu.memory_space<vmem>> -> memref<1x128x128xf32, #tpu.memory_space<vmem>>
      %gather3A_752 = tpu.memref_squeeze %gather3A_751 : memref<1x128x128xf32, #tpu.memory_space<vmem>> -> memref<128x128xf32, #tpu.memory_space<vmem>>
      %gather3A_753 = tpu.vector_load_idx %gather3A_752[%add3A_298, %add3A_748] : memref<128x128xf32, #tpu.memory_space<vmem>>[vector<16xi32>, vector<16xi32>], vector<16xf32>,
      %mul3A_754 = arith.mulf %gather3A_745, %gather3A_753 : vector<16xf32>
      %add3A_755 = arith.addf %add3A_683, %mul3A_754 : vector<16xf32>
      %add3A_756 = arith.constant 24 : i32
      %add3A_757 = vector.broadcast %add3A_756 : i32 to vector<16xi32>
      %add3A_758 = arith.addi %mul3A_305, %add3A_757 : vector<16xi32>
      %gather3A_759 = arith.constant 0 : i32
      %gather3A_760 = arith.constant 0 : i32
      %gather3A_761 = tpu.memref_slice %arg14[%scan3A_256, %gather3A_759, %gather3A_760] : memref<2x128x128xf32, #tpu.memory_space<vmem>> -> memref<1x128x128xf32, #tpu.memory_space<vmem>>
      %gather3A_762 = tpu.memref_squeeze %gather3A_761 : memref<1x128x128xf32, #tpu.memory_space<vmem>> -> memref<128x128xf32, #tpu.memory_space<vmem>>
      %gather3A_763 = tpu.vector_load_idx %gather3A_762[%add3A_298, %add3A_758] : memref<128x128xf32, #tpu.memory_space<vmem>>[vector<16xi32>, vector<16xi32>], vector<16xf32>,
      %add3A_764 = arith.constant 24 : i32
      %add3A_765 = vector.broadcast %add3A_764 : i32 to vector<16xi32>
      %add3A_766 = arith.addi %mul3A_313, %add3A_765 : vector<16xi32>
      %gather3A_767 = arith.constant 0 : i32
      %gather3A_768 = arith.constant 0 : i32
      %gather3A_769 = tpu.memref_slice %arg15[%scan3A_257, %gather3A_767, %gather3A_768] : memref<2x128x128xf32, #tpu.memory_space<vmem>> -> memref<1x128x128xf32, #tpu.memory_space<vmem>>
      %gather3A_770 = tpu.memref_squeeze %gather3A_769 : memref<1x128x128xf32, #tpu.memory_space<vmem>> -> memref<128x128xf32, #tpu.memory_space<vmem>>
      %gather3A_771 = tpu.vector_load_idx %gather3A_770[%add3A_298, %add3A_766] : memref<128x128xf32, #tpu.memory_space<vmem>>[vector<16xi32>, vector<16xi32>], vector<16xf32>,
      %mul3A_772 = arith.mulf %gather3A_763, %gather3A_771 : vector<16xf32>
      %add3A_773 = arith.addf %add3A_701, %mul3A_772 : vector<16xf32>
      %add3A_774 = arith.constant 25 : i32
      %add3A_775 = vector.broadcast %add3A_774 : i32 to vector<16xi32>
      %add3A_776 = arith.addi %mul3A_305, %add3A_775 : vector<16xi32>
      %gather3A_777 = arith.constant 0 : i32
      %gather3A_778 = arith.constant 0 : i32
      %gather3A_779 = tpu.memref_slice %arg14[%scan3A_256, %gather3A_777, %gather3A_778] : memref<2x128x128xf32, #tpu.memory_space<vmem>> -> memref<1x128x128xf32, #tpu.memory_space<vmem>>
      %gather3A_780 = tpu.memref_squeeze %gather3A_779 : memref<1x128x128xf32, #tpu.memory_space<vmem>> -> memref<128x128xf32, #tpu.memory_space<vmem>>
      %gather3A_781 = tpu.vector_load_idx %gather3A_780[%add3A_298, %add3A_776] : memref<128x128xf32, #tpu.memory_space<vmem>>[vector<16xi32>, vector<16xi32>], vector<16xf32>,
      %add3A_782 = arith.constant 25 : i32
      %add3A_783 = vector.broadcast %add3A_782 : i32 to vector<16xi32>
      %add3A_784 = arith.addi %mul3A_313, %add3A_783 : vector<16xi32>
      %gather3A_785 = arith.constant 0 : i32
      %gather3A_786 = arith.constant 0 : i32
      %gather3A_787 = tpu.memref_slice %arg15[%scan3A_257, %gather3A_785, %gather3A_786] : memref<2x128x128xf32, #tpu.memory_space<vmem>> -> memref<1x128x128xf32, #tpu.memory_space<vmem>>
      %gather3A_788 = tpu.memref_squeeze %gather3A_787 : memref<1x128x128xf32, #tpu.memory_space<vmem>> -> memref<128x128xf32, #tpu.memory_space<vmem>>
      %gather3A_789 = tpu.vector_load_idx %gather3A_788[%add3A_298, %add3A_784] : memref<128x128xf32, #tpu.memory_space<vmem>>[vector<16xi32>, vector<16xi32>], vector<16xf32>,
      %mul3A_790 = arith.mulf %gather3A_781, %gather3A_789 : vector<16xf32>
      %add3A_791 = arith.addf %add3A_719, %mul3A_790 : vector<16xf32>
      %add3A_792 = arith.constant 26 : i32
      %add3A_793 = vector.broadcast %add3A_792 : i32 to vector<16xi32>
      %add3A_794 = arith.addi %mul3A_305, %add3A_793 : vector<16xi32>
      %gather3A_795 = arith.constant 0 : i32
      %gather3A_796 = arith.constant 0 : i32
      %gather3A_797 = tpu.memref_slice %arg14[%scan3A_256, %gather3A_795, %gather3A_796] : memref<2x128x128xf32, #tpu.memory_space<vmem>> -> memref<1x128x128xf32, #tpu.memory_space<vmem>>
      %gather3A_798 = tpu.memref_squeeze %gather3A_797 : memref<1x128x128xf32, #tpu.memory_space<vmem>> -> memref<128x128xf32, #tpu.memory_space<vmem>>
      %gather3A_799 = tpu.vector_load_idx %gather3A_798[%add3A_298, %add3A_794] : memref<128x128xf32, #tpu.memory_space<vmem>>[vector<16xi32>, vector<16xi32>], vector<16xf32>,
      %add3A_800 = arith.constant 26 : i32
      %add3A_801 = vector.broadcast %add3A_800 : i32 to vector<16xi32>
      %add3A_802 = arith.addi %mul3A_313, %add3A_801 : vector<16xi32>
      %gather3A_803 = arith.constant 0 : i32
      %gather3A_804 = arith.constant 0 : i32
      %gather3A_805 = tpu.memref_slice %arg15[%scan3A_257, %gather3A_803, %gather3A_804] : memref<2x128x128xf32, #tpu.memory_space<vmem>> -> memref<1x128x128xf32, #tpu.memory_space<vmem>>
      %gather3A_806 = tpu.memref_squeeze %gather3A_805 : memref<1x128x128xf32, #tpu.memory_space<vmem>> -> memref<128x128xf32, #tpu.memory_space<vmem>>
      %gather3A_807 = tpu.vector_load_idx %gather3A_806[%add3A_298, %add3A_802] : memref<128x128xf32, #tpu.memory_space<vmem>>[vector<16xi32>, vector<16xi32>], vector<16xf32>,
      %mul3A_808 = arith.mulf %gather3A_799, %gather3A_807 : vector<16xf32>
      %add3A_809 = arith.addf %add3A_737, %mul3A_808 : vector<16xf32>
      %add3A_810 = arith.constant 27 : i32
      %add3A_811 = vector.broadcast %add3A_810 : i32 to vector<16xi32>
      %add3A_812 = arith.addi %mul3A_305, %add3A_811 : vector<16xi32>
      %gather3A_813 = arith.constant 0 : i32
      %gather3A_814 = arith.constant 0 : i32
      %gather3A_815 = tpu.memref_slice %arg14[%scan3A_256, %gather3A_813, %gather3A_814] : memref<2x128x128xf32, #tpu.memory_space<vmem>> -> memref<1x128x128xf32, #tpu.memory_space<vmem>>
      %gather3A_816 = tpu.memref_squeeze %gather3A_815 : memref<1x128x128xf32, #tpu.memory_space<vmem>> -> memref<128x128xf32, #tpu.memory_space<vmem>>
      %gather3A_817 = tpu.vector_load_idx %gather3A_816[%add3A_298, %add3A_812] : memref<128x128xf32, #tpu.memory_space<vmem>>[vector<16xi32>, vector<16xi32>], vector<16xf32>,
      %add3A_818 = arith.constant 27 : i32
      %add3A_819 = vector.broadcast %add3A_818 : i32 to vector<16xi32>
      %add3A_820 = arith.addi %mul3A_313, %add3A_819 : vector<16xi32>
      %gather3A_821 = arith.constant 0 : i32
      %gather3A_822 = arith.constant 0 : i32
      %gather3A_823 = tpu.memref_slice %arg15[%scan3A_257, %gather3A_821, %gather3A_822] : memref<2x128x128xf32, #tpu.memory_space<vmem>> -> memref<1x128x128xf32, #tpu.memory_space<vmem>>
      %gather3A_824 = tpu.memref_squeeze %gather3A_823 : memref<1x128x128xf32, #tpu.memory_space<vmem>> -> memref<128x128xf32, #tpu.memory_space<vmem>>
      %gather3A_825 = tpu.vector_load_idx %gather3A_824[%add3A_298, %add3A_820] : memref<128x128xf32, #tpu.memory_space<vmem>>[vector<16xi32>, vector<16xi32>], vector<16xf32>,
      %mul3A_826 = arith.mulf %gather3A_817, %gather3A_825 : vector<16xf32>
      %add3A_827 = arith.addf %add3A_755, %mul3A_826 : vector<16xf32>
      %add3A_828 = arith.constant 28 : i32
      %add3A_829 = vector.broadcast %add3A_828 : i32 to vector<16xi32>
      %add3A_830 = arith.addi %mul3A_305, %add3A_829 : vector<16xi32>
      %gather3A_831 = arith.constant 0 : i32
      %gather3A_832 = arith.constant 0 : i32
      %gather3A_833 = tpu.memref_slice %arg14[%scan3A_256, %gather3A_831, %gather3A_832] : memref<2x128x128xf32, #tpu.memory_space<vmem>> -> memref<1x128x128xf32, #tpu.memory_space<vmem>>
      %gather3A_834 = tpu.memref_squeeze %gather3A_833 : memref<1x128x128xf32, #tpu.memory_space<vmem>> -> memref<128x128xf32, #tpu.memory_space<vmem>>
      %gather3A_835 = tpu.vector_load_idx %gather3A_834[%add3A_298, %add3A_830] : memref<128x128xf32, #tpu.memory_space<vmem>>[vector<16xi32>, vector<16xi32>], vector<16xf32>,
      %add3A_836 = arith.constant 28 : i32
      %add3A_837 = vector.broadcast %add3A_836 : i32 to vector<16xi32>
      %add3A_838 = arith.addi %mul3A_313, %add3A_837 : vector<16xi32>
      %gather3A_839 = arith.constant 0 : i32
      %gather3A_840 = arith.constant 0 : i32
      %gather3A_841 = tpu.memref_slice %arg15[%scan3A_257, %gather3A_839, %gather3A_840] : memref<2x128x128xf32, #tpu.memory_space<vmem>> -> memref<1x128x128xf32, #tpu.memory_space<vmem>>
      %gather3A_842 = tpu.memref_squeeze %gather3A_841 : memref<1x128x128xf32, #tpu.memory_space<vmem>> -> memref<128x128xf32, #tpu.memory_space<vmem>>
      %gather3A_843 = tpu.vector_load_idx %gather3A_842[%add3A_298, %add3A_838] : memref<128x128xf32, #tpu.memory_space<vmem>>[vector<16xi32>, vector<16xi32>], vector<16xf32>,
      %mul3A_844 = arith.mulf %gather3A_835, %gather3A_843 : vector<16xf32>
      %add3A_845 = arith.addf %add3A_773, %mul3A_844 : vector<16xf32>
      %add3A_846 = arith.constant 29 : i32
      %add3A_847 = vector.broadcast %add3A_846 : i32 to vector<16xi32>
      %add3A_848 = arith.addi %mul3A_305, %add3A_847 : vector<16xi32>
      %gather3A_849 = arith.constant 0 : i32
      %gather3A_850 = arith.constant 0 : i32
      %gather3A_851 = tpu.memref_slice %arg14[%scan3A_256, %gather3A_849, %gather3A_850] : memref<2x128x128xf32, #tpu.memory_space<vmem>> -> memref<1x128x128xf32, #tpu.memory_space<vmem>>
      %gather3A_852 = tpu.memref_squeeze %gather3A_851 : memref<1x128x128xf32, #tpu.memory_space<vmem>> -> memref<128x128xf32, #tpu.memory_space<vmem>>
      %gather3A_853 = tpu.vector_load_idx %gather3A_852[%add3A_298, %add3A_848] : memref<128x128xf32, #tpu.memory_space<vmem>>[vector<16xi32>, vector<16xi32>], vector<16xf32>,
      %add3A_854 = arith.constant 29 : i32
      %add3A_855 = vector.broadcast %add3A_854 : i32 to vector<16xi32>
      %add3A_856 = arith.addi %mul3A_313, %add3A_855 : vector<16xi32>
      %gather3A_857 = arith.constant 0 : i32
      %gather3A_858 = arith.constant 0 : i32
      %gather3A_859 = tpu.memref_slice %arg15[%scan3A_257, %gather3A_857, %gather3A_858] : memref<2x128x128xf32, #tpu.memory_space<vmem>> -> memref<1x128x128xf32, #tpu.memory_space<vmem>>
      %gather3A_860 = tpu.memref_squeeze %gather3A_859 : memref<1x128x128xf32, #tpu.memory_space<vmem>> -> memref<128x128xf32, #tpu.memory_space<vmem>>
      %gather3A_861 = tpu.vector_load_idx %gather3A_860[%add3A_298, %add3A_856] : memref<128x128xf32, #tpu.memory_space<vmem>>[vector<16xi32>, vector<16xi32>], vector<16xf32>,
      %mul3A_862 = arith.mulf %gather3A_853, %gather3A_861 : vector<16xf32>
      %add3A_863 = arith.addf %add3A_791, %mul3A_862 : vector<16xf32>
      %add3A_864 = arith.constant 30 : i32
      %add3A_865 = vector.broadcast %add3A_864 : i32 to vector<16xi32>
      %add3A_866 = arith.addi %mul3A_305, %add3A_865 : vector<16xi32>
      %gather3A_867 = arith.constant 0 : i32
      %gather3A_868 = arith.constant 0 : i32
      %gather3A_869 = tpu.memref_slice %arg14[%scan3A_256, %gather3A_867, %gather3A_868] : memref<2x128x128xf32, #tpu.memory_space<vmem>> -> memref<1x128x128xf32, #tpu.memory_space<vmem>>
      %gather3A_870 = tpu.memref_squeeze %gather3A_869 : memref<1x128x128xf32, #tpu.memory_space<vmem>> -> memref<128x128xf32, #tpu.memory_space<vmem>>
      %gather3A_871 = tpu.vector_load_idx %gather3A_870[%add3A_298, %add3A_866] : memref<128x128xf32, #tpu.memory_space<vmem>>[vector<16xi32>, vector<16xi32>], vector<16xf32>,
      %add3A_872 = arith.constant 30 : i32
      %add3A_873 = vector.broadcast %add3A_872 : i32 to vector<16xi32>
      %add3A_874 = arith.addi %mul3A_313, %add3A_873 : vector<16xi32>
      %gather3A_875 = arith.constant 0 : i32
      %gather3A_876 = arith.constant 0 : i32
      %gather3A_877 = tpu.memref_slice %arg15[%scan3A_257, %gather3A_875, %gather3A_876] : memref<2x128x128xf32, #tpu.memory_space<vmem>> -> memref<1x128x128xf32, #tpu.memory_space<vmem>>
      %gather3A_878 = tpu.memref_squeeze %gather3A_877 : memref<1x128x128xf32, #tpu.memory_space<vmem>> -> memref<128x128xf32, #tpu.memory_space<vmem>>
      %gather3A_879 = tpu.vector_load_idx %gather3A_878[%add3A_298, %add3A_874] : memref<128x128xf32, #tpu.memory_space<vmem>>[vector<16xi32>, vector<16xi32>], vector<16xf32>,
      %mul3A_880 = arith.mulf %gather3A_871, %gather3A_879 : vector<16xf32>
      %add3A_881 = arith.addf %add3A_809, %mul3A_880 : vector<16xf32>
      %add3A_882 = arith.constant 31 : i32
      %add3A_883 = vector.broadcast %add3A_882 : i32 to vector<16xi32>
      %add3A_884 = arith.addi %mul3A_305, %add3A_883 : vector<16xi32>
      %gather3A_885 = arith.constant 0 : i32
      %gather3A_886 = arith.constant 0 : i32
      %gather3A_887 = tpu.memref_slice %arg14[%scan3A_256, %gather3A_885, %gather3A_886] : memref<2x128x128xf32, #tpu.memory_space<vmem>> -> memref<1x128x128xf32, #tpu.memory_space<vmem>>
      %gather3A_888 = tpu.memref_squeeze %gather3A_887 : memref<1x128x128xf32, #tpu.memory_space<vmem>> -> memref<128x128xf32, #tpu.memory_space<vmem>>
      %gather3A_889 = tpu.vector_load_idx %gather3A_888[%add3A_298, %add3A_884] : memref<128x128xf32, #tpu.memory_space<vmem>>[vector<16xi32>, vector<16xi32>], vector<16xf32>,
      %add3A_890 = arith.constant 31 : i32
      %add3A_891 = vector.broadcast %add3A_890 : i32 to vector<16xi32>
      %add3A_892 = arith.addi %mul3A_313, %add3A_891 : vector<16xi32>
      %gather3A_893 = arith.constant 0 : i32
      %gather3A_894 = arith.constant 0 : i32
      %gather3A_895 = tpu.memref_slice %arg15[%scan3A_257, %gather3A_893, %gather3A_894] : memref<2x128x128xf32, #tpu.memory_space<vmem>> -> memref<1x128x128xf32, #tpu.memory_space<vmem>>
      %gather3A_896 = tpu.memref_squeeze %gather3A_895 : memref<1x128x128xf32, #tpu.memory_space<vmem>> -> memref<128x128xf32, #tpu.memory_space<vmem>>
      %gather3A_897 = tpu.vector_load_idx %gather3A_896[%add3A_298, %add3A_892] : memref<128x128xf32, #tpu.memory_space<vmem>>[vector<16xi32>, vector<16xi32>], vector<16xf32>,
      %mul3A_898 = arith.mulf %gather3A_889, %gather3A_897 : vector<16xf32>
      %add3A_899 = arith.addf %add3A_827, %mul3A_898 : vector<16xf32>
      %add3A_900 = arith.addf %add3A_845, %add3A_863 : vector<16xf32>
      %add3A_901 = arith.addf %add3A_881, %add3A_899 : vector<16xf32>
      %add3A_902 = arith.addf %add3A_900, %add3A_901 : vector<16xf32>
      %swap3A = arith.index_cast %add3A_296 : i32 to index
      %swap3A_903 = tpu.vector_load %arg19[%swap3A] {strides = array<i32>} : memref<512xf32, #tpu.memory_space<vmem>>, vector<16xf32>,
      tpu.vector_store %arg19[%swap3A], %add3A_902 {strides = array<i32>} : memref<512xf32, #tpu.memory_space<vmem>>, vector<16xf32>,
    }
    %scan3A_262 = arith.constant 8 : i32
    %dma_wait3A_263 = arith.constant 1 : i32
    %dma_wait3A_264 = arith.constant 0 : i32
    %dma_wait3A_265 = arith.constant 0 : i32
    %dma_wait3A_266 = tpu.memref_slice %arg14[%dma_wait3A_263, %dma_wait3A_264, %dma_wait3A_265] : memref<2x128x128xf32, #tpu.memory_space<vmem>> -> memref<1x128x128xf32, #tpu.memory_space<vmem>>
    %dma_wait3A_267 = tpu.memref_squeeze %dma_wait3A_266 : memref<1x128x128xf32, #tpu.memory_space<vmem>> -> memref<128x128xf32, #tpu.memory_space<vmem>>
    %dma_wait3A_268 = arith.constant 384 : i32
    %dma_wait3A_269 = tpu.memref_slice %arg12[%dma_wait3A_268] : memref<512xi32, #tpu.memory_space<vmem>> -> memref<128xi32, #tpu.memory_space<vmem>>
    %dma_wait3A_270 = arith.constant 0 : i32
    %dma_wait3A_271 = arith.constant 0 : i32
    %dma_wait3A_272 = tpu.memref_slice %arg4[%dma_wait3A_270, %dma_wait3A_271] : memref<250000x128xf32, #tpu.memory_space<hbm>> -> memref<250000x128xf32, #tpu.memory_space<hbm>>
    tpu.wait_indirect_dma semaphore(%arg20 : memref<!tpu.dma_semaphore, #tpu.memory_space<semaphore_mem>>) src(%dma_wait3A_272 : memref<250000x128xf32, #tpu.memory_space<hbm>>) dst(%dma_wait3A_267 : memref<128x128xf32, #tpu.memory_space<vmem>>)
    %dma_wait3A_273 = arith.constant 1 : i32
    %dma_wait3A_274 = arith.constant 0 : i32
    %dma_wait3A_275 = arith.constant 0 : i32
    %dma_wait3A_276 = tpu.memref_slice %arg15[%dma_wait3A_273, %dma_wait3A_274, %dma_wait3A_275] : memref<2x128x128xf32, #tpu.memory_space<vmem>> -> memref<1x128x128xf32, #tpu.memory_space<vmem>>
    %dma_wait3A_277 = tpu.memref_squeeze %dma_wait3A_276 : memref<1x128x128xf32, #tpu.memory_space<vmem>> -> memref<128x128xf32, #tpu.memory_space<vmem>>
    %dma_wait3A_278 = arith.constant 384 : i32
    %dma_wait3A_279 = tpu.memref_slice %arg13[%dma_wait3A_278] : memref<512xi32, #tpu.memory_space<vmem>> -> memref<128xi32, #tpu.memory_space<vmem>>
    %dma_wait3A_280 = arith.constant 0 : i32
    %dma_wait3A_281 = arith.constant 0 : i32
    %dma_wait3A_282 = tpu.memref_slice %arg5[%dma_wait3A_280, %dma_wait3A_281] : memref<250000x128xf32, #tpu.memory_space<hbm>> -> memref<250000x128xf32, #tpu.memory_space<hbm>>
    tpu.wait_indirect_dma semaphore(%arg20 : memref<!tpu.dma_semaphore, #tpu.memory_space<semaphore_mem>>) src(%dma_wait3A_282 : memref<250000x128xf32, #tpu.memory_space<hbm>>) dst(%dma_wait3A_277 : memref<128x128xf32, #tpu.memory_space<vmem>>)
    %scan3A_283 = arith.constant 1 : i32
    %scan3A_284 = arith.constant 1 : i32
    %scan3A_285 = arith.constant 0 : i32
    %scan3A_286 = arith.constant 8 : i32
    %scan3A_287 = arith.addi %scan3A_285, %scan3A_286 : i32
    %scan3A_288 = arith.constant 1 : i32
    scf.for %scan3A_290 = %scan3A_285 to %scan3A_287 step %scan3A_288  : i32 {
      %mul3A_291 = arith.constant 16 : i32
      %mul3A_292 = arith.muli %scan3A_290, %mul3A_291 : i32
      %add3A_293 = arith.constant 0 : i32
      %add3A_294 = arith.addi %add3A_293, %mul3A_292 : i32
      %add3A_295 = arith.constant 384 : i32
      %add3A_296 = arith.addi %add3A_295, %add3A_294 : i32
      %iota3A = tpu.iota {dimensions = array<i32: 0>} : vector<16xi32>
      %add3A_297 = vector.broadcast %add3A_294 : i32 to vector<16xi32>
      %add3A_298 = arith.addi %add3A_297, %iota3A : vector<16xi32>
      %get3A_299 = arith.index_cast %add3A_296 : i32 to index
      %get3A_300 = tpu.vector_load %arg10[%get3A_299] {strides = array<i32>} : memref<512xi32, #tpu.memory_space<vmem>>, vector<16xi32>,
      %and3A = arith.constant 3 : i32
      %and3A_301 = vector.broadcast %and3A : i32 to vector<16xi32>
      %and3A_302 = arith.andi %get3A_300, %and3A_301 : vector<16xi32>
      %mul3A_303 = arith.constant 32 : i32
      %mul3A_304 = vector.broadcast %mul3A_303 : i32 to vector<16xi32>
      %mul3A_305 = arith.muli %and3A_302, %mul3A_304 : vector<16xi32>
      %get3A_306 = arith.index_cast %add3A_296 : i32 to index
      %get3A_307 = tpu.vector_load %arg11[%get3A_306] {strides = array<i32>} : memref<512xi32, #tpu.memory_space<vmem>>, vector<16xi32>,
      %and3A_308 = arith.constant 3 : i32
      %and3A_309 = vector.broadcast %and3A_308 : i32 to vector<16xi32>
      %and3A_310 = arith.andi %get3A_307, %and3A_309 : vector<16xi32>
      %mul3A_311 = arith.constant 32 : i32
      %mul3A_312 = vector.broadcast %mul3A_311 : i32 to vector<16xi32>
      %mul3A_313 = arith.muli %and3A_310, %mul3A_312 : vector<16xi32>
      %get3A_314 = arith.index_cast %add3A_296 : i32 to index
      %get3A_315 = tpu.vector_load %arg16[%get3A_314] {strides = array<i32>} : memref<512xf32, #tpu.memory_space<vmem>>, vector<16xf32>,
      %get3A_316 = arith.index_cast %add3A_296 : i32 to index
      %get3A_317 = tpu.vector_load %arg17[%get3A_316] {strides = array<i32>} : memref<512xf32, #tpu.memory_space<vmem>>, vector<16xf32>,
      %add3A_318 = arith.addf %get3A_315, %get3A_317 : vector<16xf32>
      %add3A_319 = arith.addf %add3A_318, %get3A_54 : vector<16xf32>
      %broadcast_in_dim3A = arith.constant 0.000000e+00 : f32
      %broadcast_in_dim3A_320 = vector.broadcast %broadcast_in_dim3A : f32 to vector<16xf32>
      %broadcast_in_dim3A_321 = arith.constant 0.000000e+00 : f32
      %broadcast_in_dim3A_322 = vector.broadcast %broadcast_in_dim3A_321 : f32 to vector<16xf32>
      %broadcast_in_dim3A_323 = arith.constant 0.000000e+00 : f32
      %broadcast_in_dim3A_324 = vector.broadcast %broadcast_in_dim3A_323 : f32 to vector<16xf32>
      %add3A_325 = arith.constant 0 : i32
      %add3A_326 = vector.broadcast %add3A_325 : i32 to vector<16xi32>
      %add3A_327 = arith.addi %mul3A_305, %add3A_326 : vector<16xi32>
      %gather3A = arith.constant 0 : i32
      %gather3A_328 = arith.constant 0 : i32
      %gather3A_329 = tpu.memref_slice %arg14[%scan3A_283, %gather3A, %gather3A_328] : memref<2x128x128xf32, #tpu.memory_space<vmem>> -> memref<1x128x128xf32, #tpu.memory_space<vmem>>
      %gather3A_330 = tpu.memref_squeeze %gather3A_329 : memref<1x128x128xf32, #tpu.memory_space<vmem>> -> memref<128x128xf32, #tpu.memory_space<vmem>>
      %gather3A_331 = tpu.vector_load_idx %gather3A_330[%add3A_298, %add3A_327] : memref<128x128xf32, #tpu.memory_space<vmem>>[vector<16xi32>, vector<16xi32>], vector<16xf32>,
      %add3A_332 = arith.constant 0 : i32
      %add3A_333 = vector.broadcast %add3A_332 : i32 to vector<16xi32>
      %add3A_334 = arith.addi %mul3A_313, %add3A_333 : vector<16xi32>
      %gather3A_335 = arith.constant 0 : i32
      %gather3A_336 = arith.constant 0 : i32
      %gather3A_337 = tpu.memref_slice %arg15[%scan3A_284, %gather3A_335, %gather3A_336] : memref<2x128x128xf32, #tpu.memory_space<vmem>> -> memref<1x128x128xf32, #tpu.memory_space<vmem>>
      %gather3A_338 = tpu.memref_squeeze %gather3A_337 : memref<1x128x128xf32, #tpu.memory_space<vmem>> -> memref<128x128xf32, #tpu.memory_space<vmem>>
      %gather3A_339 = tpu.vector_load_idx %gather3A_338[%add3A_298, %add3A_334] : memref<128x128xf32, #tpu.memory_space<vmem>>[vector<16xi32>, vector<16xi32>], vector<16xf32>,
      %mul3A_340 = arith.mulf %gather3A_331, %gather3A_339 : vector<16xf32>
      %add3A_341 = arith.addf %add3A_319, %mul3A_340 : vector<16xf32>
      %add3A_342 = arith.constant 1 : i32
      %add3A_343 = vector.broadcast %add3A_342 : i32 to vector<16xi32>
      %add3A_344 = arith.addi %mul3A_305, %add3A_343 : vector<16xi32>
      %gather3A_345 = arith.constant 0 : i32
      %gather3A_346 = arith.constant 0 : i32
      %gather3A_347 = tpu.memref_slice %arg14[%scan3A_283, %gather3A_345, %gather3A_346] : memref<2x128x128xf32, #tpu.memory_space<vmem>> -> memref<1x128x128xf32, #tpu.memory_space<vmem>>
      %gather3A_348 = tpu.memref_squeeze %gather3A_347 : memref<1x128x128xf32, #tpu.memory_space<vmem>> -> memref<128x128xf32, #tpu.memory_space<vmem>>
      %gather3A_349 = tpu.vector_load_idx %gather3A_348[%add3A_298, %add3A_344] : memref<128x128xf32, #tpu.memory_space<vmem>>[vector<16xi32>, vector<16xi32>], vector<16xf32>,
      %add3A_350 = arith.constant 1 : i32
      %add3A_351 = vector.broadcast %add3A_350 : i32 to vector<16xi32>
      %add3A_352 = arith.addi %mul3A_313, %add3A_351 : vector<16xi32>
      %gather3A_353 = arith.constant 0 : i32
      %gather3A_354 = arith.constant 0 : i32
      %gather3A_355 = tpu.memref_slice %arg15[%scan3A_284, %gather3A_353, %gather3A_354] : memref<2x128x128xf32, #tpu.memory_space<vmem>> -> memref<1x128x128xf32, #tpu.memory_space<vmem>>
      %gather3A_356 = tpu.memref_squeeze %gather3A_355 : memref<1x128x128xf32, #tpu.memory_space<vmem>> -> memref<128x128xf32, #tpu.memory_space<vmem>>
      %gather3A_357 = tpu.vector_load_idx %gather3A_356[%add3A_298, %add3A_352] : memref<128x128xf32, #tpu.memory_space<vmem>>[vector<16xi32>, vector<16xi32>], vector<16xf32>,
      %mul3A_358 = arith.mulf %gather3A_349, %gather3A_357 : vector<16xf32>
      %add3A_359 = arith.addf %broadcast_in_dim3A_320, %mul3A_358 : vector<16xf32>
      %add3A_360 = arith.constant 2 : i32
      %add3A_361 = vector.broadcast %add3A_360 : i32 to vector<16xi32>
      %add3A_362 = arith.addi %mul3A_305, %add3A_361 : vector<16xi32>
      %gather3A_363 = arith.constant 0 : i32
      %gather3A_364 = arith.constant 0 : i32
      %gather3A_365 = tpu.memref_slice %arg14[%scan3A_283, %gather3A_363, %gather3A_364] : memref<2x128x128xf32, #tpu.memory_space<vmem>> -> memref<1x128x128xf32, #tpu.memory_space<vmem>>
      %gather3A_366 = tpu.memref_squeeze %gather3A_365 : memref<1x128x128xf32, #tpu.memory_space<vmem>> -> memref<128x128xf32, #tpu.memory_space<vmem>>
      %gather3A_367 = tpu.vector_load_idx %gather3A_366[%add3A_298, %add3A_362] : memref<128x128xf32, #tpu.memory_space<vmem>>[vector<16xi32>, vector<16xi32>], vector<16xf32>,
      %add3A_368 = arith.constant 2 : i32
      %add3A_369 = vector.broadcast %add3A_368 : i32 to vector<16xi32>
      %add3A_370 = arith.addi %mul3A_313, %add3A_369 : vector<16xi32>
      %gather3A_371 = arith.constant 0 : i32
      %gather3A_372 = arith.constant 0 : i32
      %gather3A_373 = tpu.memref_slice %arg15[%scan3A_284, %gather3A_371, %gather3A_372] : memref<2x128x128xf32, #tpu.memory_space<vmem>> -> memref<1x128x128xf32, #tpu.memory_space<vmem>>
      %gather3A_374 = tpu.memref_squeeze %gather3A_373 : memref<1x128x128xf32, #tpu.memory_space<vmem>> -> memref<128x128xf32, #tpu.memory_space<vmem>>
      %gather3A_375 = tpu.vector_load_idx %gather3A_374[%add3A_298, %add3A_370] : memref<128x128xf32, #tpu.memory_space<vmem>>[vector<16xi32>, vector<16xi32>], vector<16xf32>,
      %mul3A_376 = arith.mulf %gather3A_367, %gather3A_375 : vector<16xf32>
      %add3A_377 = arith.addf %broadcast_in_dim3A_322, %mul3A_376 : vector<16xf32>
      %add3A_378 = arith.constant 3 : i32
      %add3A_379 = vector.broadcast %add3A_378 : i32 to vector<16xi32>
      %add3A_380 = arith.addi %mul3A_305, %add3A_379 : vector<16xi32>
      %gather3A_381 = arith.constant 0 : i32
      %gather3A_382 = arith.constant 0 : i32
      %gather3A_383 = tpu.memref_slice %arg14[%scan3A_283, %gather3A_381, %gather3A_382] : memref<2x128x128xf32, #tpu.memory_space<vmem>> -> memref<1x128x128xf32, #tpu.memory_space<vmem>>
      %gather3A_384 = tpu.memref_squeeze %gather3A_383 : memref<1x128x128xf32, #tpu.memory_space<vmem>> -> memref<128x128xf32, #tpu.memory_space<vmem>>
      %gather3A_385 = tpu.vector_load_idx %gather3A_384[%add3A_298, %add3A_380] : memref<128x128xf32, #tpu.memory_space<vmem>>[vector<16xi32>, vector<16xi32>], vector<16xf32>,
      %add3A_386 = arith.constant 3 : i32
      %add3A_387 = vector.broadcast %add3A_386 : i32 to vector<16xi32>
      %add3A_388 = arith.addi %mul3A_313, %add3A_387 : vector<16xi32>
      %gather3A_389 = arith.constant 0 : i32
      %gather3A_390 = arith.constant 0 : i32
      %gather3A_391 = tpu.memref_slice %arg15[%scan3A_284, %gather3A_389, %gather3A_390] : memref<2x128x128xf32, #tpu.memory_space<vmem>> -> memref<1x128x128xf32, #tpu.memory_space<vmem>>
      %gather3A_392 = tpu.memref_squeeze %gather3A_391 : memref<1x128x128xf32, #tpu.memory_space<vmem>> -> memref<128x128xf32, #tpu.memory_space<vmem>>
      %gather3A_393 = tpu.vector_load_idx %gather3A_392[%add3A_298, %add3A_388] : memref<128x128xf32, #tpu.memory_space<vmem>>[vector<16xi32>, vector<16xi32>], vector<16xf32>,
      %mul3A_394 = arith.mulf %gather3A_385, %gather3A_393 : vector<16xf32>
      %add3A_395 = arith.addf %broadcast_in_dim3A_324, %mul3A_394 : vector<16xf32>
      %add3A_396 = arith.constant 4 : i32
      %add3A_397 = vector.broadcast %add3A_396 : i32 to vector<16xi32>
      %add3A_398 = arith.addi %mul3A_305, %add3A_397 : vector<16xi32>
      %gather3A_399 = arith.constant 0 : i32
      %gather3A_400 = arith.constant 0 : i32
      %gather3A_401 = tpu.memref_slice %arg14[%scan3A_283, %gather3A_399, %gather3A_400] : memref<2x128x128xf32, #tpu.memory_space<vmem>> -> memref<1x128x128xf32, #tpu.memory_space<vmem>>
      %gather3A_402 = tpu.memref_squeeze %gather3A_401 : memref<1x128x128xf32, #tpu.memory_space<vmem>> -> memref<128x128xf32, #tpu.memory_space<vmem>>
      %gather3A_403 = tpu.vector_load_idx %gather3A_402[%add3A_298, %add3A_398] : memref<128x128xf32, #tpu.memory_space<vmem>>[vector<16xi32>, vector<16xi32>], vector<16xf32>,
      %add3A_404 = arith.constant 4 : i32
      %add3A_405 = vector.broadcast %add3A_404 : i32 to vector<16xi32>
      %add3A_406 = arith.addi %mul3A_313, %add3A_405 : vector<16xi32>
      %gather3A_407 = arith.constant 0 : i32
      %gather3A_408 = arith.constant 0 : i32
      %gather3A_409 = tpu.memref_slice %arg15[%scan3A_284, %gather3A_407, %gather3A_408] : memref<2x128x128xf32, #tpu.memory_space<vmem>> -> memref<1x128x128xf32, #tpu.memory_space<vmem>>
      %gather3A_410 = tpu.memref_squeeze %gather3A_409 : memref<1x128x128xf32, #tpu.memory_space<vmem>> -> memref<128x128xf32, #tpu.memory_space<vmem>>
      %gather3A_411 = tpu.vector_load_idx %gather3A_410[%add3A_298, %add3A_406] : memref<128x128xf32, #tpu.memory_space<vmem>>[vector<16xi32>, vector<16xi32>], vector<16xf32>,
      %mul3A_412 = arith.mulf %gather3A_403, %gather3A_411 : vector<16xf32>
      %add3A_413 = arith.addf %add3A_341, %mul3A_412 : vector<16xf32>
      %add3A_414 = arith.constant 5 : i32
      %add3A_415 = vector.broadcast %add3A_414 : i32 to vector<16xi32>
      %add3A_416 = arith.addi %mul3A_305, %add3A_415 : vector<16xi32>
      %gather3A_417 = arith.constant 0 : i32
      %gather3A_418 = arith.constant 0 : i32
      %gather3A_419 = tpu.memref_slice %arg14[%scan3A_283, %gather3A_417, %gather3A_418] : memref<2x128x128xf32, #tpu.memory_space<vmem>> -> memref<1x128x128xf32, #tpu.memory_space<vmem>>
      %gather3A_420 = tpu.memref_squeeze %gather3A_419 : memref<1x128x128xf32, #tpu.memory_space<vmem>> -> memref<128x128xf32, #tpu.memory_space<vmem>>
      %gather3A_421 = tpu.vector_load_idx %gather3A_420[%add3A_298, %add3A_416] : memref<128x128xf32, #tpu.memory_space<vmem>>[vector<16xi32>, vector<16xi32>], vector<16xf32>,
      %add3A_422 = arith.constant 5 : i32
      %add3A_423 = vector.broadcast %add3A_422 : i32 to vector<16xi32>
      %add3A_424 = arith.addi %mul3A_313, %add3A_423 : vector<16xi32>
      %gather3A_425 = arith.constant 0 : i32
      %gather3A_426 = arith.constant 0 : i32
      %gather3A_427 = tpu.memref_slice %arg15[%scan3A_284, %gather3A_425, %gather3A_426] : memref<2x128x128xf32, #tpu.memory_space<vmem>> -> memref<1x128x128xf32, #tpu.memory_space<vmem>>
      %gather3A_428 = tpu.memref_squeeze %gather3A_427 : memref<1x128x128xf32, #tpu.memory_space<vmem>> -> memref<128x128xf32, #tpu.memory_space<vmem>>
      %gather3A_429 = tpu.vector_load_idx %gather3A_428[%add3A_298, %add3A_424] : memref<128x128xf32, #tpu.memory_space<vmem>>[vector<16xi32>, vector<16xi32>], vector<16xf32>,
      %mul3A_430 = arith.mulf %gather3A_421, %gather3A_429 : vector<16xf32>
      %add3A_431 = arith.addf %add3A_359, %mul3A_430 : vector<16xf32>
      %add3A_432 = arith.constant 6 : i32
      %add3A_433 = vector.broadcast %add3A_432 : i32 to vector<16xi32>
      %add3A_434 = arith.addi %mul3A_305, %add3A_433 : vector<16xi32>
      %gather3A_435 = arith.constant 0 : i32
      %gather3A_436 = arith.constant 0 : i32
      %gather3A_437 = tpu.memref_slice %arg14[%scan3A_283, %gather3A_435, %gather3A_436] : memref<2x128x128xf32, #tpu.memory_space<vmem>> -> memref<1x128x128xf32, #tpu.memory_space<vmem>>
      %gather3A_438 = tpu.memref_squeeze %gather3A_437 : memref<1x128x128xf32, #tpu.memory_space<vmem>> -> memref<128x128xf32, #tpu.memory_space<vmem>>
      %gather3A_439 = tpu.vector_load_idx %gather3A_438[%add3A_298, %add3A_434] : memref<128x128xf32, #tpu.memory_space<vmem>>[vector<16xi32>, vector<16xi32>], vector<16xf32>,
      %add3A_440 = arith.constant 6 : i32
      %add3A_441 = vector.broadcast %add3A_440 : i32 to vector<16xi32>
      %add3A_442 = arith.addi %mul3A_313, %add3A_441 : vector<16xi32>
      %gather3A_443 = arith.constant 0 : i32
      %gather3A_444 = arith.constant 0 : i32
      %gather3A_445 = tpu.memref_slice %arg15[%scan3A_284, %gather3A_443, %gather3A_444] : memref<2x128x128xf32, #tpu.memory_space<vmem>> -> memref<1x128x128xf32, #tpu.memory_space<vmem>>
      %gather3A_446 = tpu.memref_squeeze %gather3A_445 : memref<1x128x128xf32, #tpu.memory_space<vmem>> -> memref<128x128xf32, #tpu.memory_space<vmem>>
      %gather3A_447 = tpu.vector_load_idx %gather3A_446[%add3A_298, %add3A_442] : memref<128x128xf32, #tpu.memory_space<vmem>>[vector<16xi32>, vector<16xi32>], vector<16xf32>,
      %mul3A_448 = arith.mulf %gather3A_439, %gather3A_447 : vector<16xf32>
      %add3A_449 = arith.addf %add3A_377, %mul3A_448 : vector<16xf32>
      %add3A_450 = arith.constant 7 : i32
      %add3A_451 = vector.broadcast %add3A_450 : i32 to vector<16xi32>
      %add3A_452 = arith.addi %mul3A_305, %add3A_451 : vector<16xi32>
      %gather3A_453 = arith.constant 0 : i32
      %gather3A_454 = arith.constant 0 : i32
      %gather3A_455 = tpu.memref_slice %arg14[%scan3A_283, %gather3A_453, %gather3A_454] : memref<2x128x128xf32, #tpu.memory_space<vmem>> -> memref<1x128x128xf32, #tpu.memory_space<vmem>>
      %gather3A_456 = tpu.memref_squeeze %gather3A_455 : memref<1x128x128xf32, #tpu.memory_space<vmem>> -> memref<128x128xf32, #tpu.memory_space<vmem>>
      %gather3A_457 = tpu.vector_load_idx %gather3A_456[%add3A_298, %add3A_452] : memref<128x128xf32, #tpu.memory_space<vmem>>[vector<16xi32>, vector<16xi32>], vector<16xf32>,
      %add3A_458 = arith.constant 7 : i32
      %add3A_459 = vector.broadcast %add3A_458 : i32 to vector<16xi32>
      %add3A_460 = arith.addi %mul3A_313, %add3A_459 : vector<16xi32>
      %gather3A_461 = arith.constant 0 : i32
      %gather3A_462 = arith.constant 0 : i32
      %gather3A_463 = tpu.memref_slice %arg15[%scan3A_284, %gather3A_461, %gather3A_462] : memref<2x128x128xf32, #tpu.memory_space<vmem>> -> memref<1x128x128xf32, #tpu.memory_space<vmem>>
      %gather3A_464 = tpu.memref_squeeze %gather3A_463 : memref<1x128x128xf32, #tpu.memory_space<vmem>> -> memref<128x128xf32, #tpu.memory_space<vmem>>
      %gather3A_465 = tpu.vector_load_idx %gather3A_464[%add3A_298, %add3A_460] : memref<128x128xf32, #tpu.memory_space<vmem>>[vector<16xi32>, vector<16xi32>], vector<16xf32>,
      %mul3A_466 = arith.mulf %gather3A_457, %gather3A_465 : vector<16xf32>
      %add3A_467 = arith.addf %add3A_395, %mul3A_466 : vector<16xf32>
      %add3A_468 = arith.constant 8 : i32
      %add3A_469 = vector.broadcast %add3A_468 : i32 to vector<16xi32>
      %add3A_470 = arith.addi %mul3A_305, %add3A_469 : vector<16xi32>
      %gather3A_471 = arith.constant 0 : i32
      %gather3A_472 = arith.constant 0 : i32
      %gather3A_473 = tpu.memref_slice %arg14[%scan3A_283, %gather3A_471, %gather3A_472] : memref<2x128x128xf32, #tpu.memory_space<vmem>> -> memref<1x128x128xf32, #tpu.memory_space<vmem>>
      %gather3A_474 = tpu.memref_squeeze %gather3A_473 : memref<1x128x128xf32, #tpu.memory_space<vmem>> -> memref<128x128xf32, #tpu.memory_space<vmem>>
      %gather3A_475 = tpu.vector_load_idx %gather3A_474[%add3A_298, %add3A_470] : memref<128x128xf32, #tpu.memory_space<vmem>>[vector<16xi32>, vector<16xi32>], vector<16xf32>,
      %add3A_476 = arith.constant 8 : i32
      %add3A_477 = vector.broadcast %add3A_476 : i32 to vector<16xi32>
      %add3A_478 = arith.addi %mul3A_313, %add3A_477 : vector<16xi32>
      %gather3A_479 = arith.constant 0 : i32
      %gather3A_480 = arith.constant 0 : i32
      %gather3A_481 = tpu.memref_slice %arg15[%scan3A_284, %gather3A_479, %gather3A_480] : memref<2x128x128xf32, #tpu.memory_space<vmem>> -> memref<1x128x128xf32, #tpu.memory_space<vmem>>
      %gather3A_482 = tpu.memref_squeeze %gather3A_481 : memref<1x128x128xf32, #tpu.memory_space<vmem>> -> memref<128x128xf32, #tpu.memory_space<vmem>>
      %gather3A_483 = tpu.vector_load_idx %gather3A_482[%add3A_298, %add3A_478] : memref<128x128xf32, #tpu.memory_space<vmem>>[vector<16xi32>, vector<16xi32>], vector<16xf32>,
      %mul3A_484 = arith.mulf %gather3A_475, %gather3A_483 : vector<16xf32>
      %add3A_485 = arith.addf %add3A_413, %mul3A_484 : vector<16xf32>
      %add3A_486 = arith.constant 9 : i32
      %add3A_487 = vector.broadcast %add3A_486 : i32 to vector<16xi32>
      %add3A_488 = arith.addi %mul3A_305, %add3A_487 : vector<16xi32>
      %gather3A_489 = arith.constant 0 : i32
      %gather3A_490 = arith.constant 0 : i32
      %gather3A_491 = tpu.memref_slice %arg14[%scan3A_283, %gather3A_489, %gather3A_490] : memref<2x128x128xf32, #tpu.memory_space<vmem>> -> memref<1x128x128xf32, #tpu.memory_space<vmem>>
      %gather3A_492 = tpu.memref_squeeze %gather3A_491 : memref<1x128x128xf32, #tpu.memory_space<vmem>> -> memref<128x128xf32, #tpu.memory_space<vmem>>
      %gather3A_493 = tpu.vector_load_idx %gather3A_492[%add3A_298, %add3A_488] : memref<128x128xf32, #tpu.memory_space<vmem>>[vector<16xi32>, vector<16xi32>], vector<16xf32>,
      %add3A_494 = arith.constant 9 : i32
      %add3A_495 = vector.broadcast %add3A_494 : i32 to vector<16xi32>
      %add3A_496 = arith.addi %mul3A_313, %add3A_495 : vector<16xi32>
      %gather3A_497 = arith.constant 0 : i32
      %gather3A_498 = arith.constant 0 : i32
      %gather3A_499 = tpu.memref_slice %arg15[%scan3A_284, %gather3A_497, %gather3A_498] : memref<2x128x128xf32, #tpu.memory_space<vmem>> -> memref<1x128x128xf32, #tpu.memory_space<vmem>>
      %gather3A_500 = tpu.memref_squeeze %gather3A_499 : memref<1x128x128xf32, #tpu.memory_space<vmem>> -> memref<128x128xf32, #tpu.memory_space<vmem>>
      %gather3A_501 = tpu.vector_load_idx %gather3A_500[%add3A_298, %add3A_496] : memref<128x128xf32, #tpu.memory_space<vmem>>[vector<16xi32>, vector<16xi32>], vector<16xf32>,
      %mul3A_502 = arith.mulf %gather3A_493, %gather3A_501 : vector<16xf32>
      %add3A_503 = arith.addf %add3A_431, %mul3A_502 : vector<16xf32>
      %add3A_504 = arith.constant 10 : i32
      %add3A_505 = vector.broadcast %add3A_504 : i32 to vector<16xi32>
      %add3A_506 = arith.addi %mul3A_305, %add3A_505 : vector<16xi32>
      %gather3A_507 = arith.constant 0 : i32
      %gather3A_508 = arith.constant 0 : i32
      %gather3A_509 = tpu.memref_slice %arg14[%scan3A_283, %gather3A_507, %gather3A_508] : memref<2x128x128xf32, #tpu.memory_space<vmem>> -> memref<1x128x128xf32, #tpu.memory_space<vmem>>
      %gather3A_510 = tpu.memref_squeeze %gather3A_509 : memref<1x128x128xf32, #tpu.memory_space<vmem>> -> memref<128x128xf32, #tpu.memory_space<vmem>>
      %gather3A_511 = tpu.vector_load_idx %gather3A_510[%add3A_298, %add3A_506] : memref<128x128xf32, #tpu.memory_space<vmem>>[vector<16xi32>, vector<16xi32>], vector<16xf32>,
      %add3A_512 = arith.constant 10 : i32
      %add3A_513 = vector.broadcast %add3A_512 : i32 to vector<16xi32>
      %add3A_514 = arith.addi %mul3A_313, %add3A_513 : vector<16xi32>
      %gather3A_515 = arith.constant 0 : i32
      %gather3A_516 = arith.constant 0 : i32
      %gather3A_517 = tpu.memref_slice %arg15[%scan3A_284, %gather3A_515, %gather3A_516] : memref<2x128x128xf32, #tpu.memory_space<vmem>> -> memref<1x128x128xf32, #tpu.memory_space<vmem>>
      %gather3A_518 = tpu.memref_squeeze %gather3A_517 : memref<1x128x128xf32, #tpu.memory_space<vmem>> -> memref<128x128xf32, #tpu.memory_space<vmem>>
      %gather3A_519 = tpu.vector_load_idx %gather3A_518[%add3A_298, %add3A_514] : memref<128x128xf32, #tpu.memory_space<vmem>>[vector<16xi32>, vector<16xi32>], vector<16xf32>,
      %mul3A_520 = arith.mulf %gather3A_511, %gather3A_519 : vector<16xf32>
      %add3A_521 = arith.addf %add3A_449, %mul3A_520 : vector<16xf32>
      %add3A_522 = arith.constant 11 : i32
      %add3A_523 = vector.broadcast %add3A_522 : i32 to vector<16xi32>
      %add3A_524 = arith.addi %mul3A_305, %add3A_523 : vector<16xi32>
      %gather3A_525 = arith.constant 0 : i32
      %gather3A_526 = arith.constant 0 : i32
      %gather3A_527 = tpu.memref_slice %arg14[%scan3A_283, %gather3A_525, %gather3A_526] : memref<2x128x128xf32, #tpu.memory_space<vmem>> -> memref<1x128x128xf32, #tpu.memory_space<vmem>>
      %gather3A_528 = tpu.memref_squeeze %gather3A_527 : memref<1x128x128xf32, #tpu.memory_space<vmem>> -> memref<128x128xf32, #tpu.memory_space<vmem>>
      %gather3A_529 = tpu.vector_load_idx %gather3A_528[%add3A_298, %add3A_524] : memref<128x128xf32, #tpu.memory_space<vmem>>[vector<16xi32>, vector<16xi32>], vector<16xf32>,
      %add3A_530 = arith.constant 11 : i32
      %add3A_531 = vector.broadcast %add3A_530 : i32 to vector<16xi32>
      %add3A_532 = arith.addi %mul3A_313, %add3A_531 : vector<16xi32>
      %gather3A_533 = arith.constant 0 : i32
      %gather3A_534 = arith.constant 0 : i32
      %gather3A_535 = tpu.memref_slice %arg15[%scan3A_284, %gather3A_533, %gather3A_534] : memref<2x128x128xf32, #tpu.memory_space<vmem>> -> memref<1x128x128xf32, #tpu.memory_space<vmem>>
      %gather3A_536 = tpu.memref_squeeze %gather3A_535 : memref<1x128x128xf32, #tpu.memory_space<vmem>> -> memref<128x128xf32, #tpu.memory_space<vmem>>
      %gather3A_537 = tpu.vector_load_idx %gather3A_536[%add3A_298, %add3A_532] : memref<128x128xf32, #tpu.memory_space<vmem>>[vector<16xi32>, vector<16xi32>], vector<16xf32>,
      %mul3A_538 = arith.mulf %gather3A_529, %gather3A_537 : vector<16xf32>
      %add3A_539 = arith.addf %add3A_467, %mul3A_538 : vector<16xf32>
      %add3A_540 = arith.constant 12 : i32
      %add3A_541 = vector.broadcast %add3A_540 : i32 to vector<16xi32>
      %add3A_542 = arith.addi %mul3A_305, %add3A_541 : vector<16xi32>
      %gather3A_543 = arith.constant 0 : i32
      %gather3A_544 = arith.constant 0 : i32
      %gather3A_545 = tpu.memref_slice %arg14[%scan3A_283, %gather3A_543, %gather3A_544] : memref<2x128x128xf32, #tpu.memory_space<vmem>> -> memref<1x128x128xf32, #tpu.memory_space<vmem>>
      %gather3A_546 = tpu.memref_squeeze %gather3A_545 : memref<1x128x128xf32, #tpu.memory_space<vmem>> -> memref<128x128xf32, #tpu.memory_space<vmem>>
      %gather3A_547 = tpu.vector_load_idx %gather3A_546[%add3A_298, %add3A_542] : memref<128x128xf32, #tpu.memory_space<vmem>>[vector<16xi32>, vector<16xi32>], vector<16xf32>,
      %add3A_548 = arith.constant 12 : i32
      %add3A_549 = vector.broadcast %add3A_548 : i32 to vector<16xi32>
      %add3A_550 = arith.addi %mul3A_313, %add3A_549 : vector<16xi32>
      %gather3A_551 = arith.constant 0 : i32
      %gather3A_552 = arith.constant 0 : i32
      %gather3A_553 = tpu.memref_slice %arg15[%scan3A_284, %gather3A_551, %gather3A_552] : memref<2x128x128xf32, #tpu.memory_space<vmem>> -> memref<1x128x128xf32, #tpu.memory_space<vmem>>
      %gather3A_554 = tpu.memref_squeeze %gather3A_553 : memref<1x128x128xf32, #tpu.memory_space<vmem>> -> memref<128x128xf32, #tpu.memory_space<vmem>>
      %gather3A_555 = tpu.vector_load_idx %gather3A_554[%add3A_298, %add3A_550] : memref<128x128xf32, #tpu.memory_space<vmem>>[vector<16xi32>, vector<16xi32>], vector<16xf32>,
      %mul3A_556 = arith.mulf %gather3A_547, %gather3A_555 : vector<16xf32>
      %add3A_557 = arith.addf %add3A_485, %mul3A_556 : vector<16xf32>
      %add3A_558 = arith.constant 13 : i32
      %add3A_559 = vector.broadcast %add3A_558 : i32 to vector<16xi32>
      %add3A_560 = arith.addi %mul3A_305, %add3A_559 : vector<16xi32>
      %gather3A_561 = arith.constant 0 : i32
      %gather3A_562 = arith.constant 0 : i32
      %gather3A_563 = tpu.memref_slice %arg14[%scan3A_283, %gather3A_561, %gather3A_562] : memref<2x128x128xf32, #tpu.memory_space<vmem>> -> memref<1x128x128xf32, #tpu.memory_space<vmem>>
      %gather3A_564 = tpu.memref_squeeze %gather3A_563 : memref<1x128x128xf32, #tpu.memory_space<vmem>> -> memref<128x128xf32, #tpu.memory_space<vmem>>
      %gather3A_565 = tpu.vector_load_idx %gather3A_564[%add3A_298, %add3A_560] : memref<128x128xf32, #tpu.memory_space<vmem>>[vector<16xi32>, vector<16xi32>], vector<16xf32>,
      %add3A_566 = arith.constant 13 : i32
      %add3A_567 = vector.broadcast %add3A_566 : i32 to vector<16xi32>
      %add3A_568 = arith.addi %mul3A_313, %add3A_567 : vector<16xi32>
      %gather3A_569 = arith.constant 0 : i32
      %gather3A_570 = arith.constant 0 : i32
      %gather3A_571 = tpu.memref_slice %arg15[%scan3A_284, %gather3A_569, %gather3A_570] : memref<2x128x128xf32, #tpu.memory_space<vmem>> -> memref<1x128x128xf32, #tpu.memory_space<vmem>>
      %gather3A_572 = tpu.memref_squeeze %gather3A_571 : memref<1x128x128xf32, #tpu.memory_space<vmem>> -> memref<128x128xf32, #tpu.memory_space<vmem>>
      %gather3A_573 = tpu.vector_load_idx %gather3A_572[%add3A_298, %add3A_568] : memref<128x128xf32, #tpu.memory_space<vmem>>[vector<16xi32>, vector<16xi32>], vector<16xf32>,
      %mul3A_574 = arith.mulf %gather3A_565, %gather3A_573 : vector<16xf32>
      %add3A_575 = arith.addf %add3A_503, %mul3A_574 : vector<16xf32>
      %add3A_576 = arith.constant 14 : i32
      %add3A_577 = vector.broadcast %add3A_576 : i32 to vector<16xi32>
      %add3A_578 = arith.addi %mul3A_305, %add3A_577 : vector<16xi32>
      %gather3A_579 = arith.constant 0 : i32
      %gather3A_580 = arith.constant 0 : i32
      %gather3A_581 = tpu.memref_slice %arg14[%scan3A_283, %gather3A_579, %gather3A_580] : memref<2x128x128xf32, #tpu.memory_space<vmem>> -> memref<1x128x128xf32, #tpu.memory_space<vmem>>
      %gather3A_582 = tpu.memref_squeeze %gather3A_581 : memref<1x128x128xf32, #tpu.memory_space<vmem>> -> memref<128x128xf32, #tpu.memory_space<vmem>>
      %gather3A_583 = tpu.vector_load_idx %gather3A_582[%add3A_298, %add3A_578] : memref<128x128xf32, #tpu.memory_space<vmem>>[vector<16xi32>, vector<16xi32>], vector<16xf32>,
      %add3A_584 = arith.constant 14 : i32
      %add3A_585 = vector.broadcast %add3A_584 : i32 to vector<16xi32>
      %add3A_586 = arith.addi %mul3A_313, %add3A_585 : vector<16xi32>
      %gather3A_587 = arith.constant 0 : i32
      %gather3A_588 = arith.constant 0 : i32
      %gather3A_589 = tpu.memref_slice %arg15[%scan3A_284, %gather3A_587, %gather3A_588] : memref<2x128x128xf32, #tpu.memory_space<vmem>> -> memref<1x128x128xf32, #tpu.memory_space<vmem>>
      %gather3A_590 = tpu.memref_squeeze %gather3A_589 : memref<1x128x128xf32, #tpu.memory_space<vmem>> -> memref<128x128xf32, #tpu.memory_space<vmem>>
      %gather3A_591 = tpu.vector_load_idx %gather3A_590[%add3A_298, %add3A_586] : memref<128x128xf32, #tpu.memory_space<vmem>>[vector<16xi32>, vector<16xi32>], vector<16xf32>,
      %mul3A_592 = arith.mulf %gather3A_583, %gather3A_591 : vector<16xf32>
      %add3A_593 = arith.addf %add3A_521, %mul3A_592 : vector<16xf32>
      %add3A_594 = arith.constant 15 : i32
      %add3A_595 = vector.broadcast %add3A_594 : i32 to vector<16xi32>
      %add3A_596 = arith.addi %mul3A_305, %add3A_595 : vector<16xi32>
      %gather3A_597 = arith.constant 0 : i32
      %gather3A_598 = arith.constant 0 : i32
      %gather3A_599 = tpu.memref_slice %arg14[%scan3A_283, %gather3A_597, %gather3A_598] : memref<2x128x128xf32, #tpu.memory_space<vmem>> -> memref<1x128x128xf32, #tpu.memory_space<vmem>>
      %gather3A_600 = tpu.memref_squeeze %gather3A_599 : memref<1x128x128xf32, #tpu.memory_space<vmem>> -> memref<128x128xf32, #tpu.memory_space<vmem>>
      %gather3A_601 = tpu.vector_load_idx %gather3A_600[%add3A_298, %add3A_596] : memref<128x128xf32, #tpu.memory_space<vmem>>[vector<16xi32>, vector<16xi32>], vector<16xf32>,
      %add3A_602 = arith.constant 15 : i32
      %add3A_603 = vector.broadcast %add3A_602 : i32 to vector<16xi32>
      %add3A_604 = arith.addi %mul3A_313, %add3A_603 : vector<16xi32>
      %gather3A_605 = arith.constant 0 : i32
      %gather3A_606 = arith.constant 0 : i32
      %gather3A_607 = tpu.memref_slice %arg15[%scan3A_284, %gather3A_605, %gather3A_606] : memref<2x128x128xf32, #tpu.memory_space<vmem>> -> memref<1x128x128xf32, #tpu.memory_space<vmem>>
      %gather3A_608 = tpu.memref_squeeze %gather3A_607 : memref<1x128x128xf32, #tpu.memory_space<vmem>> -> memref<128x128xf32, #tpu.memory_space<vmem>>
      %gather3A_609 = tpu.vector_load_idx %gather3A_608[%add3A_298, %add3A_604] : memref<128x128xf32, #tpu.memory_space<vmem>>[vector<16xi32>, vector<16xi32>], vector<16xf32>,
      %mul3A_610 = arith.mulf %gather3A_601, %gather3A_609 : vector<16xf32>
      %add3A_611 = arith.addf %add3A_539, %mul3A_610 : vector<16xf32>
      %add3A_612 = arith.constant 16 : i32
      %add3A_613 = vector.broadcast %add3A_612 : i32 to vector<16xi32>
      %add3A_614 = arith.addi %mul3A_305, %add3A_613 : vector<16xi32>
      %gather3A_615 = arith.constant 0 : i32
      %gather3A_616 = arith.constant 0 : i32
      %gather3A_617 = tpu.memref_slice %arg14[%scan3A_283, %gather3A_615, %gather3A_616] : memref<2x128x128xf32, #tpu.memory_space<vmem>> -> memref<1x128x128xf32, #tpu.memory_space<vmem>>
      %gather3A_618 = tpu.memref_squeeze %gather3A_617 : memref<1x128x128xf32, #tpu.memory_space<vmem>> -> memref<128x128xf32, #tpu.memory_space<vmem>>
      %gather3A_619 = tpu.vector_load_idx %gather3A_618[%add3A_298, %add3A_614] : memref<128x128xf32, #tpu.memory_space<vmem>>[vector<16xi32>, vector<16xi32>], vector<16xf32>,
      %add3A_620 = arith.constant 16 : i32
      %add3A_621 = vector.broadcast %add3A_620 : i32 to vector<16xi32>
      %add3A_622 = arith.addi %mul3A_313, %add3A_621 : vector<16xi32>
      %gather3A_623 = arith.constant 0 : i32
      %gather3A_624 = arith.constant 0 : i32
      %gather3A_625 = tpu.memref_slice %arg15[%scan3A_284, %gather3A_623, %gather3A_624] : memref<2x128x128xf32, #tpu.memory_space<vmem>> -> memref<1x128x128xf32, #tpu.memory_space<vmem>>
      %gather3A_626 = tpu.memref_squeeze %gather3A_625 : memref<1x128x128xf32, #tpu.memory_space<vmem>> -> memref<128x128xf32, #tpu.memory_space<vmem>>
      %gather3A_627 = tpu.vector_load_idx %gather3A_626[%add3A_298, %add3A_622] : memref<128x128xf32, #tpu.memory_space<vmem>>[vector<16xi32>, vector<16xi32>], vector<16xf32>,
      %mul3A_628 = arith.mulf %gather3A_619, %gather3A_627 : vector<16xf32>
      %add3A_629 = arith.addf %add3A_557, %mul3A_628 : vector<16xf32>
      %add3A_630 = arith.constant 17 : i32
      %add3A_631 = vector.broadcast %add3A_630 : i32 to vector<16xi32>
      %add3A_632 = arith.addi %mul3A_305, %add3A_631 : vector<16xi32>
      %gather3A_633 = arith.constant 0 : i32
      %gather3A_634 = arith.constant 0 : i32
      %gather3A_635 = tpu.memref_slice %arg14[%scan3A_283, %gather3A_633, %gather3A_634] : memref<2x128x128xf32, #tpu.memory_space<vmem>> -> memref<1x128x128xf32, #tpu.memory_space<vmem>>
      %gather3A_636 = tpu.memref_squeeze %gather3A_635 : memref<1x128x128xf32, #tpu.memory_space<vmem>> -> memref<128x128xf32, #tpu.memory_space<vmem>>
      %gather3A_637 = tpu.vector_load_idx %gather3A_636[%add3A_298, %add3A_632] : memref<128x128xf32, #tpu.memory_space<vmem>>[vector<16xi32>, vector<16xi32>], vector<16xf32>,
      %add3A_638 = arith.constant 17 : i32
      %add3A_639 = vector.broadcast %add3A_638 : i32 to vector<16xi32>
      %add3A_640 = arith.addi %mul3A_313, %add3A_639 : vector<16xi32>
      %gather3A_641 = arith.constant 0 : i32
      %gather3A_642 = arith.constant 0 : i32
      %gather3A_643 = tpu.memref_slice %arg15[%scan3A_284, %gather3A_641, %gather3A_642] : memref<2x128x128xf32, #tpu.memory_space<vmem>> -> memref<1x128x128xf32, #tpu.memory_space<vmem>>
      %gather3A_644 = tpu.memref_squeeze %gather3A_643 : memref<1x128x128xf32, #tpu.memory_space<vmem>> -> memref<128x128xf32, #tpu.memory_space<vmem>>
      %gather3A_645 = tpu.vector_load_idx %gather3A_644[%add3A_298, %add3A_640] : memref<128x128xf32, #tpu.memory_space<vmem>>[vector<16xi32>, vector<16xi32>], vector<16xf32>,
      %mul3A_646 = arith.mulf %gather3A_637, %gather3A_645 : vector<16xf32>
      %add3A_647 = arith.addf %add3A_575, %mul3A_646 : vector<16xf32>
      %add3A_648 = arith.constant 18 : i32
      %add3A_649 = vector.broadcast %add3A_648 : i32 to vector<16xi32>
      %add3A_650 = arith.addi %mul3A_305, %add3A_649 : vector<16xi32>
      %gather3A_651 = arith.constant 0 : i32
      %gather3A_652 = arith.constant 0 : i32
      %gather3A_653 = tpu.memref_slice %arg14[%scan3A_283, %gather3A_651, %gather3A_652] : memref<2x128x128xf32, #tpu.memory_space<vmem>> -> memref<1x128x128xf32, #tpu.memory_space<vmem>>
      %gather3A_654 = tpu.memref_squeeze %gather3A_653 : memref<1x128x128xf32, #tpu.memory_space<vmem>> -> memref<128x128xf32, #tpu.memory_space<vmem>>
      %gather3A_655 = tpu.vector_load_idx %gather3A_654[%add3A_298, %add3A_650] : memref<128x128xf32, #tpu.memory_space<vmem>>[vector<16xi32>, vector<16xi32>], vector<16xf32>,
      %add3A_656 = arith.constant 18 : i32
      %add3A_657 = vector.broadcast %add3A_656 : i32 to vector<16xi32>
      %add3A_658 = arith.addi %mul3A_313, %add3A_657 : vector<16xi32>
      %gather3A_659 = arith.constant 0 : i32
      %gather3A_660 = arith.constant 0 : i32
      %gather3A_661 = tpu.memref_slice %arg15[%scan3A_284, %gather3A_659, %gather3A_660] : memref<2x128x128xf32, #tpu.memory_space<vmem>> -> memref<1x128x128xf32, #tpu.memory_space<vmem>>
      %gather3A_662 = tpu.memref_squeeze %gather3A_661 : memref<1x128x128xf32, #tpu.memory_space<vmem>> -> memref<128x128xf32, #tpu.memory_space<vmem>>
      %gather3A_663 = tpu.vector_load_idx %gather3A_662[%add3A_298, %add3A_658] : memref<128x128xf32, #tpu.memory_space<vmem>>[vector<16xi32>, vector<16xi32>], vector<16xf32>,
      %mul3A_664 = arith.mulf %gather3A_655, %gather3A_663 : vector<16xf32>
      %add3A_665 = arith.addf %add3A_593, %mul3A_664 : vector<16xf32>
      %add3A_666 = arith.constant 19 : i32
      %add3A_667 = vector.broadcast %add3A_666 : i32 to vector<16xi32>
      %add3A_668 = arith.addi %mul3A_305, %add3A_667 : vector<16xi32>
      %gather3A_669 = arith.constant 0 : i32
      %gather3A_670 = arith.constant 0 : i32
      %gather3A_671 = tpu.memref_slice %arg14[%scan3A_283, %gather3A_669, %gather3A_670] : memref<2x128x128xf32, #tpu.memory_space<vmem>> -> memref<1x128x128xf32, #tpu.memory_space<vmem>>
      %gather3A_672 = tpu.memref_squeeze %gather3A_671 : memref<1x128x128xf32, #tpu.memory_space<vmem>> -> memref<128x128xf32, #tpu.memory_space<vmem>>
      %gather3A_673 = tpu.vector_load_idx %gather3A_672[%add3A_298, %add3A_668] : memref<128x128xf32, #tpu.memory_space<vmem>>[vector<16xi32>, vector<16xi32>], vector<16xf32>,
      %add3A_674 = arith.constant 19 : i32
      %add3A_675 = vector.broadcast %add3A_674 : i32 to vector<16xi32>
      %add3A_676 = arith.addi %mul3A_313, %add3A_675 : vector<16xi32>
      %gather3A_677 = arith.constant 0 : i32
      %gather3A_678 = arith.constant 0 : i32
      %gather3A_679 = tpu.memref_slice %arg15[%scan3A_284, %gather3A_677, %gather3A_678] : memref<2x128x128xf32, #tpu.memory_space<vmem>> -> memref<1x128x128xf32, #tpu.memory_space<vmem>>
      %gather3A_680 = tpu.memref_squeeze %gather3A_679 : memref<1x128x128xf32, #tpu.memory_space<vmem>> -> memref<128x128xf32, #tpu.memory_space<vmem>>
      %gather3A_681 = tpu.vector_load_idx %gather3A_680[%add3A_298, %add3A_676] : memref<128x128xf32, #tpu.memory_space<vmem>>[vector<16xi32>, vector<16xi32>], vector<16xf32>,
      %mul3A_682 = arith.mulf %gather3A_673, %gather3A_681 : vector<16xf32>
      %add3A_683 = arith.addf %add3A_611, %mul3A_682 : vector<16xf32>
      %add3A_684 = arith.constant 20 : i32
      %add3A_685 = vector.broadcast %add3A_684 : i32 to vector<16xi32>
      %add3A_686 = arith.addi %mul3A_305, %add3A_685 : vector<16xi32>
      %gather3A_687 = arith.constant 0 : i32
      %gather3A_688 = arith.constant 0 : i32
      %gather3A_689 = tpu.memref_slice %arg14[%scan3A_283, %gather3A_687, %gather3A_688] : memref<2x128x128xf32, #tpu.memory_space<vmem>> -> memref<1x128x128xf32, #tpu.memory_space<vmem>>
      %gather3A_690 = tpu.memref_squeeze %gather3A_689 : memref<1x128x128xf32, #tpu.memory_space<vmem>> -> memref<128x128xf32, #tpu.memory_space<vmem>>
      %gather3A_691 = tpu.vector_load_idx %gather3A_690[%add3A_298, %add3A_686] : memref<128x128xf32, #tpu.memory_space<vmem>>[vector<16xi32>, vector<16xi32>], vector<16xf32>,
      %add3A_692 = arith.constant 20 : i32
      %add3A_693 = vector.broadcast %add3A_692 : i32 to vector<16xi32>
      %add3A_694 = arith.addi %mul3A_313, %add3A_693 : vector<16xi32>
      %gather3A_695 = arith.constant 0 : i32
      %gather3A_696 = arith.constant 0 : i32
      %gather3A_697 = tpu.memref_slice %arg15[%scan3A_284, %gather3A_695, %gather3A_696] : memref<2x128x128xf32, #tpu.memory_space<vmem>> -> memref<1x128x128xf32, #tpu.memory_space<vmem>>
      %gather3A_698 = tpu.memref_squeeze %gather3A_697 : memref<1x128x128xf32, #tpu.memory_space<vmem>> -> memref<128x128xf32, #tpu.memory_space<vmem>>
      %gather3A_699 = tpu.vector_load_idx %gather3A_698[%add3A_298, %add3A_694] : memref<128x128xf32, #tpu.memory_space<vmem>>[vector<16xi32>, vector<16xi32>], vector<16xf32>,
      %mul3A_700 = arith.mulf %gather3A_691, %gather3A_699 : vector<16xf32>
      %add3A_701 = arith.addf %add3A_629, %mul3A_700 : vector<16xf32>
      %add3A_702 = arith.constant 21 : i32
      %add3A_703 = vector.broadcast %add3A_702 : i32 to vector<16xi32>
      %add3A_704 = arith.addi %mul3A_305, %add3A_703 : vector<16xi32>
      %gather3A_705 = arith.constant 0 : i32
      %gather3A_706 = arith.constant 0 : i32
      %gather3A_707 = tpu.memref_slice %arg14[%scan3A_283, %gather3A_705, %gather3A_706] : memref<2x128x128xf32, #tpu.memory_space<vmem>> -> memref<1x128x128xf32, #tpu.memory_space<vmem>>
      %gather3A_708 = tpu.memref_squeeze %gather3A_707 : memref<1x128x128xf32, #tpu.memory_space<vmem>> -> memref<128x128xf32, #tpu.memory_space<vmem>>
      %gather3A_709 = tpu.vector_load_idx %gather3A_708[%add3A_298, %add3A_704] : memref<128x128xf32, #tpu.memory_space<vmem>>[vector<16xi32>, vector<16xi32>], vector<16xf32>,
      %add3A_710 = arith.constant 21 : i32
      %add3A_711 = vector.broadcast %add3A_710 : i32 to vector<16xi32>
      %add3A_712 = arith.addi %mul3A_313, %add3A_711 : vector<16xi32>
      %gather3A_713 = arith.constant 0 : i32
      %gather3A_714 = arith.constant 0 : i32
      %gather3A_715 = tpu.memref_slice %arg15[%scan3A_284, %gather3A_713, %gather3A_714] : memref<2x128x128xf32, #tpu.memory_space<vmem>> -> memref<1x128x128xf32, #tpu.memory_space<vmem>>
      %gather3A_716 = tpu.memref_squeeze %gather3A_715 : memref<1x128x128xf32, #tpu.memory_space<vmem>> -> memref<128x128xf32, #tpu.memory_space<vmem>>
      %gather3A_717 = tpu.vector_load_idx %gather3A_716[%add3A_298, %add3A_712] : memref<128x128xf32, #tpu.memory_space<vmem>>[vector<16xi32>, vector<16xi32>], vector<16xf32>,
      %mul3A_718 = arith.mulf %gather3A_709, %gather3A_717 : vector<16xf32>
      %add3A_719 = arith.addf %add3A_647, %mul3A_718 : vector<16xf32>
      %add3A_720 = arith.constant 22 : i32
      %add3A_721 = vector.broadcast %add3A_720 : i32 to vector<16xi32>
      %add3A_722 = arith.addi %mul3A_305, %add3A_721 : vector<16xi32>
      %gather3A_723 = arith.constant 0 : i32
      %gather3A_724 = arith.constant 0 : i32
      %gather3A_725 = tpu.memref_slice %arg14[%scan3A_283, %gather3A_723, %gather3A_724] : memref<2x128x128xf32, #tpu.memory_space<vmem>> -> memref<1x128x128xf32, #tpu.memory_space<vmem>>
      %gather3A_726 = tpu.memref_squeeze %gather3A_725 : memref<1x128x128xf32, #tpu.memory_space<vmem>> -> memref<128x128xf32, #tpu.memory_space<vmem>>
      %gather3A_727 = tpu.vector_load_idx %gather3A_726[%add3A_298, %add3A_722] : memref<128x128xf32, #tpu.memory_space<vmem>>[vector<16xi32>, vector<16xi32>], vector<16xf32>,
      %add3A_728 = arith.constant 22 : i32
      %add3A_729 = vector.broadcast %add3A_728 : i32 to vector<16xi32>
      %add3A_730 = arith.addi %mul3A_313, %add3A_729 : vector<16xi32>
      %gather3A_731 = arith.constant 0 : i32
      %gather3A_732 = arith.constant 0 : i32
      %gather3A_733 = tpu.memref_slice %arg15[%scan3A_284, %gather3A_731, %gather3A_732] : memref<2x128x128xf32, #tpu.memory_space<vmem>> -> memref<1x128x128xf32, #tpu.memory_space<vmem>>
      %gather3A_734 = tpu.memref_squeeze %gather3A_733 : memref<1x128x128xf32, #tpu.memory_space<vmem>> -> memref<128x128xf32, #tpu.memory_space<vmem>>
      %gather3A_735 = tpu.vector_load_idx %gather3A_734[%add3A_298, %add3A_730] : memref<128x128xf32, #tpu.memory_space<vmem>>[vector<16xi32>, vector<16xi32>], vector<16xf32>,
      %mul3A_736 = arith.mulf %gather3A_727, %gather3A_735 : vector<16xf32>
      %add3A_737 = arith.addf %add3A_665, %mul3A_736 : vector<16xf32>
      %add3A_738 = arith.constant 23 : i32
      %add3A_739 = vector.broadcast %add3A_738 : i32 to vector<16xi32>
      %add3A_740 = arith.addi %mul3A_305, %add3A_739 : vector<16xi32>
      %gather3A_741 = arith.constant 0 : i32
      %gather3A_742 = arith.constant 0 : i32
      %gather3A_743 = tpu.memref_slice %arg14[%scan3A_283, %gather3A_741, %gather3A_742] : memref<2x128x128xf32, #tpu.memory_space<vmem>> -> memref<1x128x128xf32, #tpu.memory_space<vmem>>
      %gather3A_744 = tpu.memref_squeeze %gather3A_743 : memref<1x128x128xf32, #tpu.memory_space<vmem>> -> memref<128x128xf32, #tpu.memory_space<vmem>>
      %gather3A_745 = tpu.vector_load_idx %gather3A_744[%add3A_298, %add3A_740] : memref<128x128xf32, #tpu.memory_space<vmem>>[vector<16xi32>, vector<16xi32>], vector<16xf32>,
      %add3A_746 = arith.constant 23 : i32
      %add3A_747 = vector.broadcast %add3A_746 : i32 to vector<16xi32>
      %add3A_748 = arith.addi %mul3A_313, %add3A_747 : vector<16xi32>
      %gather3A_749 = arith.constant 0 : i32
      %gather3A_750 = arith.constant 0 : i32
      %gather3A_751 = tpu.memref_slice %arg15[%scan3A_284, %gather3A_749, %gather3A_750] : memref<2x128x128xf32, #tpu.memory_space<vmem>> -> memref<1x128x128xf32, #tpu.memory_space<vmem>>
      %gather3A_752 = tpu.memref_squeeze %gather3A_751 : memref<1x128x128xf32, #tpu.memory_space<vmem>> -> memref<128x128xf32, #tpu.memory_space<vmem>>
      %gather3A_753 = tpu.vector_load_idx %gather3A_752[%add3A_298, %add3A_748] : memref<128x128xf32, #tpu.memory_space<vmem>>[vector<16xi32>, vector<16xi32>], vector<16xf32>,
      %mul3A_754 = arith.mulf %gather3A_745, %gather3A_753 : vector<16xf32>
      %add3A_755 = arith.addf %add3A_683, %mul3A_754 : vector<16xf32>
      %add3A_756 = arith.constant 24 : i32
      %add3A_757 = vector.broadcast %add3A_756 : i32 to vector<16xi32>
      %add3A_758 = arith.addi %mul3A_305, %add3A_757 : vector<16xi32>
      %gather3A_759 = arith.constant 0 : i32
      %gather3A_760 = arith.constant 0 : i32
      %gather3A_761 = tpu.memref_slice %arg14[%scan3A_283, %gather3A_759, %gather3A_760] : memref<2x128x128xf32, #tpu.memory_space<vmem>> -> memref<1x128x128xf32, #tpu.memory_space<vmem>>
      %gather3A_762 = tpu.memref_squeeze %gather3A_761 : memref<1x128x128xf32, #tpu.memory_space<vmem>> -> memref<128x128xf32, #tpu.memory_space<vmem>>
      %gather3A_763 = tpu.vector_load_idx %gather3A_762[%add3A_298, %add3A_758] : memref<128x128xf32, #tpu.memory_space<vmem>>[vector<16xi32>, vector<16xi32>], vector<16xf32>,
      %add3A_764 = arith.constant 24 : i32
      %add3A_765 = vector.broadcast %add3A_764 : i32 to vector<16xi32>
      %add3A_766 = arith.addi %mul3A_313, %add3A_765 : vector<16xi32>
      %gather3A_767 = arith.constant 0 : i32
      %gather3A_768 = arith.constant 0 : i32
      %gather3A_769 = tpu.memref_slice %arg15[%scan3A_284, %gather3A_767, %gather3A_768] : memref<2x128x128xf32, #tpu.memory_space<vmem>> -> memref<1x128x128xf32, #tpu.memory_space<vmem>>
      %gather3A_770 = tpu.memref_squeeze %gather3A_769 : memref<1x128x128xf32, #tpu.memory_space<vmem>> -> memref<128x128xf32, #tpu.memory_space<vmem>>
      %gather3A_771 = tpu.vector_load_idx %gather3A_770[%add3A_298, %add3A_766] : memref<128x128xf32, #tpu.memory_space<vmem>>[vector<16xi32>, vector<16xi32>], vector<16xf32>,
      %mul3A_772 = arith.mulf %gather3A_763, %gather3A_771 : vector<16xf32>
      %add3A_773 = arith.addf %add3A_701, %mul3A_772 : vector<16xf32>
      %add3A_774 = arith.constant 25 : i32
      %add3A_775 = vector.broadcast %add3A_774 : i32 to vector<16xi32>
      %add3A_776 = arith.addi %mul3A_305, %add3A_775 : vector<16xi32>
      %gather3A_777 = arith.constant 0 : i32
      %gather3A_778 = arith.constant 0 : i32
      %gather3A_779 = tpu.memref_slice %arg14[%scan3A_283, %gather3A_777, %gather3A_778] : memref<2x128x128xf32, #tpu.memory_space<vmem>> -> memref<1x128x128xf32, #tpu.memory_space<vmem>>
      %gather3A_780 = tpu.memref_squeeze %gather3A_779 : memref<1x128x128xf32, #tpu.memory_space<vmem>> -> memref<128x128xf32, #tpu.memory_space<vmem>>
      %gather3A_781 = tpu.vector_load_idx %gather3A_780[%add3A_298, %add3A_776] : memref<128x128xf32, #tpu.memory_space<vmem>>[vector<16xi32>, vector<16xi32>], vector<16xf32>,
      %add3A_782 = arith.constant 25 : i32
      %add3A_783 = vector.broadcast %add3A_782 : i32 to vector<16xi32>
      %add3A_784 = arith.addi %mul3A_313, %add3A_783 : vector<16xi32>
      %gather3A_785 = arith.constant 0 : i32
      %gather3A_786 = arith.constant 0 : i32
      %gather3A_787 = tpu.memref_slice %arg15[%scan3A_284, %gather3A_785, %gather3A_786] : memref<2x128x128xf32, #tpu.memory_space<vmem>> -> memref<1x128x128xf32, #tpu.memory_space<vmem>>
      %gather3A_788 = tpu.memref_squeeze %gather3A_787 : memref<1x128x128xf32, #tpu.memory_space<vmem>> -> memref<128x128xf32, #tpu.memory_space<vmem>>
      %gather3A_789 = tpu.vector_load_idx %gather3A_788[%add3A_298, %add3A_784] : memref<128x128xf32, #tpu.memory_space<vmem>>[vector<16xi32>, vector<16xi32>], vector<16xf32>,
      %mul3A_790 = arith.mulf %gather3A_781, %gather3A_789 : vector<16xf32>
      %add3A_791 = arith.addf %add3A_719, %mul3A_790 : vector<16xf32>
      %add3A_792 = arith.constant 26 : i32
      %add3A_793 = vector.broadcast %add3A_792 : i32 to vector<16xi32>
      %add3A_794 = arith.addi %mul3A_305, %add3A_793 : vector<16xi32>
      %gather3A_795 = arith.constant 0 : i32
      %gather3A_796 = arith.constant 0 : i32
      %gather3A_797 = tpu.memref_slice %arg14[%scan3A_283, %gather3A_795, %gather3A_796] : memref<2x128x128xf32, #tpu.memory_space<vmem>> -> memref<1x128x128xf32, #tpu.memory_space<vmem>>
      %gather3A_798 = tpu.memref_squeeze %gather3A_797 : memref<1x128x128xf32, #tpu.memory_space<vmem>> -> memref<128x128xf32, #tpu.memory_space<vmem>>
      %gather3A_799 = tpu.vector_load_idx %gather3A_798[%add3A_298, %add3A_794] : memref<128x128xf32, #tpu.memory_space<vmem>>[vector<16xi32>, vector<16xi32>], vector<16xf32>,
      %add3A_800 = arith.constant 26 : i32
      %add3A_801 = vector.broadcast %add3A_800 : i32 to vector<16xi32>
      %add3A_802 = arith.addi %mul3A_313, %add3A_801 : vector<16xi32>
      %gather3A_803 = arith.constant 0 : i32
      %gather3A_804 = arith.constant 0 : i32
      %gather3A_805 = tpu.memref_slice %arg15[%scan3A_284, %gather3A_803, %gather3A_804] : memref<2x128x128xf32, #tpu.memory_space<vmem>> -> memref<1x128x128xf32, #tpu.memory_space<vmem>>
      %gather3A_806 = tpu.memref_squeeze %gather3A_805 : memref<1x128x128xf32, #tpu.memory_space<vmem>> -> memref<128x128xf32, #tpu.memory_space<vmem>>
      %gather3A_807 = tpu.vector_load_idx %gather3A_806[%add3A_298, %add3A_802] : memref<128x128xf32, #tpu.memory_space<vmem>>[vector<16xi32>, vector<16xi32>], vector<16xf32>,
      %mul3A_808 = arith.mulf %gather3A_799, %gather3A_807 : vector<16xf32>
      %add3A_809 = arith.addf %add3A_737, %mul3A_808 : vector<16xf32>
      %add3A_810 = arith.constant 27 : i32
      %add3A_811 = vector.broadcast %add3A_810 : i32 to vector<16xi32>
      %add3A_812 = arith.addi %mul3A_305, %add3A_811 : vector<16xi32>
      %gather3A_813 = arith.constant 0 : i32
      %gather3A_814 = arith.constant 0 : i32
      %gather3A_815 = tpu.memref_slice %arg14[%scan3A_283, %gather3A_813, %gather3A_814] : memref<2x128x128xf32, #tpu.memory_space<vmem>> -> memref<1x128x128xf32, #tpu.memory_space<vmem>>
      %gather3A_816 = tpu.memref_squeeze %gather3A_815 : memref<1x128x128xf32, #tpu.memory_space<vmem>> -> memref<128x128xf32, #tpu.memory_space<vmem>>
      %gather3A_817 = tpu.vector_load_idx %gather3A_816[%add3A_298, %add3A_812] : memref<128x128xf32, #tpu.memory_space<vmem>>[vector<16xi32>, vector<16xi32>], vector<16xf32>,
      %add3A_818 = arith.constant 27 : i32
      %add3A_819 = vector.broadcast %add3A_818 : i32 to vector<16xi32>
      %add3A_820 = arith.addi %mul3A_313, %add3A_819 : vector<16xi32>
      %gather3A_821 = arith.constant 0 : i32
      %gather3A_822 = arith.constant 0 : i32
      %gather3A_823 = tpu.memref_slice %arg15[%scan3A_284, %gather3A_821, %gather3A_822] : memref<2x128x128xf32, #tpu.memory_space<vmem>> -> memref<1x128x128xf32, #tpu.memory_space<vmem>>
      %gather3A_824 = tpu.memref_squeeze %gather3A_823 : memref<1x128x128xf32, #tpu.memory_space<vmem>> -> memref<128x128xf32, #tpu.memory_space<vmem>>
      %gather3A_825 = tpu.vector_load_idx %gather3A_824[%add3A_298, %add3A_820] : memref<128x128xf32, #tpu.memory_space<vmem>>[vector<16xi32>, vector<16xi32>], vector<16xf32>,
      %mul3A_826 = arith.mulf %gather3A_817, %gather3A_825 : vector<16xf32>
      %add3A_827 = arith.addf %add3A_755, %mul3A_826 : vector<16xf32>
      %add3A_828 = arith.constant 28 : i32
      %add3A_829 = vector.broadcast %add3A_828 : i32 to vector<16xi32>
      %add3A_830 = arith.addi %mul3A_305, %add3A_829 : vector<16xi32>
      %gather3A_831 = arith.constant 0 : i32
      %gather3A_832 = arith.constant 0 : i32
      %gather3A_833 = tpu.memref_slice %arg14[%scan3A_283, %gather3A_831, %gather3A_832] : memref<2x128x128xf32, #tpu.memory_space<vmem>> -> memref<1x128x128xf32, #tpu.memory_space<vmem>>
      %gather3A_834 = tpu.memref_squeeze %gather3A_833 : memref<1x128x128xf32, #tpu.memory_space<vmem>> -> memref<128x128xf32, #tpu.memory_space<vmem>>
      %gather3A_835 = tpu.vector_load_idx %gather3A_834[%add3A_298, %add3A_830] : memref<128x128xf32, #tpu.memory_space<vmem>>[vector<16xi32>, vector<16xi32>], vector<16xf32>,
      %add3A_836 = arith.constant 28 : i32
      %add3A_837 = vector.broadcast %add3A_836 : i32 to vector<16xi32>
      %add3A_838 = arith.addi %mul3A_313, %add3A_837 : vector<16xi32>
      %gather3A_839 = arith.constant 0 : i32
      %gather3A_840 = arith.constant 0 : i32
      %gather3A_841 = tpu.memref_slice %arg15[%scan3A_284, %gather3A_839, %gather3A_840] : memref<2x128x128xf32, #tpu.memory_space<vmem>> -> memref<1x128x128xf32, #tpu.memory_space<vmem>>
      %gather3A_842 = tpu.memref_squeeze %gather3A_841 : memref<1x128x128xf32, #tpu.memory_space<vmem>> -> memref<128x128xf32, #tpu.memory_space<vmem>>
      %gather3A_843 = tpu.vector_load_idx %gather3A_842[%add3A_298, %add3A_838] : memref<128x128xf32, #tpu.memory_space<vmem>>[vector<16xi32>, vector<16xi32>], vector<16xf32>,
      %mul3A_844 = arith.mulf %gather3A_835, %gather3A_843 : vector<16xf32>
      %add3A_845 = arith.addf %add3A_773, %mul3A_844 : vector<16xf32>
      %add3A_846 = arith.constant 29 : i32
      %add3A_847 = vector.broadcast %add3A_846 : i32 to vector<16xi32>
      %add3A_848 = arith.addi %mul3A_305, %add3A_847 : vector<16xi32>
      %gather3A_849 = arith.constant 0 : i32
      %gather3A_850 = arith.constant 0 : i32
      %gather3A_851 = tpu.memref_slice %arg14[%scan3A_283, %gather3A_849, %gather3A_850] : memref<2x128x128xf32, #tpu.memory_space<vmem>> -> memref<1x128x128xf32, #tpu.memory_space<vmem>>
      %gather3A_852 = tpu.memref_squeeze %gather3A_851 : memref<1x128x128xf32, #tpu.memory_space<vmem>> -> memref<128x128xf32, #tpu.memory_space<vmem>>
      %gather3A_853 = tpu.vector_load_idx %gather3A_852[%add3A_298, %add3A_848] : memref<128x128xf32, #tpu.memory_space<vmem>>[vector<16xi32>, vector<16xi32>], vector<16xf32>,
      %add3A_854 = arith.constant 29 : i32
      %add3A_855 = vector.broadcast %add3A_854 : i32 to vector<16xi32>
      %add3A_856 = arith.addi %mul3A_313, %add3A_855 : vector<16xi32>
      %gather3A_857 = arith.constant 0 : i32
      %gather3A_858 = arith.constant 0 : i32
      %gather3A_859 = tpu.memref_slice %arg15[%scan3A_284, %gather3A_857, %gather3A_858] : memref<2x128x128xf32, #tpu.memory_space<vmem>> -> memref<1x128x128xf32, #tpu.memory_space<vmem>>
      %gather3A_860 = tpu.memref_squeeze %gather3A_859 : memref<1x128x128xf32, #tpu.memory_space<vmem>> -> memref<128x128xf32, #tpu.memory_space<vmem>>
      %gather3A_861 = tpu.vector_load_idx %gather3A_860[%add3A_298, %add3A_856] : memref<128x128xf32, #tpu.memory_space<vmem>>[vector<16xi32>, vector<16xi32>], vector<16xf32>,
      %mul3A_862 = arith.mulf %gather3A_853, %gather3A_861 : vector<16xf32>
      %add3A_863 = arith.addf %add3A_791, %mul3A_862 : vector<16xf32>
      %add3A_864 = arith.constant 30 : i32
      %add3A_865 = vector.broadcast %add3A_864 : i32 to vector<16xi32>
      %add3A_866 = arith.addi %mul3A_305, %add3A_865 : vector<16xi32>
      %gather3A_867 = arith.constant 0 : i32
      %gather3A_868 = arith.constant 0 : i32
      %gather3A_869 = tpu.memref_slice %arg14[%scan3A_283, %gather3A_867, %gather3A_868] : memref<2x128x128xf32, #tpu.memory_space<vmem>> -> memref<1x128x128xf32, #tpu.memory_space<vmem>>
      %gather3A_870 = tpu.memref_squeeze %gather3A_869 : memref<1x128x128xf32, #tpu.memory_space<vmem>> -> memref<128x128xf32, #tpu.memory_space<vmem>>
      %gather3A_871 = tpu.vector_load_idx %gather3A_870[%add3A_298, %add3A_866] : memref<128x128xf32, #tpu.memory_space<vmem>>[vector<16xi32>, vector<16xi32>], vector<16xf32>,
      %add3A_872 = arith.constant 30 : i32
      %add3A_873 = vector.broadcast %add3A_872 : i32 to vector<16xi32>
      %add3A_874 = arith.addi %mul3A_313, %add3A_873 : vector<16xi32>
      %gather3A_875 = arith.constant 0 : i32
      %gather3A_876 = arith.constant 0 : i32
      %gather3A_877 = tpu.memref_slice %arg15[%scan3A_284, %gather3A_875, %gather3A_876] : memref<2x128x128xf32, #tpu.memory_space<vmem>> -> memref<1x128x128xf32, #tpu.memory_space<vmem>>
      %gather3A_878 = tpu.memref_squeeze %gather3A_877 : memref<1x128x128xf32, #tpu.memory_space<vmem>> -> memref<128x128xf32, #tpu.memory_space<vmem>>
      %gather3A_879 = tpu.vector_load_idx %gather3A_878[%add3A_298, %add3A_874] : memref<128x128xf32, #tpu.memory_space<vmem>>[vector<16xi32>, vector<16xi32>], vector<16xf32>,
      %mul3A_880 = arith.mulf %gather3A_871, %gather3A_879 : vector<16xf32>
      %add3A_881 = arith.addf %add3A_809, %mul3A_880 : vector<16xf32>
      %add3A_882 = arith.constant 31 : i32
      %add3A_883 = vector.broadcast %add3A_882 : i32 to vector<16xi32>
      %add3A_884 = arith.addi %mul3A_305, %add3A_883 : vector<16xi32>
      %gather3A_885 = arith.constant 0 : i32
      %gather3A_886 = arith.constant 0 : i32
      %gather3A_887 = tpu.memref_slice %arg14[%scan3A_283, %gather3A_885, %gather3A_886] : memref<2x128x128xf32, #tpu.memory_space<vmem>> -> memref<1x128x128xf32, #tpu.memory_space<vmem>>
      %gather3A_888 = tpu.memref_squeeze %gather3A_887 : memref<1x128x128xf32, #tpu.memory_space<vmem>> -> memref<128x128xf32, #tpu.memory_space<vmem>>
      %gather3A_889 = tpu.vector_load_idx %gather3A_888[%add3A_298, %add3A_884] : memref<128x128xf32, #tpu.memory_space<vmem>>[vector<16xi32>, vector<16xi32>], vector<16xf32>,
      %add3A_890 = arith.constant 31 : i32
      %add3A_891 = vector.broadcast %add3A_890 : i32 to vector<16xi32>
      %add3A_892 = arith.addi %mul3A_313, %add3A_891 : vector<16xi32>
      %gather3A_893 = arith.constant 0 : i32
      %gather3A_894 = arith.constant 0 : i32
      %gather3A_895 = tpu.memref_slice %arg15[%scan3A_284, %gather3A_893, %gather3A_894] : memref<2x128x128xf32, #tpu.memory_space<vmem>> -> memref<1x128x128xf32, #tpu.memory_space<vmem>>
      %gather3A_896 = tpu.memref_squeeze %gather3A_895 : memref<1x128x128xf32, #tpu.memory_space<vmem>> -> memref<128x128xf32, #tpu.memory_space<vmem>>
      %gather3A_897 = tpu.vector_load_idx %gather3A_896[%add3A_298, %add3A_892] : memref<128x128xf32, #tpu.memory_space<vmem>>[vector<16xi32>, vector<16xi32>], vector<16xf32>,
      %mul3A_898 = arith.mulf %gather3A_889, %gather3A_897 : vector<16xf32>
      %add3A_899 = arith.addf %add3A_827, %mul3A_898 : vector<16xf32>
      %add3A_900 = arith.addf %add3A_845, %add3A_863 : vector<16xf32>
      %add3A_901 = arith.addf %add3A_881, %add3A_899 : vector<16xf32>
      %add3A_902 = arith.addf %add3A_900, %add3A_901 : vector<16xf32>
      %swap3A = arith.index_cast %add3A_296 : i32 to index
      %swap3A_903 = tpu.vector_load %arg19[%swap3A] {strides = array<i32>} : memref<512xf32, #tpu.memory_space<vmem>>, vector<16xf32>,
      tpu.vector_store %arg19[%swap3A], %add3A_902 {strides = array<i32>} : memref<512xf32, #tpu.memory_space<vmem>>, vector<16xf32>,
    }
    %scan3A_289 = arith.constant 8 : i32
    "tpu.region"() ({
      %run_scoped3A = tpu.sem_alloc : memref<!tpu.dma_semaphore, #tpu.memory_space<semaphore_mem>>
      %dma_start3A_290 = tpu.memref_slice %arg9[%mul3A_2] : memref<16384xf32, #tpu.memory_space<hbm>> -> memref<512xf32, #tpu.memory_space<hbm>>
      %dma_start3A_291 = tpu.memref_slice %arg9[%mul3A_2] : memref<16384xf32, #tpu.memory_space<hbm>> -> memref<512xf32, #tpu.memory_space<hbm>>
      tpu.enqueue_dma source(%arg19 : memref<512xf32, #tpu.memory_space<vmem>>) target(%dma_start3A_291 : memref<512xf32, #tpu.memory_space<hbm>>) target_semaphore(%run_scoped3A : memref<!tpu.dma_semaphore, #tpu.memory_space<semaphore_mem>>)
      %dma_wait3A_292 = tpu.memref_slice %arg9[%mul3A_2] : memref<16384xf32, #tpu.memory_space<hbm>> -> memref<512xf32, #tpu.memory_space<hbm>>
      %dma_wait3A_293 = tpu.memref_slice %arg9[%mul3A_2] : memref<16384xf32, #tpu.memory_space<hbm>> -> memref<512xf32, #tpu.memory_space<hbm>>
      tpu.wait_dma2 semaphore(%run_scoped3A : memref<!tpu.dma_semaphore, #tpu.memory_space<semaphore_mem>>) src(%arg19 : memref<512xf32, #tpu.memory_space<vmem>>) dst(%dma_wait3A_293 : memref<512xf32, #tpu.memory_space<hbm>>)
      tpu.yield
    }) : () -> ()
    return
  }
}

</mosaic_0001>

<sc_bundles>
// kernel: kernel.3.cloned.1.call-start
scs
__scs_entry_jumppad:
0x0: {  	(pc) =	sbr.rel $0x88, $3  }
0x1: {  	(tag) =	ssettag $0x0;
	lr =	simm.s32 $0x1  }
0x2: {  	[smem:$0x3F9A] =	sst lr;
	_ =	strace $0xD0000000  }
0x3: {  	_ = 	snop  }
0x4: {  	_ = 	snop  }
0x5: {  	_ = 	snop  }
0x6: {  	_ = 	snop  }
0x7: {  	_ = 	snop  }
__scs_overlays_trampoline_lowered:
0x8: {  	[smem:$0x3FA9] =	sst s0  }
0x9: {  	[smem:$0x3FAA] =	sst s1  }
0xa: {  	[smem:$0x3FAB] =	sst s2  }
0xb: {  	[smem:$0x3FAC] =	sst s3  }
0xc: {  	[smem:$0x3FAD] =	sst s4  }
0xd: {  	[smem:$0x3FAE] =	sst s5  }
0xe: {  	[smem:$0x3FAF] =	sst s6  }
0xf: {  	[smem:$0x3FB0] =	sst s7  }
0x10: {  	[smem:$0x3FB1] =	sst s8  }
0x11: {  	[smem:$0x3FB2] =	sst s9;
	s0 =	simm.s32 @!p0 $0x0  }
0x12: {  	s1 =	sld [smem:$0x3F98];
	s0 =	simm.s32 @p0 $0x1  }
0x13: {  	[smem:$0x3FB3] =	sst s0;
	s0 =	simm.s32 @!p1 $0x0  }
0x14: {  	s2 =	sld [smem:$0x3F97];
	s0 =	simm.s32 @p1 $0x1  }
0x15: {  	[smem:$0x3FB4] =	sst s0;
	s0 =	simm.s32 @!p2 $0x0  }
0x16: {  	s3 =	sld [smem:$0x3FDB];
	s0 =	simm.s32 @p2 $0x1  }
0x17: {  	s4 =	simm.s32 $0x1BF5;
	[smem:$0x3FB6] =	sst s0  }
0x18: {  	s0 =	sld [smem:$0x3F99];
	_ =	swait.ge [sflag:s4], $0x0  }
0x19: {  	s7 =	sld [smem:$0x3F9A]  }
0x1a: {  	s8 =	sadd.s32 $0xFFFFE003, lr  }
0x1b: {  	s9 =	sadd.s32 $0xFFFFFEF7, lr;
	s5 =	simm.s32 $0xFFFFFFFF;
	p2 =	slt.u32 s8, $0xFFFFF086  }
0x1c: {  	p1 =	slt.u32 s9, $0xF7A;
	s5 =	simm.s32 @!p2 $0x0  }
0x1d: {  	s5 =	simm.s32 @p1 $0x1;
	p0 =	seq.s32 s7, s2  }
0x1e: {  	s7 =	smul.u32 @!p0 $0xF7A, s2;
	p2 =	seq.s32 @!p0 s5, $0x0  }
0x1f: {  	s9 =	smul.u32 $0xF7A, s1;
	s8 =	simm.s32 @!p0 $0x1BF5;
	p2 =	por !p2, p0  }
0x20: {  	[sflag:s8] =	ssyncset.s32 @!p0 $0xFFFFF086;
	s6 =	sadd.s32 @!p0 s3, s7;
	s7 =	simm.s32 @!p0 $0x108  }
0x21: {  	s3 =	sadd.s32 s3, s9;
	s6 =	sadd.s32 @!p0 $0x88, s6;
	s7 =	simm.s32 @p2 $0x1082  }
0x22: {  	[simem:s7], [sflag:s8] =	dma.local @!p0 [hbm:s6], $0xF7A  }
0x23: {  	s9 =	sor.u32 $0xD0000000, s2;
	s6 =	simm.s32 $0x108;
	_ =	swait.ge @!p0 [sflag:s8], $0x0  }
0x24: {  	s3 =	sadd.s32 $0x88, s3;
	s6 =	simm.s32 @!p1 $0x1082;
	[sflag:s4] =	ssyncset.s32 $0xFFFFF086  }
0x25: {  	[simem:s6], [sflag:s4] =	dma.local [hbm:s3], $0xF7A  }
0x26: {  	[smem:$0x3F9A] =	sst s1;
	(tag) =	ssettag s2;
	_ =	strace s9  }
0x27: {  	s1 =	sld [smem:$0x3FAA]  }
0x28: {  	s2 =	sld [smem:$0x3FAB]  }
0x29: {  	s4 =	sld [smem:$0x3FAD]  }
0x2a: {  	p0 =	seq.s32 s5, $0x0;
	s5 =	sld [smem:$0x3FAE]  }
0x2b: {  	s6 =	sld [smem:$0x3FAF]  }
0x2c: {  	s7 =	sld [smem:$0x3FB0]  }
0x2d: {  	s3 =	simm.s32 $0x108;
	s8 =	sld [smem:$0x3FB1]  }
0x2e: {  	s3 =	simm.s32 @!p0 $0x1082;
	s9 =	sld [smem:$0x3FB2]  }
0x2f: {  	lr =	sadd.s32 s0, s3;
	s0 =	sld [smem:$0x3FA9]  }
0x30: {  	s3 =	sld [smem:$0x3FAC]  }
0x31: {  	[smem:$0x3FB5] =	sst s10  }
0x32: {  	s10 =	sld [smem:$0x3FB3];
	_ =	sdelay $0x3  }
0x33: {  	p0 =	seq.s32 s10, $0x1;
	s10 =	sld [smem:$0x3FB5];
	_ =	sdelay $0x3  }
0x34: {  	[smem:$0x3FB5] =	sst s10  }
0x35: {  	s10 =	sld [smem:$0x3FB4];
	_ =	sdelay $0x3  }
0x36: {  	p1 =	seq.s32 s10, $0x1;
	s10 =	sld [smem:$0x3FB5];
	_ =	sdelay $0x3  }
0x37: {  	[smem:$0x3FB5] =	sst s10  }
0x38: {  	s10 =	sld [smem:$0x3FB6]  }
0x39: {  	_ = 	snop;
	(pc) =	sbr.ind lr, $3  }
0x3a: {  	_ = 	snop  }
0x3b: {  	_ = 	snop  }
0x3c: {  	p2 =	seq.s32 s10, $0x1;
	s10 =	sld [smem:$0x3FB5]  }
0x3d: {  	_ =	shalt  }
0x3e: {  	_ =	shalt  }
0x3f: {  	_ =	shalt  }
0x40: {  	_ =	shalt  }
0x41: {  	_ =	shalt  }
0x42: {  	_ =	shalt  }
0x43: {  	_ =	shalt  }
0x44: {  	_ =	shalt  }
0x45: {  	_ =	shalt  }
0x46: {  	_ =	shalt  }
0x47: {  	_ =	shalt  }
0x48: {  	_ =	shalt  }
0x49: {  	_ =	shalt  }
0x4a: {  	_ =	shalt  }
0x4b: {  	_ =	shalt  }
0x4c: {  	_ =	shalt  }
0x4d: {  	_ =	shalt  }
0x4e: {  	_ =	shalt  }
0x4f: {  	_ =	shalt  }
0x50: {  	_ =	shalt  }
0x51: {  	_ =	shalt  }
0x52: {  	_ =	shalt  }
0x53: {  	_ =	shalt  }
0x54: {  	_ =	shalt  }
0x55: {  	_ =	shalt  }
0x56: {  	_ =	shalt  }
0x57: {  	_ =	shalt  }
0x58: {  	_ =	shalt  }
0x59: {  	_ =	shalt  }
0x5a: {  	_ =	shalt  }
0x5b: {  	_ =	shalt  }
0x5c: {  	_ =	shalt  }
0x5d: {  	_ =	shalt  }
0x5e: {  	_ =	shalt  }
0x5f: {  	_ =	shalt  }
0x60: {  	_ =	shalt  }
0x61: {  	_ =	shalt  }
0x62: {  	_ =	shalt  }
0x63: {  	_ =	shalt  }
0x64: {  	_ =	shalt  }
0x65: {  	_ =	shalt  }
0x66: {  	_ =	shalt  }
0x67: {  	_ =	shalt  }
0x68: {  	_ =	shalt  }
0x69: {  	_ =	shalt  }
0x6a: {  	_ =	shalt  }
0x6b: {  	_ =	shalt  }
0x6c: {  	_ =	shalt  }
0x6d: {  	_ =	shalt  }
0x6e: {  	_ =	shalt  }
0x6f: {  	_ =	shalt  }
0x70: {  	_ =	shalt  }
0x71: {  	_ =	shalt  }
0x72: {  	_ =	shalt  }
0x73: {  	_ =	shalt  }
0x74: {  	_ =	shalt  }
0x75: {  	_ =	shalt  }
0x76: {  	_ =	shalt  }
0x77: {  	_ =	shalt  }
0x78: {  	_ =	shalt  }
0x79: {  	_ =	shalt  }
0x7a: {  	_ =	shalt  }
0x7b: {  	_ =	shalt  }
0x7c: {  	_ =	shalt  }
0x7d: {  	_ =	shalt  }
0x7e: {  	_ =	shalt  }
0x7f: {  	_ =	shalt  }
0x80: {  	_ =	shalt  }
0x81: {  	_ =	shalt  }
0x82: {  	_ =	shalt  }
0x83: {  	_ =	shalt  }
0x84: {  	_ =	shalt  }
0x85: {  	_ =	shalt  }
0x86: {  	_ =	shalt  }
0x87: {  	_ =	shalt  }
.Lfunc_end0:
.L_simem_size_0:
called_computation_lowered:
.L_overlay_start_0:
0x88: {  	s2 =	sld [smem:$0x3FD9]  }
0x89: {  	s3 =	sld [smem:$0x3FFE];
	_ =	sdelay $0x1  }
0x8a: {  	s1 =	srdreg.scid  }
0x8b: {  	s0 =	sand.u32 $0x1, s1  }
0x8c: {  	s17 =	sshll.u32 s0, $0xA;
	s2 =	sadd.s32 s3, s2  }
0x8d: {  	s2 =	sadd.s32 s2, s17  }
0x8e: {  	[smem:$0x3FC1] =	sst s2  }
0x8f: {  	_ = 	snop  }
0x90: {  	s2 =	sld [smem:$0x3FC9]  }
0x91: {  	s18 =	sld [smem:$0x3FC8]  }
0x92: {  	s4 =	sld [smem:$0x3FD0];
	(tm) =	ssettm $0x1  }
0x93: {  	s5 =	sld [smem:$0x3FFB];
	_ =	sdelay $0x3  }
0x94: {  	_ =	strace s5  }
0x95: {  	s5 =	sld [smem:$0x3FFC];
	_ =	sdelay $0x3  }
0x96: {  	_ =	strace s5  }
0x97: {  	s5 =	sld [smem:$0x3FFD];
	_ =	sdelay $0x3  }
0x98: {  	_ =	strace s5  }
0x99: {  	_ =	strace $0x8FFFFFFF  }
0x9a: {  	s19 =	sld [smem:$0x3FDB];
	_ =	sdelay $0x1  }
0x9b: {  	s6 =	simm.s32 $_scs_section_size  }
0x9c: {  	s7 =	simm.s32 $_size__tile_overlayer_lowered;
	s8 =	simm.s32 $_tile_overlayer_lowered  }
0x9d: {  	s22 =	simm.s32 $0x1BFF;
	s21 =	sshll.u32 s8, $0x1;
	s5 =	sadd.s32 s6, s19  }
0x9e: {  	s9 =	simm.s32 $0x0;
	s20 =	sshll.u32 s7, $0x1;
	s7 =	sadd.s32 s21, s5  }
0x9f: {  	[timem:s9], [sflag:s22] =	dma.local [hbm:s7], s20  }
0xa0: {  	_ =	swait.ge [sflag:s22], s20  }
0xa1: {  	s6 =	ssub.s32 $0x0, s20;
	[sflag:s22] =	ssyncset.done $0x0  }
0xa2: {  	[sflag:s22] =	ssyncadd.s32 s6;
	_ =	sdelay $0x1  }
0xa3: {  	s23 =	simm.s32 $0x1B8B  }
0xa4: {  	_ =	swait.ge [sflag:s23], $0x1  }
0xa5: {  	[sflag:s23] =	ssyncset.done $0x0  }
0xa6: {  	s25 =	simm.s32 $0x1B8E;
	s24 =	sld [smem:$0x3FFE];
	[sflag:s23] =	ssyncadd.s32 $0xFFFFFFFF  }
0xa7: {  	s26 =	simm.s32 $execute0_lowered;
	[smem:$0x3FD2] =	sst s25  }
0xa8: {  	s7 =	sshll.u32 s26, $0x1;
	_ =	strace $0x80000046;
	[dreg:$0x1] =	wrdreg $0xFFFFFFFF  }
0xa9: {  	s28 =	simm.s32 $_size_execute0_lowered;
	s5 =	sadd.s32 s5, s7;
	[dreg:$0x0] =	wrdreg $0x0  }
0xaa: {  	s7 =	sshll.u32 s28, $0x1;
	[dreg:$0x2] =	wrdreg s5  }
0xab: {  	[dreg:$0x3] =	wrdreg s7  }
0xac: {  	[dreg:$0x4] =	wrdreg $0xC0  }
0xad: {  	_ =	task [dreg:s9], $0x5FFFF  }
0xae: {  	[dreg:$0x1] =	wrdreg $0xFFFFFFFF  }
0xaf: {  	[dreg:$0x0] =	wrdreg $0x60  }
0xb0: {  	[dreg:$0x2] =	wrdreg s2  }
0xb1: {  	[dreg:$0x3] =	wrdreg s18  }
0xb2: {  	[dreg:$0x4] =	wrdreg s24  }
0xb3: {  	[dreg:$0x5] =	wrdreg s4  }
0xb4: {  	[dreg:$0x6] =	wrdreg $0x9  }
0xb5: {  	_ =	task.clear_ibuf [dreg:s9], $0x7FFFF;
	_ =	strace $0x90000046  }
0xb6: {  	s29 =	simm.s32 $0x9;
	_ =	strace $0x80000048  }
0xb7: {  	_ =	swait.ge [sflag:s29], $0x1  }
0xb8: {  	[sflag:s29] =	ssyncadd.s32 $0xFFFFFFFF  }
0xb9: {  	_ =	strace $0x90000048  }
0xba: {  	_ =	sfence  }
0xbb: {  	s30 =	sld [smem:$0x0];
	_ =	sdelay $0x2  }
0xbc: {  	s31 =	sshll.u32 s1, $0xD;
	s1 =	sshrl.u32 s1, $0x2  }
0xbd: {  	s3 =	sand.u32 $0x4000, s31;
	s1 =	sadd.s32 s1, s30  }
0xbe: {  	s0 =	sor.u32 s3, s0;
	s1 =	sshll.u32 s1, $0x11  }
0xbf: {  	s0 =	sor.u32 s1, s0  }
0xc0: {  	s0 =	sadd.s32 $0x8F2B, s0  }
0xc1: {  	[sflag:s0] =	ssyncadd.remote.s32 $0x1  }
0xc2: {  	_ =	sfence.sel $0xFFFF  }
0xc3: {  	[dreg:$0x0] =	wrdreg $0xFFFFFFFF;
	(pc) =	sbr.abs _section_cstart, $3  }
0xc4: {  	[dreg:$0x1] =	wrdreg $0xFFFFFFFF  }
0xc5: {  	_ =	task.clear_ibuf [dreg:s9], $0x2FFFF;
	_ =	strace $0x9FFFFFFF  }
0xc6: {  	(tm) =	ssettm $0x7FFFFFFF  }
0xc7: {  	_ =	shalt  }
tec
execute0_lowered:
.L_overlay_start_1:
0x0: {  	(tag) =	ssettag $0x1  }
0x1: {  	s0 =	rddreg [dreg:$0x0]  }
0x2: {  	s3 =	rddreg [dreg:$0x1]  }
0x3: {  	s1 =	rddreg [dreg:$0x2]  }
0x4: {  	s10 =	rddreg [dreg:$0x3];
	s2 =	simm.s32 $0x0;
	s6 =	srdreg.scid  }
0x5: {  	s7 =	stileid.u32;
	s13 =	simm.s32 $0x200;
	s15 =	simm.s32 $0x80  }
0x6: {  	s31 =	simm.s32 $0x800;
	s16 =	simm.s32 $0x4800;
	s18 =	simm.s32 $0xC800  }
0x7: {  	s19 =	simm.s32 $0x1;
	s20 =	simm.s32 $0x2;
	s21 =	simm.s32 $0x500  }
0x8: {  	s22 =	simm.s32 $0x700;
	s23 =	simm.s32 $0x580;
	s24 =	simm.s32 $0x780  }
0x9: {  	s25 =	simm.s32 $0x10C80;
	s26 =	simm.s32 $0x0;
	[smem:$0x7FF] =	sst s2  }
0xa: {  	s4 =	sadd.s32 $0xF42400, s1;
	s5 =	sadd.s32 $0x1312E00, s1;
	s6 =	sand.u32 $0x1, s6  }
0xb: {  	s7 =	sshll.u32 s7, $0x7;
	_ =	strace $0x80000047;
	s8 =	ssub.s32 $0x2, s6  }
0xc: {  	s9 =	sshll.u32 s6, $0x6;
	s6 =	sadd.s32 $0x1EA00, s1;
	s11 =	sshrl.u32 s8, $0x1  }
0xd: {  	s12 =	sor.u32 s9, s7;
	s7 =	sadd.s32 $0x3D400, s1;
	s11 =	ssub.s32 s8, s11  }
0xe: {  	v0 =	vlaneseq.u32;
	s8 =	sadd.s32 s0, s12;
	s9 =	sadd.s32 s3, s12;
	s10 =	sadd.s32 s10, s12  }
0xf: {  	v0 =	vmul.u32 $0x80, v0;
	s12 =	simm.s32 $0x3;
	s3 =	simm.s32 $0x8800;
	s11 =	smax.u32 s11, $0x1  }
.LBB2_1:
0x10: {  	[tilespmem:s2], [sflag:$0x3] =	stream.linear.gather [hbm4b:s8+s2], $0x200, $0x38;
	[tilespmem:$0x10E80] =	vst v63  }
0x11: {  	_ =	swait.ge [sflag:s12], $0x200  }
0x12: {  	[sflag:s12] =	ssyncset.done $0x0  }
0x13: {  	[sflag:s12] =	ssyncadd.s32 $0xFFFFFE00  }
0x14: {  	[tilespmem:s13], [sflag:$0x3] =	stream.linear.gather [hbm4b:s9+s2], $0x200, $0x38;
	[tilespmem:$0x10E80] =	vst v63  }
0x15: {  	_ =	swait.ge [sflag:s12], $0x200  }
0x16: {  	[sflag:s12] =	ssyncset.done $0x0  }
0x17: {  	s0 =	simm.s32 $0x10C00;
	[sflag:s12] =	ssyncadd.s32 $0xFFFFFE00  }
0x18: {  	[tilespmem:s0], [sflag:$0x3] =	stream.linear.gather [hbm4b:s7+s2], $0x80, $0x38;
	[tilespmem:$0x10E80] =	vst v63  }
0x19: {  	_ =	swait.ge [sflag:s12], $0x80  }
0x1a: {  	[sflag:s12] =	ssyncset.done $0x0  }
0x1b: {  	s17 =	simm.s32 $0x10800;
	[sflag:s12] =	ssyncadd.s32 $0xFFFFFF80  }
0x1c: {  	[tilespmem:s17], [sflag:$0x2] =	stream.indirect.gather [hbm4b:s1+s15], $0x1, s2, s15, $0xb8;
	[tilespmem:$0x10E80] =	vst v63  }
0x1d: {  	s28 =	simm.s32 $0x10A00  }
0x1e: {  	[tilespmem:s28], [sflag:$0x2] =	stream.indirect.gather [hbm4b:s6+s15], $0x1, s13, s15, $0xb8;
	[tilespmem:$0x10E80] =	vst v63  }
0x1f: {  	s29 =	simm.s32 $0x10880  }
0x20: {  	[tilespmem:s29], [sflag:$0x2] =	stream.indirect.gather [hbm4b:s1+s15], $0x1, s15, s15, $0xb8;
	[tilespmem:$0x10E80] =	vst v63  }
0x21: {  	s30 =	simm.s32 $0x280;
	s14 =	simm.s32 $0x10A80  }
0x22: {  	[tilespmem:s14], [sflag:$0x2] =	stream.indirect.gather [hbm4b:s6+s15], $0x1, s30, s15, $0xb8;
	[tilespmem:$0x10E80] =	vst v63  }
0x23: {  	s17 =	simm.s32 $0x100;
	s28 =	simm.s32 $0x10900  }
0x24: {  	[tilespmem:s28], [sflag:$0x2] =	stream.indirect.gather [hbm4b:s1+s15], $0x1, s17, s15, $0xb8;
	[tilespmem:$0x10E80] =	vst v63  }
0x25: {  	s29 =	simm.s32 $0x300;
	s30 =	simm.s32 $0x10B00  }
0x26: {  	[tilespmem:s30], [sflag:$0x2] =	stream.indirect.gather [hbm4b:s6+s15], $0x1, s29, s15, $0xb8;
	[tilespmem:$0x10E80] =	vst v63  }
0x27: {  	s17 =	simm.s32 $0x180;
	s28 =	simm.s32 $0x10980  }
0x28: {  	[tilespmem:s28], [sflag:$0x2] =	stream.indirect.gather [hbm4b:s1+s15], $0x1, s17, s15, $0xb8;
	[tilespmem:$0x10E80] =	vst v63  }
0x29: {  	s0 =	simm.s32 $0x0;
	s29 =	simm.s32 $0x380;
	s30 =	simm.s32 $0x10B80  }
0x2a: {  	[tilespmem:s30], [sflag:$0x2] =	stream.indirect.gather [hbm4b:s6+s15], $0x1, s29, s15, $0xb8;
	[tilespmem:$0x10E80] =	vst v63  }
0x2b: {  	v1 =	vld [tilespmem:s0+$0x200]  }
0x2c: {  	s14 =	simm.s32 $0x40;
	v2 =	vld [tilespmem:s0+$0x0]  }
.LBB2_2:
0x2d: {  	p0 =	sne.s32 s14, $0x7C0  }
.Ltmp0:
0x2e: {  	_ = 	snop;
	(pc) =	sbr.rel @p0 .LBB2_2-.Ltmp0, $4  }
0x2f: {  	_ = 	snop  }
0x30: {  	s17 =	sshra.s32 s14, $0x2;
	s14 =	sadd.s32 $0x40, s14;
	v3 =	vshrl.u32 v1, $0x2  }
0x31: {  	v1 =	vld [tilespmem:s17+$0x200];
	v4 =	vshrl.u32 v2, $0x2;
	[tilespmem:s0+$0x600] =	vst v3  }
0x32: {  	v2 =	vld [tilespmem:s17+$0x0];
	[tilespmem:s0+$0x400] =	vst v4;
	s0 =	smov.u32 s17  }
0x33: {  	_ =	sdelay $0x2  }
0x34: {  	v1 =	vshrl.u32 v1, $0x2  }
0x35: {  	v2 =	vshrl.u32 v2, $0x2;
	[tilespmem:s0+$0x600] =	vst v1  }
0x36: {  	s14 =	simm.s32 $0x400;
	[tilespmem:s0+$0x400] =	vst v2  }
0x37: {  	v1 =	vld [tilespmem:$0x10C00];
	[tilespmem:s31], [sflag:$0x1] =	stream.indirect.gather [hbm4b:s4+s15], $0x80, s14, s15, $0xb8  }
0x38: {  	s17 =	simm.s32 $0x600  }
0x39: {  	[tilespmem:s3], [sflag:$0x1] =	stream.indirect.gather [hbm4b:s5+s15], $0x80, s17, s15, $0xb8;
	[tilespmem:$0x10E80] =	vst v63  }
0x3a: {  	s14 =	simm.s32 $0x480  }
0x3b: {  	[tilespmem:s16], [sflag:$0x1] =	stream.indirect.gather [hbm4b:s4+s15], $0x80, s14, s15, $0xb8;
	[tilespmem:$0x10E80] =	vst v63  }
0x3c: {  	s17 =	simm.s32 $0x680  }
0x3d: {  	[tilespmem:s18], [sflag:$0x1] =	stream.indirect.gather [hbm4b:s5+s15], $0x80, s17, s15, $0xb8;
	[tilespmem:$0x10E80] =	vst v63  }
0x3e: {  	_ =	swait.ge [sflag:s19], $0x4000  }
0x3f: {  	[sflag:s19] =	ssyncset.done $0x0  }
0x40: {  	[sflag:s19] =	ssyncadd.s32 $0xFFFFC000  }
0x41: {  	_ =	swait.ge [sflag:s19], $0x4000  }
0x42: {  	[sflag:s19] =	ssyncset.done $0x0  }
0x43: {  	[sflag:s19] =	ssyncadd.s32 $0xFFFFC000  }
0x44: {  	_ =	swait.ge [sflag:s20], $0x80  }
0x45: {  	[sflag:s20] =	ssyncset.done $0x0  }
0x46: {  	[sflag:s20] =	ssyncadd.s32 $0xFFFFFF80  }
0x47: {  	_ =	swait.ge [sflag:s20], $0x80  }
0x48: {  	[sflag:s20] =	ssyncset.done $0x0  }
0x49: {  	[sflag:s20] =	ssyncadd.s32 $0xFFFFFF80  }
0x4a: {  	_ =	swait.ge [sflag:s20], $0x80  }
0x4b: {  	[sflag:s20] =	ssyncset.done $0x0  }
0x4c: {  	[sflag:s20] =	ssyncadd.s32 $0xFFFFFF80  }
0x4d: {  	_ =	swait.ge [sflag:s20], $0x80  }
0x4e: {  	[sflag:s20] =	ssyncset.done $0x0  }
0x4f: {  	[sflag:s20] =	ssyncadd.s32 $0xFFFFFF80  }
0x50: {  	_ =	swait.ge [sflag:s20], $0x80  }
0x51: {  	[sflag:s20] =	ssyncset.done $0x0  }
0x52: {  	[sflag:s20] =	ssyncadd.s32 $0xFFFFFF80  }
0x53: {  	_ =	swait.ge [sflag:s20], $0x80  }
0x54: {  	[sflag:s20] =	ssyncset.done $0x0  }
0x55: {  	[sflag:s20] =	ssyncadd.s32 $0xFFFFFF80  }
0x56: {  	_ =	swait.ge [sflag:s20], $0x80  }
0x57: {  	[sflag:s20] =	ssyncset.done $0x0  }
0x58: {  	[sflag:s20] =	ssyncadd.s32 $0xFFFFFF80  }
0x59: {  	_ =	swait.ge [sflag:s20], $0x80  }
0x5a: {  	[sflag:s20] =	ssyncset.done $0x0  }
0x5b: {  	s14 =	simm.s32 $0x0;
	[sflag:s20] =	ssyncadd.s32 $0xFFFFFF80  }
0x5c: {  	v2 =	vld [tilespmem:s14+$0x0];
	_ =	sdelay $0x3  }
0x5d: {  	v3 =	vmov s14  }
0x5e: {  	v3 =	vshll.u32 v3, $0x7;
	v2 =	vshll.u32 v2, $0x5  }
0x5f: {  	v10 =	vor.u32 v0, v3;
	v2 =	vand.u32 $0x60, v2  }
0x60: {  	v11 =	vor.u32 v10, v2  }
0x61: {  	s17 =	simm.s32 $0x10800;
	v2 =	vor.u32 $0x1C, v11  }
0x62: {  	s14 =	simm.s32 $0x10A00;
	v12 =	vld [tilespmem:s17+$0x0];
	v3 =	vor.u32 $0x1D, v11  }
0x63: {  	s17 =	simm.s32 $0x200;
	v13 =	vld [tilespmem:s14+$0x0];
	v4 =	vor.u32 $0x1E, v11  }
0x64: {  	v31 =	vld [tilespmem:s17+$0x0];
	v5 =	vor.u32 $0x1F, v11  }
0x65: {  	v6 =	vor.u32 $0x18, v11;
	v14 =	vld.idx.msk [tilespmem:v11+s31+$0x0], $0xffff  }
0x66: {  	v7 =	vor.u32 $0x19, v11;
	v15 =	vld.idx.msk [tilespmem:v2+s31+$0x0], $0xffff  }
0x67: {  	v8 =	vor.u32 $0x1A, v11;
	v16 =	vld.idx.msk [tilespmem:v3+s31+$0x0], $0xffff  }
0x68: {  	v9 =	vor.u32 $0x1B, v11;
	v3 =	vld.idx.msk [tilespmem:v4+s31+$0x0], $0xffff  }
0x69: {  	v17 =	vor.u32 $0x14, v11;
	v2 =	vld.idx.msk [tilespmem:v5+s31+$0x0], $0xffff  }
0x6a: {  	v18 =	vor.u32 $0x15, v11;
	v19 =	vld.idx.msk [tilespmem:v6+s31+$0x0], $0xffff  }
0x6b: {  	v26 =	vor.u32 $0xE, v11;
	v20 =	vld.idx.msk [tilespmem:v7+s31+$0x0], $0xffff  }
0x6c: {  	v28 =	vor.u32 $0xF, v11;
	v5 =	vld.idx.msk [tilespmem:v8+s31+$0x0], $0xffff  }
0x6d: {  	v29 =	vor.u32 $0xA, v11;
	v4 =	vld.idx.msk [tilespmem:v9+s31+$0x0], $0xffff  }
0x6e: {  	v30 =	vor.u32 $0xB, v11;
	v17 =	vld.idx.msk [tilespmem:v17+s31+$0x0], $0xffff  }
0x6f: {  	v32 =	vor.u32 $0x4, v11;
	v18 =	vld.idx.msk [tilespmem:v18+s31+$0x0], $0xffff  }
0x70: {  	v33 =	vor.u32 $0x5, v11;
	v26 =	vld.idx.msk [tilespmem:v26+s31+$0x0], $0xffff  }
0x71: {  	v34 =	vor.u32 $0x6, v11;
	v28 =	vld.idx.msk [tilespmem:v28+s31+$0x0], $0xffff  }
0x72: {  	v35 =	vor.u32 $0x7, v11;
	v29 =	vld.idx.msk [tilespmem:v29+s31+$0x0], $0xffff  }
0x73: {  	v31 =	vshll.u32 v31, $0x5;
	v36 =	vor.u32 $0x1, v11;
	v30 =	vld.idx.msk [tilespmem:v30+s31+$0x0], $0xffff  }
0x74: {  	v31 =	vand.u32 $0x60, v31;
	v37 =	vor.u32 $0x2, v11;
	v32 =	vld.idx.msk [tilespmem:v32+s31+$0x0], $0xffff  }
0x75: {  	v10 =	vor.u32 v10, v31;
	v33 =	vld.idx.msk [tilespmem:v33+s31+$0x0], $0xffff  }
0x76: {  	v61 =	vor.u32 $0x1C, v10;
	v31 =	vld.idx.msk [tilespmem:v34+s31+$0x0], $0xffff  }
0x77: {  	v38 =	vor.u32 $0x1D, v10;
	v34 =	vld.idx.msk [tilespmem:v35+s31+$0x0], $0xffff  }
0x78: {  	v39 =	vor.u32 $0x18, v10;
	v36 =	vld.idx.msk [tilespmem:v36+s31+$0x0], $0xffff  }
0x79: {  	v40 =	vor.u32 $0x19, v10;
	v37 =	vld.idx.msk [tilespmem:v37+s31+$0x0], $0xffff  }
0x7a: {  	v42 =	vor.u32 $0x14, v10;
	v41 =	vld.idx.msk [tilespmem:v10+s3+$0x0], $0xffff  }
0x7b: {  	v43 =	vor.u32 $0x15, v10;
	v35 =	vld.idx.msk [tilespmem:v61+s3+$0x0], $0xffff  }
0x7c: {  	v44 =	vor.u32 $0x10, v10;
	v38 =	vld.idx.msk [tilespmem:v38+s3+$0x0], $0xffff  }
0x7d: {  	v45 =	vor.u32 $0x11, v10;
	v39 =	vld.idx.msk [tilespmem:v39+s3+$0x0], $0xffff  }
0x7e: {  	v46 =	vor.u32 $0xC, v10;
	v40 =	vld.idx.msk [tilespmem:v40+s3+$0x0], $0xffff  }
0x7f: {  	v48 =	vor.u32 $0x8, v10;
	v42 =	vld.idx.msk [tilespmem:v42+s3+$0x0], $0xffff  }
0x80: {  	v49 =	vor.u32 $0x9, v10;
	v43 =	vld.idx.msk [tilespmem:v43+s3+$0x0], $0xffff  }
0x81: {  	v50 =	vor.u32 $0x4, v10;
	v44 =	vld.idx.msk [tilespmem:v44+s3+$0x0], $0xffff  }
0x82: {  	v51 =	vor.u32 $0x5, v10;
	v45 =	vld.idx.msk [tilespmem:v45+s3+$0x0], $0xffff  }
0x83: {  	v12 =	vadd.f32 v13, v12;
	v13 =	vor.u32 $0x2, v10;
	v46 =	vld.idx.msk [tilespmem:v46+s3+$0x0], $0xffff  }
0x84: {  	v56 =	vor.u32 $0x7, v10;
	v48 =	vld.idx.msk [tilespmem:v48+s3+$0x0], $0xffff  }
0x85: {  	v6 =	vor.u32 $0x16, v11;
	v49 =	vld.idx.msk [tilespmem:v49+s3+$0x0], $0xffff  }
0x86: {  	v21 =	vor.u32 $0x17, v11;
	v50 =	vld.idx.msk [tilespmem:v50+s3+$0x0], $0xffff  }
0x87: {  	v8 =	vor.u32 $0x10, v11;
	v51 =	vld.idx.msk [tilespmem:v51+s3+$0x0], $0xffff  }
0x88: {  	v9 =	vor.u32 $0x11, v11;
	v13 =	vld.idx.msk [tilespmem:v13+s3+$0x0], $0xffff  }
0x89: {  	v22 =	vor.u32 $0x12, v11;
	v59 =	vld.idx.msk [tilespmem:v56+s3+$0x0], $0xffff  }
0x8a: {  	v23 =	vor.u32 $0x13, v11;
	v7 =	vld.idx.msk [tilespmem:v6+s31+$0x0], $0xffff  }
0x8b: {  	v24 =	vor.u32 $0xC, v11;
	v6 =	vld.idx.msk [tilespmem:v21+s31+$0x0], $0xffff  }
0x8c: {  	v62 =	vor.u32 $0xA, v10;
	v25 =	vld.idx.msk [tilespmem:v8+s31+$0x0], $0xffff  }
0x8d: {  	v63 =	vor.u32 $0xB, v10;
	v27 =	vld.idx.msk [tilespmem:v9+s31+$0x0], $0xffff  }
0x8e: {  	v52 =	vor.u32 $0x1, v10;
	v9 =	vld.idx.msk [tilespmem:v22+s31+$0x0], $0xffff  }
0x8f: {  	v53 =	vor.u32 $0x3, v10;
	v8 =	vld.idx.msk [tilespmem:v23+s31+$0x0], $0xffff  }
0x90: {  	v54 =	vor.u32 $0x6, v10;
	v21 =	vor.u32 $0xD, v11;
	v22 =	vor.u32 $0x8, v11;
	v23 =	vld.idx.msk [tilespmem:v24+s31+$0x0], $0xffff  }
0x91: {  	v24 =	vor.u32 $0x9, v11;
	v11 =	vor.u32 $0x3, v11;
	v14 =	vmul.f32 v41, v14;
	v41 =	vld.idx.msk [tilespmem:v62+s3+$0x0], $0xffff  }
0x92: {  	v12 =	vadd.f32 v12, v1;
	v47 =	vor.u32 $0xD, v10;
	v62 =	vld.idx.msk [tilespmem:v63+s3+$0x0], $0xffff  }
0x93: {  	v55 =	vor.u32 $0x1E, v10;
	v57 =	vor.u32 $0x1A, v10;
	v15 =	vmul.f32 v35, v15;
	v35 =	vld.idx.msk [tilespmem:v52+s3+$0x0], $0xffff  }
0x94: {  	v58 =	vor.u32 $0x1F, v10;
	v60 =	vor.u32 $0x13, v10;
	v19 =	vmul.f32 v39, v19;
	v39 =	vld.idx.msk [tilespmem:v53+s3+$0x0], $0xffff  }
0x95: {  	v61 =	vor.u32 $0x16, v10;
	v63 =	vor.u32 $0x17, v10;
	v16 =	vmul.f32 v38, v16;
	v53 =	vld.idx.msk [tilespmem:v54+s3+$0x0], $0xffff  }
0x96: {  	v38 =	vor.u32 $0xE, v10;
	v17 =	vmul.f32 v42, v17;
	v20 =	vmul.f32 v40, v20;
	v11 =	vld.idx.msk [tilespmem:v11+s31+$0x0], $0xffff  }
0x97: {  	v40 =	vor.u32 $0xF, v10;
	v18 =	vmul.f32 v43, v18;
	v32 =	vmul.f32 v50, v32;
	v22 =	vld.idx.msk [tilespmem:v22+s31+$0x0], $0xffff  }
0x98: {  	v54 =	vor.u32 $0x12, v10;
	v33 =	vmul.f32 v51, v33;
	v13 =	vmul.f32 v13, v37;
	v24 =	vld.idx.msk [tilespmem:v24+s31+$0x0], $0xffff  }
0x99: {  	v47 =	vld.idx.msk [tilespmem:v47+s3+$0x0], $0xffff;
	v10 =	vor.u32 $0x1B, v10;
	v34 =	vmul.f32 v59, v34;
	v25 =	vmul.f32 v44, v25  }
0x9a: {  	v12 =	vadd.f32 v14, v12;
	v21 =	vld.idx.msk [tilespmem:v21+s31+$0x0], $0xffff;
	v23 =	vmul.f32 v46, v23;
	v27 =	vmul.f32 v45, v27  }
0x9b: {  	v13 =	vadd.f32 $0.0e+00, v13;
	v35 =	vmul.f32 v35, v36;
	v38 =	vld.idx.msk [tilespmem:v38+s3+$0x0], $0xffff;
	v11 =	vmul.f32 v39, v11  }
0x9c: {  	v12 =	vadd.f32 v32, v12;
	v31 =	vmul.f32 v53, v31;
	v22 =	vmul.f32 v48, v22;
	v48 =	vld.idx.msk [tilespmem:v40+s3+$0x0], $0xffff  }
0x9d: {  	v14 =	vadd.f32 $0.0e+00, v35;
	v24 =	vmul.f32 v49, v24;
	v49 =	vld.idx.msk [tilespmem:v54+s3+$0x0], $0xffff;
	v11 =	vadd.f32 $0.0e+00, v11  }
0x9e: {  	v50 =	vld.idx.msk [tilespmem:v60+s3+$0x0], $0xffff;
	v29 =	vmul.f32 v41, v29;
	v30 =	vmul.f32 v62, v30;
	v13 =	vadd.f32 v31, v13  }
0x9f: {  	v51 =	vld.idx.msk [tilespmem:v61+s3+$0x0], $0xffff;
	v21 =	vmul.f32 v47, v21;
	v14 =	vadd.f32 v33, v14;
	v11 =	vadd.f32 v34, v11  }
0xa0: {  	v31 =	vld.idx.msk [tilespmem:v63+s3+$0x0], $0xffff;
	v13 =	vadd.f32 v29, v13;
	v12 =	vadd.f32 v22, v12;
	v22 =	vmul.f32 v38, v26  }
0xa1: {  	v14 =	vadd.f32 v24, v14;
	v24 =	vld.idx.msk [tilespmem:v57+s3+$0x0], $0xffff;
	v26 =	vmul.f32 v48, v28;
	v11 =	vadd.f32 v30, v11  }
0xa2: {  	v10 =	vld.idx.msk [tilespmem:v10+s3+$0x0], $0xffff;
	v12 =	vadd.f32 v23, v12;
	v13 =	vadd.f32 v22, v13;
	v9 =	vmul.f32 v49, v9  }
0xa3: {  	v8 =	vmul.f32 v50, v8;
	v14 =	vadd.f32 v21, v14;
	v21 =	vld.idx.msk [tilespmem:v55+s3+$0x0], $0xffff;
	v11 =	vadd.f32 v26, v11  }
0xa4: {  	v7 =	vmul.f32 v51, v7;
	v22 =	vld.idx.msk [tilespmem:v58+s3+$0x0], $0xffff;
	v12 =	vadd.f32 v25, v12;
	v9 =	vadd.f32 v9, v13  }
0xa5: {  	v6 =	vmul.f32 v31, v6;
	v14 =	vadd.f32 v27, v14;
	v8 =	vadd.f32 v8, v11  }
0xa6: {  	v5 =	vmul.f32 v24, v5;
	v7 =	vadd.f32 v7, v9;
	v11 =	vadd.f32 v17, v12  }
0xa7: {  	v4 =	vmul.f32 v10, v4;
	v12 =	vadd.f32 v18, v14;
	v6 =	vadd.f32 v6, v8  }
0xa8: {  	v3 =	vmul.f32 v21, v3;
	v5 =	vadd.f32 v5, v7;
	v8 =	vadd.f32 v19, v11  }
0xa9: {  	v2 =	vmul.f32 v22, v2;
	v9 =	vadd.f32 v20, v12;
	v4 =	vadd.f32 v4, v6  }
0xaa: {  	v3 =	vadd.f32 v3, v5;
	v6 =	vadd.f32 v15, v8  }
0xab: {  	v7 =	vadd.f32 v16, v9;
	v2 =	vadd.f32 v2, v4;
	_ =	sdelay $0x1  }
0xac: {  	v4 =	vadd.f32 v7, v6;
	v2 =	vadd.f32 v2, v3;
	_ =	sdelay $0x1  }
0xad: {  	v2 =	vadd.f32 v2, v4  }
0xae: {  	s28 =	simm.s32 $0x10C80  }
0xaf: {  	s29 =	simm.s32 $0x10;
	[tilespmem:s28+$0x0] =	vst v2  }
0xb0: {  	v2 =	vld [tilespmem:s29+$0x0];
	_ =	sdelay $0x3  }
0xb1: {  	v3 =	vmov s29  }
0xb2: {  	v3 =	vshll.u32 v3, $0x7;
	v2 =	vshll.u32 v2, $0x5  }
0xb3: {  	v27 =	vor.u32 v0, v3;
	v2 =	vand.u32 $0x60, v2  }
0xb4: {  	v29 =	vor.u32 v27, v2  }
0xb5: {  	v2 =	vor.u32 $0x1C, v29  }
0xb6: {  	s30 =	simm.s32 $0x10810;
	v3 =	vor.u32 $0x1D, v29  }
0xb7: {  	s0 =	simm.s32 $0x10A10;
	v18 =	vld [tilespmem:s30+$0x0];
	v4 =	vor.u32 $0x1E, v29  }
0xb8: {  	v21 =	vld [tilespmem:s0+$0x0];
	v5 =	vor.u32 $0x1F, v29  }
0xb9: {  	v6 =	vor.u32 $0x18, v29;
	v13 =	vld.idx.msk [tilespmem:v29+s31+$0x0], $0xffff  }
0xba: {  	v7 =	vor.u32 $0x19, v29;
	v14 =	vld.idx.msk [tilespmem:v2+s31+$0x0], $0xffff  }
0xbb: {  	v8 =	vor.u32 $0x1A, v29;
	v12 =	vld.idx.msk [tilespmem:v3+s31+$0x0], $0xffff  }
0xbc: {  	v9 =	vor.u32 $0x1B, v29;
	v3 =	vld.idx.msk [tilespmem:v4+s31+$0x0], $0xffff  }
0xbd: {  	v10 =	vor.u32 $0x14, v29;
	v2 =	vld.idx.msk [tilespmem:v5+s31+$0x0], $0xffff  }
0xbe: {  	v11 =	vor.u32 $0x15, v29;
	v16 =	vld.idx.msk [tilespmem:v6+s31+$0x0], $0xffff  }
0xbf: {  	v19 =	vor.u32 $0xC, v29;
	v15 =	vld.idx.msk [tilespmem:v7+s31+$0x0], $0xffff  }
0xc0: {  	v31 =	vor.u32 $0x8, v29;
	v5 =	vld.idx.msk [tilespmem:v8+s31+$0x0], $0xffff  }
0xc1: {  	v53 =	vor.u32 $0x4, v29;
	v4 =	vld.idx.msk [tilespmem:v9+s31+$0x0], $0xffff  }
0xc2: {  	v54 =	vor.u32 $0x5, v29;
	v22 =	vld.idx.msk [tilespmem:v10+s31+$0x0], $0xffff  }
0xc3: {  	v57 =	vor.u32 $0x1, v29;
	v20 =	vld.idx.msk [tilespmem:v11+s31+$0x0], $0xffff  }
0xc4: {  	v6 =	vor.u32 $0x16, v29;
	v26 =	vld.idx.msk [tilespmem:v19+s31+$0x0], $0xffff  }
0xc5: {  	v17 =	vor.u32 $0x17, v29;
	v31 =	vld.idx.msk [tilespmem:v31+s31+$0x0], $0xffff  }
0xc6: {  	v9 =	vor.u32 $0x11, v29;
	v33 =	vld.idx.msk [tilespmem:v53+s31+$0x0], $0xffff  }
0xc7: {  	v10 =	vor.u32 $0x12, v29;
	v32 =	vld.idx.msk [tilespmem:v54+s31+$0x0], $0xffff  }
0xc8: {  	v30 =	vor.u32 $0xF, v29;
	v36 =	vld.idx.msk [tilespmem:v57+s31+$0x0], $0xffff  }
0xc9: {  	v7 =	vld.idx.msk [tilespmem:v6+s31+$0x0], $0xffff  }
0xca: {  	v58 =	vor.u32 $0x2, v29;
	v6 =	vld.idx.msk [tilespmem:v17+s31+$0x0], $0xffff  }
0xcb: {  	v59 =	vor.u32 $0x3, v29;
	v23 =	vld.idx.msk [tilespmem:v9+s31+$0x0], $0xffff  }
0xcc: {  	v8 =	vor.u32 $0x10, v29;
	v9 =	vld.idx.msk [tilespmem:v10+s31+$0x0], $0xffff  }
0xcd: {  	s14 =	simm.s32 $0x210;
	v11 =	vor.u32 $0x13, v29;
	v10 =	vld.idx.msk [tilespmem:v30+s31+$0x0], $0xffff  }
0xce: {  	v17 =	vor.u32 $0xD, v29;
	v30 =	vld [tilespmem:s14+$0x0]  }
0xcf: {  	v28 =	vor.u32 $0xE, v29;
	v34 =	vld.idx.msk [tilespmem:v58+s31+$0x0], $0xffff  }
0xd0: {  	v19 =	vor.u32 $0x9, v29;
	v35 =	vld.idx.msk [tilespmem:v59+s31+$0x0], $0xffff  }
0xd1: {  	v55 =	vor.u32 $0x6, v29;
	v24 =	vld.idx.msk [tilespmem:v8+s31+$0x0], $0xffff  }
0xd2: {  	v56 =	vor.u32 $0x7, v29;
	v8 =	vld.idx.msk [tilespmem:v11+s31+$0x0], $0xffff  }
0xd3: {  	v25 =	vld.idx.msk [tilespmem:v17+s31+$0x0], $0xffff;
	v17 =	vor.u32 $0xA, v29;
	v30 =	vshll.u32 v30, $0x5  }
0xd4: {  	v52 =	vor.u32 $0xB, v29;
	v11 =	vld.idx.msk [tilespmem:v28+s31+$0x0], $0xffff;
	v30 =	vand.u32 $0x60, v30  }
0xd5: {  	v28 =	vld.idx.msk [tilespmem:v19+s31+$0x0], $0xffff;
	v30 =	vor.u32 v27, v30  }
0xd6: {  	v29 =	vld.idx.msk [tilespmem:v55+s31+$0x0], $0xffff;
	v60 =	vor.u32 $0x1C, v30  }
0xd7: {  	v27 =	vld.idx.msk [tilespmem:v56+s31+$0x0], $0xffff;
	v61 =	vor.u32 $0x1D, v30  }
0xd8: {  	v62 =	vor.u32 $0x18, v30;
	v19 =	vld.idx.msk [tilespmem:v17+s31+$0x0], $0xffff  }
0xd9: {  	v63 =	vor.u32 $0x19, v30;
	v17 =	vld.idx.msk [tilespmem:v52+s31+$0x0], $0xffff  }
0xda: {  	v46 =	vor.u32 $0x14, v30;
	v39 =	vld.idx.msk [tilespmem:v30+s3+$0x0], $0xffff  }
0xdb: {  	v44 =	vor.u32 $0x15, v30;
	v40 =	vld.idx.msk [tilespmem:v60+s3+$0x0], $0xffff  }
0xdc: {  	v45 =	vor.u32 $0x10, v30;
	v37 =	vld.idx.msk [tilespmem:v61+s3+$0x0], $0xffff  }
0xdd: {  	v43 =	vor.u32 $0x11, v30;
	v41 =	vld.idx.msk [tilespmem:v62+s3+$0x0], $0xffff  }
0xde: {  	s17 =	simm.s32 $0x20;
	v42 =	vor.u32 $0xC, v30;
	v38 =	vld.idx.msk [tilespmem:v63+s3+$0x0], $0xffff  }
.LBB2_4:
0xdf: {  	p0 =	sne.s32 s17, $0x70;
	v47 =	vor.u32 $0xD, v30;
	v46 =	vld.idx.msk [tilespmem:v46+s3+$0x0], $0xffff  }
0xe0: {  	v48 =	vor.u32 $0x8, v30;
	v44 =	vld.idx.msk [tilespmem:v44+s3+$0x0], $0xffff  }
0xe1: {  	v49 =	vor.u32 $0x9, v30;
	v45 =	vld.idx.msk [tilespmem:v45+s3+$0x0], $0xffff  }
0xe2: {  	v50 =	vor.u32 $0x4, v30;
	v43 =	vld.idx.msk [tilespmem:v43+s3+$0x0], $0xffff  }
0xe3: {  	v51 =	vor.u32 $0x5, v30;
	v42 =	vld.idx.msk [tilespmem:v42+s3+$0x0], $0xffff  }
0xe4: {  	v52 =	vor.u32 $0x1, v30;
	v47 =	vld.idx.msk [tilespmem:v47+s3+$0x0], $0xffff  }
0xe5: {  	v18 =	vadd.f32 v21, v18;
	v21 =	vor.u32 $0x2, v30;
	v48 =	vld.idx.msk [tilespmem:v48+s3+$0x0], $0xffff  }
0xe6: {  	v53 =	vor.u32 $0x3, v30;
	v49 =	vld.idx.msk [tilespmem:v49+s3+$0x0], $0xffff  }
0xe7: {  	v54 =	vor.u32 $0x6, v30;
	v55 =	vor.u32 $0x1E, v30;
	v18 =	vadd.f32 v18, v1;
	v50 =	vld.idx.msk [tilespmem:v50+s3+$0x0], $0xffff  }
0xe8: {  	v56 =	vor.u32 $0x7, v30;
	v57 =	vor.u32 $0x1A, v30;
	v58 =	vor.u32 $0x1F, v30;
	v51 =	vld.idx.msk [tilespmem:v51+s3+$0x0], $0xffff  }
0xe9: {  	v13 =	vmul.f32 v39, v13;
	v14 =	vmul.f32 v40, v14;
	v39 =	vld.idx.msk [tilespmem:v52+s3+$0x0], $0xffff;
	v52 =	vor.u32 $0xA, v30  }
0xea: {  	v40 =	vor.u32 $0xB, v30;
	v12 =	vmul.f32 v37, v12;
	v16 =	vmul.f32 v41, v16;
	v21 =	vld.idx.msk [tilespmem:v21+s3+$0x0], $0xffff  }
0xeb: {  	v41 =	vor.u32 $0xE, v30;
	v15 =	vmul.f32 v38, v15;
	v22 =	vmul.f32 v46, v22;
	v37 =	vld.idx.msk [tilespmem:v53+s3+$0x0], $0xffff  }
0xec: {  	v46 =	vor.u32 $0xF, v30;
	v20 =	vmul.f32 v44, v20;
	v24 =	vmul.f32 v45, v24;
	v38 =	vld.idx.msk [tilespmem:v54+s3+$0x0], $0xffff  }
0xed: {  	v23 =	vmul.f32 v43, v23;
	v26 =	vmul.f32 v42, v26;
	v42 =	vor.u32 $0x12, v30;
	v44 =	vld.idx.msk [tilespmem:v56+s3+$0x0], $0xffff  }
0xee: {  	v45 =	vor.u32 $0x13, v30;
	v25 =	vmul.f32 v47, v25;
	v31 =	vmul.f32 v48, v31;
	v43 =	vld.idx.msk [tilespmem:v52+s3+$0x0], $0xffff  }
0xef: {  	v47 =	vor.u32 $0x16, v30;
	v28 =	vmul.f32 v49, v28;
	v33 =	vmul.f32 v50, v33;
	v40 =	vld.idx.msk [tilespmem:v40+s3+$0x0], $0xffff  }
0xf0: {  	v32 =	vmul.f32 v51, v32;
	v36 =	vmul.f32 v39, v36;
	v39 =	vld.idx.msk [tilespmem:v41+s3+$0x0], $0xffff;
	v41 =	vor.u32 $0x17, v30  }
0xf1: {  	v21 =	vmul.f32 v21, v34;
	v34 =	vmul.f32 v37, v35;
	v30 =	vor.u32 $0x1B, v30;
	v35 =	vld.idx.msk [tilespmem:v46+s3+$0x0], $0xffff  }
0xf2: {  	v13 =	vadd.f32 v13, v18;
	v18 =	vadd.f32 $0.0e+00, v36;
	v29 =	vmul.f32 v38, v29;
	v36 =	vld.idx.msk [tilespmem:v42+s3+$0x0], $0xffff  }
0xf3: {  	v21 =	vadd.f32 $0.0e+00, v21;
	v34 =	vadd.f32 $0.0e+00, v34;
	v27 =	vmul.f32 v44, v27;
	v37 =	vld.idx.msk [tilespmem:v45+s3+$0x0], $0xffff  }
0xf4: {  	v13 =	vadd.f32 v33, v13;
	v18 =	vadd.f32 v32, v18;
	v19 =	vmul.f32 v43, v19;
	v32 =	vld.idx.msk [tilespmem:v47+s3+$0x0], $0xffff  }
0xf5: {  	v21 =	vadd.f32 v29, v21;
	v27 =	vadd.f32 v27, v34;
	v17 =	vmul.f32 v40, v17;
	v29 =	vld.idx.msk [tilespmem:v41+s3+$0x0], $0xffff  }
0xf6: {  	v13 =	vadd.f32 v31, v13;
	v18 =	vadd.f32 v28, v18;
	v11 =	vmul.f32 v39, v11;
	v28 =	vld.idx.msk [tilespmem:v57+s3+$0x0], $0xffff  }
0xf7: {  	v19 =	vadd.f32 v19, v21;
	v17 =	vadd.f32 v17, v27;
	v10 =	vmul.f32 v35, v10;
	v21 =	vld.idx.msk [tilespmem:v30+s3+$0x0], $0xffff  }
0xf8: {  	v13 =	vadd.f32 v26, v13;
	v18 =	vadd.f32 v25, v18;
	v9 =	vmul.f32 v36, v9;
	v25 =	vld.idx.msk [tilespmem:v55+s3+$0x0], $0xffff  }
0xf9: {  	v11 =	vadd.f32 v11, v19;
	v10 =	vadd.f32 v10, v17;
	v8 =	vmul.f32 v37, v8;
	v17 =	vld.idx.msk [tilespmem:v58+s3+$0x0], $0xffff  }
0xfa: {  	v13 =	vadd.f32 v24, v13;
	v18 =	vadd.f32 v23, v18;
	v7 =	vmul.f32 v32, v7  }
0xfb: {  	v9 =	vadd.f32 v9, v11;
	v8 =	vadd.f32 v8, v10;
	v6 =	vmul.f32 v29, v6  }
0xfc: {  	v10 =	vadd.f32 v22, v13;
	v11 =	vadd.f32 v20, v18;
	v5 =	vmul.f32 v28, v5  }
0xfd: {  	v7 =	vadd.f32 v7, v9;
	v6 =	vadd.f32 v6, v8;
	v4 =	vmul.f32 v21, v4  }
0xfe: {  	v8 =	vadd.f32 v16, v10;
	v9 =	vadd.f32 v15, v11;
	v3 =	vmul.f32 v25, v3  }
0xff: {  	v5 =	vadd.f32 v5, v7;
	v4 =	vadd.f32 v4, v6;
	v2 =	vmul.f32 v17, v2  }
0x100: {  	v6 =	vadd.f32 v14, v8;
	v7 =	vadd.f32 v12, v9  }
0x101: {  	v3 =	vadd.f32 v3, v5;
	v2 =	vadd.f32 v2, v4;
	_ =	sdelay $0x1  }
0x102: {  	v4 =	vadd.f32 v7, v6;
	v2 =	vadd.f32 v2, v3;
	_ =	sdelay $0x1  }
0x103: {  	v2 =	vadd.f32 v2, v4  }
0x104: {  	s28 =	sadd.s32 $0x10, s28  }
0x105: {  	s29 =	sadd.s32 $0x10, s29;
	[tilespmem:s28+$0x0] =	vst v2  }
0x106: {  	v2 =	vld [tilespmem:s29+$0x0];
	_ =	sdelay $0x3  }
0x107: {  	v3 =	vmov s17  }
0x108: {  	v3 =	vshll.u32 v3, $0x7;
	v2 =	vshll.u32 v2, $0x5  }
0x109: {  	v27 =	vor.u32 v0, v3;
	v2 =	vand.u32 $0x60, v2  }
0x10a: {  	v29 =	vor.u32 v27, v2  }
0x10b: {  	v2 =	vor.u32 $0x1C, v29  }
0x10c: {  	s30 =	sadd.s32 $0x10, s30;
	v3 =	vor.u32 $0x1D, v29  }
0x10d: {  	s0 =	sadd.s32 $0x10, s0;
	v4 =	vor.u32 $0x1E, v29;
	v18 =	vld [tilespmem:s30+$0x0]  }
0x10e: {  	v5 =	vor.u32 $0x1F, v29;
	v21 =	vld [tilespmem:s0+$0x0]  }
0x10f: {  	v6 =	vor.u32 $0x18, v29;
	v13 =	vld.idx.msk [tilespmem:v29+s31+$0x0], $0xffff  }
0x110: {  	v7 =	vor.u32 $0x19, v29;
	v14 =	vld.idx.msk [tilespmem:v2+s31+$0x0], $0xffff  }
0x111: {  	v8 =	vor.u32 $0x1A, v29;
	v12 =	vld.idx.msk [tilespmem:v3+s31+$0x0], $0xffff  }
0x112: {  	v9 =	vor.u32 $0x1B, v29;
	v3 =	vld.idx.msk [tilespmem:v4+s31+$0x0], $0xffff  }
0x113: {  	v10 =	vor.u32 $0x14, v29;
	v2 =	vld.idx.msk [tilespmem:v5+s31+$0x0], $0xffff  }
0x114: {  	v11 =	vor.u32 $0x15, v29;
	v16 =	vld.idx.msk [tilespmem:v6+s31+$0x0], $0xffff  }
0x115: {  	v6 =	vor.u32 $0x16, v29;
	v15 =	vld.idx.msk [tilespmem:v7+s31+$0x0], $0xffff  }
0x116: {  	v17 =	vor.u32 $0x17, v29;
	v5 =	vld.idx.msk [tilespmem:v8+s31+$0x0], $0xffff  }
0x117: {  	v8 =	vor.u32 $0x10, v29;
	v4 =	vld.idx.msk [tilespmem:v9+s31+$0x0], $0xffff  }
0x118: {  	v9 =	vor.u32 $0x11, v29;
	v22 =	vld.idx.msk [tilespmem:v10+s31+$0x0], $0xffff  }
0x119: {  	v10 =	vor.u32 $0x12, v29;
	v20 =	vld.idx.msk [tilespmem:v11+s31+$0x0], $0xffff  }
0x11a: {  	v11 =	vor.u32 $0x13, v29;
	v7 =	vld.idx.msk [tilespmem:v6+s31+$0x0], $0xffff  }
0x11b: {  	v19 =	vor.u32 $0xC, v29;
	v6 =	vld.idx.msk [tilespmem:v17+s31+$0x0], $0xffff  }
0x11c: {  	v17 =	vor.u32 $0xD, v29;
	v24 =	vld.idx.msk [tilespmem:v8+s31+$0x0], $0xffff  }
0x11d: {  	v28 =	vor.u32 $0xE, v29;
	v23 =	vld.idx.msk [tilespmem:v9+s31+$0x0], $0xffff  }
0x11e: {  	v30 =	vor.u32 $0xF, v29;
	v9 =	vld.idx.msk [tilespmem:v10+s31+$0x0], $0xffff  }
0x11f: {  	v8 =	vld.idx.msk [tilespmem:v11+s31+$0x0], $0xffff  }
0x120: {  	v31 =	vor.u32 $0x8, v29;
	v26 =	vld.idx.msk [tilespmem:v19+s31+$0x0], $0xffff  }
0x121: {  	v19 =	vor.u32 $0x9, v29;
	v25 =	vld.idx.msk [tilespmem:v17+s31+$0x0], $0xffff  }
0x122: {  	v17 =	vor.u32 $0xA, v29;
	v11 =	vld.idx.msk [tilespmem:v28+s31+$0x0], $0xffff  }
0x123: {  	s14 =	sadd.s32 $0x10, s14;
	v32 =	vor.u32 $0xB, v29;
	v10 =	vld.idx.msk [tilespmem:v30+s31+$0x0], $0xffff  }
0x124: {  	v33 =	vor.u32 $0x4, v29;
	v30 =	vld [tilespmem:s14+$0x0]  }
0x125: {  	v34 =	vor.u32 $0x5, v29;
	v31 =	vld.idx.msk [tilespmem:v31+s31+$0x0], $0xffff  }
0x126: {  	v35 =	vor.u32 $0x6, v29;
	v28 =	vld.idx.msk [tilespmem:v19+s31+$0x0], $0xffff  }
0x127: {  	v36 =	vor.u32 $0x7, v29;
	v19 =	vld.idx.msk [tilespmem:v17+s31+$0x0], $0xffff  }
0x128: {  	v37 =	vor.u32 $0x1, v29;
	v17 =	vld.idx.msk [tilespmem:v32+s31+$0x0], $0xffff  }
0x129: {  	v38 =	vor.u32 $0x2, v29;
	v30 =	vshll.u32 v30, $0x5;
	v33 =	vld.idx.msk [tilespmem:v33+s31+$0x0], $0xffff  }
0x12a: {  	v39 =	vor.u32 $0x3, v29;
	v30 =	vand.u32 $0x60, v30;
	v32 =	vld.idx.msk [tilespmem:v34+s31+$0x0], $0xffff  }
0x12b: {  	v30 =	vor.u32 v27, v30;
	v29 =	vld.idx.msk [tilespmem:v35+s31+$0x0], $0xffff  }
0x12c: {  	v27 =	vld.idx.msk [tilespmem:v36+s31+$0x0], $0xffff;
	v40 =	vor.u32 $0x1C, v30  }
0x12d: {  	v36 =	vld.idx.msk [tilespmem:v37+s31+$0x0], $0xffff;
	v37 =	vor.u32 $0x1D, v30  }
0x12e: {  	v34 =	vld.idx.msk [tilespmem:v38+s31+$0x0], $0xffff;
	v38 =	vor.u32 $0x18, v30  }
0x12f: {  	v47 =	vor.u32 $0x19, v30;
	v35 =	vld.idx.msk [tilespmem:v39+s31+$0x0], $0xffff  }
.Ltmp1:
0x130: {  	v46 =	vor.u32 $0x14, v30;
	v39 =	vld.idx.msk [tilespmem:v30+s3+$0x0], $0xffff;
	(pc) =	sbr.rel @p0 .LBB2_4-.Ltmp1, $4  }
0x131: {  	v44 =	vor.u32 $0x15, v30;
	v40 =	vld.idx.msk [tilespmem:v40+s3+$0x0], $0xffff  }
0x132: {  	v45 =	vor.u32 $0x10, v30;
	v37 =	vld.idx.msk [tilespmem:v37+s3+$0x0], $0xffff  }
0x133: {  	v43 =	vor.u32 $0x11, v30;
	v41 =	vld.idx.msk [tilespmem:v38+s3+$0x0], $0xffff  }
0x134: {  	s17 =	sadd.s32 $0x10, s17;
	v42 =	vor.u32 $0xC, v30;
	v38 =	vld.idx.msk [tilespmem:v47+s3+$0x0], $0xffff  }
0x135: {  	_ =	sdelay $0x3  }
0x136: {  	v47 =	vor.u32 $0xD, v30;
	v46 =	vld.idx.msk [tilespmem:v46+s3+$0x0], $0xffff  }
0x137: {  	v48 =	vor.u32 $0x8, v30;
	v44 =	vld.idx.msk [tilespmem:v44+s3+$0x0], $0xffff  }
0x138: {  	v49 =	vor.u32 $0x9, v30;
	v45 =	vld.idx.msk [tilespmem:v45+s3+$0x0], $0xffff  }
0x139: {  	v50 =	vor.u32 $0x4, v30;
	v43 =	vld.idx.msk [tilespmem:v43+s3+$0x0], $0xffff  }
0x13a: {  	v51 =	vor.u32 $0x5, v30;
	v42 =	vld.idx.msk [tilespmem:v42+s3+$0x0], $0xffff  }
0x13b: {  	v52 =	vor.u32 $0x1, v30;
	v47 =	vld.idx.msk [tilespmem:v47+s3+$0x0], $0xffff  }
0x13c: {  	v18 =	vadd.f32 v21, v18;
	v21 =	vor.u32 $0x2, v30;
	v53 =	vor.u32 $0x3, v30;
	v48 =	vld.idx.msk [tilespmem:v48+s3+$0x0], $0xffff  }
0x13d: {  	v54 =	vor.u32 $0x6, v30;
	v55 =	vor.u32 $0x1E, v30;
	v56 =	vor.u32 $0x7, v30;
	v49 =	vld.idx.msk [tilespmem:v49+s3+$0x0], $0xffff  }
0x13e: {  	v57 =	vor.u32 $0x1A, v30;
	v58 =	vor.u32 $0x1F, v30;
	v13 =	vmul.f32 v39, v13;
	v50 =	vld.idx.msk [tilespmem:v50+s3+$0x0], $0xffff  }
0x13f: {  	v59 =	vor.u32 $0xA, v30;
	v60 =	vor.u32 $0xB, v30;
	v62 =	vor.u32 $0xF, v30;
	v51 =	vld.idx.msk [tilespmem:v51+s3+$0x0], $0xffff  }
0x140: {  	v63 =	vor.u32 $0x12, v30;
	v14 =	vmul.f32 v40, v14;
	v12 =	vmul.f32 v37, v12;
	v40 =	vld.idx.msk [tilespmem:v52+s3+$0x0], $0xffff  }
0x141: {  	v18 =	vadd.f32 v18, v1;
	v16 =	vmul.f32 v41, v16;
	v15 =	vmul.f32 v38, v15;
	v21 =	vld.idx.msk [tilespmem:v21+s3+$0x0], $0xffff  }
0x142: {  	v37 =	vor.u32 $0xE, v30;
	v22 =	vmul.f32 v46, v22;
	v61 =	vld.idx.msk [tilespmem:v53+s3+$0x0], $0xffff;
	v24 =	vmul.f32 v45, v24  }
0x143: {  	v13 =	vadd.f32 v13, v18;
	v20 =	vmul.f32 v44, v20;
	v44 =	vld.idx.msk [tilespmem:v54+s3+$0x0], $0xffff;
	v26 =	vmul.f32 v42, v26  }
0x144: {  	v23 =	vmul.f32 v43, v23;
	v53 =	vld.idx.msk [tilespmem:v56+s3+$0x0], $0xffff;
	v54 =	vor.u32 $0x13, v30;
	v31 =	vmul.f32 v48, v31  }
0x145: {  	v39 =	vld.idx.msk [tilespmem:v59+s3+$0x0], $0xffff;
	v56 =	vor.u32 $0x16, v30;
	v25 =	vmul.f32 v47, v25;
	v33 =	vmul.f32 v50, v33  }
0x146: {  	v59 =	vld.idx.msk [tilespmem:v60+s3+$0x0], $0xffff;
	v60 =	vor.u32 $0x17, v30;
	v28 =	vmul.f32 v49, v28;
	v36 =	vmul.f32 v40, v36  }
0x147: {  	v30 =	vor.u32 $0x1B, v30;
	v62 =	vld.idx.msk [tilespmem:v62+s3+$0x0], $0xffff;
	v21 =	vmul.f32 v21, v34;
	v61 =	vmul.f32 v61, v35  }
0x148: {  	v37 =	vld.idx.msk [tilespmem:v37+s3+$0x0], $0xffff;
	v32 =	vmul.f32 v51, v32;
	v29 =	vmul.f32 v44, v29;
	v18 =	vadd.f32 $0.0e+00, v36  }
0x149: {  	v63 =	vld.idx.msk [tilespmem:v63+s3+$0x0], $0xffff;
	v27 =	vmul.f32 v53, v27;
	v21 =	vadd.f32 $0.0e+00, v21;
	v34 =	vadd.f32 $0.0e+00, v61  }
0x14a: {  	v41 =	vld.idx.msk [tilespmem:v54+s3+$0x0], $0xffff;
	v19 =	vmul.f32 v39, v19;
	v13 =	vadd.f32 v33, v13;
	v18 =	vadd.f32 v32, v18  }
0x14b: {  	v42 =	vld.idx.msk [tilespmem:v56+s3+$0x0], $0xffff;
	v17 =	vmul.f32 v59, v17;
	v21 =	vadd.f32 v29, v21;
	v27 =	vadd.f32 v27, v34  }
0x14c: {  	v10 =	vmul.f32 v62, v10;
	v29 =	vld.idx.msk [tilespmem:v60+s3+$0x0], $0xffff;
	v13 =	vadd.f32 v31, v13;
	v18 =	vadd.f32 v28, v18  }
0x14d: {  	v11 =	vmul.f32 v37, v11;
	v28 =	vld.idx.msk [tilespmem:v57+s3+$0x0], $0xffff;
	v19 =	vadd.f32 v19, v21;
	v17 =	vadd.f32 v17, v27  }
0x14e: {  	v9 =	vmul.f32 v63, v9;
	v21 =	vld.idx.msk [tilespmem:v30+s3+$0x0], $0xffff;
	v13 =	vadd.f32 v26, v13;
	v18 =	vadd.f32 v25, v18  }
0x14f: {  	v8 =	vmul.f32 v41, v8;
	v25 =	vld.idx.msk [tilespmem:v55+s3+$0x0], $0xffff;
	v11 =	vadd.f32 v11, v19;
	v10 =	vadd.f32 v10, v17  }
0x150: {  	v7 =	vmul.f32 v42, v7;
	v17 =	vld.idx.msk [tilespmem:v58+s3+$0x0], $0xffff;
	v13 =	vadd.f32 v24, v13;
	v18 =	vadd.f32 v23, v18  }
0x151: {  	v6 =	vmul.f32 v29, v6;
	v9 =	vadd.f32 v9, v11;
	v8 =	vadd.f32 v8, v10  }
0x152: {  	v10 =	vadd.f32 v22, v13;
	v5 =	vmul.f32 v28, v5;
	v11 =	vadd.f32 v20, v18  }
0x153: {  	v4 =	vmul.f32 v21, v4;
	v7 =	vadd.f32 v7, v9;
	v6 =	vadd.f32 v6, v8  }
0x154: {  	v8 =	vadd.f32 v16, v10;
	v3 =	vmul.f32 v25, v3;
	v9 =	vadd.f32 v15, v11  }
0x155: {  	v2 =	vmul.f32 v17, v2;
	v5 =	vadd.f32 v5, v7;
	v4 =	vadd.f32 v4, v6  }
0x156: {  	v6 =	vadd.f32 v14, v8;
	v7 =	vadd.f32 v12, v9  }
0x157: {  	v3 =	vadd.f32 v3, v5;
	v2 =	vadd.f32 v2, v4;
	_ =	sdelay $0x1  }
0x158: {  	v4 =	vadd.f32 v7, v6;
	v2 =	vadd.f32 v2, v3;
	_ =	sdelay $0x1  }
0x159: {  	v2 =	vadd.f32 v2, v4  }
0x15a: {  	s0 =	sadd.s32 $0x10, s28  }
0x15b: {  	s17 =	simm.s32 $0x80;
	[tilespmem:s0+$0x0] =	vst v2  }
0x15c: {  	[tilespmem:s31], [sflag:$0x1] =	stream.indirect.gather [hbm4b:s4+s17], $0x80, s21, s17, $0xb8;
	[tilespmem:$0x10E80] =	vst v63  }
0x15d: {  	_ = 	snop  }
0x15e: {  	[tilespmem:s3], [sflag:$0x1] =	stream.indirect.gather [hbm4b:s5+s17], $0x80, s22, s17, $0xb8;
	[tilespmem:$0x10E80] =	vst v63  }
0x15f: {  	_ =	swait.ge [sflag:s19], $0x4000  }
0x160: {  	[sflag:s19] =	ssyncset.done $0x0  }
0x161: {  	[sflag:s19] =	ssyncadd.s32 $0xFFFFC000  }
0x162: {  	_ =	swait.ge [sflag:s19], $0x4000  }
0x163: {  	[sflag:s19] =	ssyncset.done $0x0  }
0x164: {  	[sflag:s19] =	ssyncadd.s32 $0xFFFFC000  }
0x165: {  	v2 =	vld [tilespmem:s17+$0x0];
	_ =	sdelay $0x2  }
0x166: {  	s14 =	simm.s32 $0x0  }
0x167: {  	v3 =	vmov s14  }
0x168: {  	v3 =	vshll.u32 v3, $0x7;
	v2 =	vshll.u32 v2, $0x5  }
0x169: {  	v10 =	vor.u32 v0, v3;
	v2 =	vand.u32 $0x60, v2  }
0x16a: {  	v11 =	vor.u32 v10, v2  }
0x16b: {  	s14 =	simm.s32 $0x10A80;
	v2 =	vor.u32 $0x1C, v11  }
0x16c: {  	s17 =	simm.s32 $0x10880;
	v13 =	vld [tilespmem:s14+$0x0];
	v3 =	vor.u32 $0x1D, v11  }
0x16d: {  	s14 =	simm.s32 $0x280;
	v12 =	vld [tilespmem:s17+$0x0];
	v4 =	vor.u32 $0x1E, v11  }
0x16e: {  	v31 =	vld [tilespmem:s14+$0x0];
	v5 =	vor.u32 $0x1F, v11  }
0x16f: {  	v6 =	vor.u32 $0x18, v11;
	v14 =	vld.idx.msk [tilespmem:v11+s16+$0x0], $0xffff  }
0x170: {  	v7 =	vor.u32 $0x19, v11;
	v15 =	vld.idx.msk [tilespmem:v2+s16+$0x0], $0xffff  }
0x171: {  	v8 =	vor.u32 $0x1A, v11;
	v16 =	vld.idx.msk [tilespmem:v3+s16+$0x0], $0xffff  }
0x172: {  	v9 =	vor.u32 $0x1B, v11;
	v3 =	vld.idx.msk [tilespmem:v4+s16+$0x0], $0xffff  }
0x173: {  	v17 =	vor.u32 $0x14, v11;
	v2 =	vld.idx.msk [tilespmem:v5+s16+$0x0], $0xffff  }
0x174: {  	v18 =	vor.u32 $0x15, v11;
	v19 =	vld.idx.msk [tilespmem:v6+s16+$0x0], $0xffff  }
0x175: {  	v26 =	vor.u32 $0xE, v11;
	v20 =	vld.idx.msk [tilespmem:v7+s16+$0x0], $0xffff  }
0x176: {  	v28 =	vor.u32 $0xF, v11;
	v5 =	vld.idx.msk [tilespmem:v8+s16+$0x0], $0xffff  }
0x177: {  	v29 =	vor.u32 $0xA, v11;
	v4 =	vld.idx.msk [tilespmem:v9+s16+$0x0], $0xffff  }
0x178: {  	v30 =	vor.u32 $0xB, v11;
	v17 =	vld.idx.msk [tilespmem:v17+s16+$0x0], $0xffff  }
0x179: {  	v43 =	vor.u32 $0x4, v11;
	v18 =	vld.idx.msk [tilespmem:v18+s16+$0x0], $0xffff  }
0x17a: {  	v44 =	vor.u32 $0x5, v11;
	v26 =	vld.idx.msk [tilespmem:v26+s16+$0x0], $0xffff  }
0x17b: {  	v45 =	vor.u32 $0x6, v11;
	v28 =	vld.idx.msk [tilespmem:v28+s16+$0x0], $0xffff  }
0x17c: {  	v46 =	vor.u32 $0x7, v11;
	v29 =	vld.idx.msk [tilespmem:v29+s16+$0x0], $0xffff  }
0x17d: {  	v31 =	vshll.u32 v31, $0x5;
	v47 =	vor.u32 $0x1, v11;
	v30 =	vld.idx.msk [tilespmem:v30+s16+$0x0], $0xffff  }
0x17e: {  	v31 =	vand.u32 $0x60, v31;
	v48 =	vor.u32 $0x2, v11;
	v32 =	vld.idx.msk [tilespmem:v43+s16+$0x0], $0xffff  }
0x17f: {  	v10 =	vor.u32 v10, v31;
	v33 =	vld.idx.msk [tilespmem:v44+s16+$0x0], $0xffff  }
0x180: {  	v49 =	vor.u32 $0x1C, v10;
	v31 =	vld.idx.msk [tilespmem:v45+s16+$0x0], $0xffff  }
0x181: {  	v50 =	vor.u32 $0x1D, v10;
	v34 =	vld.idx.msk [tilespmem:v46+s16+$0x0], $0xffff  }
0x182: {  	v51 =	vor.u32 $0x18, v10;
	v36 =	vld.idx.msk [tilespmem:v47+s16+$0x0], $0xffff  }
0x183: {  	v52 =	vor.u32 $0x19, v10;
	v37 =	vld.idx.msk [tilespmem:v48+s16+$0x0], $0xffff  }
0x184: {  	v53 =	vor.u32 $0x14, v10;
	v41 =	vld.idx.msk [tilespmem:v10+s18+$0x0], $0xffff  }
0x185: {  	v54 =	vor.u32 $0x15, v10;
	v35 =	vld.idx.msk [tilespmem:v49+s18+$0x0], $0xffff  }
0x186: {  	v55 =	vor.u32 $0x10, v10;
	v38 =	vld.idx.msk [tilespmem:v50+s18+$0x0], $0xffff  }
0x187: {  	v56 =	vor.u32 $0x11, v10;
	v39 =	vld.idx.msk [tilespmem:v51+s18+$0x0], $0xffff  }
0x188: {  	v57 =	vor.u32 $0xC, v10;
	v40 =	vld.idx.msk [tilespmem:v52+s18+$0x0], $0xffff  }
0x189: {  	v58 =	vor.u32 $0xD, v10;
	v42 =	vld.idx.msk [tilespmem:v53+s18+$0x0], $0xffff  }
0x18a: {  	v59 =	vor.u32 $0x8, v10;
	v43 =	vld.idx.msk [tilespmem:v54+s18+$0x0], $0xffff  }
0x18b: {  	v60 =	vor.u32 $0x9, v10;
	v44 =	vld.idx.msk [tilespmem:v55+s18+$0x0], $0xffff  }
0x18c: {  	v61 =	vor.u32 $0x4, v10;
	v45 =	vld.idx.msk [tilespmem:v56+s18+$0x0], $0xffff  }
0x18d: {  	v62 =	vor.u32 $0x5, v10;
	v46 =	vld.idx.msk [tilespmem:v57+s18+$0x0], $0xffff  }
0x18e: {  	v12 =	vadd.f32 v13, v12;
	v13 =	vor.u32 $0x2, v10;
	v47 =	vld.idx.msk [tilespmem:v58+s18+$0x0], $0xffff  }
0x18f: {  	v6 =	vor.u32 $0x16, v11;
	v48 =	vld.idx.msk [tilespmem:v59+s18+$0x0], $0xffff  }
0x190: {  	v21 =	vor.u32 $0x17, v11;
	v49 =	vld.idx.msk [tilespmem:v60+s18+$0x0], $0xffff  }
0x191: {  	v8 =	vor.u32 $0x10, v11;
	v50 =	vld.idx.msk [tilespmem:v61+s18+$0x0], $0xffff  }
0x192: {  	v9 =	vor.u32 $0x11, v11;
	v51 =	vld.idx.msk [tilespmem:v62+s18+$0x0], $0xffff  }
0x193: {  	v22 =	vor.u32 $0x12, v11;
	v13 =	vld.idx.msk [tilespmem:v13+s18+$0x0], $0xffff  }
0x194: {  	v23 =	vor.u32 $0x13, v11;
	v7 =	vld.idx.msk [tilespmem:v6+s16+$0x0], $0xffff  }
0x195: {  	v24 =	vor.u32 $0xC, v11;
	v6 =	vld.idx.msk [tilespmem:v21+s16+$0x0], $0xffff  }
0x196: {  	v63 =	vor.u32 $0x1, v10;
	v25 =	vld.idx.msk [tilespmem:v8+s16+$0x0], $0xffff  }
0x197: {  	v53 =	vor.u32 $0x3, v10;
	v27 =	vld.idx.msk [tilespmem:v9+s16+$0x0], $0xffff  }
0x198: {  	v60 =	vor.u32 $0x6, v10;
	v9 =	vld.idx.msk [tilespmem:v22+s16+$0x0], $0xffff  }
0x199: {  	v61 =	vor.u32 $0x7, v10;
	v8 =	vld.idx.msk [tilespmem:v23+s16+$0x0], $0xffff  }
0x19a: {  	v62 =	vor.u32 $0xA, v10;
	v21 =	vor.u32 $0xD, v11;
	v22 =	vor.u32 $0x8, v11;
	v23 =	vld.idx.msk [tilespmem:v24+s16+$0x0], $0xffff  }
0x19b: {  	v24 =	vor.u32 $0x9, v11;
	v11 =	vor.u32 $0x3, v11;
	v15 =	vmul.f32 v35, v15;
	v35 =	vld.idx.msk [tilespmem:v63+s18+$0x0], $0xffff  }
0x19c: {  	v12 =	vadd.f32 v12, v1;
	v19 =	vmul.f32 v39, v19;
	v39 =	vld.idx.msk [tilespmem:v53+s18+$0x0], $0xffff  }
0x19d: {  	v55 =	vor.u32 $0x1E, v10;
	v57 =	vor.u32 $0x1A, v10;
	v58 =	vor.u32 $0x1F, v10;
	v53 =	vld.idx.msk [tilespmem:v60+s18+$0x0], $0xffff  }
0x19e: {  	v54 =	vor.u32 $0x12, v10;
	v14 =	vmul.f32 v41, v14;
	v63 =	vor.u32 $0xB, v10;
	v59 =	vld.idx.msk [tilespmem:v61+s18+$0x0], $0xffff  }
0x19f: {  	v16 =	vmul.f32 v38, v16;
	v38 =	vor.u32 $0xE, v10;
	v17 =	vmul.f32 v42, v17;
	v41 =	vld.idx.msk [tilespmem:v62+s18+$0x0], $0xffff  }
0x1a0: {  	v20 =	vmul.f32 v40, v20;
	v40 =	vor.u32 $0xF, v10;
	v18 =	vmul.f32 v43, v18;
	v11 =	vld.idx.msk [tilespmem:v11+s16+$0x0], $0xffff  }
0x1a1: {  	v60 =	vor.u32 $0x13, v10;
	v32 =	vmul.f32 v50, v32;
	v13 =	vmul.f32 v13, v37;
	v22 =	vld.idx.msk [tilespmem:v22+s16+$0x0], $0xffff  }
0x1a2: {  	v61 =	vor.u32 $0x16, v10;
	v33 =	vmul.f32 v51, v33;
	v12 =	vadd.f32 v14, v12;
	v24 =	vld.idx.msk [tilespmem:v24+s16+$0x0], $0xffff  }
0x1a3: {  	v13 =	vadd.f32 $0.0e+00, v13;
	v21 =	vld.idx.msk [tilespmem:v21+s16+$0x0], $0xffff;
	v25 =	vmul.f32 v44, v25;
	v23 =	vmul.f32 v46, v23  }
0x1a4: {  	v12 =	vadd.f32 v32, v12;
	v27 =	vmul.f32 v45, v27;
	v62 =	vld.idx.msk [tilespmem:v63+s18+$0x0], $0xffff;
	v35 =	vmul.f32 v35, v36  }
0x1a5: {  	v63 =	vor.u32 $0x17, v10;
	v38 =	vld.idx.msk [tilespmem:v38+s18+$0x0], $0xffff;
	v31 =	vmul.f32 v53, v31;
	v11 =	vmul.f32 v39, v11  }
0x1a6: {  	v10 =	vor.u32 $0x1B, v10;
	v34 =	vmul.f32 v59, v34;
	v22 =	vmul.f32 v48, v22;
	v48 =	vld.idx.msk [tilespmem:v40+s18+$0x0], $0xffff  }
0x1a7: {  	v14 =	vadd.f32 $0.0e+00, v35;
	v24 =	vmul.f32 v49, v24;
	v49 =	vld.idx.msk [tilespmem:v54+s18+$0x0], $0xffff;
	v11 =	vadd.f32 $0.0e+00, v11  }
0x1a8: {  	v50 =	vld.idx.msk [tilespmem:v60+s18+$0x0], $0xffff;
	v29 =	vmul.f32 v41, v29;
	v13 =	vadd.f32 v31, v13;
	v21 =	vmul.f32 v47, v21  }
0x1a9: {  	v51 =	vld.idx.msk [tilespmem:v61+s18+$0x0], $0xffff;
	v14 =	vadd.f32 v33, v14;
	v30 =	vmul.f32 v62, v30;
	v11 =	vadd.f32 v34, v11  }
0x1aa: {  	v13 =	vadd.f32 v29, v13;
	v31 =	vld.idx.msk [tilespmem:v63+s18+$0x0], $0xffff;
	v12 =	vadd.f32 v22, v12;
	v22 =	vmul.f32 v38, v26  }
0x1ab: {  	v14 =	vadd.f32 v24, v14;
	v24 =	vld.idx.msk [tilespmem:v57+s18+$0x0], $0xffff;
	v26 =	vmul.f32 v48, v28;
	v11 =	vadd.f32 v30, v11  }
0x1ac: {  	v10 =	vld.idx.msk [tilespmem:v10+s18+$0x0], $0xffff;
	v12 =	vadd.f32 v23, v12;
	v13 =	vadd.f32 v22, v13;
	v9 =	vmul.f32 v49, v9  }
0x1ad: {  	v8 =	vmul.f32 v50, v8;
	v14 =	vadd.f32 v21, v14;
	v21 =	vld.idx.msk [tilespmem:v55+s18+$0x0], $0xffff;
	v11 =	vadd.f32 v26, v11  }
0x1ae: {  	v7 =	vmul.f32 v51, v7;
	v22 =	vld.idx.msk [tilespmem:v58+s18+$0x0], $0xffff;
	v12 =	vadd.f32 v25, v12;
	v9 =	vadd.f32 v9, v13  }
0x1af: {  	v14 =	vadd.f32 v27, v14;
	v6 =	vmul.f32 v31, v6;
	v8 =	vadd.f32 v8, v11  }
0x1b0: {  	v5 =	vmul.f32 v24, v5;
	v7 =	vadd.f32 v7, v9;
	v11 =	vadd.f32 v17, v12  }
0x1b1: {  	v4 =	vmul.f32 v10, v4;
	v12 =	vadd.f32 v18, v14;
	v6 =	vadd.f32 v6, v8  }
0x1b2: {  	v3 =	vmul.f32 v21, v3;
	v5 =	vadd.f32 v5, v7;
	v8 =	vadd.f32 v19, v11  }
0x1b3: {  	v2 =	vmul.f32 v22, v2;
	v9 =	vadd.f32 v20, v12;
	v4 =	vadd.f32 v4, v6  }
0x1b4: {  	v3 =	vadd.f32 v3, v5;
	v6 =	vadd.f32 v15, v8  }
0x1b5: {  	v7 =	vadd.f32 v16, v9;
	v2 =	vadd.f32 v2, v4;
	_ =	sdelay $0x1  }
0x1b6: {  	v4 =	vadd.f32 v7, v6;
	v2 =	vadd.f32 v2, v3;
	_ =	sdelay $0x1  }
0x1b7: {  	v2 =	vadd.f32 v2, v4  }
0x1b8: {  	s28 =	simm.s32 $0x10D00  }
0x1b9: {  	s29 =	simm.s32 $0x90;
	[tilespmem:s28+$0x0] =	vst v2  }
0x1ba: {  	v2 =	vld [tilespmem:s29+$0x0];
	_ =	sdelay $0x2  }
0x1bb: {  	s17 =	simm.s32 $0x10  }
0x1bc: {  	v3 =	vmov s17  }
0x1bd: {  	v3 =	vshll.u32 v3, $0x7;
	v2 =	vshll.u32 v2, $0x5  }
0x1be: {  	v27 =	vor.u32 v0, v3;
	v2 =	vand.u32 $0x60, v2  }
0x1bf: {  	v29 =	vor.u32 v27, v2  }
0x1c0: {  	v2 =	vor.u32 $0x1C, v29  }
0x1c1: {  	s30 =	simm.s32 $0x10890;
	v3 =	vor.u32 $0x1D, v29  }
0x1c2: {  	s0 =	simm.s32 $0x10A90;
	v18 =	vld [tilespmem:s30+$0x0];
	v4 =	vor.u32 $0x1E, v29  }
0x1c3: {  	v21 =	vld [tilespmem:s0+$0x0];
	v5 =	vor.u32 $0x1F, v29  }
0x1c4: {  	v6 =	vor.u32 $0x18, v29;
	v13 =	vld.idx.msk [tilespmem:v29+s16+$0x0], $0xffff  }
0x1c5: {  	v7 =	vor.u32 $0x19, v29;
	v14 =	vld.idx.msk [tilespmem:v2+s16+$0x0], $0xffff  }
0x1c6: {  	v8 =	vor.u32 $0x1A, v29;
	v12 =	vld.idx.msk [tilespmem:v3+s16+$0x0], $0xffff  }
0x1c7: {  	v9 =	vor.u32 $0x1B, v29;
	v3 =	vld.idx.msk [tilespmem:v4+s16+$0x0], $0xffff  }
0x1c8: {  	v10 =	vor.u32 $0x14, v29;
	v2 =	vld.idx.msk [tilespmem:v5+s16+$0x0], $0xffff  }
0x1c9: {  	v11 =	vor.u32 $0x15, v29;
	v16 =	vld.idx.msk [tilespmem:v6+s16+$0x0], $0xffff  }
0x1ca: {  	v19 =	vor.u32 $0xC, v29;
	v15 =	vld.idx.msk [tilespmem:v7+s16+$0x0], $0xffff  }
0x1cb: {  	v31 =	vor.u32 $0x8, v29;
	v5 =	vld.idx.msk [tilespmem:v8+s16+$0x0], $0xffff  }
0x1cc: {  	v53 =	vor.u32 $0x4, v29;
	v4 =	vld.idx.msk [tilespmem:v9+s16+$0x0], $0xffff  }
0x1cd: {  	v54 =	vor.u32 $0x5, v29;
	v22 =	vld.idx.msk [tilespmem:v10+s16+$0x0], $0xffff  }
0x1ce: {  	v57 =	vor.u32 $0x1, v29;
	v20 =	vld.idx.msk [tilespmem:v11+s16+$0x0], $0xffff  }
0x1cf: {  	v6 =	vor.u32 $0x16, v29;
	v26 =	vld.idx.msk [tilespmem:v19+s16+$0x0], $0xffff  }
0x1d0: {  	v17 =	vor.u32 $0x17, v29;
	v31 =	vld.idx.msk [tilespmem:v31+s16+$0x0], $0xffff  }
0x1d1: {  	v9 =	vor.u32 $0x11, v29;
	v33 =	vld.idx.msk [tilespmem:v53+s16+$0x0], $0xffff  }
0x1d2: {  	v10 =	vor.u32 $0x12, v29;
	v32 =	vld.idx.msk [tilespmem:v54+s16+$0x0], $0xffff  }
0x1d3: {  	v30 =	vor.u32 $0xF, v29;
	v36 =	vld.idx.msk [tilespmem:v57+s16+$0x0], $0xffff  }
0x1d4: {  	v7 =	vld.idx.msk [tilespmem:v6+s16+$0x0], $0xffff  }
0x1d5: {  	v58 =	vor.u32 $0x2, v29;
	v6 =	vld.idx.msk [tilespmem:v17+s16+$0x0], $0xffff  }
0x1d6: {  	v59 =	vor.u32 $0x3, v29;
	v23 =	vld.idx.msk [tilespmem:v9+s16+$0x0], $0xffff  }
0x1d7: {  	v8 =	vor.u32 $0x10, v29;
	v9 =	vld.idx.msk [tilespmem:v10+s16+$0x0], $0xffff  }
0x1d8: {  	s14 =	simm.s32 $0x290;
	v11 =	vor.u32 $0x13, v29;
	v10 =	vld.idx.msk [tilespmem:v30+s16+$0x0], $0xffff  }
0x1d9: {  	v17 =	vor.u32 $0xD, v29;
	v30 =	vld [tilespmem:s14+$0x0]  }
0x1da: {  	v28 =	vor.u32 $0xE, v29;
	v34 =	vld.idx.msk [tilespmem:v58+s16+$0x0], $0xffff  }
0x1db: {  	v19 =	vor.u32 $0x9, v29;
	v35 =	vld.idx.msk [tilespmem:v59+s16+$0x0], $0xffff  }
0x1dc: {  	v55 =	vor.u32 $0x6, v29;
	v24 =	vld.idx.msk [tilespmem:v8+s16+$0x0], $0xffff  }
0x1dd: {  	v56 =	vor.u32 $0x7, v29;
	v8 =	vld.idx.msk [tilespmem:v11+s16+$0x0], $0xffff  }
0x1de: {  	v25 =	vld.idx.msk [tilespmem:v17+s16+$0x0], $0xffff;
	v17 =	vor.u32 $0xA, v29;
	v30 =	vshll.u32 v30, $0x5  }
0x1df: {  	v52 =	vor.u32 $0xB, v29;
	v11 =	vld.idx.msk [tilespmem:v28+s16+$0x0], $0xffff;
	v30 =	vand.u32 $0x60, v30  }
0x1e0: {  	v28 =	vld.idx.msk [tilespmem:v19+s16+$0x0], $0xffff;
	v30 =	vor.u32 v27, v30  }
0x1e1: {  	v29 =	vld.idx.msk [tilespmem:v55+s16+$0x0], $0xffff;
	v60 =	vor.u32 $0x1C, v30  }
0x1e2: {  	v27 =	vld.idx.msk [tilespmem:v56+s16+$0x0], $0xffff;
	v61 =	vor.u32 $0x1D, v30  }
0x1e3: {  	v62 =	vor.u32 $0x18, v30;
	v19 =	vld.idx.msk [tilespmem:v17+s16+$0x0], $0xffff  }
0x1e4: {  	v63 =	vor.u32 $0x19, v30;
	v17 =	vld.idx.msk [tilespmem:v52+s16+$0x0], $0xffff  }
0x1e5: {  	v46 =	vor.u32 $0x14, v30;
	v39 =	vld.idx.msk [tilespmem:v30+s18+$0x0], $0xffff  }
0x1e6: {  	v44 =	vor.u32 $0x15, v30;
	v40 =	vld.idx.msk [tilespmem:v60+s18+$0x0], $0xffff  }
0x1e7: {  	v45 =	vor.u32 $0x10, v30;
	v37 =	vld.idx.msk [tilespmem:v61+s18+$0x0], $0xffff  }
0x1e8: {  	v43 =	vor.u32 $0x11, v30;
	v41 =	vld.idx.msk [tilespmem:v62+s18+$0x0], $0xffff  }
0x1e9: {  	s17 =	simm.s32 $0x20;
	v42 =	vor.u32 $0xC, v30;
	v38 =	vld.idx.msk [tilespmem:v63+s18+$0x0], $0xffff  }
.LBB2_6:
0x1ea: {  	p0 =	sne.s32 s17, $0x70;
	v47 =	vor.u32 $0xD, v30;
	v46 =	vld.idx.msk [tilespmem:v46+s18+$0x0], $0xffff  }
0x1eb: {  	v48 =	vor.u32 $0x8, v30;
	v44 =	vld.idx.msk [tilespmem:v44+s18+$0x0], $0xffff  }
0x1ec: {  	v49 =	vor.u32 $0x9, v30;
	v45 =	vld.idx.msk [tilespmem:v45+s18+$0x0], $0xffff  }
0x1ed: {  	v50 =	vor.u32 $0x4, v30;
	v43 =	vld.idx.msk [tilespmem:v43+s18+$0x0], $0xffff  }
0x1ee: {  	v51 =	vor.u32 $0x5, v30;
	v42 =	vld.idx.msk [tilespmem:v42+s18+$0x0], $0xffff  }
0x1ef: {  	v52 =	vor.u32 $0x1, v30;
	v47 =	vld.idx.msk [tilespmem:v47+s18+$0x0], $0xffff  }
0x1f0: {  	v18 =	vadd.f32 v21, v18;
	v21 =	vor.u32 $0x2, v30;
	v48 =	vld.idx.msk [tilespmem:v48+s18+$0x0], $0xffff  }
0x1f1: {  	v53 =	vor.u32 $0x3, v30;
	v49 =	vld.idx.msk [tilespmem:v49+s18+$0x0], $0xffff  }
0x1f2: {  	v54 =	vor.u32 $0x6, v30;
	v55 =	vor.u32 $0x1E, v30;
	v18 =	vadd.f32 v18, v1;
	v50 =	vld.idx.msk [tilespmem:v50+s18+$0x0], $0xffff  }
0x1f3: {  	v56 =	vor.u32 $0x7, v30;
	v57 =	vor.u32 $0x1A, v30;
	v58 =	vor.u32 $0x1F, v30;
	v51 =	vld.idx.msk [tilespmem:v51+s18+$0x0], $0xffff  }
0x1f4: {  	v13 =	vmul.f32 v39, v13;
	v14 =	vmul.f32 v40, v14;
	v39 =	vld.idx.msk [tilespmem:v52+s18+$0x0], $0xffff;
	v52 =	vor.u32 $0xA, v30  }
0x1f5: {  	v40 =	vor.u32 $0xB, v30;
	v12 =	vmul.f32 v37, v12;
	v16 =	vmul.f32 v41, v16;
	v21 =	vld.idx.msk [tilespmem:v21+s18+$0x0], $0xffff  }
0x1f6: {  	v41 =	vor.u32 $0xE, v30;
	v15 =	vmul.f32 v38, v15;
	v22 =	vmul.f32 v46, v22;
	v37 =	vld.idx.msk [tilespmem:v53+s18+$0x0], $0xffff  }
0x1f7: {  	v46 =	vor.u32 $0xF, v30;
	v20 =	vmul.f32 v44, v20;
	v24 =	vmul.f32 v45, v24;
	v38 =	vld.idx.msk [tilespmem:v54+s18+$0x0], $0xffff  }
0x1f8: {  	v23 =	vmul.f32 v43, v23;
	v26 =	vmul.f32 v42, v26;
	v42 =	vor.u32 $0x12, v30;
	v44 =	vld.idx.msk [tilespmem:v56+s18+$0x0], $0xffff  }
0x1f9: {  	v45 =	vor.u32 $0x13, v30;
	v25 =	vmul.f32 v47, v25;
	v31 =	vmul.f32 v48, v31;
	v43 =	vld.idx.msk [tilespmem:v52+s18+$0x0], $0xffff  }
0x1fa: {  	v47 =	vor.u32 $0x16, v30;
	v28 =	vmul.f32 v49, v28;
	v33 =	vmul.f32 v50, v33;
	v40 =	vld.idx.msk [tilespmem:v40+s18+$0x0], $0xffff  }
0x1fb: {  	v32 =	vmul.f32 v51, v32;
	v36 =	vmul.f32 v39, v36;
	v39 =	vld.idx.msk [tilespmem:v41+s18+$0x0], $0xffff;
	v41 =	vor.u32 $0x17, v30  }
0x1fc: {  	v21 =	vmul.f32 v21, v34;
	v34 =	vmul.f32 v37, v35;
	v30 =	vor.u32 $0x1B, v30;
	v35 =	vld.idx.msk [tilespmem:v46+s18+$0x0], $0xffff  }
0x1fd: {  	v13 =	vadd.f32 v13, v18;
	v18 =	vadd.f32 $0.0e+00, v36;
	v29 =	vmul.f32 v38, v29;
	v36 =	vld.idx.msk [tilespmem:v42+s18+$0x0], $0xffff  }
0x1fe: {  	v21 =	vadd.f32 $0.0e+00, v21;
	v34 =	vadd.f32 $0.0e+00, v34;
	v27 =	vmul.f32 v44, v27;
	v37 =	vld.idx.msk [tilespmem:v45+s18+$0x0], $0xffff  }
0x1ff: {  	v13 =	vadd.f32 v33, v13;
	v18 =	vadd.f32 v32, v18;
	v19 =	vmul.f32 v43, v19;
	v32 =	vld.idx.msk [tilespmem:v47+s18+$0x0], $0xffff  }
0x200: {  	v21 =	vadd.f32 v29, v21;
	v27 =	vadd.f32 v27, v34;
	v17 =	vmul.f32 v40, v17;
	v29 =	vld.idx.msk [tilespmem:v41+s18+$0x0], $0xffff  }
0x201: {  	v13 =	vadd.f32 v31, v13;
	v18 =	vadd.f32 v28, v18;
	v11 =	vmul.f32 v39, v11;
	v28 =	vld.idx.msk [tilespmem:v57+s18+$0x0], $0xffff  }
0x202: {  	v19 =	vadd.f32 v19, v21;
	v17 =	vadd.f32 v17, v27;
	v10 =	vmul.f32 v35, v10;
	v21 =	vld.idx.msk [tilespmem:v30+s18+$0x0], $0xffff  }
0x203: {  	v13 =	vadd.f32 v26, v13;
	v18 =	vadd.f32 v25, v18;
	v9 =	vmul.f32 v36, v9;
	v25 =	vld.idx.msk [tilespmem:v55+s18+$0x0], $0xffff  }
0x204: {  	v11 =	vadd.f32 v11, v19;
	v10 =	vadd.f32 v10, v17;
	v8 =	vmul.f32 v37, v8;
	v17 =	vld.idx.msk [tilespmem:v58+s18+$0x0], $0xffff  }
0x205: {  	v13 =	vadd.f32 v24, v13;
	v18 =	vadd.f32 v23, v18;
	v7 =	vmul.f32 v32, v7  }
0x206: {  	v9 =	vadd.f32 v9, v11;
	v8 =	vadd.f32 v8, v10;
	v6 =	vmul.f32 v29, v6  }
0x207: {  	v10 =	vadd.f32 v22, v13;
	v11 =	vadd.f32 v20, v18;
	v5 =	vmul.f32 v28, v5  }
0x208: {  	v7 =	vadd.f32 v7, v9;
	v6 =	vadd.f32 v6, v8;
	v4 =	vmul.f32 v21, v4  }
0x209: {  	v8 =	vadd.f32 v16, v10;
	v9 =	vadd.f32 v15, v11;
	v3 =	vmul.f32 v25, v3  }
0x20a: {  	v5 =	vadd.f32 v5, v7;
	v4 =	vadd.f32 v4, v6;
	v2 =	vmul.f32 v17, v2  }
0x20b: {  	v6 =	vadd.f32 v14, v8;
	v7 =	vadd.f32 v12, v9  }
0x20c: {  	v3 =	vadd.f32 v3, v5;
	v2 =	vadd.f32 v2, v4;
	_ =	sdelay $0x1  }
0x20d: {  	v4 =	vadd.f32 v7, v6;
	v2 =	vadd.f32 v2, v3;
	_ =	sdelay $0x1  }
0x20e: {  	v2 =	vadd.f32 v2, v4  }
0x20f: {  	s28 =	sadd.s32 $0x10, s28  }
0x210: {  	s29 =	sadd.s32 $0x10, s29;
	[tilespmem:s28+$0x0] =	vst v2  }
0x211: {  	v2 =	vld [tilespmem:s29+$0x0];
	_ =	sdelay $0x3  }
0x212: {  	v3 =	vmov s17  }
0x213: {  	v3 =	vshll.u32 v3, $0x7;
	v2 =	vshll.u32 v2, $0x5  }
0x214: {  	v27 =	vor.u32 v0, v3;
	v2 =	vand.u32 $0x60, v2  }
0x215: {  	v29 =	vor.u32 v27, v2  }
0x216: {  	v2 =	vor.u32 $0x1C, v29  }
0x217: {  	s30 =	sadd.s32 $0x10, s30;
	v3 =	vor.u32 $0x1D, v29  }
0x218: {  	s0 =	sadd.s32 $0x10, s0;
	v4 =	vor.u32 $0x1E, v29;
	v18 =	vld [tilespmem:s30+$0x0]  }
0x219: {  	v5 =	vor.u32 $0x1F, v29;
	v21 =	vld [tilespmem:s0+$0x0]  }
0x21a: {  	v6 =	vor.u32 $0x18, v29;
	v13 =	vld.idx.msk [tilespmem:v29+s16+$0x0], $0xffff  }
0x21b: {  	v7 =	vor.u32 $0x19, v29;
	v14 =	vld.idx.msk [tilespmem:v2+s16+$0x0], $0xffff  }
0x21c: {  	v8 =	vor.u32 $0x1A, v29;
	v12 =	vld.idx.msk [tilespmem:v3+s16+$0x0], $0xffff  }
0x21d: {  	v9 =	vor.u32 $0x1B, v29;
	v3 =	vld.idx.msk [tilespmem:v4+s16+$0x0], $0xffff  }
0x21e: {  	v10 =	vor.u32 $0x14, v29;
	v2 =	vld.idx.msk [tilespmem:v5+s16+$0x0], $0xffff  }
0x21f: {  	v11 =	vor.u32 $0x15, v29;
	v16 =	vld.idx.msk [tilespmem:v6+s16+$0x0], $0xffff  }
0x220: {  	v6 =	vor.u32 $0x16, v29;
	v15 =	vld.idx.msk [tilespmem:v7+s16+$0x0], $0xffff  }
0x221: {  	v17 =	vor.u32 $0x17, v29;
	v5 =	vld.idx.msk [tilespmem:v8+s16+$0x0], $0xffff  }
0x222: {  	v8 =	vor.u32 $0x10, v29;
	v4 =	vld.idx.msk [tilespmem:v9+s16+$0x0], $0xffff  }
0x223: {  	v9 =	vor.u32 $0x11, v29;
	v22 =	vld.idx.msk [tilespmem:v10+s16+$0x0], $0xffff  }
0x224: {  	v10 =	vor.u32 $0x12, v29;
	v20 =	vld.idx.msk [tilespmem:v11+s16+$0x0], $0xffff  }
0x225: {  	v11 =	vor.u32 $0x13, v29;
	v7 =	vld.idx.msk [tilespmem:v6+s16+$0x0], $0xffff  }
0x226: {  	v19 =	vor.u32 $0xC, v29;
	v6 =	vld.idx.msk [tilespmem:v17+s16+$0x0], $0xffff  }
0x227: {  	v17 =	vor.u32 $0xD, v29;
	v24 =	vld.idx.msk [tilespmem:v8+s16+$0x0], $0xffff  }
0x228: {  	v28 =	vor.u32 $0xE, v29;
	v23 =	vld.idx.msk [tilespmem:v9+s16+$0x0], $0xffff  }
0x229: {  	v30 =	vor.u32 $0xF, v29;
	v9 =	vld.idx.msk [tilespmem:v10+s16+$0x0], $0xffff  }
0x22a: {  	v8 =	vld.idx.msk [tilespmem:v11+s16+$0x0], $0xffff  }
0x22b: {  	v31 =	vor.u32 $0x8, v29;
	v26 =	vld.idx.msk [tilespmem:v19+s16+$0x0], $0xffff  }
0x22c: {  	v19 =	vor.u32 $0x9, v29;
	v25 =	vld.idx.msk [tilespmem:v17+s16+$0x0], $0xffff  }
0x22d: {  	v17 =	vor.u32 $0xA, v29;
	v11 =	vld.idx.msk [tilespmem:v28+s16+$0x0], $0xffff  }
0x22e: {  	s14 =	sadd.s32 $0x10, s14;
	v32 =	vor.u32 $0xB, v29;
	v10 =	vld.idx.msk [tilespmem:v30+s16+$0x0], $0xffff  }
0x22f: {  	v33 =	vor.u32 $0x4, v29;
	v30 =	vld [tilespmem:s14+$0x0]  }
0x230: {  	v34 =	vor.u32 $0x5, v29;
	v31 =	vld.idx.msk [tilespmem:v31+s16+$0x0], $0xffff  }
0x231: {  	v35 =	vor.u32 $0x6, v29;
	v28 =	vld.idx.msk [tilespmem:v19+s16+$0x0], $0xffff  }
0x232: {  	v36 =	vor.u32 $0x7, v29;
	v19 =	vld.idx.msk [tilespmem:v17+s16+$0x0], $0xffff  }
0x233: {  	v37 =	vor.u32 $0x1, v29;
	v17 =	vld.idx.msk [tilespmem:v32+s16+$0x0], $0xffff  }
0x234: {  	v38 =	vor.u32 $0x2, v29;
	v30 =	vshll.u32 v30, $0x5;
	v33 =	vld.idx.msk [tilespmem:v33+s16+$0x0], $0xffff  }
0x235: {  	v39 =	vor.u32 $0x3, v29;
	v30 =	vand.u32 $0x60, v30;
	v32 =	vld.idx.msk [tilespmem:v34+s16+$0x0], $0xffff  }
0x236: {  	v30 =	vor.u32 v27, v30;
	v29 =	vld.idx.msk [tilespmem:v35+s16+$0x0], $0xffff  }
0x237: {  	v27 =	vld.idx.msk [tilespmem:v36+s16+$0x0], $0xffff;
	v40 =	vor.u32 $0x1C, v30  }
0x238: {  	v36 =	vld.idx.msk [tilespmem:v37+s16+$0x0], $0xffff;
	v37 =	vor.u32 $0x1D, v30  }
0x239: {  	v34 =	vld.idx.msk [tilespmem:v38+s16+$0x0], $0xffff;
	v38 =	vor.u32 $0x18, v30  }
0x23a: {  	v47 =	vor.u32 $0x19, v30;
	v35 =	vld.idx.msk [tilespmem:v39+s16+$0x0], $0xffff  }
.Ltmp2:
0x23b: {  	v46 =	vor.u32 $0x14, v30;
	v39 =	vld.idx.msk [tilespmem:v30+s18+$0x0], $0xffff;
	(pc) =	sbr.rel @p0 .LBB2_6-.Ltmp2, $4  }
0x23c: {  	v44 =	vor.u32 $0x15, v30;
	v40 =	vld.idx.msk [tilespmem:v40+s18+$0x0], $0xffff  }
0x23d: {  	v45 =	vor.u32 $0x10, v30;
	v37 =	vld.idx.msk [tilespmem:v37+s18+$0x0], $0xffff  }
0x23e: {  	v43 =	vor.u32 $0x11, v30;
	v41 =	vld.idx.msk [tilespmem:v38+s18+$0x0], $0xffff  }
0x23f: {  	s17 =	sadd.s32 $0x10, s17;
	v42 =	vor.u32 $0xC, v30;
	v38 =	vld.idx.msk [tilespmem:v47+s18+$0x0], $0xffff  }
0x240: {  	_ =	sdelay $0x3  }
0x241: {  	v47 =	vor.u32 $0xD, v30;
	v46 =	vld.idx.msk [tilespmem:v46+s18+$0x0], $0xffff  }
0x242: {  	v48 =	vor.u32 $0x8, v30;
	v44 =	vld.idx.msk [tilespmem:v44+s18+$0x0], $0xffff  }
0x243: {  	v49 =	vor.u32 $0x9, v30;
	v45 =	vld.idx.msk [tilespmem:v45+s18+$0x0], $0xffff  }
0x244: {  	v50 =	vor.u32 $0x4, v30;
	v43 =	vld.idx.msk [tilespmem:v43+s18+$0x0], $0xffff  }
0x245: {  	v51 =	vor.u32 $0x5, v30;
	v42 =	vld.idx.msk [tilespmem:v42+s18+$0x0], $0xffff  }
0x246: {  	v52 =	vor.u32 $0x1, v30;
	v47 =	vld.idx.msk [tilespmem:v47+s18+$0x0], $0xffff  }
0x247: {  	v18 =	vadd.f32 v21, v18;
	v21 =	vor.u32 $0x2, v30;
	v53 =	vor.u32 $0x3, v30;
	v48 =	vld.idx.msk [tilespmem:v48+s18+$0x0], $0xffff  }
0x248: {  	v54 =	vor.u32 $0x6, v30;
	v55 =	vor.u32 $0x1E, v30;
	v56 =	vor.u32 $0x7, v30;
	v49 =	vld.idx.msk [tilespmem:v49+s18+$0x0], $0xffff  }
0x249: {  	v57 =	vor.u32 $0x1A, v30;
	v58 =	vor.u32 $0x1F, v30;
	v13 =	vmul.f32 v39, v13;
	v50 =	vld.idx.msk [tilespmem:v50+s18+$0x0], $0xffff  }
0x24a: {  	v59 =	vor.u32 $0xA, v30;
	v60 =	vor.u32 $0xB, v30;
	v62 =	vor.u32 $0xF, v30;
	v51 =	vld.idx.msk [tilespmem:v51+s18+$0x0], $0xffff  }
0x24b: {  	v63 =	vor.u32 $0x12, v30;
	v14 =	vmul.f32 v40, v14;
	v12 =	vmul.f32 v37, v12;
	v40 =	vld.idx.msk [tilespmem:v52+s18+$0x0], $0xffff  }
0x24c: {  	v18 =	vadd.f32 v18, v1;
	v16 =	vmul.f32 v41, v16;
	v15 =	vmul.f32 v38, v15;
	v21 =	vld.idx.msk [tilespmem:v21+s18+$0x0], $0xffff  }
0x24d: {  	v37 =	vor.u32 $0xE, v30;
	v22 =	vmul.f32 v46, v22;
	v61 =	vld.idx.msk [tilespmem:v53+s18+$0x0], $0xffff;
	v24 =	vmul.f32 v45, v24  }
0x24e: {  	v13 =	vadd.f32 v13, v18;
	v20 =	vmul.f32 v44, v20;
	v44 =	vld.idx.msk [tilespmem:v54+s18+$0x0], $0xffff;
	v26 =	vmul.f32 v42, v26  }
0x24f: {  	v23 =	vmul.f32 v43, v23;
	v53 =	vld.idx.msk [tilespmem:v56+s18+$0x0], $0xffff;
	v54 =	vor.u32 $0x13, v30;
	v31 =	vmul.f32 v48, v31  }
0x250: {  	v39 =	vld.idx.msk [tilespmem:v59+s18+$0x0], $0xffff;
	v56 =	vor.u32 $0x16, v30;
	v25 =	vmul.f32 v47, v25;
	v33 =	vmul.f32 v50, v33  }
0x251: {  	v59 =	vld.idx.msk [tilespmem:v60+s18+$0x0], $0xffff;
	v60 =	vor.u32 $0x17, v30;
	v28 =	vmul.f32 v49, v28;
	v36 =	vmul.f32 v40, v36  }
0x252: {  	v30 =	vor.u32 $0x1B, v30;
	v62 =	vld.idx.msk [tilespmem:v62+s18+$0x0], $0xffff;
	v21 =	vmul.f32 v21, v34;
	v61 =	vmul.f32 v61, v35  }
0x253: {  	v37 =	vld.idx.msk [tilespmem:v37+s18+$0x0], $0xffff;
	v32 =	vmul.f32 v51, v32;
	v29 =	vmul.f32 v44, v29;
	v18 =	vadd.f32 $0.0e+00, v36  }
0x254: {  	v63 =	vld.idx.msk [tilespmem:v63+s18+$0x0], $0xffff;
	v27 =	vmul.f32 v53, v27;
	v21 =	vadd.f32 $0.0e+00, v21;
	v34 =	vadd.f32 $0.0e+00, v61  }
0x255: {  	v41 =	vld.idx.msk [tilespmem:v54+s18+$0x0], $0xffff;
	v19 =	vmul.f32 v39, v19;
	v13 =	vadd.f32 v33, v13;
	v18 =	vadd.f32 v32, v18  }
0x256: {  	v42 =	vld.idx.msk [tilespmem:v56+s18+$0x0], $0xffff;
	v17 =	vmul.f32 v59, v17;
	v21 =	vadd.f32 v29, v21;
	v27 =	vadd.f32 v27, v34  }
0x257: {  	v10 =	vmul.f32 v62, v10;
	v29 =	vld.idx.msk [tilespmem:v60+s18+$0x0], $0xffff;
	v13 =	vadd.f32 v31, v13;
	v18 =	vadd.f32 v28, v18  }
0x258: {  	v11 =	vmul.f32 v37, v11;
	v28 =	vld.idx.msk [tilespmem:v57+s18+$0x0], $0xffff;
	v19 =	vadd.f32 v19, v21;
	v17 =	vadd.f32 v17, v27  }
0x259: {  	v9 =	vmul.f32 v63, v9;
	v21 =	vld.idx.msk [tilespmem:v30+s18+$0x0], $0xffff;
	v13 =	vadd.f32 v26, v13;
	v18 =	vadd.f32 v25, v18  }
0x25a: {  	v8 =	vmul.f32 v41, v8;
	v25 =	vld.idx.msk [tilespmem:v55+s18+$0x0], $0xffff;
	v11 =	vadd.f32 v11, v19;
	v10 =	vadd.f32 v10, v17  }
0x25b: {  	v7 =	vmul.f32 v42, v7;
	v17 =	vld.idx.msk [tilespmem:v58+s18+$0x0], $0xffff;
	v13 =	vadd.f32 v24, v13;
	v18 =	vadd.f32 v23, v18  }
0x25c: {  	v6 =	vmul.f32 v29, v6;
	v9 =	vadd.f32 v9, v11;
	v8 =	vadd.f32 v8, v10  }
0x25d: {  	v10 =	vadd.f32 v22, v13;
	v5 =	vmul.f32 v28, v5;
	v11 =	vadd.f32 v20, v18  }
0x25e: {  	v4 =	vmul.f32 v21, v4;
	v7 =	vadd.f32 v7, v9;
	v6 =	vadd.f32 v6, v8  }
0x25f: {  	v8 =	vadd.f32 v16, v10;
	v3 =	vmul.f32 v25, v3;
	v9 =	vadd.f32 v15, v11  }
0x260: {  	v2 =	vmul.f32 v17, v2;
	v5 =	vadd.f32 v5, v7;
	v4 =	vadd.f32 v4, v6  }
0x261: {  	v6 =	vadd.f32 v14, v8;
	v7 =	vadd.f32 v12, v9  }
0x262: {  	v3 =	vadd.f32 v3, v5;
	v2 =	vadd.f32 v2, v4;
	_ =	sdelay $0x1  }
0x263: {  	v4 =	vadd.f32 v7, v6;
	v2 =	vadd.f32 v2, v3;
	_ =	sdelay $0x1  }
0x264: {  	v2 =	vadd.f32 v2, v4  }
0x265: {  	s0 =	sadd.s32 $0x10, s28  }
0x266: {  	[tilespmem:s0+$0x0] =	vst v2  }
0x267: {  	[tilespmem:s16], [sflag:$0x1] =	stream.indirect.gather [hbm4b:s4+s15], $0x80, s23, s15, $0xb8;
	[tilespmem:$0x10E80] =	vst v63  }
0x268: {  	_ = 	snop  }
0x269: {  	[tilespmem:s18], [sflag:$0x1] =	stream.indirect.gather [hbm4b:s5+s15], $0x80, s24, s15, $0xb8;
	[tilespmem:$0x10E80] =	vst v63  }
0x26a: {  	_ =	swait.ge [sflag:s19], $0x4000  }
0x26b: {  	[sflag:s19] =	ssyncset.done $0x0  }
0x26c: {  	[sflag:s19] =	ssyncadd.s32 $0xFFFFC000  }
0x26d: {  	_ =	swait.ge [sflag:s19], $0x4000  }
0x26e: {  	[sflag:s19] =	ssyncset.done $0x0  }
0x26f: {  	s17 =	simm.s32 $0x100;
	[sflag:s19] =	ssyncadd.s32 $0xFFFFC000  }
0x270: {  	v2 =	vld [tilespmem:s17+$0x0];
	_ =	sdelay $0x2  }
0x271: {  	s14 =	simm.s32 $0x0  }
0x272: {  	v3 =	vmov s14  }
0x273: {  	v3 =	vshll.u32 v3, $0x7;
	v2 =	vshll.u32 v2, $0x5  }
0x274: {  	v10 =	vor.u32 v0, v3;
	v2 =	vand.u32 $0x60, v2  }
0x275: {  	v11 =	vor.u32 v10, v2  }
0x276: {  	s14 =	simm.s32 $0x10B00;
	v2 =	vor.u32 $0x1C, v11  }
0x277: {  	s17 =	simm.s32 $0x10900;
	v13 =	vld [tilespmem:s14+$0x0];
	v3 =	vor.u32 $0x1D, v11  }
0x278: {  	s14 =	simm.s32 $0x300;
	v12 =	vld [tilespmem:s17+$0x0];
	v4 =	vor.u32 $0x1E, v11  }
0x279: {  	v31 =	vld [tilespmem:s14+$0x0];
	v5 =	vor.u32 $0x1F, v11  }
0x27a: {  	v6 =	vor.u32 $0x18, v11;
	v14 =	vld.idx.msk [tilespmem:v11+s31+$0x0], $0xffff  }
0x27b: {  	v7 =	vor.u32 $0x19, v11;
	v15 =	vld.idx.msk [tilespmem:v2+s31+$0x0], $0xffff  }
0x27c: {  	v8 =	vor.u32 $0x1A, v11;
	v16 =	vld.idx.msk [tilespmem:v3+s31+$0x0], $0xffff  }
0x27d: {  	v9 =	vor.u32 $0x1B, v11;
	v3 =	vld.idx.msk [tilespmem:v4+s31+$0x0], $0xffff  }
0x27e: {  	v17 =	vor.u32 $0x14, v11;
	v2 =	vld.idx.msk [tilespmem:v5+s31+$0x0], $0xffff  }
0x27f: {  	v18 =	vor.u32 $0x15, v11;
	v19 =	vld.idx.msk [tilespmem:v6+s31+$0x0], $0xffff  }
0x280: {  	v26 =	vor.u32 $0xE, v11;
	v20 =	vld.idx.msk [tilespmem:v7+s31+$0x0], $0xffff  }
0x281: {  	v28 =	vor.u32 $0xF, v11;
	v5 =	vld.idx.msk [tilespmem:v8+s31+$0x0], $0xffff  }
0x282: {  	v29 =	vor.u32 $0xA, v11;
	v4 =	vld.idx.msk [tilespmem:v9+s31+$0x0], $0xffff  }
0x283: {  	v30 =	vor.u32 $0xB, v11;
	v17 =	vld.idx.msk [tilespmem:v17+s31+$0x0], $0xffff  }
0x284: {  	v43 =	vor.u32 $0x4, v11;
	v18 =	vld.idx.msk [tilespmem:v18+s31+$0x0], $0xffff  }
0x285: {  	v44 =	vor.u32 $0x5, v11;
	v26 =	vld.idx.msk [tilespmem:v26+s31+$0x0], $0xffff  }
0x286: {  	v45 =	vor.u32 $0x6, v11;
	v28 =	vld.idx.msk [tilespmem:v28+s31+$0x0], $0xffff  }
0x287: {  	v46 =	vor.u32 $0x7, v11;
	v29 =	vld.idx.msk [tilespmem:v29+s31+$0x0], $0xffff  }
0x288: {  	v31 =	vshll.u32 v31, $0x5;
	v47 =	vor.u32 $0x1, v11;
	v30 =	vld.idx.msk [tilespmem:v30+s31+$0x0], $0xffff  }
0x289: {  	v31 =	vand.u32 $0x60, v31;
	v48 =	vor.u32 $0x2, v11;
	v32 =	vld.idx.msk [tilespmem:v43+s31+$0x0], $0xffff  }
0x28a: {  	v10 =	vor.u32 v10, v31;
	v33 =	vld.idx.msk [tilespmem:v44+s31+$0x0], $0xffff  }
0x28b: {  	v49 =	vor.u32 $0x1C, v10;
	v31 =	vld.idx.msk [tilespmem:v45+s31+$0x0], $0xffff  }
0x28c: {  	v50 =	vor.u32 $0x1D, v10;
	v34 =	vld.idx.msk [tilespmem:v46+s31+$0x0], $0xffff  }
0x28d: {  	v51 =	vor.u32 $0x18, v10;
	v36 =	vld.idx.msk [tilespmem:v47+s31+$0x0], $0xffff  }
0x28e: {  	v52 =	vor.u32 $0x19, v10;
	v37 =	vld.idx.msk [tilespmem:v48+s31+$0x0], $0xffff  }
0x28f: {  	v53 =	vor.u32 $0x14, v10;
	v41 =	vld.idx.msk [tilespmem:v10+s3+$0x0], $0xffff  }
0x290: {  	v54 =	vor.u32 $0x15, v10;
	v35 =	vld.idx.msk [tilespmem:v49+s3+$0x0], $0xffff  }
0x291: {  	v55 =	vor.u32 $0x10, v10;
	v38 =	vld.idx.msk [tilespmem:v50+s3+$0x0], $0xffff  }
0x292: {  	v56 =	vor.u32 $0x11, v10;
	v39 =	vld.idx.msk [tilespmem:v51+s3+$0x0], $0xffff  }
0x293: {  	v57 =	vor.u32 $0xC, v10;
	v40 =	vld.idx.msk [tilespmem:v52+s3+$0x0], $0xffff  }
0x294: {  	v58 =	vor.u32 $0xD, v10;
	v42 =	vld.idx.msk [tilespmem:v53+s3+$0x0], $0xffff  }
0x295: {  	v59 =	vor.u32 $0x8, v10;
	v43 =	vld.idx.msk [tilespmem:v54+s3+$0x0], $0xffff  }
0x296: {  	v60 =	vor.u32 $0x9, v10;
	v44 =	vld.idx.msk [tilespmem:v55+s3+$0x0], $0xffff  }
0x297: {  	v61 =	vor.u32 $0x4, v10;
	v45 =	vld.idx.msk [tilespmem:v56+s3+$0x0], $0xffff  }
0x298: {  	v62 =	vor.u32 $0x5, v10;
	v46 =	vld.idx.msk [tilespmem:v57+s3+$0x0], $0xffff  }
0x299: {  	v12 =	vadd.f32 v13, v12;
	v13 =	vor.u32 $0x2, v10;
	v47 =	vld.idx.msk [tilespmem:v58+s3+$0x0], $0xffff  }
0x29a: {  	v6 =	vor.u32 $0x16, v11;
	v48 =	vld.idx.msk [tilespmem:v59+s3+$0x0], $0xffff  }
0x29b: {  	v21 =	vor.u32 $0x17, v11;
	v49 =	vld.idx.msk [tilespmem:v60+s3+$0x0], $0xffff  }
0x29c: {  	v8 =	vor.u32 $0x10, v11;
	v50 =	vld.idx.msk [tilespmem:v61+s3+$0x0], $0xffff  }
0x29d: {  	v9 =	vor.u32 $0x11, v11;
	v51 =	vld.idx.msk [tilespmem:v62+s3+$0x0], $0xffff  }
0x29e: {  	v22 =	vor.u32 $0x12, v11;
	v13 =	vld.idx.msk [tilespmem:v13+s3+$0x0], $0xffff  }
0x29f: {  	v23 =	vor.u32 $0x13, v11;
	v7 =	vld.idx.msk [tilespmem:v6+s31+$0x0], $0xffff  }
0x2a0: {  	v24 =	vor.u32 $0xC, v11;
	v6 =	vld.idx.msk [tilespmem:v21+s31+$0x0], $0xffff  }
0x2a1: {  	v63 =	vor.u32 $0x1, v10;
	v25 =	vld.idx.msk [tilespmem:v8+s31+$0x0], $0xffff  }
0x2a2: {  	v53 =	vor.u32 $0x3, v10;
	v27 =	vld.idx.msk [tilespmem:v9+s31+$0x0], $0xffff  }
0x2a3: {  	v60 =	vor.u32 $0x6, v10;
	v9 =	vld.idx.msk [tilespmem:v22+s31+$0x0], $0xffff  }
0x2a4: {  	v61 =	vor.u32 $0x7, v10;
	v8 =	vld.idx.msk [tilespmem:v23+s31+$0x0], $0xffff  }
0x2a5: {  	v62 =	vor.u32 $0xA, v10;
	v21 =	vor.u32 $0xD, v11;
	v22 =	vor.u32 $0x8, v11;
	v23 =	vld.idx.msk [tilespmem:v24+s31+$0x0], $0xffff  }
0x2a6: {  	v24 =	vor.u32 $0x9, v11;
	v11 =	vor.u32 $0x3, v11;
	v15 =	vmul.f32 v35, v15;
	v35 =	vld.idx.msk [tilespmem:v63+s3+$0x0], $0xffff  }
0x2a7: {  	v12 =	vadd.f32 v12, v1;
	v19 =	vmul.f32 v39, v19;
	v39 =	vld.idx.msk [tilespmem:v53+s3+$0x0], $0xffff  }
0x2a8: {  	v55 =	vor.u32 $0x1E, v10;
	v57 =	vor.u32 $0x1A, v10;
	v58 =	vor.u32 $0x1F, v10;
	v53 =	vld.idx.msk [tilespmem:v60+s3+$0x0], $0xffff  }
0x2a9: {  	v54 =	vor.u32 $0x12, v10;
	v14 =	vmul.f32 v41, v14;
	v63 =	vor.u32 $0xB, v10;
	v59 =	vld.idx.msk [tilespmem:v61+s3+$0x0], $0xffff  }
0x2aa: {  	v16 =	vmul.f32 v38, v16;
	v38 =	vor.u32 $0xE, v10;
	v17 =	vmul.f32 v42, v17;
	v41 =	vld.idx.msk [tilespmem:v62+s3+$0x0], $0xffff  }
0x2ab: {  	v20 =	vmul.f32 v40, v20;
	v40 =	vor.u32 $0xF, v10;
	v18 =	vmul.f32 v43, v18;
	v11 =	vld.idx.msk [tilespmem:v11+s31+$0x0], $0xffff  }
0x2ac: {  	v60 =	vor.u32 $0x13, v10;
	v32 =	vmul.f32 v50, v32;
	v13 =	vmul.f32 v13, v37;
	v22 =	vld.idx.msk [tilespmem:v22+s31+$0x0], $0xffff  }
0x2ad: {  	v61 =	vor.u32 $0x16, v10;
	v33 =	vmul.f32 v51, v33;
	v12 =	vadd.f32 v14, v12;
	v24 =	vld.idx.msk [tilespmem:v24+s31+$0x0], $0xffff  }
0x2ae: {  	v13 =	vadd.f32 $0.0e+00, v13;
	v21 =	vld.idx.msk [tilespmem:v21+s31+$0x0], $0xffff;
	v25 =	vmul.f32 v44, v25;
	v23 =	vmul.f32 v46, v23  }
0x2af: {  	v12 =	vadd.f32 v32, v12;
	v27 =	vmul.f32 v45, v27;
	v62 =	vld.idx.msk [tilespmem:v63+s3+$0x0], $0xffff;
	v35 =	vmul.f32 v35, v36  }
0x2b0: {  	v63 =	vor.u32 $0x17, v10;
	v38 =	vld.idx.msk [tilespmem:v38+s3+$0x0], $0xffff;
	v31 =	vmul.f32 v53, v31;
	v11 =	vmul.f32 v39, v11  }
0x2b1: {  	v10 =	vor.u32 $0x1B, v10;
	v34 =	vmul.f32 v59, v34;
	v22 =	vmul.f32 v48, v22;
	v48 =	vld.idx.msk [tilespmem:v40+s3+$0x0], $0xffff  }
0x2b2: {  	v14 =	vadd.f32 $0.0e+00, v35;
	v24 =	vmul.f32 v49, v24;
	v49 =	vld.idx.msk [tilespmem:v54+s3+$0x0], $0xffff;
	v11 =	vadd.f32 $0.0e+00, v11  }
0x2b3: {  	v50 =	vld.idx.msk [tilespmem:v60+s3+$0x0], $0xffff;
	v29 =	vmul.f32 v41, v29;
	v13 =	vadd.f32 v31, v13;
	v21 =	vmul.f32 v47, v21  }
0x2b4: {  	v51 =	vld.idx.msk [tilespmem:v61+s3+$0x0], $0xffff;
	v14 =	vadd.f32 v33, v14;
	v30 =	vmul.f32 v62, v30;
	v11 =	vadd.f32 v34, v11  }
0x2b5: {  	v13 =	vadd.f32 v29, v13;
	v31 =	vld.idx.msk [tilespmem:v63+s3+$0x0], $0xffff;
	v12 =	vadd.f32 v22, v12;
	v22 =	vmul.f32 v38, v26  }
0x2b6: {  	v14 =	vadd.f32 v24, v14;
	v24 =	vld.idx.msk [tilespmem:v57+s3+$0x0], $0xffff;
	v26 =	vmul.f32 v48, v28;
	v11 =	vadd.f32 v30, v11  }
0x2b7: {  	v10 =	vld.idx.msk [tilespmem:v10+s3+$0x0], $0xffff;
	v12 =	vadd.f32 v23, v12;
	v13 =	vadd.f32 v22, v13;
	v9 =	vmul.f32 v49, v9  }
0x2b8: {  	v8 =	vmul.f32 v50, v8;
	v14 =	vadd.f32 v21, v14;
	v21 =	vld.idx.msk [tilespmem:v55+s3+$0x0], $0xffff;
	v11 =	vadd.f32 v26, v11  }
0x2b9: {  	v7 =	vmul.f32 v51, v7;
	v22 =	vld.idx.msk [tilespmem:v58+s3+$0x0], $0xffff;
	v12 =	vadd.f32 v25, v12;
	v9 =	vadd.f32 v9, v13  }
0x2ba: {  	v14 =	vadd.f32 v27, v14;
	v6 =	vmul.f32 v31, v6;
	v8 =	vadd.f32 v8, v11  }
0x2bb: {  	v5 =	vmul.f32 v24, v5;
	v7 =	vadd.f32 v7, v9;
	v11 =	vadd.f32 v17, v12  }
0x2bc: {  	v4 =	vmul.f32 v10, v4;
	v12 =	vadd.f32 v18, v14;
	v6 =	vadd.f32 v6, v8  }
0x2bd: {  	v3 =	vmul.f32 v21, v3;
	v5 =	vadd.f32 v5, v7;
	v8 =	vadd.f32 v19, v11  }
0x2be: {  	v2 =	vmul.f32 v22, v2;
	v9 =	vadd.f32 v20, v12;
	v4 =	vadd.f32 v4, v6  }
0x2bf: {  	v3 =	vadd.f32 v3, v5;
	v6 =	vadd.f32 v15, v8  }
0x2c0: {  	v7 =	vadd.f32 v16, v9;
	v2 =	vadd.f32 v2, v4;
	_ =	sdelay $0x1  }
0x2c1: {  	v4 =	vadd.f32 v7, v6;
	v2 =	vadd.f32 v2, v3;
	_ =	sdelay $0x1  }
0x2c2: {  	v2 =	vadd.f32 v2, v4  }
0x2c3: {  	s28 =	simm.s32 $0x10D80  }
0x2c4: {  	s29 =	simm.s32 $0x110;
	[tilespmem:s28+$0x0] =	vst v2  }
0x2c5: {  	v2 =	vld [tilespmem:s29+$0x0];
	_ =	sdelay $0x2  }
0x2c6: {  	s17 =	simm.s32 $0x10  }
0x2c7: {  	v3 =	vmov s17  }
0x2c8: {  	v3 =	vshll.u32 v3, $0x7;
	v2 =	vshll.u32 v2, $0x5  }
0x2c9: {  	v27 =	vor.u32 v0, v3;
	v2 =	vand.u32 $0x60, v2  }
0x2ca: {  	v29 =	vor.u32 v27, v2  }
0x2cb: {  	v2 =	vor.u32 $0x1C, v29  }
0x2cc: {  	s30 =	simm.s32 $0x10910;
	v3 =	vor.u32 $0x1D, v29  }
0x2cd: {  	s0 =	simm.s32 $0x10B10;
	v18 =	vld [tilespmem:s30+$0x0];
	v4 =	vor.u32 $0x1E, v29  }
0x2ce: {  	v21 =	vld [tilespmem:s0+$0x0];
	v5 =	vor.u32 $0x1F, v29  }
0x2cf: {  	v6 =	vor.u32 $0x18, v29;
	v13 =	vld.idx.msk [tilespmem:v29+s31+$0x0], $0xffff  }
0x2d0: {  	v7 =	vor.u32 $0x19, v29;
	v14 =	vld.idx.msk [tilespmem:v2+s31+$0x0], $0xffff  }
0x2d1: {  	v8 =	vor.u32 $0x1A, v29;
	v12 =	vld.idx.msk [tilespmem:v3+s31+$0x0], $0xffff  }
0x2d2: {  	v9 =	vor.u32 $0x1B, v29;
	v3 =	vld.idx.msk [tilespmem:v4+s31+$0x0], $0xffff  }
0x2d3: {  	v10 =	vor.u32 $0x14, v29;
	v2 =	vld.idx.msk [tilespmem:v5+s31+$0x0], $0xffff  }
0x2d4: {  	v11 =	vor.u32 $0x15, v29;
	v16 =	vld.idx.msk [tilespmem:v6+s31+$0x0], $0xffff  }
0x2d5: {  	v19 =	vor.u32 $0xC, v29;
	v15 =	vld.idx.msk [tilespmem:v7+s31+$0x0], $0xffff  }
0x2d6: {  	v31 =	vor.u32 $0x8, v29;
	v5 =	vld.idx.msk [tilespmem:v8+s31+$0x0], $0xffff  }
0x2d7: {  	v53 =	vor.u32 $0x4, v29;
	v4 =	vld.idx.msk [tilespmem:v9+s31+$0x0], $0xffff  }
0x2d8: {  	v54 =	vor.u32 $0x5, v29;
	v22 =	vld.idx.msk [tilespmem:v10+s31+$0x0], $0xffff  }
0x2d9: {  	v57 =	vor.u32 $0x1, v29;
	v20 =	vld.idx.msk [tilespmem:v11+s31+$0x0], $0xffff  }
0x2da: {  	v6 =	vor.u32 $0x16, v29;
	v26 =	vld.idx.msk [tilespmem:v19+s31+$0x0], $0xffff  }
0x2db: {  	v17 =	vor.u32 $0x17, v29;
	v31 =	vld.idx.msk [tilespmem:v31+s31+$0x0], $0xffff  }
0x2dc: {  	v9 =	vor.u32 $0x11, v29;
	v33 =	vld.idx.msk [tilespmem:v53+s31+$0x0], $0xffff  }
0x2dd: {  	v10 =	vor.u32 $0x12, v29;
	v32 =	vld.idx.msk [tilespmem:v54+s31+$0x0], $0xffff  }
0x2de: {  	v30 =	vor.u32 $0xF, v29;
	v36 =	vld.idx.msk [tilespmem:v57+s31+$0x0], $0xffff  }
0x2df: {  	v7 =	vld.idx.msk [tilespmem:v6+s31+$0x0], $0xffff  }
0x2e0: {  	v58 =	vor.u32 $0x2, v29;
	v6 =	vld.idx.msk [tilespmem:v17+s31+$0x0], $0xffff  }
0x2e1: {  	v59 =	vor.u32 $0x3, v29;
	v23 =	vld.idx.msk [tilespmem:v9+s31+$0x0], $0xffff  }
0x2e2: {  	v8 =	vor.u32 $0x10, v29;
	v9 =	vld.idx.msk [tilespmem:v10+s31+$0x0], $0xffff  }
0x2e3: {  	s14 =	simm.s32 $0x310;
	v11 =	vor.u32 $0x13, v29;
	v10 =	vld.idx.msk [tilespmem:v30+s31+$0x0], $0xffff  }
0x2e4: {  	v17 =	vor.u32 $0xD, v29;
	v30 =	vld [tilespmem:s14+$0x0]  }
0x2e5: {  	v28 =	vor.u32 $0xE, v29;
	v34 =	vld.idx.msk [tilespmem:v58+s31+$0x0], $0xffff  }
0x2e6: {  	v19 =	vor.u32 $0x9, v29;
	v35 =	vld.idx.msk [tilespmem:v59+s31+$0x0], $0xffff  }
0x2e7: {  	v55 =	vor.u32 $0x6, v29;
	v24 =	vld.idx.msk [tilespmem:v8+s31+$0x0], $0xffff  }
0x2e8: {  	v56 =	vor.u32 $0x7, v29;
	v8 =	vld.idx.msk [tilespmem:v11+s31+$0x0], $0xffff  }
0x2e9: {  	v25 =	vld.idx.msk [tilespmem:v17+s31+$0x0], $0xffff;
	v17 =	vor.u32 $0xA, v29;
	v30 =	vshll.u32 v30, $0x5  }
0x2ea: {  	v52 =	vor.u32 $0xB, v29;
	v11 =	vld.idx.msk [tilespmem:v28+s31+$0x0], $0xffff;
	v30 =	vand.u32 $0x60, v30  }
0x2eb: {  	v28 =	vld.idx.msk [tilespmem:v19+s31+$0x0], $0xffff;
	v30 =	vor.u32 v27, v30  }
0x2ec: {  	v29 =	vld.idx.msk [tilespmem:v55+s31+$0x0], $0xffff;
	v60 =	vor.u32 $0x1C, v30  }
0x2ed: {  	v27 =	vld.idx.msk [tilespmem:v56+s31+$0x0], $0xffff;
	v61 =	vor.u32 $0x1D, v30  }
0x2ee: {  	v62 =	vor.u32 $0x18, v30;
	v19 =	vld.idx.msk [tilespmem:v17+s31+$0x0], $0xffff  }
0x2ef: {  	v63 =	vor.u32 $0x19, v30;
	v17 =	vld.idx.msk [tilespmem:v52+s31+$0x0], $0xffff  }
0x2f0: {  	v46 =	vor.u32 $0x14, v30;
	v39 =	vld.idx.msk [tilespmem:v30+s3+$0x0], $0xffff  }
0x2f1: {  	v44 =	vor.u32 $0x15, v30;
	v40 =	vld.idx.msk [tilespmem:v60+s3+$0x0], $0xffff  }
0x2f2: {  	v45 =	vor.u32 $0x10, v30;
	v37 =	vld.idx.msk [tilespmem:v61+s3+$0x0], $0xffff  }
0x2f3: {  	v43 =	vor.u32 $0x11, v30;
	v41 =	vld.idx.msk [tilespmem:v62+s3+$0x0], $0xffff  }
0x2f4: {  	s17 =	simm.s32 $0x20;
	v42 =	vor.u32 $0xC, v30;
	v38 =	vld.idx.msk [tilespmem:v63+s3+$0x0], $0xffff  }
.LBB2_8:
0x2f5: {  	p0 =	sne.s32 s17, $0x70;
	v47 =	vor.u32 $0xD, v30;
	v46 =	vld.idx.msk [tilespmem:v46+s3+$0x0], $0xffff  }
0x2f6: {  	v48 =	vor.u32 $0x8, v30;
	v44 =	vld.idx.msk [tilespmem:v44+s3+$0x0], $0xffff  }
0x2f7: {  	v49 =	vor.u32 $0x9, v30;
	v45 =	vld.idx.msk [tilespmem:v45+s3+$0x0], $0xffff  }
0x2f8: {  	v50 =	vor.u32 $0x4, v30;
	v43 =	vld.idx.msk [tilespmem:v43+s3+$0x0], $0xffff  }
0x2f9: {  	v51 =	vor.u32 $0x5, v30;
	v42 =	vld.idx.msk [tilespmem:v42+s3+$0x0], $0xffff  }
0x2fa: {  	v52 =	vor.u32 $0x1, v30;
	v47 =	vld.idx.msk [tilespmem:v47+s3+$0x0], $0xffff  }
0x2fb: {  	v18 =	vadd.f32 v21, v18;
	v21 =	vor.u32 $0x2, v30;
	v48 =	vld.idx.msk [tilespmem:v48+s3+$0x0], $0xffff  }
0x2fc: {  	v53 =	vor.u32 $0x3, v30;
	v49 =	vld.idx.msk [tilespmem:v49+s3+$0x0], $0xffff  }
0x2fd: {  	v54 =	vor.u32 $0x6, v30;
	v55 =	vor.u32 $0x1E, v30;
	v18 =	vadd.f32 v18, v1;
	v50 =	vld.idx.msk [tilespmem:v50+s3+$0x0], $0xffff  }
0x2fe: {  	v56 =	vor.u32 $0x7, v30;
	v57 =	vor.u32 $0x1A, v30;
	v58 =	vor.u32 $0x1F, v30;
	v51 =	vld.idx.msk [tilespmem:v51+s3+$0x0], $0xffff  }
0x2ff: {  	v13 =	vmul.f32 v39, v13;
	v14 =	vmul.f32 v40, v14;
	v39 =	vld.idx.msk [tilespmem:v52+s3+$0x0], $0xffff;
	v52 =	vor.u32 $0xA, v30  }
0x300: {  	v40 =	vor.u32 $0xB, v30;
	v12 =	vmul.f32 v37, v12;
	v16 =	vmul.f32 v41, v16;
	v21 =	vld.idx.msk [tilespmem:v21+s3+$0x0], $0xffff  }
0x301: {  	v41 =	vor.u32 $0xE, v30;
	v15 =	vmul.f32 v38, v15;
	v22 =	vmul.f32 v46, v22;
	v37 =	vld.idx.msk [tilespmem:v53+s3+$0x0], $0xffff  }
0x302: {  	v46 =	vor.u32 $0xF, v30;
	v20 =	vmul.f32 v44, v20;
	v24 =	vmul.f32 v45, v24;
	v38 =	vld.idx.msk [tilespmem:v54+s3+$0x0], $0xffff  }
0x303: {  	v23 =	vmul.f32 v43, v23;
	v26 =	vmul.f32 v42, v26;
	v42 =	vor.u32 $0x12, v30;
	v44 =	vld.idx.msk [tilespmem:v56+s3+$0x0], $0xffff  }
0x304: {  	v45 =	vor.u32 $0x13, v30;
	v25 =	vmul.f32 v47, v25;
	v31 =	vmul.f32 v48, v31;
	v43 =	vld.idx.msk [tilespmem:v52+s3+$0x0], $0xffff  }
0x305: {  	v47 =	vor.u32 $0x16, v30;
	v28 =	vmul.f32 v49, v28;
	v33 =	vmul.f32 v50, v33;
	v40 =	vld.idx.msk [tilespmem:v40+s3+$0x0], $0xffff  }
0x306: {  	v32 =	vmul.f32 v51, v32;
	v36 =	vmul.f32 v39, v36;
	v39 =	vld.idx.msk [tilespmem:v41+s3+$0x0], $0xffff;
	v41 =	vor.u32 $0x17, v30  }
0x307: {  	v21 =	vmul.f32 v21, v34;
	v34 =	vmul.f32 v37, v35;
	v30 =	vor.u32 $0x1B, v30;
	v35 =	vld.idx.msk [tilespmem:v46+s3+$0x0], $0xffff  }
0x308: {  	v13 =	vadd.f32 v13, v18;
	v18 =	vadd.f32 $0.0e+00, v36;
	v29 =	vmul.f32 v38, v29;
	v36 =	vld.idx.msk [tilespmem:v42+s3+$0x0], $0xffff  }
0x309: {  	v21 =	vadd.f32 $0.0e+00, v21;
	v34 =	vadd.f32 $0.0e+00, v34;
	v27 =	vmul.f32 v44, v27;
	v37 =	vld.idx.msk [tilespmem:v45+s3+$0x0], $0xffff  }
0x30a: {  	v13 =	vadd.f32 v33, v13;
	v18 =	vadd.f32 v32, v18;
	v19 =	vmul.f32 v43, v19;
	v32 =	vld.idx.msk [tilespmem:v47+s3+$0x0], $0xffff  }
0x30b: {  	v21 =	vadd.f32 v29, v21;
	v27 =	vadd.f32 v27, v34;
	v17 =	vmul.f32 v40, v17;
	v29 =	vld.idx.msk [tilespmem:v41+s3+$0x0], $0xffff  }
0x30c: {  	v13 =	vadd.f32 v31, v13;
	v18 =	vadd.f32 v28, v18;
	v11 =	vmul.f32 v39, v11;
	v28 =	vld.idx.msk [tilespmem:v57+s3+$0x0], $0xffff  }
0x30d: {  	v19 =	vadd.f32 v19, v21;
	v17 =	vadd.f32 v17, v27;
	v10 =	vmul.f32 v35, v10;
	v21 =	vld.idx.msk [tilespmem:v30+s3+$0x0], $0xffff  }
0x30e: {  	v13 =	vadd.f32 v26, v13;
	v18 =	vadd.f32 v25, v18;
	v9 =	vmul.f32 v36, v9;
	v25 =	vld.idx.msk [tilespmem:v55+s3+$0x0], $0xffff  }
0x30f: {  	v11 =	vadd.f32 v11, v19;
	v10 =	vadd.f32 v10, v17;
	v8 =	vmul.f32 v37, v8;
	v17 =	vld.idx.msk [tilespmem:v58+s3+$0x0], $0xffff  }
0x310: {  	v13 =	vadd.f32 v24, v13;
	v18 =	vadd.f32 v23, v18;
	v7 =	vmul.f32 v32, v7  }
0x311: {  	v9 =	vadd.f32 v9, v11;
	v8 =	vadd.f32 v8, v10;
	v6 =	vmul.f32 v29, v6  }
0x312: {  	v10 =	vadd.f32 v22, v13;
	v11 =	vadd.f32 v20, v18;
	v5 =	vmul.f32 v28, v5  }
0x313: {  	v7 =	vadd.f32 v7, v9;
	v6 =	vadd.f32 v6, v8;
	v4 =	vmul.f32 v21, v4  }
0x314: {  	v8 =	vadd.f32 v16, v10;
	v9 =	vadd.f32 v15, v11;
	v3 =	vmul.f32 v25, v3  }
0x315: {  	v5 =	vadd.f32 v5, v7;
	v4 =	vadd.f32 v4, v6;
	v2 =	vmul.f32 v17, v2  }
0x316: {  	v6 =	vadd.f32 v14, v8;
	v7 =	vadd.f32 v12, v9  }
0x317: {  	v3 =	vadd.f32 v3, v5;
	v2 =	vadd.f32 v2, v4;
	_ =	sdelay $0x1  }
0x318: {  	v4 =	vadd.f32 v7, v6;
	v2 =	vadd.f32 v2, v3;
	_ =	sdelay $0x1  }
0x319: {  	v2 =	vadd.f32 v2, v4  }
0x31a: {  	s28 =	sadd.s32 $0x10, s28  }
0x31b: {  	s29 =	sadd.s32 $0x10, s29;
	[tilespmem:s28+$0x0] =	vst v2  }
0x31c: {  	v2 =	vld [tilespmem:s29+$0x0];
	_ =	sdelay $0x3  }
0x31d: {  	v3 =	vmov s17  }
0x31e: {  	v3 =	vshll.u32 v3, $0x7;
	v2 =	vshll.u32 v2, $0x5  }
0x31f: {  	v27 =	vor.u32 v0, v3;
	v2 =	vand.u32 $0x60, v2  }
0x320: {  	v29 =	vor.u32 v27, v2  }
0x321: {  	v2 =	vor.u32 $0x1C, v29  }
0x322: {  	s30 =	sadd.s32 $0x10, s30;
	v3 =	vor.u32 $0x1D, v29  }
0x323: {  	s0 =	sadd.s32 $0x10, s0;
	v4 =	vor.u32 $0x1E, v29;
	v18 =	vld [tilespmem:s30+$0x0]  }
0x324: {  	v5 =	vor.u32 $0x1F, v29;
	v21 =	vld [tilespmem:s0+$0x0]  }
0x325: {  	v6 =	vor.u32 $0x18, v29;
	v13 =	vld.idx.msk [tilespmem:v29+s31+$0x0], $0xffff  }
0x326: {  	v7 =	vor.u32 $0x19, v29;
	v14 =	vld.idx.msk [tilespmem:v2+s31+$0x0], $0xffff  }
0x327: {  	v8 =	vor.u32 $0x1A, v29;
	v12 =	vld.idx.msk [tilespmem:v3+s31+$0x0], $0xffff  }
0x328: {  	v9 =	vor.u32 $0x1B, v29;
	v3 =	vld.idx.msk [tilespmem:v4+s31+$0x0], $0xffff  }
0x329: {  	v10 =	vor.u32 $0x14, v29;
	v2 =	vld.idx.msk [tilespmem:v5+s31+$0x0], $0xffff  }
0x32a: {  	v11 =	vor.u32 $0x15, v29;
	v16 =	vld.idx.msk [tilespmem:v6+s31+$0x0], $0xffff  }
0x32b: {  	v6 =	vor.u32 $0x16, v29;
	v15 =	vld.idx.msk [tilespmem:v7+s31+$0x0], $0xffff  }
0x32c: {  	v17 =	vor.u32 $0x17, v29;
	v5 =	vld.idx.msk [tilespmem:v8+s31+$0x0], $0xffff  }
0x32d: {  	v8 =	vor.u32 $0x10, v29;
	v4 =	vld.idx.msk [tilespmem:v9+s31+$0x0], $0xffff  }
0x32e: {  	v9 =	vor.u32 $0x11, v29;
	v22 =	vld.idx.msk [tilespmem:v10+s31+$0x0], $0xffff  }
0x32f: {  	v10 =	vor.u32 $0x12, v29;
	v20 =	vld.idx.msk [tilespmem:v11+s31+$0x0], $0xffff  }
0x330: {  	v11 =	vor.u32 $0x13, v29;
	v7 =	vld.idx.msk [tilespmem:v6+s31+$0x0], $0xffff  }
0x331: {  	v19 =	vor.u32 $0xC, v29;
	v6 =	vld.idx.msk [tilespmem:v17+s31+$0x0], $0xffff  }
0x332: {  	v17 =	vor.u32 $0xD, v29;
	v24 =	vld.idx.msk [tilespmem:v8+s31+$0x0], $0xffff  }
0x333: {  	v28 =	vor.u32 $0xE, v29;
	v23 =	vld.idx.msk [tilespmem:v9+s31+$0x0], $0xffff  }
0x334: {  	v30 =	vor.u32 $0xF, v29;
	v9 =	vld.idx.msk [tilespmem:v10+s31+$0x0], $0xffff  }
0x335: {  	v8 =	vld.idx.msk [tilespmem:v11+s31+$0x0], $0xffff  }
0x336: {  	v31 =	vor.u32 $0x8, v29;
	v26 =	vld.idx.msk [tilespmem:v19+s31+$0x0], $0xffff  }
0x337: {  	v19 =	vor.u32 $0x9, v29;
	v25 =	vld.idx.msk [tilespmem:v17+s31+$0x0], $0xffff  }
0x338: {  	v17 =	vor.u32 $0xA, v29;
	v11 =	vld.idx.msk [tilespmem:v28+s31+$0x0], $0xffff  }
0x339: {  	s14 =	sadd.s32 $0x10, s14;
	v32 =	vor.u32 $0xB, v29;
	v10 =	vld.idx.msk [tilespmem:v30+s31+$0x0], $0xffff  }
0x33a: {  	v33 =	vor.u32 $0x4, v29;
	v30 =	vld [tilespmem:s14+$0x0]  }
0x33b: {  	v34 =	vor.u32 $0x5, v29;
	v31 =	vld.idx.msk [tilespmem:v31+s31+$0x0], $0xffff  }
0x33c: {  	v35 =	vor.u32 $0x6, v29;
	v28 =	vld.idx.msk [tilespmem:v19+s31+$0x0], $0xffff  }
0x33d: {  	v36 =	vor.u32 $0x7, v29;
	v19 =	vld.idx.msk [tilespmem:v17+s31+$0x0], $0xffff  }
0x33e: {  	v37 =	vor.u32 $0x1, v29;
	v17 =	vld.idx.msk [tilespmem:v32+s31+$0x0], $0xffff  }
0x33f: {  	v38 =	vor.u32 $0x2, v29;
	v30 =	vshll.u32 v30, $0x5;
	v33 =	vld.idx.msk [tilespmem:v33+s31+$0x0], $0xffff  }
0x340: {  	v39 =	vor.u32 $0x3, v29;
	v30 =	vand.u32 $0x60, v30;
	v32 =	vld.idx.msk [tilespmem:v34+s31+$0x0], $0xffff  }
0x341: {  	v30 =	vor.u32 v27, v30;
	v29 =	vld.idx.msk [tilespmem:v35+s31+$0x0], $0xffff  }
0x342: {  	v27 =	vld.idx.msk [tilespmem:v36+s31+$0x0], $0xffff;
	v40 =	vor.u32 $0x1C, v30  }
0x343: {  	v36 =	vld.idx.msk [tilespmem:v37+s31+$0x0], $0xffff;
	v37 =	vor.u32 $0x1D, v30  }
0x344: {  	v34 =	vld.idx.msk [tilespmem:v38+s31+$0x0], $0xffff;
	v38 =	vor.u32 $0x18, v30  }
0x345: {  	v47 =	vor.u32 $0x19, v30;
	v35 =	vld.idx.msk [tilespmem:v39+s31+$0x0], $0xffff  }
.Ltmp3:
0x346: {  	v46 =	vor.u32 $0x14, v30;
	v39 =	vld.idx.msk [tilespmem:v30+s3+$0x0], $0xffff;
	(pc) =	sbr.rel @p0 .LBB2_8-.Ltmp3, $4  }
0x347: {  	v44 =	vor.u32 $0x15, v30;
	v40 =	vld.idx.msk [tilespmem:v40+s3+$0x0], $0xffff  }
0x348: {  	v45 =	vor.u32 $0x10, v30;
	v37 =	vld.idx.msk [tilespmem:v37+s3+$0x0], $0xffff  }
0x349: {  	v43 =	vor.u32 $0x11, v30;
	v41 =	vld.idx.msk [tilespmem:v38+s3+$0x0], $0xffff  }
0x34a: {  	s17 =	sadd.s32 $0x10, s17;
	v42 =	vor.u32 $0xC, v30;
	v38 =	vld.idx.msk [tilespmem:v47+s3+$0x0], $0xffff  }
0x34b: {  	_ =	sdelay $0x3  }
0x34c: {  	v47 =	vor.u32 $0xD, v30;
	v46 =	vld.idx.msk [tilespmem:v46+s3+$0x0], $0xffff  }
0x34d: {  	v48 =	vor.u32 $0x8, v30;
	v44 =	vld.idx.msk [tilespmem:v44+s3+$0x0], $0xffff  }
0x34e: {  	v49 =	vor.u32 $0x9, v30;
	v45 =	vld.idx.msk [tilespmem:v45+s3+$0x0], $0xffff  }
0x34f: {  	v50 =	vor.u32 $0x4, v30;
	v43 =	vld.idx.msk [tilespmem:v43+s3+$0x0], $0xffff  }
0x350: {  	v51 =	vor.u32 $0x5, v30;
	v42 =	vld.idx.msk [tilespmem:v42+s3+$0x0], $0xffff  }
0x351: {  	v52 =	vor.u32 $0x1, v30;
	v47 =	vld.idx.msk [tilespmem:v47+s3+$0x0], $0xffff  }
0x352: {  	v18 =	vadd.f32 v21, v18;
	v21 =	vor.u32 $0x2, v30;
	v53 =	vor.u32 $0x3, v30;
	v48 =	vld.idx.msk [tilespmem:v48+s3+$0x0], $0xffff  }
0x353: {  	v54 =	vor.u32 $0x6, v30;
	v55 =	vor.u32 $0x1E, v30;
	v56 =	vor.u32 $0x7, v30;
	v49 =	vld.idx.msk [tilespmem:v49+s3+$0x0], $0xffff  }
0x354: {  	v57 =	vor.u32 $0x1A, v30;
	v58 =	vor.u32 $0x1F, v30;
	v13 =	vmul.f32 v39, v13;
	v50 =	vld.idx.msk [tilespmem:v50+s3+$0x0], $0xffff  }
0x355: {  	v59 =	vor.u32 $0xA, v30;
	v60 =	vor.u32 $0xB, v30;
	v62 =	vor.u32 $0xF, v30;
	v51 =	vld.idx.msk [tilespmem:v51+s3+$0x0], $0xffff  }
0x356: {  	v63 =	vor.u32 $0x12, v30;
	v14 =	vmul.f32 v40, v14;
	v12 =	vmul.f32 v37, v12;
	v40 =	vld.idx.msk [tilespmem:v52+s3+$0x0], $0xffff  }
0x357: {  	v18 =	vadd.f32 v18, v1;
	v16 =	vmul.f32 v41, v16;
	v15 =	vmul.f32 v38, v15;
	v21 =	vld.idx.msk [tilespmem:v21+s3+$0x0], $0xffff  }
0x358: {  	v37 =	vor.u32 $0xE, v30;
	v22 =	vmul.f32 v46, v22;
	v61 =	vld.idx.msk [tilespmem:v53+s3+$0x0], $0xffff;
	v24 =	vmul.f32 v45, v24  }
0x359: {  	v13 =	vadd.f32 v13, v18;
	v20 =	vmul.f32 v44, v20;
	v44 =	vld.idx.msk [tilespmem:v54+s3+$0x0], $0xffff;
	v26 =	vmul.f32 v42, v26  }
0x35a: {  	v23 =	vmul.f32 v43, v23;
	v53 =	vld.idx.msk [tilespmem:v56+s3+$0x0], $0xffff;
	v54 =	vor.u32 $0x13, v30;
	v31 =	vmul.f32 v48, v31  }
0x35b: {  	v39 =	vld.idx.msk [tilespmem:v59+s3+$0x0], $0xffff;
	v56 =	vor.u32 $0x16, v30;
	v25 =	vmul.f32 v47, v25;
	v33 =	vmul.f32 v50, v33  }
0x35c: {  	v59 =	vld.idx.msk [tilespmem:v60+s3+$0x0], $0xffff;
	v60 =	vor.u32 $0x17, v30;
	v28 =	vmul.f32 v49, v28;
	v36 =	vmul.f32 v40, v36  }
0x35d: {  	v30 =	vor.u32 $0x1B, v30;
	v62 =	vld.idx.msk [tilespmem:v62+s3+$0x0], $0xffff;
	v21 =	vmul.f32 v21, v34;
	v61 =	vmul.f32 v61, v35  }
0x35e: {  	v37 =	vld.idx.msk [tilespmem:v37+s3+$0x0], $0xffff;
	v32 =	vmul.f32 v51, v32;
	v29 =	vmul.f32 v44, v29;
	v18 =	vadd.f32 $0.0e+00, v36  }
0x35f: {  	v63 =	vld.idx.msk [tilespmem:v63+s3+$0x0], $0xffff;
	v27 =	vmul.f32 v53, v27;
	v21 =	vadd.f32 $0.0e+00, v21;
	v34 =	vadd.f32 $0.0e+00, v61  }
0x360: {  	v41 =	vld.idx.msk [tilespmem:v54+s3+$0x0], $0xffff;
	v19 =	vmul.f32 v39, v19;
	v13 =	vadd.f32 v33, v13;
	v18 =	vadd.f32 v32, v18  }
0x361: {  	v42 =	vld.idx.msk [tilespmem:v56+s3+$0x0], $0xffff;
	v17 =	vmul.f32 v59, v17;
	v21 =	vadd.f32 v29, v21;
	v27 =	vadd.f32 v27, v34  }
0x362: {  	v10 =	vmul.f32 v62, v10;
	v29 =	vld.idx.msk [tilespmem:v60+s3+$0x0], $0xffff;
	v13 =	vadd.f32 v31, v13;
	v18 =	vadd.f32 v28, v18  }
0x363: {  	v11 =	vmul.f32 v37, v11;
	v28 =	vld.idx.msk [tilespmem:v57+s3+$0x0], $0xffff;
	v19 =	vadd.f32 v19, v21;
	v17 =	vadd.f32 v17, v27  }
0x364: {  	v9 =	vmul.f32 v63, v9;
	v21 =	vld.idx.msk [tilespmem:v30+s3+$0x0], $0xffff;
	v13 =	vadd.f32 v26, v13;
	v18 =	vadd.f32 v25, v18  }
0x365: {  	v8 =	vmul.f32 v41, v8;
	v25 =	vld.idx.msk [tilespmem:v55+s3+$0x0], $0xffff;
	v11 =	vadd.f32 v11, v19;
	v10 =	vadd.f32 v10, v17  }
0x366: {  	v7 =	vmul.f32 v42, v7;
	v17 =	vld.idx.msk [tilespmem:v58+s3+$0x0], $0xffff;
	v13 =	vadd.f32 v24, v13;
	v18 =	vadd.f32 v23, v18  }
0x367: {  	v6 =	vmul.f32 v29, v6;
	v9 =	vadd.f32 v9, v11;
	v8 =	vadd.f32 v8, v10  }
0x368: {  	v10 =	vadd.f32 v22, v13;
	v5 =	vmul.f32 v28, v5;
	v11 =	vadd.f32 v20, v18  }
0x369: {  	v4 =	vmul.f32 v21, v4;
	v7 =	vadd.f32 v7, v9;
	v6 =	vadd.f32 v6, v8  }
0x36a: {  	v8 =	vadd.f32 v16, v10;
	v3 =	vmul.f32 v25, v3;
	v9 =	vadd.f32 v15, v11  }
0x36b: {  	v2 =	vmul.f32 v17, v2;
	v5 =	vadd.f32 v5, v7;
	v4 =	vadd.f32 v4, v6  }
0x36c: {  	v6 =	vadd.f32 v14, v8;
	v7 =	vadd.f32 v12, v9  }
0x36d: {  	v3 =	vadd.f32 v3, v5;
	v2 =	vadd.f32 v2, v4;
	_ =	sdelay $0x1  }
0x36e: {  	v4 =	vadd.f32 v7, v6;
	v2 =	vadd.f32 v2, v3;
	_ =	sdelay $0x1  }
0x36f: {  	v2 =	vadd.f32 v2, v4  }
0x370: {  	s0 =	sadd.s32 $0x10, s28  }
0x371: {  	[tilespmem:s0+$0x0] =	vst v2  }
0x372: {  	_ =	swait.ge [sflag:s19], $0x4000  }
0x373: {  	[sflag:s19] =	ssyncset.done $0x0  }
0x374: {  	[sflag:s19] =	ssyncadd.s32 $0xFFFFC000  }
0x375: {  	_ =	swait.ge [sflag:s19], $0x4000  }
0x376: {  	[sflag:s19] =	ssyncset.done $0x0  }
0x377: {  	s17 =	simm.s32 $0x180;
	[sflag:s19] =	ssyncadd.s32 $0xFFFFC000  }
0x378: {  	v2 =	vld [tilespmem:s17+$0x0];
	_ =	sdelay $0x2  }
0x379: {  	s14 =	simm.s32 $0x0  }
0x37a: {  	v3 =	vmov s14  }
0x37b: {  	v3 =	vshll.u32 v3, $0x7;
	v2 =	vshll.u32 v2, $0x5  }
0x37c: {  	v10 =	vor.u32 v0, v3;
	v2 =	vand.u32 $0x60, v2  }
0x37d: {  	v11 =	vor.u32 v10, v2  }
0x37e: {  	s14 =	simm.s32 $0x10B80;
	v2 =	vor.u32 $0x1C, v11  }
0x37f: {  	s17 =	simm.s32 $0x10980;
	v13 =	vld [tilespmem:s14+$0x0];
	v3 =	vor.u32 $0x1D, v11  }
0x380: {  	s14 =	simm.s32 $0x380;
	v12 =	vld [tilespmem:s17+$0x0];
	v4 =	vor.u32 $0x1E, v11  }
0x381: {  	v31 =	vld [tilespmem:s14+$0x0];
	v5 =	vor.u32 $0x1F, v11  }
0x382: {  	v6 =	vor.u32 $0x18, v11;
	v14 =	vld.idx.msk [tilespmem:v11+s16+$0x0], $0xffff  }
0x383: {  	v7 =	vor.u32 $0x19, v11;
	v15 =	vld.idx.msk [tilespmem:v2+s16+$0x0], $0xffff  }
0x384: {  	v8 =	vor.u32 $0x1A, v11;
	v16 =	vld.idx.msk [tilespmem:v3+s16+$0x0], $0xffff  }
0x385: {  	v9 =	vor.u32 $0x1B, v11;
	v3 =	vld.idx.msk [tilespmem:v4+s16+$0x0], $0xffff  }
0x386: {  	v17 =	vor.u32 $0x14, v11;
	v2 =	vld.idx.msk [tilespmem:v5+s16+$0x0], $0xffff  }
0x387: {  	v18 =	vor.u32 $0x15, v11;
	v19 =	vld.idx.msk [tilespmem:v6+s16+$0x0], $0xffff  }
0x388: {  	v26 =	vor.u32 $0xE, v11;
	v20 =	vld.idx.msk [tilespmem:v7+s16+$0x0], $0xffff  }
0x389: {  	v28 =	vor.u32 $0xF, v11;
	v5 =	vld.idx.msk [tilespmem:v8+s16+$0x0], $0xffff  }
0x38a: {  	v29 =	vor.u32 $0xA, v11;
	v4 =	vld.idx.msk [tilespmem:v9+s16+$0x0], $0xffff  }
0x38b: {  	v30 =	vor.u32 $0xB, v11;
	v17 =	vld.idx.msk [tilespmem:v17+s16+$0x0], $0xffff  }
0x38c: {  	v43 =	vor.u32 $0x4, v11;
	v18 =	vld.idx.msk [tilespmem:v18+s16+$0x0], $0xffff  }
0x38d: {  	v44 =	vor.u32 $0x5, v11;
	v26 =	vld.idx.msk [tilespmem:v26+s16+$0x0], $0xffff  }
0x38e: {  	v45 =	vor.u32 $0x6, v11;
	v28 =	vld.idx.msk [tilespmem:v28+s16+$0x0], $0xffff  }
0x38f: {  	v46 =	vor.u32 $0x7, v11;
	v29 =	vld.idx.msk [tilespmem:v29+s16+$0x0], $0xffff  }
0x390: {  	v31 =	vshll.u32 v31, $0x5;
	v47 =	vor.u32 $0x1, v11;
	v30 =	vld.idx.msk [tilespmem:v30+s16+$0x0], $0xffff  }
0x391: {  	v31 =	vand.u32 $0x60, v31;
	v48 =	vor.u32 $0x2, v11;
	v32 =	vld.idx.msk [tilespmem:v43+s16+$0x0], $0xffff  }
0x392: {  	v10 =	vor.u32 v10, v31;
	v33 =	vld.idx.msk [tilespmem:v44+s16+$0x0], $0xffff  }
0x393: {  	v49 =	vor.u32 $0x1C, v10;
	v31 =	vld.idx.msk [tilespmem:v45+s16+$0x0], $0xffff  }
0x394: {  	v50 =	vor.u32 $0x1D, v10;
	v34 =	vld.idx.msk [tilespmem:v46+s16+$0x0], $0xffff  }
0x395: {  	v51 =	vor.u32 $0x18, v10;
	v36 =	vld.idx.msk [tilespmem:v47+s16+$0x0], $0xffff  }
0x396: {  	v52 =	vor.u32 $0x19, v10;
	v37 =	vld.idx.msk [tilespmem:v48+s16+$0x0], $0xffff  }
0x397: {  	v53 =	vor.u32 $0x14, v10;
	v41 =	vld.idx.msk [tilespmem:v10+s18+$0x0], $0xffff  }
0x398: {  	v54 =	vor.u32 $0x15, v10;
	v35 =	vld.idx.msk [tilespmem:v49+s18+$0x0], $0xffff  }
0x399: {  	v55 =	vor.u32 $0x10, v10;
	v38 =	vld.idx.msk [tilespmem:v50+s18+$0x0], $0xffff  }
0x39a: {  	v56 =	vor.u32 $0x11, v10;
	v39 =	vld.idx.msk [tilespmem:v51+s18+$0x0], $0xffff  }
0x39b: {  	v57 =	vor.u32 $0xC, v10;
	v40 =	vld.idx.msk [tilespmem:v52+s18+$0x0], $0xffff  }
0x39c: {  	v58 =	vor.u32 $0xD, v10;
	v42 =	vld.idx.msk [tilespmem:v53+s18+$0x0], $0xffff  }
0x39d: {  	v59 =	vor.u32 $0x8, v10;
	v43 =	vld.idx.msk [tilespmem:v54+s18+$0x0], $0xffff  }
0x39e: {  	v60 =	vor.u32 $0x9, v10;
	v44 =	vld.idx.msk [tilespmem:v55+s18+$0x0], $0xffff  }
0x39f: {  	v61 =	vor.u32 $0x4, v10;
	v45 =	vld.idx.msk [tilespmem:v56+s18+$0x0], $0xffff  }
0x3a0: {  	v62 =	vor.u32 $0x5, v10;
	v46 =	vld.idx.msk [tilespmem:v57+s18+$0x0], $0xffff  }
0x3a1: {  	v12 =	vadd.f32 v13, v12;
	v13 =	vor.u32 $0x2, v10;
	v47 =	vld.idx.msk [tilespmem:v58+s18+$0x0], $0xffff  }
0x3a2: {  	v6 =	vor.u32 $0x16, v11;
	v48 =	vld.idx.msk [tilespmem:v59+s18+$0x0], $0xffff  }
0x3a3: {  	v21 =	vor.u32 $0x17, v11;
	v49 =	vld.idx.msk [tilespmem:v60+s18+$0x0], $0xffff  }
0x3a4: {  	v8 =	vor.u32 $0x10, v11;
	v50 =	vld.idx.msk [tilespmem:v61+s18+$0x0], $0xffff  }
0x3a5: {  	v9 =	vor.u32 $0x11, v11;
	v51 =	vld.idx.msk [tilespmem:v62+s18+$0x0], $0xffff  }
0x3a6: {  	v22 =	vor.u32 $0x12, v11;
	v13 =	vld.idx.msk [tilespmem:v13+s18+$0x0], $0xffff  }
0x3a7: {  	v23 =	vor.u32 $0x13, v11;
	v7 =	vld.idx.msk [tilespmem:v6+s16+$0x0], $0xffff  }
0x3a8: {  	v24 =	vor.u32 $0xC, v11;
	v6 =	vld.idx.msk [tilespmem:v21+s16+$0x0], $0xffff  }
0x3a9: {  	v63 =	vor.u32 $0x1, v10;
	v25 =	vld.idx.msk [tilespmem:v8+s16+$0x0], $0xffff  }
0x3aa: {  	v53 =	vor.u32 $0x3, v10;
	v27 =	vld.idx.msk [tilespmem:v9+s16+$0x0], $0xffff  }
0x3ab: {  	v60 =	vor.u32 $0x6, v10;
	v9 =	vld.idx.msk [tilespmem:v22+s16+$0x0], $0xffff  }
0x3ac: {  	v61 =	vor.u32 $0x7, v10;
	v8 =	vld.idx.msk [tilespmem:v23+s16+$0x0], $0xffff  }
0x3ad: {  	v62 =	vor.u32 $0xA, v10;
	v21 =	vor.u32 $0xD, v11;
	v22 =	vor.u32 $0x8, v11;
	v23 =	vld.idx.msk [tilespmem:v24+s16+$0x0], $0xffff  }
0x3ae: {  	v24 =	vor.u32 $0x9, v11;
	v11 =	vor.u32 $0x3, v11;
	v15 =	vmul.f32 v35, v15;
	v35 =	vld.idx.msk [tilespmem:v63+s18+$0x0], $0xffff  }
0x3af: {  	v12 =	vadd.f32 v12, v1;
	v19 =	vmul.f32 v39, v19;
	v39 =	vld.idx.msk [tilespmem:v53+s18+$0x0], $0xffff  }
0x3b0: {  	v55 =	vor.u32 $0x1E, v10;
	v57 =	vor.u32 $0x1A, v10;
	v58 =	vor.u32 $0x1F, v10;
	v53 =	vld.idx.msk [tilespmem:v60+s18+$0x0], $0xffff  }
0x3b1: {  	v54 =	vor.u32 $0x12, v10;
	v14 =	vmul.f32 v41, v14;
	v63 =	vor.u32 $0xB, v10;
	v59 =	vld.idx.msk [tilespmem:v61+s18+$0x0], $0xffff  }
0x3b2: {  	v16 =	vmul.f32 v38, v16;
	v38 =	vor.u32 $0xE, v10;
	v17 =	vmul.f32 v42, v17;
	v41 =	vld.idx.msk [tilespmem:v62+s18+$0x0], $0xffff  }
0x3b3: {  	v20 =	vmul.f32 v40, v20;
	v40 =	vor.u32 $0xF, v10;
	v18 =	vmul.f32 v43, v18;
	v11 =	vld.idx.msk [tilespmem:v11+s16+$0x0], $0xffff  }
0x3b4: {  	v60 =	vor.u32 $0x13, v10;
	v32 =	vmul.f32 v50, v32;
	v13 =	vmul.f32 v13, v37;
	v22 =	vld.idx.msk [tilespmem:v22+s16+$0x0], $0xffff  }
0x3b5: {  	v61 =	vor.u32 $0x16, v10;
	v33 =	vmul.f32 v51, v33;
	v12 =	vadd.f32 v14, v12;
	v24 =	vld.idx.msk [tilespmem:v24+s16+$0x0], $0xffff  }
0x3b6: {  	v13 =	vadd.f32 $0.0e+00, v13;
	v21 =	vld.idx.msk [tilespmem:v21+s16+$0x0], $0xffff;
	v25 =	vmul.f32 v44, v25;
	v23 =	vmul.f32 v46, v23  }
0x3b7: {  	v12 =	vadd.f32 v32, v12;
	v27 =	vmul.f32 v45, v27;
	v62 =	vld.idx.msk [tilespmem:v63+s18+$0x0], $0xffff;
	v35 =	vmul.f32 v35, v36  }
0x3b8: {  	v63 =	vor.u32 $0x17, v10;
	v38 =	vld.idx.msk [tilespmem:v38+s18+$0x0], $0xffff;
	v31 =	vmul.f32 v53, v31;
	v11 =	vmul.f32 v39, v11  }
0x3b9: {  	v10 =	vor.u32 $0x1B, v10;
	v34 =	vmul.f32 v59, v34;
	v22 =	vmul.f32 v48, v22;
	v48 =	vld.idx.msk [tilespmem:v40+s18+$0x0], $0xffff  }
0x3ba: {  	v14 =	vadd.f32 $0.0e+00, v35;
	v24 =	vmul.f32 v49, v24;
	v49 =	vld.idx.msk [tilespmem:v54+s18+$0x0], $0xffff;
	v11 =	vadd.f32 $0.0e+00, v11  }
0x3bb: {  	v50 =	vld.idx.msk [tilespmem:v60+s18+$0x0], $0xffff;
	v29 =	vmul.f32 v41, v29;
	v13 =	vadd.f32 v31, v13;
	v21 =	vmul.f32 v47, v21  }
0x3bc: {  	v51 =	vld.idx.msk [tilespmem:v61+s18+$0x0], $0xffff;
	v14 =	vadd.f32 v33, v14;
	v30 =	vmul.f32 v62, v30;
	v11 =	vadd.f32 v34, v11  }
0x3bd: {  	v13 =	vadd.f32 v29, v13;
	v31 =	vld.idx.msk [tilespmem:v63+s18+$0x0], $0xffff;
	v12 =	vadd.f32 v22, v12;
	v22 =	vmul.f32 v38, v26  }
0x3be: {  	v14 =	vadd.f32 v24, v14;
	v24 =	vld.idx.msk [tilespmem:v57+s18+$0x0], $0xffff;
	v26 =	vmul.f32 v48, v28;
	v11 =	vadd.f32 v30, v11  }
0x3bf: {  	v10 =	vld.idx.msk [tilespmem:v10+s18+$0x0], $0xffff;
	v12 =	vadd.f32 v23, v12;
	v13 =	vadd.f32 v22, v13;
	v9 =	vmul.f32 v49, v9  }
0x3c0: {  	v8 =	vmul.f32 v50, v8;
	v14 =	vadd.f32 v21, v14;
	v21 =	vld.idx.msk [tilespmem:v55+s18+$0x0], $0xffff;
	v11 =	vadd.f32 v26, v11  }
0x3c1: {  	v7 =	vmul.f32 v51, v7;
	v22 =	vld.idx.msk [tilespmem:v58+s18+$0x0], $0xffff;
	v12 =	vadd.f32 v25, v12;
	v9 =	vadd.f32 v9, v13  }
0x3c2: {  	v14 =	vadd.f32 v27, v14;
	v6 =	vmul.f32 v31, v6;
	v8 =	vadd.f32 v8, v11  }
0x3c3: {  	v5 =	vmul.f32 v24, v5;
	v7 =	vadd.f32 v7, v9;
	v11 =	vadd.f32 v17, v12  }
0x3c4: {  	v4 =	vmul.f32 v10, v4;
	v12 =	vadd.f32 v18, v14;
	v6 =	vadd.f32 v6, v8  }
0x3c5: {  	v3 =	vmul.f32 v21, v3;
	v5 =	vadd.f32 v5, v7;
	v8 =	vadd.f32 v19, v11  }
0x3c6: {  	v2 =	vmul.f32 v22, v2;
	v9 =	vadd.f32 v20, v12;
	v4 =	vadd.f32 v4, v6  }
0x3c7: {  	v3 =	vadd.f32 v3, v5;
	v6 =	vadd.f32 v15, v8  }
0x3c8: {  	v7 =	vadd.f32 v16, v9;
	v2 =	vadd.f32 v2, v4;
	_ =	sdelay $0x1  }
0x3c9: {  	v4 =	vadd.f32 v7, v6;
	v2 =	vadd.f32 v2, v3;
	_ =	sdelay $0x1  }
0x3ca: {  	v2 =	vadd.f32 v2, v4  }
0x3cb: {  	s28 =	simm.s32 $0x10E00  }
0x3cc: {  	s29 =	simm.s32 $0x190;
	[tilespmem:s28+$0x0] =	vst v2  }
0x3cd: {  	v2 =	vld [tilespmem:s29+$0x0];
	_ =	sdelay $0x2  }
0x3ce: {  	s17 =	simm.s32 $0x10  }
0x3cf: {  	v3 =	vmov s17  }
0x3d0: {  	v3 =	vshll.u32 v3, $0x7;
	v2 =	vshll.u32 v2, $0x5  }
0x3d1: {  	v27 =	vor.u32 v0, v3;
	v2 =	vand.u32 $0x60, v2  }
0x3d2: {  	v29 =	vor.u32 v27, v2  }
0x3d3: {  	v2 =	vor.u32 $0x1C, v29  }
0x3d4: {  	s30 =	simm.s32 $0x10990;
	v3 =	vor.u32 $0x1D, v29  }
0x3d5: {  	s0 =	simm.s32 $0x10B90;
	v18 =	vld [tilespmem:s30+$0x0];
	v4 =	vor.u32 $0x1E, v29  }
0x3d6: {  	v21 =	vld [tilespmem:s0+$0x0];
	v5 =	vor.u32 $0x1F, v29  }
0x3d7: {  	v6 =	vor.u32 $0x18, v29;
	v13 =	vld.idx.msk [tilespmem:v29+s16+$0x0], $0xffff  }
0x3d8: {  	v7 =	vor.u32 $0x19, v29;
	v14 =	vld.idx.msk [tilespmem:v2+s16+$0x0], $0xffff  }
0x3d9: {  	v8 =	vor.u32 $0x1A, v29;
	v12 =	vld.idx.msk [tilespmem:v3+s16+$0x0], $0xffff  }
0x3da: {  	v9 =	vor.u32 $0x1B, v29;
	v3 =	vld.idx.msk [tilespmem:v4+s16+$0x0], $0xffff  }
0x3db: {  	v10 =	vor.u32 $0x14, v29;
	v2 =	vld.idx.msk [tilespmem:v5+s16+$0x0], $0xffff  }
0x3dc: {  	v11 =	vor.u32 $0x15, v29;
	v16 =	vld.idx.msk [tilespmem:v6+s16+$0x0], $0xffff  }
0x3dd: {  	v19 =	vor.u32 $0xC, v29;
	v15 =	vld.idx.msk [tilespmem:v7+s16+$0x0], $0xffff  }
0x3de: {  	v31 =	vor.u32 $0x8, v29;
	v5 =	vld.idx.msk [tilespmem:v8+s16+$0x0], $0xffff  }
0x3df: {  	v53 =	vor.u32 $0x4, v29;
	v4 =	vld.idx.msk [tilespmem:v9+s16+$0x0], $0xffff  }
0x3e0: {  	v54 =	vor.u32 $0x5, v29;
	v22 =	vld.idx.msk [tilespmem:v10+s16+$0x0], $0xffff  }
0x3e1: {  	v57 =	vor.u32 $0x1, v29;
	v20 =	vld.idx.msk [tilespmem:v11+s16+$0x0], $0xffff  }
0x3e2: {  	v6 =	vor.u32 $0x16, v29;
	v26 =	vld.idx.msk [tilespmem:v19+s16+$0x0], $0xffff  }
0x3e3: {  	v17 =	vor.u32 $0x17, v29;
	v31 =	vld.idx.msk [tilespmem:v31+s16+$0x0], $0xffff  }
0x3e4: {  	v9 =	vor.u32 $0x11, v29;
	v33 =	vld.idx.msk [tilespmem:v53+s16+$0x0], $0xffff  }
0x3e5: {  	v10 =	vor.u32 $0x12, v29;
	v32 =	vld.idx.msk [tilespmem:v54+s16+$0x0], $0xffff  }
0x3e6: {  	v30 =	vor.u32 $0xF, v29;
	v36 =	vld.idx.msk [tilespmem:v57+s16+$0x0], $0xffff  }
0x3e7: {  	v7 =	vld.idx.msk [tilespmem:v6+s16+$0x0], $0xffff  }
0x3e8: {  	v58 =	vor.u32 $0x2, v29;
	v6 =	vld.idx.msk [tilespmem:v17+s16+$0x0], $0xffff  }
0x3e9: {  	v59 =	vor.u32 $0x3, v29;
	v23 =	vld.idx.msk [tilespmem:v9+s16+$0x0], $0xffff  }
0x3ea: {  	v8 =	vor.u32 $0x10, v29;
	v9 =	vld.idx.msk [tilespmem:v10+s16+$0x0], $0xffff  }
0x3eb: {  	s14 =	simm.s32 $0x390;
	v11 =	vor.u32 $0x13, v29;
	v10 =	vld.idx.msk [tilespmem:v30+s16+$0x0], $0xffff  }
0x3ec: {  	v17 =	vor.u32 $0xD, v29;
	v30 =	vld [tilespmem:s14+$0x0]  }
0x3ed: {  	v28 =	vor.u32 $0xE, v29;
	v34 =	vld.idx.msk [tilespmem:v58+s16+$0x0], $0xffff  }
0x3ee: {  	v19 =	vor.u32 $0x9, v29;
	v35 =	vld.idx.msk [tilespmem:v59+s16+$0x0], $0xffff  }
0x3ef: {  	v55 =	vor.u32 $0x6, v29;
	v24 =	vld.idx.msk [tilespmem:v8+s16+$0x0], $0xffff  }
0x3f0: {  	v56 =	vor.u32 $0x7, v29;
	v8 =	vld.idx.msk [tilespmem:v11+s16+$0x0], $0xffff  }
0x3f1: {  	v25 =	vld.idx.msk [tilespmem:v17+s16+$0x0], $0xffff;
	v17 =	vor.u32 $0xA, v29;
	v30 =	vshll.u32 v30, $0x5  }
0x3f2: {  	v52 =	vor.u32 $0xB, v29;
	v11 =	vld.idx.msk [tilespmem:v28+s16+$0x0], $0xffff;
	v30 =	vand.u32 $0x60, v30  }
0x3f3: {  	v28 =	vld.idx.msk [tilespmem:v19+s16+$0x0], $0xffff;
	v30 =	vor.u32 v27, v30  }
0x3f4: {  	v29 =	vld.idx.msk [tilespmem:v55+s16+$0x0], $0xffff;
	v60 =	vor.u32 $0x1C, v30  }
0x3f5: {  	v27 =	vld.idx.msk [tilespmem:v56+s16+$0x0], $0xffff;
	v61 =	vor.u32 $0x1D, v30  }
0x3f6: {  	v62 =	vor.u32 $0x18, v30;
	v19 =	vld.idx.msk [tilespmem:v17+s16+$0x0], $0xffff  }
0x3f7: {  	v63 =	vor.u32 $0x19, v30;
	v17 =	vld.idx.msk [tilespmem:v52+s16+$0x0], $0xffff  }
0x3f8: {  	v46 =	vor.u32 $0x14, v30;
	v39 =	vld.idx.msk [tilespmem:v30+s18+$0x0], $0xffff  }
0x3f9: {  	v44 =	vor.u32 $0x15, v30;
	v40 =	vld.idx.msk [tilespmem:v60+s18+$0x0], $0xffff  }
0x3fa: {  	v45 =	vor.u32 $0x10, v30;
	v37 =	vld.idx.msk [tilespmem:v61+s18+$0x0], $0xffff  }
0x3fb: {  	v43 =	vor.u32 $0x11, v30;
	v41 =	vld.idx.msk [tilespmem:v62+s18+$0x0], $0xffff  }
0x3fc: {  	s17 =	simm.s32 $0x20;
	v42 =	vor.u32 $0xC, v30;
	v38 =	vld.idx.msk [tilespmem:v63+s18+$0x0], $0xffff  }
.LBB2_10:
0x3fd: {  	p0 =	sne.s32 s17, $0x70;
	v47 =	vor.u32 $0xD, v30;
	v46 =	vld.idx.msk [tilespmem:v46+s18+$0x0], $0xffff  }
0x3fe: {  	v48 =	vor.u32 $0x8, v30;
	v44 =	vld.idx.msk [tilespmem:v44+s18+$0x0], $0xffff  }
0x3ff: {  	v49 =	vor.u32 $0x9, v30;
	v45 =	vld.idx.msk [tilespmem:v45+s18+$0x0], $0xffff  }
0x400: {  	v50 =	vor.u32 $0x4, v30;
	v43 =	vld.idx.msk [tilespmem:v43+s18+$0x0], $0xffff  }
0x401: {  	v51 =	vor.u32 $0x5, v30;
	v42 =	vld.idx.msk [tilespmem:v42+s18+$0x0], $0xffff  }
0x402: {  	v52 =	vor.u32 $0x1, v30;
	v47 =	vld.idx.msk [tilespmem:v47+s18+$0x0], $0xffff  }
0x403: {  	v18 =	vadd.f32 v21, v18;
	v21 =	vor.u32 $0x2, v30;
	v48 =	vld.idx.msk [tilespmem:v48+s18+$0x0], $0xffff  }
0x404: {  	v53 =	vor.u32 $0x3, v30;
	v49 =	vld.idx.msk [tilespmem:v49+s18+$0x0], $0xffff  }
0x405: {  	v54 =	vor.u32 $0x6, v30;
	v55 =	vor.u32 $0x1E, v30;
	v18 =	vadd.f32 v18, v1;
	v50 =	vld.idx.msk [tilespmem:v50+s18+$0x0], $0xffff  }
0x406: {  	v56 =	vor.u32 $0x7, v30;
	v57 =	vor.u32 $0x1A, v30;
	v58 =	vor.u32 $0x1F, v30;
	v51 =	vld.idx.msk [tilespmem:v51+s18+$0x0], $0xffff  }
0x407: {  	v13 =	vmul.f32 v39, v13;
	v14 =	vmul.f32 v40, v14;
	v39 =	vld.idx.msk [tilespmem:v52+s18+$0x0], $0xffff;
	v52 =	vor.u32 $0xA, v30  }
0x408: {  	v40 =	vor.u32 $0xB, v30;
	v12 =	vmul.f32 v37, v12;
	v16 =	vmul.f32 v41, v16;
	v21 =	vld.idx.msk [tilespmem:v21+s18+$0x0], $0xffff  }
0x409: {  	v41 =	vor.u32 $0xE, v30;
	v15 =	vmul.f32 v38, v15;
	v22 =	vmul.f32 v46, v22;
	v37 =	vld.idx.msk [tilespmem:v53+s18+$0x0], $0xffff  }
0x40a: {  	v46 =	vor.u32 $0xF, v30;
	v20 =	vmul.f32 v44, v20;
	v24 =	vmul.f32 v45, v24;
	v38 =	vld.idx.msk [tilespmem:v54+s18+$0x0], $0xffff  }
0x40b: {  	v23 =	vmul.f32 v43, v23;
	v26 =	vmul.f32 v42, v26;
	v42 =	vor.u32 $0x12, v30;
	v44 =	vld.idx.msk [tilespmem:v56+s18+$0x0], $0xffff  }
0x40c: {  	v45 =	vor.u32 $0x13, v30;
	v25 =	vmul.f32 v47, v25;
	v31 =	vmul.f32 v48, v31;
	v43 =	vld.idx.msk [tilespmem:v52+s18+$0x0], $0xffff  }
0x40d: {  	v47 =	vor.u32 $0x16, v30;
	v28 =	vmul.f32 v49, v28;
	v33 =	vmul.f32 v50, v33;
	v40 =	vld.idx.msk [tilespmem:v40+s18+$0x0], $0xffff  }
0x40e: {  	v32 =	vmul.f32 v51, v32;
	v36 =	vmul.f32 v39, v36;
	v39 =	vld.idx.msk [tilespmem:v41+s18+$0x0], $0xffff;
	v41 =	vor.u32 $0x17, v30  }
0x40f: {  	v21 =	vmul.f32 v21, v34;
	v34 =	vmul.f32 v37, v35;
	v30 =	vor.u32 $0x1B, v30;
	v35 =	vld.idx.msk [tilespmem:v46+s18+$0x0], $0xffff  }
0x410: {  	v13 =	vadd.f32 v13, v18;
	v18 =	vadd.f32 $0.0e+00, v36;
	v29 =	vmul.f32 v38, v29;
	v36 =	vld.idx.msk [tilespmem:v42+s18+$0x0], $0xffff  }
0x411: {  	v21 =	vadd.f32 $0.0e+00, v21;
	v34 =	vadd.f32 $0.0e+00, v34;
	v27 =	vmul.f32 v44, v27;
	v37 =	vld.idx.msk [tilespmem:v45+s18+$0x0], $0xffff  }
0x412: {  	v13 =	vadd.f32 v33, v13;
	v18 =	vadd.f32 v32, v18;
	v19 =	vmul.f32 v43, v19;
	v32 =	vld.idx.msk [tilespmem:v47+s18+$0x0], $0xffff  }
0x413: {  	v21 =	vadd.f32 v29, v21;
	v27 =	vadd.f32 v27, v34;
	v17 =	vmul.f32 v40, v17;
	v29 =	vld.idx.msk [tilespmem:v41+s18+$0x0], $0xffff  }
0x414: {  	v13 =	vadd.f32 v31, v13;
	v18 =	vadd.f32 v28, v18;
	v11 =	vmul.f32 v39, v11;
	v28 =	vld.idx.msk [tilespmem:v57+s18+$0x0], $0xffff  }
0x415: {  	v19 =	vadd.f32 v19, v21;
	v17 =	vadd.f32 v17, v27;
	v10 =	vmul.f32 v35, v10;
	v21 =	vld.idx.msk [tilespmem:v30+s18+$0x0], $0xffff  }
0x416: {  	v13 =	vadd.f32 v26, v13;
	v18 =	vadd.f32 v25, v18;
	v9 =	vmul.f32 v36, v9;
	v25 =	vld.idx.msk [tilespmem:v55+s18+$0x0], $0xffff  }
0x417: {  	v11 =	vadd.f32 v11, v19;
	v10 =	vadd.f32 v10, v17;
	v8 =	vmul.f32 v37, v8;
	v17 =	vld.idx.msk [tilespmem:v58+s18+$0x0], $0xffff  }
0x418: {  	v13 =	vadd.f32 v24, v13;
	v18 =	vadd.f32 v23, v18;
	v7 =	vmul.f32 v32, v7  }
0x419: {  	v9 =	vadd.f32 v9, v11;
	v8 =	vadd.f32 v8, v10;
	v6 =	vmul.f32 v29, v6  }
0x41a: {  	v10 =	vadd.f32 v22, v13;
	v11 =	vadd.f32 v20, v18;
	v5 =	vmul.f32 v28, v5  }
0x41b: {  	v7 =	vadd.f32 v7, v9;
	v6 =	vadd.f32 v6, v8;
	v4 =	vmul.f32 v21, v4  }
0x41c: {  	v8 =	vadd.f32 v16, v10;
	v9 =	vadd.f32 v15, v11;
	v3 =	vmul.f32 v25, v3  }
0x41d: {  	v5 =	vadd.f32 v5, v7;
	v4 =	vadd.f32 v4, v6;
	v2 =	vmul.f32 v17, v2  }
0x41e: {  	v6 =	vadd.f32 v14, v8;
	v7 =	vadd.f32 v12, v9  }
0x41f: {  	v3 =	vadd.f32 v3, v5;
	v2 =	vadd.f32 v2, v4;
	_ =	sdelay $0x1  }
0x420: {  	v4 =	vadd.f32 v7, v6;
	v2 =	vadd.f32 v2, v3;
	_ =	sdelay $0x1  }
0x421: {  	v2 =	vadd.f32 v2, v4  }
0x422: {  	s28 =	sadd.s32 $0x10, s28  }
0x423: {  	s29 =	sadd.s32 $0x10, s29;
	[tilespmem:s28+$0x0] =	vst v2  }
0x424: {  	v2 =	vld [tilespmem:s29+$0x0];
	_ =	sdelay $0x3  }
0x425: {  	v3 =	vmov s17  }
0x426: {  	v3 =	vshll.u32 v3, $0x7;
	v2 =	vshll.u32 v2, $0x5  }
0x427: {  	v27 =	vor.u32 v0, v3;
	v2 =	vand.u32 $0x60, v2  }
0x428: {  	v29 =	vor.u32 v27, v2  }
0x429: {  	v2 =	vor.u32 $0x1C, v29  }
0x42a: {  	s30 =	sadd.s32 $0x10, s30;
	v3 =	vor.u32 $0x1D, v29  }
0x42b: {  	s0 =	sadd.s32 $0x10, s0;
	v4 =	vor.u32 $0x1E, v29;
	v18 =	vld [tilespmem:s30+$0x0]  }
0x42c: {  	v5 =	vor.u32 $0x1F, v29;
	v21 =	vld [tilespmem:s0+$0x0]  }
0x42d: {  	v6 =	vor.u32 $0x18, v29;
	v13 =	vld.idx.msk [tilespmem:v29+s16+$0x0], $0xffff  }
0x42e: {  	v7 =	vor.u32 $0x19, v29;
	v14 =	vld.idx.msk [tilespmem:v2+s16+$0x0], $0xffff  }
0x42f: {  	v8 =	vor.u32 $0x1A, v29;
	v12 =	vld.idx.msk [tilespmem:v3+s16+$0x0], $0xffff  }
0x430: {  	v9 =	vor.u32 $0x1B, v29;
	v3 =	vld.idx.msk [tilespmem:v4+s16+$0x0], $0xffff  }
0x431: {  	v10 =	vor.u32 $0x14, v29;
	v2 =	vld.idx.msk [tilespmem:v5+s16+$0x0], $0xffff  }
0x432: {  	v11 =	vor.u32 $0x15, v29;
	v16 =	vld.idx.msk [tilespmem:v6+s16+$0x0], $0xffff  }
0x433: {  	v6 =	vor.u32 $0x16, v29;
	v15 =	vld.idx.msk [tilespmem:v7+s16+$0x0], $0xffff  }
0x434: {  	v17 =	vor.u32 $0x17, v29;
	v5 =	vld.idx.msk [tilespmem:v8+s16+$0x0], $0xffff  }
0x435: {  	v8 =	vor.u32 $0x10, v29;
	v4 =	vld.idx.msk [tilespmem:v9+s16+$0x0], $0xffff  }
0x436: {  	v9 =	vor.u32 $0x11, v29;
	v22 =	vld.idx.msk [tilespmem:v10+s16+$0x0], $0xffff  }
0x437: {  	v10 =	vor.u32 $0x12, v29;
	v20 =	vld.idx.msk [tilespmem:v11+s16+$0x0], $0xffff  }
0x438: {  	v11 =	vor.u32 $0x13, v29;
	v7 =	vld.idx.msk [tilespmem:v6+s16+$0x0], $0xffff  }
0x439: {  	v19 =	vor.u32 $0xC, v29;
	v6 =	vld.idx.msk [tilespmem:v17+s16+$0x0], $0xffff  }
0x43a: {  	v17 =	vor.u32 $0xD, v29;
	v24 =	vld.idx.msk [tilespmem:v8+s16+$0x0], $0xffff  }
0x43b: {  	v28 =	vor.u32 $0xE, v29;
	v23 =	vld.idx.msk [tilespmem:v9+s16+$0x0], $0xffff  }
0x43c: {  	v30 =	vor.u32 $0xF, v29;
	v9 =	vld.idx.msk [tilespmem:v10+s16+$0x0], $0xffff  }
0x43d: {  	v8 =	vld.idx.msk [tilespmem:v11+s16+$0x0], $0xffff  }
0x43e: {  	v31 =	vor.u32 $0x8, v29;
	v26 =	vld.idx.msk [tilespmem:v19+s16+$0x0], $0xffff  }
0x43f: {  	v19 =	vor.u32 $0x9, v29;
	v25 =	vld.idx.msk [tilespmem:v17+s16+$0x0], $0xffff  }
0x440: {  	v17 =	vor.u32 $0xA, v29;
	v11 =	vld.idx.msk [tilespmem:v28+s16+$0x0], $0xffff  }
0x441: {  	s14 =	sadd.s32 $0x10, s14;
	v32 =	vor.u32 $0xB, v29;
	v10 =	vld.idx.msk [tilespmem:v30+s16+$0x0], $0xffff  }
0x442: {  	v33 =	vor.u32 $0x4, v29;
	v30 =	vld [tilespmem:s14+$0x0]  }
0x443: {  	v34 =	vor.u32 $0x5, v29;
	v31 =	vld.idx.msk [tilespmem:v31+s16+$0x0], $0xffff  }
0x444: {  	v35 =	vor.u32 $0x6, v29;
	v28 =	vld.idx.msk [tilespmem:v19+s16+$0x0], $0xffff  }
0x445: {  	v36 =	vor.u32 $0x7, v29;
	v19 =	vld.idx.msk [tilespmem:v17+s16+$0x0], $0xffff  }
0x446: {  	v37 =	vor.u32 $0x1, v29;
	v17 =	vld.idx.msk [tilespmem:v32+s16+$0x0], $0xffff  }
0x447: {  	v38 =	vor.u32 $0x2, v29;
	v30 =	vshll.u32 v30, $0x5;
	v33 =	vld.idx.msk [tilespmem:v33+s16+$0x0], $0xffff  }
0x448: {  	v39 =	vor.u32 $0x3, v29;
	v30 =	vand.u32 $0x60, v30;
	v32 =	vld.idx.msk [tilespmem:v34+s16+$0x0], $0xffff  }
0x449: {  	v30 =	vor.u32 v27, v30;
	v29 =	vld.idx.msk [tilespmem:v35+s16+$0x0], $0xffff  }
0x44a: {  	v27 =	vld.idx.msk [tilespmem:v36+s16+$0x0], $0xffff;
	v40 =	vor.u32 $0x1C, v30  }
0x44b: {  	v36 =	vld.idx.msk [tilespmem:v37+s16+$0x0], $0xffff;
	v37 =	vor.u32 $0x1D, v30  }
0x44c: {  	v34 =	vld.idx.msk [tilespmem:v38+s16+$0x0], $0xffff;
	v38 =	vor.u32 $0x18, v30  }
0x44d: {  	v47 =	vor.u32 $0x19, v30;
	v35 =	vld.idx.msk [tilespmem:v39+s16+$0x0], $0xffff  }
.Ltmp4:
0x44e: {  	v46 =	vor.u32 $0x14, v30;
	v39 =	vld.idx.msk [tilespmem:v30+s18+$0x0], $0xffff;
	(pc) =	sbr.rel @p0 .LBB2_10-.Ltmp4, $4  }
0x44f: {  	v44 =	vor.u32 $0x15, v30;
	v40 =	vld.idx.msk [tilespmem:v40+s18+$0x0], $0xffff  }
0x450: {  	v45 =	vor.u32 $0x10, v30;
	v37 =	vld.idx.msk [tilespmem:v37+s18+$0x0], $0xffff  }
0x451: {  	v43 =	vor.u32 $0x11, v30;
	v41 =	vld.idx.msk [tilespmem:v38+s18+$0x0], $0xffff  }
0x452: {  	s17 =	sadd.s32 $0x10, s17;
	v42 =	vor.u32 $0xC, v30;
	v38 =	vld.idx.msk [tilespmem:v47+s18+$0x0], $0xffff  }
0x453: {  	_ =	sdelay $0x3  }
0x454: {  	v47 =	vor.u32 $0xD, v30;
	v46 =	vld.idx.msk [tilespmem:v46+s18+$0x0], $0xffff  }
0x455: {  	v48 =	vor.u32 $0x8, v30;
	v44 =	vld.idx.msk [tilespmem:v44+s18+$0x0], $0xffff  }
0x456: {  	v49 =	vor.u32 $0x9, v30;
	v45 =	vld.idx.msk [tilespmem:v45+s18+$0x0], $0xffff  }
0x457: {  	v50 =	vor.u32 $0x4, v30;
	v43 =	vld.idx.msk [tilespmem:v43+s18+$0x0], $0xffff  }
0x458: {  	v51 =	vor.u32 $0x5, v30;
	v42 =	vld.idx.msk [tilespmem:v42+s18+$0x0], $0xffff  }
0x459: {  	v52 =	vor.u32 $0x1, v30;
	v47 =	vld.idx.msk [tilespmem:v47+s18+$0x0], $0xffff  }
0x45a: {  	v18 =	vadd.f32 v21, v18;
	v60 =	vor.u32 $0x2, v30;
	v53 =	vor.u32 $0x3, v30;
	v48 =	vld.idx.msk [tilespmem:v48+s18+$0x0], $0xffff  }
0x45b: {  	v61 =	vor.u32 $0x6, v30;
	v54 =	vor.u32 $0x1E, v30;
	v55 =	vor.u32 $0x7, v30;
	v49 =	vld.idx.msk [tilespmem:v49+s18+$0x0], $0xffff  }
0x45c: {  	v56 =	vor.u32 $0x1A, v30;
	v57 =	vor.u32 $0x1F, v30;
	v13 =	vmul.f32 v39, v13;
	v50 =	vld.idx.msk [tilespmem:v50+s18+$0x0], $0xffff  }
0x45d: {  	v62 =	vor.u32 $0xA, v30;
	v63 =	vor.u32 $0xB, v30;
	v14 =	vmul.f32 v40, v14;
	v51 =	vld.idx.msk [tilespmem:v51+s18+$0x0], $0xffff  }
0x45e: {  	v58 =	vor.u32 $0x12, v30;
	v12 =	vmul.f32 v37, v12;
	v16 =	vmul.f32 v41, v16;
	v40 =	vld.idx.msk [tilespmem:v52+s18+$0x0], $0xffff  }
0x45f: {  	v1 =	vadd.f32 v18, v1;
	v15 =	vmul.f32 v38, v15;
	v21 =	vld.idx.msk [tilespmem:v60+s18+$0x0], $0xffff;
	v22 =	vmul.f32 v46, v22  }
0x460: {  	v37 =	vor.u32 $0xE, v30;
	v38 =	vld.idx.msk [tilespmem:v53+s18+$0x0], $0xffff;
	v24 =	vmul.f32 v45, v24;
	v20 =	vmul.f32 v44, v20  }
0x461: {  	v53 =	vor.u32 $0xF, v30;
	v18 =	vld.idx.msk [tilespmem:v61+s18+$0x0], $0xffff;
	v26 =	vmul.f32 v42, v26;
	v23 =	vmul.f32 v43, v23  }
0x462: {  	v1 =	vadd.f32 v13, v1;
	v59 =	vld.idx.msk [tilespmem:v55+s18+$0x0], $0xffff;
	v31 =	vmul.f32 v48, v31;
	v25 =	vmul.f32 v47, v25  }
0x463: {  	v60 =	vor.u32 $0x13, v30;
	v39 =	vld.idx.msk [tilespmem:v62+s18+$0x0], $0xffff;
	v33 =	vmul.f32 v50, v33;
	v28 =	vmul.f32 v49, v28  }
0x464: {  	v61 =	vor.u32 $0x16, v30;
	v62 =	vld.idx.msk [tilespmem:v63+s18+$0x0], $0xffff;
	v36 =	vmul.f32 v40, v36;
	v32 =	vmul.f32 v51, v32  }
0x465: {  	v63 =	vor.u32 $0x17, v30;
	v37 =	vld.idx.msk [tilespmem:v37+s18+$0x0], $0xffff;
	v21 =	vmul.f32 v21, v34;
	v38 =	vmul.f32 v38, v35  }
0x466: {  	v47 =	vor.u32 $0x1B, v30;
	v48 =	vld.idx.msk [tilespmem:v53+s18+$0x0], $0xffff;
	v18 =	vmul.f32 v18, v29;
	v49 =	vadd.f32 $0.0e+00, v36  }
0x467: {  	v50 =	vld.idx.msk [tilespmem:v58+s18+$0x0], $0xffff;
	v27 =	vmul.f32 v59, v27;
	v21 =	vadd.f32 $0.0e+00, v21;
	v34 =	vadd.f32 $0.0e+00, v38  }
0x468: {  	v51 =	vld.idx.msk [tilespmem:v60+s18+$0x0], $0xffff;
	v19 =	vmul.f32 v39, v19;
	v1 =	vadd.f32 v33, v1;
	v13 =	vadd.f32 v32, v49  }
0x469: {  	v52 =	vld.idx.msk [tilespmem:v61+s18+$0x0], $0xffff;
	v17 =	vmul.f32 v62, v17;
	v18 =	vadd.f32 v18, v21;
	v53 =	vadd.f32 v27, v34  }
0x46a: {  	v55 =	vld.idx.msk [tilespmem:v63+s18+$0x0], $0xffff;
	v11 =	vmul.f32 v37, v11;
	v1 =	vadd.f32 v31, v1;
	v13 =	vadd.f32 v28, v13  }
0x46b: {  	v56 =	vld.idx.msk [tilespmem:v56+s18+$0x0], $0xffff;
	v10 =	vmul.f32 v48, v10;
	v18 =	vadd.f32 v19, v18;
	v17 =	vadd.f32 v17, v53  }
0x46c: {  	v58 =	vld.idx.msk [tilespmem:v47+s18+$0x0], $0xffff;
	v9 =	vmul.f32 v50, v9;
	v1 =	vadd.f32 v26, v1;
	v13 =	vadd.f32 v25, v13  }
0x46d: {  	v59 =	vld.idx.msk [tilespmem:v54+s18+$0x0], $0xffff;
	v8 =	vmul.f32 v51, v8;
	v11 =	vadd.f32 v11, v18;
	v10 =	vadd.f32 v10, v17  }
0x46e: {  	v60 =	vld.idx.msk [tilespmem:v57+s18+$0x0], $0xffff;
	v7 =	vmul.f32 v52, v7;
	v1 =	vadd.f32 v24, v1;
	v13 =	vadd.f32 v23, v13  }
0x46f: {  	v6 =	vmul.f32 v55, v6;
	v9 =	vadd.f32 v9, v11;
	v8 =	vadd.f32 v8, v10  }
0x470: {  	v5 =	vmul.f32 v56, v5;
	v1 =	vadd.f32 v22, v1;
	v61 =	vadd.f32 v20, v13  }
0x471: {  	v4 =	vmul.f32 v58, v4;
	v7 =	vadd.f32 v7, v9;
	v6 =	vadd.f32 v6, v8  }
0x472: {  	v3 =	vmul.f32 v59, v3;
	v1 =	vadd.f32 v16, v1;
	v62 =	vadd.f32 v15, v61  }
0x473: {  	v2 =	vmul.f32 v60, v2;
	v5 =	vadd.f32 v5, v7;
	v4 =	vadd.f32 v4, v6  }
0x474: {  	v1 =	vadd.f32 v14, v1;
	v63 =	vadd.f32 v12, v62  }
0x475: {  	v3 =	vadd.f32 v3, v5;
	v2 =	vadd.f32 v2, v4;
	_ =	sdelay $0x1  }
0x476: {  	v1 =	vadd.f32 v63, v1;
	v2 =	vadd.f32 v2, v3;
	_ =	sdelay $0x1  }
0x477: {  	s26 =	sadd.s32 $0x1, s26;
	v1 =	vadd.f32 v2, v1  }
0x478: {  	s0 =	sadd.s32 $0x10, s28;
	p0 =	sne.s32 s26, s11  }
.Ltmp5:
0x479: {  	[tilespmem:s0+$0x0] =	vst v1;
	(pc) =	sbr.rel @p0 .LBB2_1-.Ltmp5, $4  }
0x47a: {  	[hbm4b:s10+s2] =	stream.linear.scatter [tilespmem:s25], [sflag:$0x3], $0x200, $0x38;
	[tilespmem:$0x10E80] =	vst v63  }
0x47b: {  	_ =	swait.ge [sflag:s12], $0x200  }
0x47c: {  	[sflag:s12] =	ssyncset.done $0x0  }
0x47d: {  	[sflag:s12] =	ssyncadd.s32 $0xFFFFFE00  }
0x47e: {  	_ =	sfence.sel $0x180000  }
0x47f: {  	[bflag:$0x0] =	sbarrier.arrive $0xFFFF  }
0x480: {  	_ =	strace $0x90000047  }
0x481: {  	s0 =	stileid.u32;
	[bflag:$0x2] =	sbarrier.arrive $0xFFFF  }
0x482: {  	p0 =	sne.s32 s0, $0x0;
	s0 =	rddreg [dreg:$0x4]  }
0x483: {  	s0 =	sadd.s32 @!p0 $0x100000, s0  }
0x484: {  	[sflag:s0] =	ssyncadd.tile.s32 @!p0 $0x1;
	_ =	shalt  }
.Lfunc_end2:
_tile_overlayer_lowered:
.L_overlay_start_2:
0x485: {  	(tag) =	ssettag $0x2  }
0x486: {  	s0 =	rddreg [dreg:$0x0];
	s2 =	stileid.u32  }
0x487: {  	s1 =	rddreg [dreg:$0x1];
	p0 =	sne.s32 s2, $0x0  }
0x488: {  	s3 =	rddreg [dreg:$0x2];
	[bflag:$0x3] =	sbarrier.arrive $0xFFFF;
	s2 =	simm.s32 @!p0 $0x1C03  }
0x489: {  	[timem:s3], [sflag:s2] =	dma.local @!p0 [hbm:s0], s1  }
0x48a: {  	s0 =	simm.s32 @!p0 $0x3  }
0x48b: {  	_ =	swait.ge @!p0 [sflag:s0], s1  }
0x48c: {  	s1 =	ssub.s32 @!p0 $0x0, s1;
	[sflag:s0] =	ssyncset.done @!p0 $0x0  }
0x48d: {  	[sflag:s0] =	ssyncadd.s32 @!p0 s1  }
0x48e: {  	[bflag:$0x3] =	sbarrier.arrive $0xFFFF  }
0x48f: {  	_ =	shalt  }

</sc_bundles>
